<compile_context>
chip_gen: v7x
topology: tpu7x:2x2x1
jax: 0.10.2.dev20260603
libtpu: 0.0.44.dev20260713+nightly
codegen_flags: <defaults>
</compile_context>

<pallas_src>
import functools

import jax
import jax.numpy as jnp
from jax import lax
from jax.experimental import pallas as pl
from jax.experimental.pallas import tpu as pltpu
from jax.experimental.pallas import tpu_sc as plsc

B = 16384
D = 32
F = 4 * D
V = 16
W = 128

_info = plsc.get_sparse_core_info()
_NC, _NS = _info.num_cores, _info.num_subcores
NW = _NC * _NS
BPW = B // NW
NG = BPW // V


def _sc_gather(users, items, mf_uT, mf_iT, mlp_uT, mlp_iT):
    mesh = plsc.VectorSubcoreMesh(core_axis_name="c", subcore_axis_name="s")

    @functools.partial(
        pl.kernel, mesh=mesh,
        out_type=jax.ShapeDtypeStruct((B, F), jnp.float32),
        scratch_types=[
            pltpu.VMEM((BPW,), jnp.int32),
            pltpu.VMEM((BPW,), jnp.int32),
            pltpu.VMEM((6, D, W), jnp.float32),
            pltpu.VMEM((6, D, W), jnp.float32),
            pltpu.VMEM((6, D, W), jnp.float32),
            pltpu.VMEM((6, D, W), jnp.float32),
            pltpu.VMEM((V, F), jnp.float32),
            pltpu.SemaphoreType.DMA,
            pltpu.SemaphoreType.DMA,
            pltpu.SemaphoreType.DMA,
        ],
        compiler_params=pltpu.CompilerParams(needs_layout_passes=False),
    )
    def k(users_h, items_h, mfu_h, mfi_h, mlpu_h, mlpi_h, out_h,
          u_v, i_v, r_mfu, r_mfi, r_mlpu, r_mlpi, stage, sem0, sem1, sem2):
        wid = lax.axis_index("s") * _NC + lax.axis_index("c")
        base = wid * BPW
        pltpu.sync_copy(users_h.at[pl.ds(base, BPW)], u_v)
        pltpu.sync_copy(items_h.at[pl.ds(base, BPW)], i_v)

        tabs = [(mfu_h, r_mfu, 0), (mfi_h, r_mfi, 1),
                (mlpu_h, r_mlpu, 2), (mlpi_h, r_mlpi, 3)]
        iot = lax.iota(jnp.int32, V)

        sems = (sem0, sem1, sem2)

        def grp(g, _):
            ug = u_v[pl.ds(g * V, V)]
            ig = i_v[pl.ds(g * V, V)]
            cu = (ug // W) * W
            ci = (ig // W) * W
            lu = ug - cu
            li = ig - ci

            def fire(u):
                slot = u % 3
                cps = []
                for j in range(2):
                    l = u * 2 + j
                    for tab, r, t in tabs:
                        col = cu[l] if t in (0, 2) else ci[l]
                        col = pl.multiple_of(col, W)
                        cps.append(pltpu.async_copy(
                            tab.at[:, pl.ds(col, W)], r.at[slot * 2 + j],
                            sems[slot]))
                return cps

            def extract(u):
                slot = u % 3
                for j in range(2):
                    l = u * 2 + j
                    jvec = jnp.full((V,), slot * 2 + j, dtype=jnp.int32)
                    for tab, r, t in tabs:
                        lane = lu[l] if t in (0, 2) else li[l]
                        svec = jnp.full((V,), lane, dtype=jnp.int32)
                        for h in range(D // V):
                            vals = plsc.load_gather(
                                r, [jvec, h * V + iot, svec])
                            stage[l, pl.ds(t * D + h * V, V)] = vals

            pend0 = fire(0)
            pend1 = fire(1)
            for u in range(V // 2):
                nxt = fire(u + 2) if u < V // 2 - 2 else None
                for cp in pend0:
                    cp.wait()
                extract(u)
                pend0 = pend1
                pend1 = nxt
            pltpu.sync_copy(stage, out_h.at[pl.ds(base + g * V, V)])
            return 0

        lax.fori_loop(0, NG, grp, 0)

    return k(users, items, mf_uT, mf_iT, mlp_uT, mlp_iT)


def _tc_body(emb, w1a, w1b, b1r, w2, b2r, w3, b3r, woa, wob, bor, out):
    f32 = jnp.float32
    e = emb[:]
    gmf = e[:, :D] * e[:, D:2 * D]
    h = jnp.dot(e[:, 2 * D:3 * D], w1a[:], preferred_element_type=f32)
    h = h + jnp.dot(e[:, 3 * D:], w1b[:], preferred_element_type=f32)
    h = jnp.maximum(h + b1r[:], 0.0)
    h = jnp.maximum(jnp.dot(h, w2[:], preferred_element_type=f32) + b2r[:], 0.0)
    h = jnp.maximum(jnp.dot(h, w3[:], preferred_element_type=f32) + b3r[:], 0.0)
    logit = (jnp.dot(gmf, woa[:], preferred_element_type=f32)
             + jnp.dot(h, wob[:], preferred_element_type=f32) + bor[:])
    out[:] = jax.nn.sigmoid(logit)


def _tc_mlp(emb, W1, b1, W2, b2, W3, b3, Wo, bo):
    bs = 2048
    grid = (B // bs,)
    w1a, w1b = W1[:D], W1[D:]
    woa, wob = Wo[:D], Wo[D:]
    b1r = b1.reshape(1, -1)
    b2r = b2.reshape(1, -1)
    b3r = b3.reshape(1, -1)
    bor = bo.reshape(1, 1)

    def full(a):
        return pl.BlockSpec(a.shape, lambda i: (0,) * a.ndim)

    return pl.pallas_call(
        _tc_body,
        grid=grid,
        in_specs=[
            pl.BlockSpec((bs, F), lambda i: (i, 0)),
            full(w1a), full(w1b), full(b1r),
            full(W2), full(b2r),
            full(W3), full(b3r),
            full(woa), full(wob), full(bor),
        ],
        out_specs=pl.BlockSpec((bs, 1), lambda i: (i, 0)),
        out_shape=jax.ShapeDtypeStruct((B, 1), jnp.float32),
    )(emb, w1a, w1b, b1r, W2, b2r, W3, b3r, woa, wob, bor)


def kernel(users, items, mf_u, mf_i, mlp_u, mlp_i, W1, b1, W2, b2, W3, b3,
           Wo, bo):
    emb = _sc_gather(users, items, mf_u.T, mf_i.T, mlp_u.T, mlp_i.T)
    return _tc_mlp(emb, W1, b1, W2, b2, W3, b3, Wo, bo)

# --- scband reference (transcript-rebuilt; emitter-appended) ---
"""Pipeline reference for scband-neu-mf-6811818132043 (READ-ONLY COPY).

The authoritative reference and input builder live on the scoring server;
editing this copy changes nothing except your own understanding.
"""

import jax, jax.numpy as jnp
import numpy as np

N_USER = 1000000
N_ITEM = 1000000
N_EMB = 32
LAYERS = [64, 32, 16, 8]
B = 16384


def setup_inputs(seed: int = 0) -> dict:
    key = jax.random.key(seed)
    ks = jax.random.split(key, 16)
    users = jax.random.randint(ks[0], (B,), 0, N_USER, dtype=jnp.int32)
    items = jax.random.randint(ks[1], (B,), 0, N_ITEM, dtype=jnp.int32)
    mf_u = jax.random.normal(ks[2], (N_USER, N_EMB), dtype=jnp.float32)
    mf_i = jax.random.normal(ks[3], (N_ITEM, N_EMB), dtype=jnp.float32)
    mlp_u = jax.random.normal(ks[4], (N_USER, LAYERS[0] // 2), dtype=jnp.float32)
    mlp_i = jax.random.normal(ks[5], (N_ITEM, LAYERS[0] // 2), dtype=jnp.float32)
    W1 = jax.random.normal(ks[6], (LAYERS[0], LAYERS[1]), dtype=jnp.float32) * 0.1
    b1 = jnp.zeros((LAYERS[1],), dtype=jnp.float32)
    W2 = jax.random.normal(ks[7], (LAYERS[1], LAYERS[2]), dtype=jnp.float32) * 0.1
    b2 = jnp.zeros((LAYERS[2],), dtype=jnp.float32)
    W3 = jax.random.normal(ks[8], (LAYERS[2], LAYERS[3]), dtype=jnp.float32) * 0.1
    b3 = jnp.zeros((LAYERS[3],), dtype=jnp.float32)
    Wo = jax.random.normal(ks[9], (N_EMB + LAYERS[-1], 1), dtype=jnp.float32) * 0.1
    bo = jnp.zeros((1,), dtype=jnp.float32)
    return {
        'users': users, 'items': items,
        'mf_u': mf_u, 'mf_i': mf_i, 'mlp_u': mlp_u, 'mlp_i': mlp_i,
        'W1': W1, 'b1': b1, 'W2': W2, 'b2': b2, 'W3': W3, 'b3': b3,
        'Wo': Wo, 'bo': bo,
    }


def reference(users, items, mf_u, mf_i, mlp_u, mlp_i, W1, b1, W2, b2, W3, b3, Wo, bo):
    # embedding lookups (gather)
    mf_user_emb = jnp.take(mf_u, users, axis=0)
    mf_item_emb = jnp.take(mf_i, items, axis=0)
    mlp_user_emb = jnp.take(mlp_u, users, axis=0)
    mlp_item_emb = jnp.take(mlp_i, items, axis=0)
    # GMF branch
    mf_emb_vector = mf_user_emb * mf_item_emb
    # MLP branch (dropout is identity in eval mode)
    h = jnp.concatenate([mlp_user_emb, mlp_item_emb], axis=1)
    h = jax.nn.relu(h @ W1 + b1)
    h = jax.nn.relu(h @ W2 + b2)
    h = jax.nn.relu(h @ W3 + b3)
    emb_vector = jnp.concatenate([mf_emb_vector, h], axis=1)
    preds = jax.nn.sigmoid(emb_vector @ Wo + bo)
    return preds

if __name__ == "__main__":
    import jax
    _d = setup_inputs()
    print(jax.jit(kernel)(*tuple(_d.values())))

</pallas_src>

<mosaic_0001>
#map = affine_map<(d0, d1) -> (0)>
#map1 = affine_map<(d0, d1) -> (0, 0)>
module attributes {stable_mosaic.version = 14 : i64} {
  func.func @k(%arg0: i32, %arg1: i32, %arg2: memref<16384xi32, #tpu.memory_space<hbm>>, %arg3: memref<16384xi32, #tpu.memory_space<hbm>>, %arg4: memref<32x1000000xf32, #tpu.memory_space<hbm>>, %arg5: memref<32x1000000xf32, #tpu.memory_space<hbm>>, %arg6: memref<32x1000000xf32, #tpu.memory_space<hbm>>, %arg7: memref<32x1000000xf32, #tpu.memory_space<hbm>>, %arg8: memref<16384x128xf32, #tpu.memory_space<hbm>>, %arg9: memref<512xi32, #tpu.memory_space<vmem>>, %arg10: memref<512xi32, #tpu.memory_space<vmem>>, %arg11: memref<6x32x128xf32, #tpu.memory_space<vmem>>, %arg12: memref<6x32x128xf32, #tpu.memory_space<vmem>>, %arg13: memref<6x32x128xf32, #tpu.memory_space<vmem>>, %arg14: memref<6x32x128xf32, #tpu.memory_space<vmem>>, %arg15: memref<16x128xf32, #tpu.memory_space<vmem>>, %arg16: memref<!tpu.dma_semaphore, #tpu.memory_space<semaphore_mem>>, %arg17: memref<!tpu.dma_semaphore, #tpu.memory_space<semaphore_mem>>, %arg18: memref<!tpu.dma_semaphore, #tpu.memory_space<semaphore_mem>>) attributes {dimension_semantics = [#tpu.dimension_semantics<core_parallel>, #tpu.dimension_semantics<subcore_parallel>], iteration_bounds = array<i64: 2, 16>, scalar_prefetch = 0 : i64, scratch_operands = 10 : i64, tpu.core_type = #tpu.core_type<sc_vector_subcore>, window_params = [{transform_indices = #map}, {transform_indices = #map}, {transform_indices = #map1}, {transform_indices = #map1}, {transform_indices = #map1}, {transform_indices = #map1}, {transform_indices = #map1}]} {
    %mul3A = arith.constant 2 : i32
    %mul3A_0 = arith.muli %arg1, %mul3A : i32
    %add3A = arith.addi %mul3A_0, %arg0 : i32
    %mul3A_1 = arith.constant 512 : i32
    %mul3A_2 = arith.muli %add3A, %mul3A_1 : i32
    "tpu.region"() ({
      %run_scoped3A = tpu.sem_alloc : memref<!tpu.dma_semaphore, #tpu.memory_space<semaphore_mem>>
      %dma_start3A = tpu.memref_slice %arg2[%mul3A_2] : memref<16384xi32, #tpu.memory_space<hbm>> -> memref<512xi32, #tpu.memory_space<hbm>>
      %dma_start3A_9 = tpu.memref_slice %arg2[%mul3A_2] : memref<16384xi32, #tpu.memory_space<hbm>> -> memref<512xi32, #tpu.memory_space<hbm>>
      tpu.enqueue_dma source(%dma_start3A_9 : memref<512xi32, #tpu.memory_space<hbm>>) target(%arg9 : memref<512xi32, #tpu.memory_space<vmem>>) target_semaphore(%run_scoped3A : memref<!tpu.dma_semaphore, #tpu.memory_space<semaphore_mem>>)
      %dma_wait3A = tpu.memref_slice %arg2[%mul3A_2] : memref<16384xi32, #tpu.memory_space<hbm>> -> memref<512xi32, #tpu.memory_space<hbm>>
      %dma_wait3A_10 = tpu.memref_slice %arg2[%mul3A_2] : memref<16384xi32, #tpu.memory_space<hbm>> -> memref<512xi32, #tpu.memory_space<hbm>>
      tpu.wait_dma2 semaphore(%run_scoped3A : memref<!tpu.dma_semaphore, #tpu.memory_space<semaphore_mem>>) src(%dma_wait3A_10 : memref<512xi32, #tpu.memory_space<hbm>>) dst(%arg9 : memref<512xi32, #tpu.memory_space<vmem>>)
      tpu.yield
    }) : () -> ()
    "tpu.region"() ({
      %run_scoped3A = tpu.sem_alloc : memref<!tpu.dma_semaphore, #tpu.memory_space<semaphore_mem>>
      %dma_start3A = tpu.memref_slice %arg3[%mul3A_2] : memref<16384xi32, #tpu.memory_space<hbm>> -> memref<512xi32, #tpu.memory_space<hbm>>
      %dma_start3A_9 = tpu.memref_slice %arg3[%mul3A_2] : memref<16384xi32, #tpu.memory_space<hbm>> -> memref<512xi32, #tpu.memory_space<hbm>>
      tpu.enqueue_dma source(%dma_start3A_9 : memref<512xi32, #tpu.memory_space<hbm>>) target(%arg10 : memref<512xi32, #tpu.memory_space<vmem>>) target_semaphore(%run_scoped3A : memref<!tpu.dma_semaphore, #tpu.memory_space<semaphore_mem>>)
      %dma_wait3A = tpu.memref_slice %arg3[%mul3A_2] : memref<16384xi32, #tpu.memory_space<hbm>> -> memref<512xi32, #tpu.memory_space<hbm>>
      %dma_wait3A_10 = tpu.memref_slice %arg3[%mul3A_2] : memref<16384xi32, #tpu.memory_space<hbm>> -> memref<512xi32, #tpu.memory_space<hbm>>
      tpu.wait_dma2 semaphore(%run_scoped3A : memref<!tpu.dma_semaphore, #tpu.memory_space<semaphore_mem>>) src(%dma_wait3A_10 : memref<512xi32, #tpu.memory_space<hbm>>) dst(%arg10 : memref<512xi32, #tpu.memory_space<vmem>>)
      tpu.yield
    }) : () -> ()
    %iota3A = tpu.iota {dimensions = array<i32: 0>} : vector<16xi32>
    %scan3A = arith.constant 0 : i32
    %scan3A_3 = arith.constant 0 : i32
    %scan3A_4 = arith.constant 32 : i32
    %scan3A_5 = arith.addi %scan3A_3, %scan3A_4 : i32
    %scan3A_6 = arith.constant 1 : i32
    %scan3A_7 = scf.for %scan3A_9 = %scan3A_3 to %scan3A_5 step %scan3A_6 iter_args(%scan3A_10 = %scan3A) -> (i32)  : i32 {
      %mul3A_11 = arith.constant 16 : i32
      %mul3A_12 = arith.muli %scan3A_9, %mul3A_11 : i32
      %get3A = arith.index_cast %mul3A_12 : i32 to index
      %get3A_13 = tpu.vector_load %arg9[%get3A] {strides = array<i32>} : memref<512xi32, #tpu.memory_space<vmem>>, vector<16xi32>,
      %mul3A_14 = arith.constant 16 : i32
      %mul3A_15 = arith.muli %scan3A_9, %mul3A_14 : i32
      %get3A_16 = arith.index_cast %mul3A_15 : i32 to index
      %get3A_17 = tpu.vector_load %arg10[%get3A_16] {strides = array<i32>} : memref<512xi32, #tpu.memory_space<vmem>>, vector<16xi32>,
      %jit3A = arith.constant 128 : i32
      %div3A = vector.broadcast %jit3A : i32 to vector<16xi32>
      %div3A_18 = arith.divsi %get3A_13, %div3A : vector<16xi32>
      %sign3A = arith.constant 0 : i32
      %sign3A_19 = vector.broadcast %sign3A : i32 to vector<16xi32>
      %sign3A_20 = arith.cmpi sgt, %get3A_13, %sign3A_19 : vector<16xi32>
      %sign3A_21 = arith.extui %sign3A_20 : vector<16xi1> to vector<16xi32>
      %sign3A_22 = arith.constant 0 : i32
      %sign3A_23 = vector.broadcast %sign3A_22 : i32 to vector<16xi32>
      %sign3A_24 = arith.cmpi slt, %get3A_13, %sign3A_23 : vector<16xi32>
      %sign3A_25 = arith.extui %sign3A_24 : vector<16xi1> to vector<16xi32>
      %sign3A_26 = arith.subi %sign3A_21, %sign3A_25 : vector<16xi32>
      %sign3A_27 = arith.constant 0 : i32
      %sign3A_28 = arith.cmpi sgt, %jit3A, %sign3A_27 : i32
      %sign3A_29 = arith.extui %sign3A_28 : i1 to i32
      %sign3A_30 = arith.constant 0 : i32
      %sign3A_31 = arith.cmpi slt, %jit3A, %sign3A_30 : i32
      %sign3A_32 = arith.extui %sign3A_31 : i1 to i32
      %sign3A_33 = arith.subi %sign3A_29, %sign3A_32 : i32
      %ne3A = vector.broadcast %sign3A_33 : i32 to vector<16xi32>
      %ne3A_34 = arith.cmpi ne, %sign3A_26, %ne3A : vector<16xi32>
      %rem3A = vector.broadcast %jit3A : i32 to vector<16xi32>
      %rem3A_35 = arith.remsi %get3A_13, %rem3A : vector<16xi32>
      %ne3A_36 = arith.constant 0 : i32
      %ne3A_37 = vector.broadcast %ne3A_36 : i32 to vector<16xi32>
      %ne3A_38 = arith.cmpi ne, %rem3A_35, %ne3A_37 : vector<16xi32>
      %and3A = arith.andi %ne3A_34, %ne3A_38 : vector<16xi1>
      %sub3A = arith.constant 1 : i32
      %sub3A_39 = vector.broadcast %sub3A : i32 to vector<16xi32>
      %sub3A_40 = arith.subi %div3A_18, %sub3A_39 : vector<16xi32>
      %select_n3A = arith.select %and3A, %sub3A_40, %div3A_18 : vector<16xi1>, vector<16xi32>
      %mul3A_41 = arith.constant 128 : i32
      %mul3A_42 = vector.broadcast %mul3A_41 : i32 to vector<16xi32>
      %mul3A_43 = arith.muli %select_n3A, %mul3A_42 : vector<16xi32>
      %jit3A_44 = arith.constant 128 : i32
      %div3A_45 = vector.broadcast %jit3A_44 : i32 to vector<16xi32>
      %div3A_46 = arith.divsi %get3A_17, %div3A_45 : vector<16xi32>
      %sign3A_47 = arith.constant 0 : i32
      %sign3A_48 = vector.broadcast %sign3A_47 : i32 to vector<16xi32>
      %sign3A_49 = arith.cmpi sgt, %get3A_17, %sign3A_48 : vector<16xi32>
      %sign3A_50 = arith.extui %sign3A_49 : vector<16xi1> to vector<16xi32>
      %sign3A_51 = arith.constant 0 : i32
      %sign3A_52 = vector.broadcast %sign3A_51 : i32 to vector<16xi32>
      %sign3A_53 = arith.cmpi slt, %get3A_17, %sign3A_52 : vector<16xi32>
      %sign3A_54 = arith.extui %sign3A_53 : vector<16xi1> to vector<16xi32>
      %sign3A_55 = arith.subi %sign3A_50, %sign3A_54 : vector<16xi32>
      %sign3A_56 = arith.constant 0 : i32
      %sign3A_57 = arith.cmpi sgt, %jit3A_44, %sign3A_56 : i32
      %sign3A_58 = arith.extui %sign3A_57 : i1 to i32
      %sign3A_59 = arith.constant 0 : i32
      %sign3A_60 = arith.cmpi slt, %jit3A_44, %sign3A_59 : i32
      %sign3A_61 = arith.extui %sign3A_60 : i1 to i32
      %sign3A_62 = arith.subi %sign3A_58, %sign3A_61 : i32
      %ne3A_63 = vector.broadcast %sign3A_62 : i32 to vector<16xi32>
      %ne3A_64 = arith.cmpi ne, %sign3A_55, %ne3A_63 : vector<16xi32>
      %rem3A_65 = vector.broadcast %jit3A_44 : i32 to vector<16xi32>
      %rem3A_66 = arith.remsi %get3A_17, %rem3A_65 : vector<16xi32>
      %ne3A_67 = arith.constant 0 : i32
      %ne3A_68 = vector.broadcast %ne3A_67 : i32 to vector<16xi32>
      %ne3A_69 = arith.cmpi ne, %rem3A_66, %ne3A_68 : vector<16xi32>
      %and3A_70 = arith.andi %ne3A_64, %ne3A_69 : vector<16xi1>
      %sub3A_71 = arith.constant 1 : i32
      %sub3A_72 = vector.broadcast %sub3A_71 : i32 to vector<16xi32>
      %sub3A_73 = arith.subi %div3A_46, %sub3A_72 : vector<16xi32>
      %select_n3A_74 = arith.select %and3A_70, %sub3A_73, %div3A_46 : vector<16xi1>, vector<16xi32>
      %mul3A_75 = arith.constant 128 : i32
      %mul3A_76 = vector.broadcast %mul3A_75 : i32 to vector<16xi32>
      %mul3A_77 = arith.muli %select_n3A_74, %mul3A_76 : vector<16xi32>
      %sub3A_78 = arith.subi %get3A_13, %mul3A_43 : vector<16xi32>
      %sub3A_79 = arith.subi %get3A_17, %mul3A_77 : vector<16xi32>
      %slice3A = vector.extract_strided_slice %mul3A_43 {offsets = [0], sizes = [1], strides = [1]} : vector<16xi32> to vector<1xi32>
      %squeeze3A = vector.extract %slice3A[0] : i32 from vector<1xi32>
      %multiple_of3A = tpu.assume_multiple %squeeze3A, 128 : i32
      %dma_start3A = arith.constant 0 : i32
      %dma_start3A_80 = arith.constant 0 : i32
      %dma_start3A_81 = arith.constant 0 : i32
      %dma_start3A_82 = tpu.memref_slice %arg11[%dma_start3A, %dma_start3A_80, %dma_start3A_81] : memref<6x32x128xf32, #tpu.memory_space<vmem>> -> memref<1x32x128xf32, #tpu.memory_space<vmem>>
      %dma_start3A_83 = tpu.memref_squeeze %dma_start3A_82 : memref<1x32x128xf32, #tpu.memory_space<vmem>> -> memref<32x128xf32, #tpu.memory_space<vmem>>
      %dma_start3A_84 = arith.constant 0 : i32
      %dma_start3A_85 = tpu.memref_slice %arg4[%dma_start3A_84, %multiple_of3A] : memref<32x1000000xf32, #tpu.memory_space<hbm>> -> memref<32x128xf32, #tpu.memory_space<hbm>>
      %dma_start3A_86 = arith.constant 0 : i32
      %dma_start3A_87 = arith.constant 0 : i32
      %dma_start3A_88 = tpu.memref_slice %arg11[%dma_start3A, %dma_start3A_86, %dma_start3A_87] : memref<6x32x128xf32, #tpu.memory_space<vmem>> -> memref<1x32x128xf32, #tpu.memory_space<vmem>>
      %dma_start3A_89 = tpu.memref_squeeze %dma_start3A_88 : memref<1x32x128xf32, #tpu.memory_space<vmem>> -> memref<32x128xf32, #tpu.memory_space<vmem>>
      %dma_start3A_90 = arith.constant 0 : i32
      %dma_start3A_91 = tpu.memref_slice %arg4[%dma_start3A_90, %multiple_of3A] : memref<32x1000000xf32, #tpu.memory_space<hbm>> -> memref<32x128xf32, #tpu.memory_space<hbm>>
      tpu.enqueue_dma source(%dma_start3A_91 : memref<32x128xf32, #tpu.memory_space<hbm>>) target(%dma_start3A_89 : memref<32x128xf32, #tpu.memory_space<vmem>>) target_semaphore(%arg16 : memref<!tpu.dma_semaphore, #tpu.memory_space<semaphore_mem>>)
      %slice3A_92 = vector.extract_strided_slice %mul3A_77 {offsets = [0], sizes = [1], strides = [1]} : vector<16xi32> to vector<1xi32>
      %squeeze3A_93 = vector.extract %slice3A_92[0] : i32 from vector<1xi32>
      %multiple_of3A_94 = tpu.assume_multiple %squeeze3A_93, 128 : i32
      %dma_start3A_95 = arith.constant 0 : i32
      %dma_start3A_96 = arith.constant 0 : i32
      %dma_start3A_97 = arith.constant 0 : i32
      %dma_start3A_98 = tpu.memref_slice %arg12[%dma_start3A_95, %dma_start3A_96, %dma_start3A_97] : memref<6x32x128xf32, #tpu.memory_space<vmem>> -> memref<1x32x128xf32, #tpu.memory_space<vmem>>
      %dma_start3A_99 = tpu.memref_squeeze %dma_start3A_98 : memref<1x32x128xf32, #tpu.memory_space<vmem>> -> memref<32x128xf32, #tpu.memory_space<vmem>>
      %dma_start3A_100 = arith.constant 0 : i32
      %dma_start3A_101 = tpu.memref_slice %arg5[%dma_start3A_100, %multiple_of3A_94] : memref<32x1000000xf32, #tpu.memory_space<hbm>> -> memref<32x128xf32, #tpu.memory_space<hbm>>
      %dma_start3A_102 = arith.constant 0 : i32
      %dma_start3A_103 = arith.constant 0 : i32
      %dma_start3A_104 = tpu.memref_slice %arg12[%dma_start3A_95, %dma_start3A_102, %dma_start3A_103] : memref<6x32x128xf32, #tpu.memory_space<vmem>> -> memref<1x32x128xf32, #tpu.memory_space<vmem>>
      %dma_start3A_105 = tpu.memref_squeeze %dma_start3A_104 : memref<1x32x128xf32, #tpu.memory_space<vmem>> -> memref<32x128xf32, #tpu.memory_space<vmem>>
      %dma_start3A_106 = arith.constant 0 : i32
      %dma_start3A_107 = tpu.memref_slice %arg5[%dma_start3A_106, %multiple_of3A_94] : memref<32x1000000xf32, #tpu.memory_space<hbm>> -> memref<32x128xf32, #tpu.memory_space<hbm>>
      tpu.enqueue_dma source(%dma_start3A_107 : memref<32x128xf32, #tpu.memory_space<hbm>>) target(%dma_start3A_105 : memref<32x128xf32, #tpu.memory_space<vmem>>) target_semaphore(%arg16 : memref<!tpu.dma_semaphore, #tpu.memory_space<semaphore_mem>>)
      %slice3A_108 = vector.extract_strided_slice %mul3A_43 {offsets = [0], sizes = [1], strides = [1]} : vector<16xi32> to vector<1xi32>
      %squeeze3A_109 = vector.extract %slice3A_108[0] : i32 from vector<1xi32>
      %multiple_of3A_110 = tpu.assume_multiple %squeeze3A_109, 128 : i32
      %dma_start3A_111 = arith.constant 0 : i32
      %dma_start3A_112 = arith.constant 0 : i32
      %dma_start3A_113 = arith.constant 0 : i32
      %dma_start3A_114 = tpu.memref_slice %arg13[%dma_start3A_111, %dma_start3A_112, %dma_start3A_113] : memref<6x32x128xf32, #tpu.memory_space<vmem>> -> memref<1x32x128xf32, #tpu.memory_space<vmem>>
      %dma_start3A_115 = tpu.memref_squeeze %dma_start3A_114 : memref<1x32x128xf32, #tpu.memory_space<vmem>> -> memref<32x128xf32, #tpu.memory_space<vmem>>
      %dma_start3A_116 = arith.constant 0 : i32
      %dma_start3A_117 = tpu.memref_slice %arg6[%dma_start3A_116, %multiple_of3A_110] : memref<32x1000000xf32, #tpu.memory_space<hbm>> -> memref<32x128xf32, #tpu.memory_space<hbm>>
      %dma_start3A_118 = arith.constant 0 : i32
      %dma_start3A_119 = arith.constant 0 : i32
      %dma_start3A_120 = tpu.memref_slice %arg13[%dma_start3A_111, %dma_start3A_118, %dma_start3A_119] : memref<6x32x128xf32, #tpu.memory_space<vmem>> -> memref<1x32x128xf32, #tpu.memory_space<vmem>>
      %dma_start3A_121 = tpu.memref_squeeze %dma_start3A_120 : memref<1x32x128xf32, #tpu.memory_space<vmem>> -> memref<32x128xf32, #tpu.memory_space<vmem>>
      %dma_start3A_122 = arith.constant 0 : i32
      %dma_start3A_123 = tpu.memref_slice %arg6[%dma_start3A_122, %multiple_of3A_110] : memref<32x1000000xf32, #tpu.memory_space<hbm>> -> memref<32x128xf32, #tpu.memory_space<hbm>>
      tpu.enqueue_dma source(%dma_start3A_123 : memref<32x128xf32, #tpu.memory_space<hbm>>) target(%dma_start3A_121 : memref<32x128xf32, #tpu.memory_space<vmem>>) target_semaphore(%arg16 : memref<!tpu.dma_semaphore, #tpu.memory_space<semaphore_mem>>)
      %slice3A_124 = vector.extract_strided_slice %mul3A_77 {offsets = [0], sizes = [1], strides = [1]} : vector<16xi32> to vector<1xi32>
      %squeeze3A_125 = vector.extract %slice3A_124[0] : i32 from vector<1xi32>
      %multiple_of3A_126 = tpu.assume_multiple %squeeze3A_125, 128 : i32
      %dma_start3A_127 = arith.constant 0 : i32
      %dma_start3A_128 = arith.constant 0 : i32
      %dma_start3A_129 = arith.constant 0 : i32
      %dma_start3A_130 = tpu.memref_slice %arg14[%dma_start3A_127, %dma_start3A_128, %dma_start3A_129] : memref<6x32x128xf32, #tpu.memory_space<vmem>> -> memref<1x32x128xf32, #tpu.memory_space<vmem>>
      %dma_start3A_131 = tpu.memref_squeeze %dma_start3A_130 : memref<1x32x128xf32, #tpu.memory_space<vmem>> -> memref<32x128xf32, #tpu.memory_space<vmem>>
      %dma_start3A_132 = arith.constant 0 : i32
      %dma_start3A_133 = tpu.memref_slice %arg7[%dma_start3A_132, %multiple_of3A_126] : memref<32x1000000xf32, #tpu.memory_space<hbm>> -> memref<32x128xf32, #tpu.memory_space<hbm>>
      %dma_start3A_134 = arith.constant 0 : i32
      %dma_start3A_135 = arith.constant 0 : i32
      %dma_start3A_136 = tpu.memref_slice %arg14[%dma_start3A_127, %dma_start3A_134, %dma_start3A_135] : memref<6x32x128xf32, #tpu.memory_space<vmem>> -> memref<1x32x128xf32, #tpu.memory_space<vmem>>
      %dma_start3A_137 = tpu.memref_squeeze %dma_start3A_136 : memref<1x32x128xf32, #tpu.memory_space<vmem>> -> memref<32x128xf32, #tpu.memory_space<vmem>>
      %dma_start3A_138 = arith.constant 0 : i32
      %dma_start3A_139 = tpu.memref_slice %arg7[%dma_start3A_138, %multiple_of3A_126] : memref<32x1000000xf32, #tpu.memory_space<hbm>> -> memref<32x128xf32, #tpu.memory_space<hbm>>
      tpu.enqueue_dma source(%dma_start3A_139 : memref<32x128xf32, #tpu.memory_space<hbm>>) target(%dma_start3A_137 : memref<32x128xf32, #tpu.memory_space<vmem>>) target_semaphore(%arg16 : memref<!tpu.dma_semaphore, #tpu.memory_space<semaphore_mem>>)
      %slice3A_140 = vector.extract_strided_slice %mul3A_43 {offsets = [1], sizes = [1], strides = [1]} : vector<16xi32> to vector<1xi32>
      %squeeze3A_141 = vector.extract %slice3A_140[0] : i32 from vector<1xi32>
      %multiple_of3A_142 = tpu.assume_multiple %squeeze3A_141, 128 : i32
      %dma_start3A_143 = arith.constant 1 : i32
      %dma_start3A_144 = arith.constant 0 : i32
      %dma_start3A_145 = arith.constant 0 : i32
      %dma_start3A_146 = tpu.memref_slice %arg11[%dma_start3A_143, %dma_start3A_144, %dma_start3A_145] : memref<6x32x128xf32, #tpu.memory_space<vmem>> -> memref<1x32x128xf32, #tpu.memory_space<vmem>>
      %dma_start3A_147 = tpu.memref_squeeze %dma_start3A_146 : memref<1x32x128xf32, #tpu.memory_space<vmem>> -> memref<32x128xf32, #tpu.memory_space<vmem>>
      %dma_start3A_148 = arith.constant 0 : i32
      %dma_start3A_149 = tpu.memref_slice %arg4[%dma_start3A_148, %multiple_of3A_142] : memref<32x1000000xf32, #tpu.memory_space<hbm>> -> memref<32x128xf32, #tpu.memory_space<hbm>>
      %dma_start3A_150 = arith.constant 0 : i32
      %dma_start3A_151 = arith.constant 0 : i32
      %dma_start3A_152 = tpu.memref_slice %arg11[%dma_start3A_143, %dma_start3A_150, %dma_start3A_151] : memref<6x32x128xf32, #tpu.memory_space<vmem>> -> memref<1x32x128xf32, #tpu.memory_space<vmem>>
      %dma_start3A_153 = tpu.memref_squeeze %dma_start3A_152 : memref<1x32x128xf32, #tpu.memory_space<vmem>> -> memref<32x128xf32, #tpu.memory_space<vmem>>
      %dma_start3A_154 = arith.constant 0 : i32
      %dma_start3A_155 = tpu.memref_slice %arg4[%dma_start3A_154, %multiple_of3A_142] : memref<32x1000000xf32, #tpu.memory_space<hbm>> -> memref<32x128xf32, #tpu.memory_space<hbm>>
      tpu.enqueue_dma source(%dma_start3A_155 : memref<32x128xf32, #tpu.memory_space<hbm>>) target(%dma_start3A_153 : memref<32x128xf32, #tpu.memory_space<vmem>>) target_semaphore(%arg16 : memref<!tpu.dma_semaphore, #tpu.memory_space<semaphore_mem>>)
      %slice3A_156 = vector.extract_strided_slice %mul3A_77 {offsets = [1], sizes = [1], strides = [1]} : vector<16xi32> to vector<1xi32>
      %squeeze3A_157 = vector.extract %slice3A_156[0] : i32 from vector<1xi32>
      %multiple_of3A_158 = tpu.assume_multiple %squeeze3A_157, 128 : i32
      %dma_start3A_159 = arith.constant 1 : i32
      %dma_start3A_160 = arith.constant 0 : i32
      %dma_start3A_161 = arith.constant 0 : i32
      %dma_start3A_162 = tpu.memref_slice %arg12[%dma_start3A_159, %dma_start3A_160, %dma_start3A_161] : memref<6x32x128xf32, #tpu.memory_space<vmem>> -> memref<1x32x128xf32, #tpu.memory_space<vmem>>
      %dma_start3A_163 = tpu.memref_squeeze %dma_start3A_162 : memref<1x32x128xf32, #tpu.memory_space<vmem>> -> memref<32x128xf32, #tpu.memory_space<vmem>>
      %dma_start3A_164 = arith.constant 0 : i32
      %dma_start3A_165 = tpu.memref_slice %arg5[%dma_start3A_164, %multiple_of3A_158] : memref<32x1000000xf32, #tpu.memory_space<hbm>> -> memref<32x128xf32, #tpu.memory_space<hbm>>
      %dma_start3A_166 = arith.constant 0 : i32
      %dma_start3A_167 = arith.constant 0 : i32
      %dma_start3A_168 = tpu.memref_slice %arg12[%dma_start3A_159, %dma_start3A_166, %dma_start3A_167] : memref<6x32x128xf32, #tpu.memory_space<vmem>> -> memref<1x32x128xf32, #tpu.memory_space<vmem>>
      %dma_start3A_169 = tpu.memref_squeeze %dma_start3A_168 : memref<1x32x128xf32, #tpu.memory_space<vmem>> -> memref<32x128xf32, #tpu.memory_space<vmem>>
      %dma_start3A_170 = arith.constant 0 : i32
      %dma_start3A_171 = tpu.memref_slice %arg5[%dma_start3A_170, %multiple_of3A_158] : memref<32x1000000xf32, #tpu.memory_space<hbm>> -> memref<32x128xf32, #tpu.memory_space<hbm>>
      tpu.enqueue_dma source(%dma_start3A_171 : memref<32x128xf32, #tpu.memory_space<hbm>>) target(%dma_start3A_169 : memref<32x128xf32, #tpu.memory_space<vmem>>) target_semaphore(%arg16 : memref<!tpu.dma_semaphore, #tpu.memory_space<semaphore_mem>>)
      %slice3A_172 = vector.extract_strided_slice %mul3A_43 {offsets = [1], sizes = [1], strides = [1]} : vector<16xi32> to vector<1xi32>
      %squeeze3A_173 = vector.extract %slice3A_172[0] : i32 from vector<1xi32>
      %multiple_of3A_174 = tpu.assume_multiple %squeeze3A_173, 128 : i32
      %dma_start3A_175 = arith.constant 1 : i32
      %dma_start3A_176 = arith.constant 0 : i32
      %dma_start3A_177 = arith.constant 0 : i32
      %dma_start3A_178 = tpu.memref_slice %arg13[%dma_start3A_175, %dma_start3A_176, %dma_start3A_177] : memref<6x32x128xf32, #tpu.memory_space<vmem>> -> memref<1x32x128xf32, #tpu.memory_space<vmem>>
      %dma_start3A_179 = tpu.memref_squeeze %dma_start3A_178 : memref<1x32x128xf32, #tpu.memory_space<vmem>> -> memref<32x128xf32, #tpu.memory_space<vmem>>
      %dma_start3A_180 = arith.constant 0 : i32
      %dma_start3A_181 = tpu.memref_slice %arg6[%dma_start3A_180, %multiple_of3A_174] : memref<32x1000000xf32, #tpu.memory_space<hbm>> -> memref<32x128xf32, #tpu.memory_space<hbm>>
      %dma_start3A_182 = arith.constant 0 : i32
      %dma_start3A_183 = arith.constant 0 : i32
      %dma_start3A_184 = tpu.memref_slice %arg13[%dma_start3A_175, %dma_start3A_182, %dma_start3A_183] : memref<6x32x128xf32, #tpu.memory_space<vmem>> -> memref<1x32x128xf32, #tpu.memory_space<vmem>>
      %dma_start3A_185 = tpu.memref_squeeze %dma_start3A_184 : memref<1x32x128xf32, #tpu.memory_space<vmem>> -> memref<32x128xf32, #tpu.memory_space<vmem>>
      %dma_start3A_186 = arith.constant 0 : i32
      %dma_start3A_187 = tpu.memref_slice %arg6[%dma_start3A_186, %multiple_of3A_174] : memref<32x1000000xf32, #tpu.memory_space<hbm>> -> memref<32x128xf32, #tpu.memory_space<hbm>>
      tpu.enqueue_dma source(%dma_start3A_187 : memref<32x128xf32, #tpu.memory_space<hbm>>) target(%dma_start3A_185 : memref<32x128xf32, #tpu.memory_space<vmem>>) target_semaphore(%arg16 : memref<!tpu.dma_semaphore, #tpu.memory_space<semaphore_mem>>)
      %slice3A_188 = vector.extract_strided_slice %mul3A_77 {offsets = [1], sizes = [1], strides = [1]} : vector<16xi32> to vector<1xi32>
      %squeeze3A_189 = vector.extract %slice3A_188[0] : i32 from vector<1xi32>
      %multiple_of3A_190 = tpu.assume_multiple %squeeze3A_189, 128 : i32
      %dma_start3A_191 = arith.constant 1 : i32
      %dma_start3A_192 = arith.constant 0 : i32
      %dma_start3A_193 = arith.constant 0 : i32
      %dma_start3A_194 = tpu.memref_slice %arg14[%dma_start3A_191, %dma_start3A_192, %dma_start3A_193] : memref<6x32x128xf32, #tpu.memory_space<vmem>> -> memref<1x32x128xf32, #tpu.memory_space<vmem>>
      %dma_start3A_195 = tpu.memref_squeeze %dma_start3A_194 : memref<1x32x128xf32, #tpu.memory_space<vmem>> -> memref<32x128xf32, #tpu.memory_space<vmem>>
      %dma_start3A_196 = arith.constant 0 : i32
      %dma_start3A_197 = tpu.memref_slice %arg7[%dma_start3A_196, %multiple_of3A_190] : memref<32x1000000xf32, #tpu.memory_space<hbm>> -> memref<32x128xf32, #tpu.memory_space<hbm>>
      %dma_start3A_198 = arith.constant 0 : i32
      %dma_start3A_199 = arith.constant 0 : i32
      %dma_start3A_200 = tpu.memref_slice %arg14[%dma_start3A_191, %dma_start3A_198, %dma_start3A_199] : memref<6x32x128xf32, #tpu.memory_space<vmem>> -> memref<1x32x128xf32, #tpu.memory_space<vmem>>
      %dma_start3A_201 = tpu.memref_squeeze %dma_start3A_200 : memref<1x32x128xf32, #tpu.memory_space<vmem>> -> memref<32x128xf32, #tpu.memory_space<vmem>>
      %dma_start3A_202 = arith.constant 0 : i32
      %dma_start3A_203 = tpu.memref_slice %arg7[%dma_start3A_202, %multiple_of3A_190] : memref<32x1000000xf32, #tpu.memory_space<hbm>> -> memref<32x128xf32, #tpu.memory_space<hbm>>
      tpu.enqueue_dma source(%dma_start3A_203 : memref<32x128xf32, #tpu.memory_space<hbm>>) target(%dma_start3A_201 : memref<32x128xf32, #tpu.memory_space<vmem>>) target_semaphore(%arg16 : memref<!tpu.dma_semaphore, #tpu.memory_space<semaphore_mem>>)
      %slice3A_204 = vector.extract_strided_slice %mul3A_43 {offsets = [2], sizes = [1], strides = [1]} : vector<16xi32> to vector<1xi32>
      %squeeze3A_205 = vector.extract %slice3A_204[0] : i32 from vector<1xi32>
      %multiple_of3A_206 = tpu.assume_multiple %squeeze3A_205, 128 : i32
      %dma_start3A_207 = arith.constant 2 : i32
      %dma_start3A_208 = arith.constant 0 : i32
      %dma_start3A_209 = arith.constant 0 : i32
      %dma_start3A_210 = tpu.memref_slice %arg11[%dma_start3A_207, %dma_start3A_208, %dma_start3A_209] : memref<6x32x128xf32, #tpu.memory_space<vmem>> -> memref<1x32x128xf32, #tpu.memory_space<vmem>>
      %dma_start3A_211 = tpu.memref_squeeze %dma_start3A_210 : memref<1x32x128xf32, #tpu.memory_space<vmem>> -> memref<32x128xf32, #tpu.memory_space<vmem>>
      %dma_start3A_212 = arith.constant 0 : i32
      %dma_start3A_213 = tpu.memref_slice %arg4[%dma_start3A_212, %multiple_of3A_206] : memref<32x1000000xf32, #tpu.memory_space<hbm>> -> memref<32x128xf32, #tpu.memory_space<hbm>>
      %dma_start3A_214 = arith.constant 0 : i32
      %dma_start3A_215 = arith.constant 0 : i32
      %dma_start3A_216 = tpu.memref_slice %arg11[%dma_start3A_207, %dma_start3A_214, %dma_start3A_215] : memref<6x32x128xf32, #tpu.memory_space<vmem>> -> memref<1x32x128xf32, #tpu.memory_space<vmem>>
      %dma_start3A_217 = tpu.memref_squeeze %dma_start3A_216 : memref<1x32x128xf32, #tpu.memory_space<vmem>> -> memref<32x128xf32, #tpu.memory_space<vmem>>
      %dma_start3A_218 = arith.constant 0 : i32
      %dma_start3A_219 = tpu.memref_slice %arg4[%dma_start3A_218, %multiple_of3A_206] : memref<32x1000000xf32, #tpu.memory_space<hbm>> -> memref<32x128xf32, #tpu.memory_space<hbm>>
      tpu.enqueue_dma source(%dma_start3A_219 : memref<32x128xf32, #tpu.memory_space<hbm>>) target(%dma_start3A_217 : memref<32x128xf32, #tpu.memory_space<vmem>>) target_semaphore(%arg17 : memref<!tpu.dma_semaphore, #tpu.memory_space<semaphore_mem>>)
      %slice3A_220 = vector.extract_strided_slice %mul3A_77 {offsets = [2], sizes = [1], strides = [1]} : vector<16xi32> to vector<1xi32>
      %squeeze3A_221 = vector.extract %slice3A_220[0] : i32 from vector<1xi32>
      %multiple_of3A_222 = tpu.assume_multiple %squeeze3A_221, 128 : i32
      %dma_start3A_223 = arith.constant 2 : i32
      %dma_start3A_224 = arith.constant 0 : i32
      %dma_start3A_225 = arith.constant 0 : i32
      %dma_start3A_226 = tpu.memref_slice %arg12[%dma_start3A_223, %dma_start3A_224, %dma_start3A_225] : memref<6x32x128xf32, #tpu.memory_space<vmem>> -> memref<1x32x128xf32, #tpu.memory_space<vmem>>
      %dma_start3A_227 = tpu.memref_squeeze %dma_start3A_226 : memref<1x32x128xf32, #tpu.memory_space<vmem>> -> memref<32x128xf32, #tpu.memory_space<vmem>>
      %dma_start3A_228 = arith.constant 0 : i32
      %dma_start3A_229 = tpu.memref_slice %arg5[%dma_start3A_228, %multiple_of3A_222] : memref<32x1000000xf32, #tpu.memory_space<hbm>> -> memref<32x128xf32, #tpu.memory_space<hbm>>
      %dma_start3A_230 = arith.constant 0 : i32
      %dma_start3A_231 = arith.constant 0 : i32
      %dma_start3A_232 = tpu.memref_slice %arg12[%dma_start3A_223, %dma_start3A_230, %dma_start3A_231] : memref<6x32x128xf32, #tpu.memory_space<vmem>> -> memref<1x32x128xf32, #tpu.memory_space<vmem>>
      %dma_start3A_233 = tpu.memref_squeeze %dma_start3A_232 : memref<1x32x128xf32, #tpu.memory_space<vmem>> -> memref<32x128xf32, #tpu.memory_space<vmem>>
      %dma_start3A_234 = arith.constant 0 : i32
      %dma_start3A_235 = tpu.memref_slice %arg5[%dma_start3A_234, %multiple_of3A_222] : memref<32x1000000xf32, #tpu.memory_space<hbm>> -> memref<32x128xf32, #tpu.memory_space<hbm>>
      tpu.enqueue_dma source(%dma_start3A_235 : memref<32x128xf32, #tpu.memory_space<hbm>>) target(%dma_start3A_233 : memref<32x128xf32, #tpu.memory_space<vmem>>) target_semaphore(%arg17 : memref<!tpu.dma_semaphore, #tpu.memory_space<semaphore_mem>>)
      %slice3A_236 = vector.extract_strided_slice %mul3A_43 {offsets = [2], sizes = [1], strides = [1]} : vector<16xi32> to vector<1xi32>
      %squeeze3A_237 = vector.extract %slice3A_236[0] : i32 from vector<1xi32>
      %multiple_of3A_238 = tpu.assume_multiple %squeeze3A_237, 128 : i32
      %dma_start3A_239 = arith.constant 2 : i32
      %dma_start3A_240 = arith.constant 0 : i32
      %dma_start3A_241 = arith.constant 0 : i32
      %dma_start3A_242 = tpu.memref_slice %arg13[%dma_start3A_239, %dma_start3A_240, %dma_start3A_241] : memref<6x32x128xf32, #tpu.memory_space<vmem>> -> memref<1x32x128xf32, #tpu.memory_space<vmem>>
      %dma_start3A_243 = tpu.memref_squeeze %dma_start3A_242 : memref<1x32x128xf32, #tpu.memory_space<vmem>> -> memref<32x128xf32, #tpu.memory_space<vmem>>
      %dma_start3A_244 = arith.constant 0 : i32
      %dma_start3A_245 = tpu.memref_slice %arg6[%dma_start3A_244, %multiple_of3A_238] : memref<32x1000000xf32, #tpu.memory_space<hbm>> -> memref<32x128xf32, #tpu.memory_space<hbm>>
      %dma_start3A_246 = arith.constant 0 : i32
      %dma_start3A_247 = arith.constant 0 : i32
      %dma_start3A_248 = tpu.memref_slice %arg13[%dma_start3A_239, %dma_start3A_246, %dma_start3A_247] : memref<6x32x128xf32, #tpu.memory_space<vmem>> -> memref<1x32x128xf32, #tpu.memory_space<vmem>>
      %dma_start3A_249 = tpu.memref_squeeze %dma_start3A_248 : memref<1x32x128xf32, #tpu.memory_space<vmem>> -> memref<32x128xf32, #tpu.memory_space<vmem>>
      %dma_start3A_250 = arith.constant 0 : i32
      %dma_start3A_251 = tpu.memref_slice %arg6[%dma_start3A_250, %multiple_of3A_238] : memref<32x1000000xf32, #tpu.memory_space<hbm>> -> memref<32x128xf32, #tpu.memory_space<hbm>>
      tpu.enqueue_dma source(%dma_start3A_251 : memref<32x128xf32, #tpu.memory_space<hbm>>) target(%dma_start3A_249 : memref<32x128xf32, #tpu.memory_space<vmem>>) target_semaphore(%arg17 : memref<!tpu.dma_semaphore, #tpu.memory_space<semaphore_mem>>)
      %slice3A_252 = vector.extract_strided_slice %mul3A_77 {offsets = [2], sizes = [1], strides = [1]} : vector<16xi32> to vector<1xi32>
      %squeeze3A_253 = vector.extract %slice3A_252[0] : i32 from vector<1xi32>
      %multiple_of3A_254 = tpu.assume_multiple %squeeze3A_253, 128 : i32
      %dma_start3A_255 = arith.constant 2 : i32
      %dma_start3A_256 = arith.constant 0 : i32
      %dma_start3A_257 = arith.constant 0 : i32
      %dma_start3A_258 = tpu.memref_slice %arg14[%dma_start3A_255, %dma_start3A_256, %dma_start3A_257] : memref<6x32x128xf32, #tpu.memory_space<vmem>> -> memref<1x32x128xf32, #tpu.memory_space<vmem>>
      %dma_start3A_259 = tpu.memref_squeeze %dma_start3A_258 : memref<1x32x128xf32, #tpu.memory_space<vmem>> -> memref<32x128xf32, #tpu.memory_space<vmem>>
      %dma_start3A_260 = arith.constant 0 : i32
      %dma_start3A_261 = tpu.memref_slice %arg7[%dma_start3A_260, %multiple_of3A_254] : memref<32x1000000xf32, #tpu.memory_space<hbm>> -> memref<32x128xf32, #tpu.memory_space<hbm>>
      %dma_start3A_262 = arith.constant 0 : i32
      %dma_start3A_263 = arith.constant 0 : i32
      %dma_start3A_264 = tpu.memref_slice %arg14[%dma_start3A_255, %dma_start3A_262, %dma_start3A_263] : memref<6x32x128xf32, #tpu.memory_space<vmem>> -> memref<1x32x128xf32, #tpu.memory_space<vmem>>
      %dma_start3A_265 = tpu.memref_squeeze %dma_start3A_264 : memref<1x32x128xf32, #tpu.memory_space<vmem>> -> memref<32x128xf32, #tpu.memory_space<vmem>>
      %dma_start3A_266 = arith.constant 0 : i32
      %dma_start3A_267 = tpu.memref_slice %arg7[%dma_start3A_266, %multiple_of3A_254] : memref<32x1000000xf32, #tpu.memory_space<hbm>> -> memref<32x128xf32, #tpu.memory_space<hbm>>
      tpu.enqueue_dma source(%dma_start3A_267 : memref<32x128xf32, #tpu.memory_space<hbm>>) target(%dma_start3A_265 : memref<32x128xf32, #tpu.memory_space<vmem>>) target_semaphore(%arg17 : memref<!tpu.dma_semaphore, #tpu.memory_space<semaphore_mem>>)
      %slice3A_268 = vector.extract_strided_slice %mul3A_43 {offsets = [3], sizes = [1], strides = [1]} : vector<16xi32> to vector<1xi32>
      %squeeze3A_269 = vector.extract %slice3A_268[0] : i32 from vector<1xi32>
      %multiple_of3A_270 = tpu.assume_multiple %squeeze3A_269, 128 : i32
      %dma_start3A_271 = arith.constant 3 : i32
      %dma_start3A_272 = arith.constant 0 : i32
      %dma_start3A_273 = arith.constant 0 : i32
      %dma_start3A_274 = tpu.memref_slice %arg11[%dma_start3A_271, %dma_start3A_272, %dma_start3A_273] : memref<6x32x128xf32, #tpu.memory_space<vmem>> -> memref<1x32x128xf32, #tpu.memory_space<vmem>>
      %dma_start3A_275 = tpu.memref_squeeze %dma_start3A_274 : memref<1x32x128xf32, #tpu.memory_space<vmem>> -> memref<32x128xf32, #tpu.memory_space<vmem>>
      %dma_start3A_276 = arith.constant 0 : i32
      %dma_start3A_277 = tpu.memref_slice %arg4[%dma_start3A_276, %multiple_of3A_270] : memref<32x1000000xf32, #tpu.memory_space<hbm>> -> memref<32x128xf32, #tpu.memory_space<hbm>>
      %dma_start3A_278 = arith.constant 0 : i32
      %dma_start3A_279 = arith.constant 0 : i32
      %dma_start3A_280 = tpu.memref_slice %arg11[%dma_start3A_271, %dma_start3A_278, %dma_start3A_279] : memref<6x32x128xf32, #tpu.memory_space<vmem>> -> memref<1x32x128xf32, #tpu.memory_space<vmem>>
      %dma_start3A_281 = tpu.memref_squeeze %dma_start3A_280 : memref<1x32x128xf32, #tpu.memory_space<vmem>> -> memref<32x128xf32, #tpu.memory_space<vmem>>
      %dma_start3A_282 = arith.constant 0 : i32
      %dma_start3A_283 = tpu.memref_slice %arg4[%dma_start3A_282, %multiple_of3A_270] : memref<32x1000000xf32, #tpu.memory_space<hbm>> -> memref<32x128xf32, #tpu.memory_space<hbm>>
      tpu.enqueue_dma source(%dma_start3A_283 : memref<32x128xf32, #tpu.memory_space<hbm>>) target(%dma_start3A_281 : memref<32x128xf32, #tpu.memory_space<vmem>>) target_semaphore(%arg17 : memref<!tpu.dma_semaphore, #tpu.memory_space<semaphore_mem>>)
      %slice3A_284 = vector.extract_strided_slice %mul3A_77 {offsets = [3], sizes = [1], strides = [1]} : vector<16xi32> to vector<1xi32>
      %squeeze3A_285 = vector.extract %slice3A_284[0] : i32 from vector<1xi32>
      %multiple_of3A_286 = tpu.assume_multiple %squeeze3A_285, 128 : i32
      %dma_start3A_287 = arith.constant 3 : i32
      %dma_start3A_288 = arith.constant 0 : i32
      %dma_start3A_289 = arith.constant 0 : i32
      %dma_start3A_290 = tpu.memref_slice %arg12[%dma_start3A_287, %dma_start3A_288, %dma_start3A_289] : memref<6x32x128xf32, #tpu.memory_space<vmem>> -> memref<1x32x128xf32, #tpu.memory_space<vmem>>
      %dma_start3A_291 = tpu.memref_squeeze %dma_start3A_290 : memref<1x32x128xf32, #tpu.memory_space<vmem>> -> memref<32x128xf32, #tpu.memory_space<vmem>>
      %dma_start3A_292 = arith.constant 0 : i32
      %dma_start3A_293 = tpu.memref_slice %arg5[%dma_start3A_292, %multiple_of3A_286] : memref<32x1000000xf32, #tpu.memory_space<hbm>> -> memref<32x128xf32, #tpu.memory_space<hbm>>
      %dma_start3A_294 = arith.constant 0 : i32
      %dma_start3A_295 = arith.constant 0 : i32
      %dma_start3A_296 = tpu.memref_slice %arg12[%dma_start3A_287, %dma_start3A_294, %dma_start3A_295] : memref<6x32x128xf32, #tpu.memory_space<vmem>> -> memref<1x32x128xf32, #tpu.memory_space<vmem>>
      %dma_start3A_297 = tpu.memref_squeeze %dma_start3A_296 : memref<1x32x128xf32, #tpu.memory_space<vmem>> -> memref<32x128xf32, #tpu.memory_space<vmem>>
      %dma_start3A_298 = arith.constant 0 : i32
      %dma_start3A_299 = tpu.memref_slice %arg5[%dma_start3A_298, %multiple_of3A_286] : memref<32x1000000xf32, #tpu.memory_space<hbm>> -> memref<32x128xf32, #tpu.memory_space<hbm>>
      tpu.enqueue_dma source(%dma_start3A_299 : memref<32x128xf32, #tpu.memory_space<hbm>>) target(%dma_start3A_297 : memref<32x128xf32, #tpu.memory_space<vmem>>) target_semaphore(%arg17 : memref<!tpu.dma_semaphore, #tpu.memory_space<semaphore_mem>>)
      %slice3A_300 = vector.extract_strided_slice %mul3A_43 {offsets = [3], sizes = [1], strides = [1]} : vector<16xi32> to vector<1xi32>
      %squeeze3A_301 = vector.extract %slice3A_300[0] : i32 from vector<1xi32>
      %multiple_of3A_302 = tpu.assume_multiple %squeeze3A_301, 128 : i32
      %dma_start3A_303 = arith.constant 3 : i32
      %dma_start3A_304 = arith.constant 0 : i32
      %dma_start3A_305 = arith.constant 0 : i32
      %dma_start3A_306 = tpu.memref_slice %arg13[%dma_start3A_303, %dma_start3A_304, %dma_start3A_305] : memref<6x32x128xf32, #tpu.memory_space<vmem>> -> memref<1x32x128xf32, #tpu.memory_space<vmem>>
      %dma_start3A_307 = tpu.memref_squeeze %dma_start3A_306 : memref<1x32x128xf32, #tpu.memory_space<vmem>> -> memref<32x128xf32, #tpu.memory_space<vmem>>
      %dma_start3A_308 = arith.constant 0 : i32
      %dma_start3A_309 = tpu.memref_slice %arg6[%dma_start3A_308, %multiple_of3A_302] : memref<32x1000000xf32, #tpu.memory_space<hbm>> -> memref<32x128xf32, #tpu.memory_space<hbm>>
      %dma_start3A_310 = arith.constant 0 : i32
      %dma_start3A_311 = arith.constant 0 : i32
      %dma_start3A_312 = tpu.memref_slice %arg13[%dma_start3A_303, %dma_start3A_310, %dma_start3A_311] : memref<6x32x128xf32, #tpu.memory_space<vmem>> -> memref<1x32x128xf32, #tpu.memory_space<vmem>>
      %dma_start3A_313 = tpu.memref_squeeze %dma_start3A_312 : memref<1x32x128xf32, #tpu.memory_space<vmem>> -> memref<32x128xf32, #tpu.memory_space<vmem>>
      %dma_start3A_314 = arith.constant 0 : i32
      %dma_start3A_315 = tpu.memref_slice %arg6[%dma_start3A_314, %multiple_of3A_302] : memref<32x1000000xf32, #tpu.memory_space<hbm>> -> memref<32x128xf32, #tpu.memory_space<hbm>>
      tpu.enqueue_dma source(%dma_start3A_315 : memref<32x128xf32, #tpu.memory_space<hbm>>) target(%dma_start3A_313 : memref<32x128xf32, #tpu.memory_space<vmem>>) target_semaphore(%arg17 : memref<!tpu.dma_semaphore, #tpu.memory_space<semaphore_mem>>)
      %slice3A_316 = vector.extract_strided_slice %mul3A_77 {offsets = [3], sizes = [1], strides = [1]} : vector<16xi32> to vector<1xi32>
      %squeeze3A_317 = vector.extract %slice3A_316[0] : i32 from vector<1xi32>
      %multiple_of3A_318 = tpu.assume_multiple %squeeze3A_317, 128 : i32
      %dma_start3A_319 = arith.constant 3 : i32
      %dma_start3A_320 = arith.constant 0 : i32
      %dma_start3A_321 = arith.constant 0 : i32
      %dma_start3A_322 = tpu.memref_slice %arg14[%dma_start3A_319, %dma_start3A_320, %dma_start3A_321] : memref<6x32x128xf32, #tpu.memory_space<vmem>> -> memref<1x32x128xf32, #tpu.memory_space<vmem>>
      %dma_start3A_323 = tpu.memref_squeeze %dma_start3A_322 : memref<1x32x128xf32, #tpu.memory_space<vmem>> -> memref<32x128xf32, #tpu.memory_space<vmem>>
      %dma_start3A_324 = arith.constant 0 : i32
      %dma_start3A_325 = tpu.memref_slice %arg7[%dma_start3A_324, %multiple_of3A_318] : memref<32x1000000xf32, #tpu.memory_space<hbm>> -> memref<32x128xf32, #tpu.memory_space<hbm>>
      %dma_start3A_326 = arith.constant 0 : i32
      %dma_start3A_327 = arith.constant 0 : i32
      %dma_start3A_328 = tpu.memref_slice %arg14[%dma_start3A_319, %dma_start3A_326, %dma_start3A_327] : memref<6x32x128xf32, #tpu.memory_space<vmem>> -> memref<1x32x128xf32, #tpu.memory_space<vmem>>
      %dma_start3A_329 = tpu.memref_squeeze %dma_start3A_328 : memref<1x32x128xf32, #tpu.memory_space<vmem>> -> memref<32x128xf32, #tpu.memory_space<vmem>>
      %dma_start3A_330 = arith.constant 0 : i32
      %dma_start3A_331 = tpu.memref_slice %arg7[%dma_start3A_330, %multiple_of3A_318] : memref<32x1000000xf32, #tpu.memory_space<hbm>> -> memref<32x128xf32, #tpu.memory_space<hbm>>
      tpu.enqueue_dma source(%dma_start3A_331 : memref<32x128xf32, #tpu.memory_space<hbm>>) target(%dma_start3A_329 : memref<32x128xf32, #tpu.memory_space<vmem>>) target_semaphore(%arg17 : memref<!tpu.dma_semaphore, #tpu.memory_space<semaphore_mem>>)
      %slice3A_332 = vector.extract_strided_slice %mul3A_43 {offsets = [4], sizes = [1], strides = [1]} : vector<16xi32> to vector<1xi32>
      %squeeze3A_333 = vector.extract %slice3A_332[0] : i32 from vector<1xi32>
      %multiple_of3A_334 = tpu.assume_multiple %squeeze3A_333, 128 : i32
      %dma_start3A_335 = arith.constant 4 : i32
      %dma_start3A_336 = arith.constant 0 : i32
      %dma_start3A_337 = arith.constant 0 : i32
      %dma_start3A_338 = tpu.memref_slice %arg11[%dma_start3A_335, %dma_start3A_336, %dma_start3A_337] : memref<6x32x128xf32, #tpu.memory_space<vmem>> -> memref<1x32x128xf32, #tpu.memory_space<vmem>>
      %dma_start3A_339 = tpu.memref_squeeze %dma_start3A_338 : memref<1x32x128xf32, #tpu.memory_space<vmem>> -> memref<32x128xf32, #tpu.memory_space<vmem>>
      %dma_start3A_340 = arith.constant 0 : i32
      %dma_start3A_341 = tpu.memref_slice %arg4[%dma_start3A_340, %multiple_of3A_334] : memref<32x1000000xf32, #tpu.memory_space<hbm>> -> memref<32x128xf32, #tpu.memory_space<hbm>>
      %dma_start3A_342 = arith.constant 0 : i32
      %dma_start3A_343 = arith.constant 0 : i32
      %dma_start3A_344 = tpu.memref_slice %arg11[%dma_start3A_335, %dma_start3A_342, %dma_start3A_343] : memref<6x32x128xf32, #tpu.memory_space<vmem>> -> memref<1x32x128xf32, #tpu.memory_space<vmem>>
      %dma_start3A_345 = tpu.memref_squeeze %dma_start3A_344 : memref<1x32x128xf32, #tpu.memory_space<vmem>> -> memref<32x128xf32, #tpu.memory_space<vmem>>
      %dma_start3A_346 = arith.constant 0 : i32
      %dma_start3A_347 = tpu.memref_slice %arg4[%dma_start3A_346, %multiple_of3A_334] : memref<32x1000000xf32, #tpu.memory_space<hbm>> -> memref<32x128xf32, #tpu.memory_space<hbm>>
      tpu.enqueue_dma source(%dma_start3A_347 : memref<32x128xf32, #tpu.memory_space<hbm>>) target(%dma_start3A_345 : memref<32x128xf32, #tpu.memory_space<vmem>>) target_semaphore(%arg18 : memref<!tpu.dma_semaphore, #tpu.memory_space<semaphore_mem>>)
      %slice3A_348 = vector.extract_strided_slice %mul3A_77 {offsets = [4], sizes = [1], strides = [1]} : vector<16xi32> to vector<1xi32>
      %squeeze3A_349 = vector.extract %slice3A_348[0] : i32 from vector<1xi32>
      %multiple_of3A_350 = tpu.assume_multiple %squeeze3A_349, 128 : i32
      %dma_start3A_351 = arith.constant 4 : i32
      %dma_start3A_352 = arith.constant 0 : i32
      %dma_start3A_353 = arith.constant 0 : i32
      %dma_start3A_354 = tpu.memref_slice %arg12[%dma_start3A_351, %dma_start3A_352, %dma_start3A_353] : memref<6x32x128xf32, #tpu.memory_space<vmem>> -> memref<1x32x128xf32, #tpu.memory_space<vmem>>
      %dma_start3A_355 = tpu.memref_squeeze %dma_start3A_354 : memref<1x32x128xf32, #tpu.memory_space<vmem>> -> memref<32x128xf32, #tpu.memory_space<vmem>>
      %dma_start3A_356 = arith.constant 0 : i32
      %dma_start3A_357 = tpu.memref_slice %arg5[%dma_start3A_356, %multiple_of3A_350] : memref<32x1000000xf32, #tpu.memory_space<hbm>> -> memref<32x128xf32, #tpu.memory_space<hbm>>
      %dma_start3A_358 = arith.constant 0 : i32
      %dma_start3A_359 = arith.constant 0 : i32
      %dma_start3A_360 = tpu.memref_slice %arg12[%dma_start3A_351, %dma_start3A_358, %dma_start3A_359] : memref<6x32x128xf32, #tpu.memory_space<vmem>> -> memref<1x32x128xf32, #tpu.memory_space<vmem>>
      %dma_start3A_361 = tpu.memref_squeeze %dma_start3A_360 : memref<1x32x128xf32, #tpu.memory_space<vmem>> -> memref<32x128xf32, #tpu.memory_space<vmem>>
      %dma_start3A_362 = arith.constant 0 : i32
      %dma_start3A_363 = tpu.memref_slice %arg5[%dma_start3A_362, %multiple_of3A_350] : memref<32x1000000xf32, #tpu.memory_space<hbm>> -> memref<32x128xf32, #tpu.memory_space<hbm>>
      tpu.enqueue_dma source(%dma_start3A_363 : memref<32x128xf32, #tpu.memory_space<hbm>>) target(%dma_start3A_361 : memref<32x128xf32, #tpu.memory_space<vmem>>) target_semaphore(%arg18 : memref<!tpu.dma_semaphore, #tpu.memory_space<semaphore_mem>>)
      %slice3A_364 = vector.extract_strided_slice %mul3A_43 {offsets = [4], sizes = [1], strides = [1]} : vector<16xi32> to vector<1xi32>
      %squeeze3A_365 = vector.extract %slice3A_364[0] : i32 from vector<1xi32>
      %multiple_of3A_366 = tpu.assume_multiple %squeeze3A_365, 128 : i32
      %dma_start3A_367 = arith.constant 4 : i32
      %dma_start3A_368 = arith.constant 0 : i32
      %dma_start3A_369 = arith.constant 0 : i32
      %dma_start3A_370 = tpu.memref_slice %arg13[%dma_start3A_367, %dma_start3A_368, %dma_start3A_369] : memref<6x32x128xf32, #tpu.memory_space<vmem>> -> memref<1x32x128xf32, #tpu.memory_space<vmem>>
      %dma_start3A_371 = tpu.memref_squeeze %dma_start3A_370 : memref<1x32x128xf32, #tpu.memory_space<vmem>> -> memref<32x128xf32, #tpu.memory_space<vmem>>
      %dma_start3A_372 = arith.constant 0 : i32
      %dma_start3A_373 = tpu.memref_slice %arg6[%dma_start3A_372, %multiple_of3A_366] : memref<32x1000000xf32, #tpu.memory_space<hbm>> -> memref<32x128xf32, #tpu.memory_space<hbm>>
      %dma_start3A_374 = arith.constant 0 : i32
      %dma_start3A_375 = arith.constant 0 : i32
      %dma_start3A_376 = tpu.memref_slice %arg13[%dma_start3A_367, %dma_start3A_374, %dma_start3A_375] : memref<6x32x128xf32, #tpu.memory_space<vmem>> -> memref<1x32x128xf32, #tpu.memory_space<vmem>>
      %dma_start3A_377 = tpu.memref_squeeze %dma_start3A_376 : memref<1x32x128xf32, #tpu.memory_space<vmem>> -> memref<32x128xf32, #tpu.memory_space<vmem>>
      %dma_start3A_378 = arith.constant 0 : i32
      %dma_start3A_379 = tpu.memref_slice %arg6[%dma_start3A_378, %multiple_of3A_366] : memref<32x1000000xf32, #tpu.memory_space<hbm>> -> memref<32x128xf32, #tpu.memory_space<hbm>>
      tpu.enqueue_dma source(%dma_start3A_379 : memref<32x128xf32, #tpu.memory_space<hbm>>) target(%dma_start3A_377 : memref<32x128xf32, #tpu.memory_space<vmem>>) target_semaphore(%arg18 : memref<!tpu.dma_semaphore, #tpu.memory_space<semaphore_mem>>)
      %slice3A_380 = vector.extract_strided_slice %mul3A_77 {offsets = [4], sizes = [1], strides = [1]} : vector<16xi32> to vector<1xi32>
      %squeeze3A_381 = vector.extract %slice3A_380[0] : i32 from vector<1xi32>
      %multiple_of3A_382 = tpu.assume_multiple %squeeze3A_381, 128 : i32
      %dma_start3A_383 = arith.constant 4 : i32
      %dma_start3A_384 = arith.constant 0 : i32
      %dma_start3A_385 = arith.constant 0 : i32
      %dma_start3A_386 = tpu.memref_slice %arg14[%dma_start3A_383, %dma_start3A_384, %dma_start3A_385] : memref<6x32x128xf32, #tpu.memory_space<vmem>> -> memref<1x32x128xf32, #tpu.memory_space<vmem>>
      %dma_start3A_387 = tpu.memref_squeeze %dma_start3A_386 : memref<1x32x128xf32, #tpu.memory_space<vmem>> -> memref<32x128xf32, #tpu.memory_space<vmem>>
      %dma_start3A_388 = arith.constant 0 : i32
      %dma_start3A_389 = tpu.memref_slice %arg7[%dma_start3A_388, %multiple_of3A_382] : memref<32x1000000xf32, #tpu.memory_space<hbm>> -> memref<32x128xf32, #tpu.memory_space<hbm>>
      %dma_start3A_390 = arith.constant 0 : i32
      %dma_start3A_391 = arith.constant 0 : i32
      %dma_start3A_392 = tpu.memref_slice %arg14[%dma_start3A_383, %dma_start3A_390, %dma_start3A_391] : memref<6x32x128xf32, #tpu.memory_space<vmem>> -> memref<1x32x128xf32, #tpu.memory_space<vmem>>
      %dma_start3A_393 = tpu.memref_squeeze %dma_start3A_392 : memref<1x32x128xf32, #tpu.memory_space<vmem>> -> memref<32x128xf32, #tpu.memory_space<vmem>>
      %dma_start3A_394 = arith.constant 0 : i32
      %dma_start3A_395 = tpu.memref_slice %arg7[%dma_start3A_394, %multiple_of3A_382] : memref<32x1000000xf32, #tpu.memory_space<hbm>> -> memref<32x128xf32, #tpu.memory_space<hbm>>
      tpu.enqueue_dma source(%dma_start3A_395 : memref<32x128xf32, #tpu.memory_space<hbm>>) target(%dma_start3A_393 : memref<32x128xf32, #tpu.memory_space<vmem>>) target_semaphore(%arg18 : memref<!tpu.dma_semaphore, #tpu.memory_space<semaphore_mem>>)
      %slice3A_396 = vector.extract_strided_slice %mul3A_43 {offsets = [5], sizes = [1], strides = [1]} : vector<16xi32> to vector<1xi32>
      %squeeze3A_397 = vector.extract %slice3A_396[0] : i32 from vector<1xi32>
      %multiple_of3A_398 = tpu.assume_multiple %squeeze3A_397, 128 : i32
      %dma_start3A_399 = arith.constant 5 : i32
      %dma_start3A_400 = arith.constant 0 : i32
      %dma_start3A_401 = arith.constant 0 : i32
      %dma_start3A_402 = tpu.memref_slice %arg11[%dma_start3A_399, %dma_start3A_400, %dma_start3A_401] : memref<6x32x128xf32, #tpu.memory_space<vmem>> -> memref<1x32x128xf32, #tpu.memory_space<vmem>>
      %dma_start3A_403 = tpu.memref_squeeze %dma_start3A_402 : memref<1x32x128xf32, #tpu.memory_space<vmem>> -> memref<32x128xf32, #tpu.memory_space<vmem>>
      %dma_start3A_404 = arith.constant 0 : i32
      %dma_start3A_405 = tpu.memref_slice %arg4[%dma_start3A_404, %multiple_of3A_398] : memref<32x1000000xf32, #tpu.memory_space<hbm>> -> memref<32x128xf32, #tpu.memory_space<hbm>>
      %dma_start3A_406 = arith.constant 0 : i32
      %dma_start3A_407 = arith.constant 0 : i32
      %dma_start3A_408 = tpu.memref_slice %arg11[%dma_start3A_399, %dma_start3A_406, %dma_start3A_407] : memref<6x32x128xf32, #tpu.memory_space<vmem>> -> memref<1x32x128xf32, #tpu.memory_space<vmem>>
      %dma_start3A_409 = tpu.memref_squeeze %dma_start3A_408 : memref<1x32x128xf32, #tpu.memory_space<vmem>> -> memref<32x128xf32, #tpu.memory_space<vmem>>
      %dma_start3A_410 = arith.constant 0 : i32
      %dma_start3A_411 = tpu.memref_slice %arg4[%dma_start3A_410, %multiple_of3A_398] : memref<32x1000000xf32, #tpu.memory_space<hbm>> -> memref<32x128xf32, #tpu.memory_space<hbm>>
      tpu.enqueue_dma source(%dma_start3A_411 : memref<32x128xf32, #tpu.memory_space<hbm>>) target(%dma_start3A_409 : memref<32x128xf32, #tpu.memory_space<vmem>>) target_semaphore(%arg18 : memref<!tpu.dma_semaphore, #tpu.memory_space<semaphore_mem>>)
      %slice3A_412 = vector.extract_strided_slice %mul3A_77 {offsets = [5], sizes = [1], strides = [1]} : vector<16xi32> to vector<1xi32>
      %squeeze3A_413 = vector.extract %slice3A_412[0] : i32 from vector<1xi32>
      %multiple_of3A_414 = tpu.assume_multiple %squeeze3A_413, 128 : i32
      %dma_start3A_415 = arith.constant 5 : i32
      %dma_start3A_416 = arith.constant 0 : i32
      %dma_start3A_417 = arith.constant 0 : i32
      %dma_start3A_418 = tpu.memref_slice %arg12[%dma_start3A_415, %dma_start3A_416, %dma_start3A_417] : memref<6x32x128xf32, #tpu.memory_space<vmem>> -> memref<1x32x128xf32, #tpu.memory_space<vmem>>
      %dma_start3A_419 = tpu.memref_squeeze %dma_start3A_418 : memref<1x32x128xf32, #tpu.memory_space<vmem>> -> memref<32x128xf32, #tpu.memory_space<vmem>>
      %dma_start3A_420 = arith.constant 0 : i32
      %dma_start3A_421 = tpu.memref_slice %arg5[%dma_start3A_420, %multiple_of3A_414] : memref<32x1000000xf32, #tpu.memory_space<hbm>> -> memref<32x128xf32, #tpu.memory_space<hbm>>
      %dma_start3A_422 = arith.constant 0 : i32
      %dma_start3A_423 = arith.constant 0 : i32
      %dma_start3A_424 = tpu.memref_slice %arg12[%dma_start3A_415, %dma_start3A_422, %dma_start3A_423] : memref<6x32x128xf32, #tpu.memory_space<vmem>> -> memref<1x32x128xf32, #tpu.memory_space<vmem>>
      %dma_start3A_425 = tpu.memref_squeeze %dma_start3A_424 : memref<1x32x128xf32, #tpu.memory_space<vmem>> -> memref<32x128xf32, #tpu.memory_space<vmem>>
      %dma_start3A_426 = arith.constant 0 : i32
      %dma_start3A_427 = tpu.memref_slice %arg5[%dma_start3A_426, %multiple_of3A_414] : memref<32x1000000xf32, #tpu.memory_space<hbm>> -> memref<32x128xf32, #tpu.memory_space<hbm>>
      tpu.enqueue_dma source(%dma_start3A_427 : memref<32x128xf32, #tpu.memory_space<hbm>>) target(%dma_start3A_425 : memref<32x128xf32, #tpu.memory_space<vmem>>) target_semaphore(%arg18 : memref<!tpu.dma_semaphore, #tpu.memory_space<semaphore_mem>>)
      %slice3A_428 = vector.extract_strided_slice %mul3A_43 {offsets = [5], sizes = [1], strides = [1]} : vector<16xi32> to vector<1xi32>
      %squeeze3A_429 = vector.extract %slice3A_428[0] : i32 from vector<1xi32>
      %multiple_of3A_430 = tpu.assume_multiple %squeeze3A_429, 128 : i32
      %dma_start3A_431 = arith.constant 5 : i32
      %dma_start3A_432 = arith.constant 0 : i32
      %dma_start3A_433 = arith.constant 0 : i32
      %dma_start3A_434 = tpu.memref_slice %arg13[%dma_start3A_431, %dma_start3A_432, %dma_start3A_433] : memref<6x32x128xf32, #tpu.memory_space<vmem>> -> memref<1x32x128xf32, #tpu.memory_space<vmem>>
      %dma_start3A_435 = tpu.memref_squeeze %dma_start3A_434 : memref<1x32x128xf32, #tpu.memory_space<vmem>> -> memref<32x128xf32, #tpu.memory_space<vmem>>
      %dma_start3A_436 = arith.constant 0 : i32
      %dma_start3A_437 = tpu.memref_slice %arg6[%dma_start3A_436, %multiple_of3A_430] : memref<32x1000000xf32, #tpu.memory_space<hbm>> -> memref<32x128xf32, #tpu.memory_space<hbm>>
      %dma_start3A_438 = arith.constant 0 : i32
      %dma_start3A_439 = arith.constant 0 : i32
      %dma_start3A_440 = tpu.memref_slice %arg13[%dma_start3A_431, %dma_start3A_438, %dma_start3A_439] : memref<6x32x128xf32, #tpu.memory_space<vmem>> -> memref<1x32x128xf32, #tpu.memory_space<vmem>>
      %dma_start3A_441 = tpu.memref_squeeze %dma_start3A_440 : memref<1x32x128xf32, #tpu.memory_space<vmem>> -> memref<32x128xf32, #tpu.memory_space<vmem>>
      %dma_start3A_442 = arith.constant 0 : i32
      %dma_start3A_443 = tpu.memref_slice %arg6[%dma_start3A_442, %multiple_of3A_430] : memref<32x1000000xf32, #tpu.memory_space<hbm>> -> memref<32x128xf32, #tpu.memory_space<hbm>>
      tpu.enqueue_dma source(%dma_start3A_443 : memref<32x128xf32, #tpu.memory_space<hbm>>) target(%dma_start3A_441 : memref<32x128xf32, #tpu.memory_space<vmem>>) target_semaphore(%arg18 : memref<!tpu.dma_semaphore, #tpu.memory_space<semaphore_mem>>)
      %slice3A_444 = vector.extract_strided_slice %mul3A_77 {offsets = [5], sizes = [1], strides = [1]} : vector<16xi32> to vector<1xi32>
      %squeeze3A_445 = vector.extract %slice3A_444[0] : i32 from vector<1xi32>
      %multiple_of3A_446 = tpu.assume_multiple %squeeze3A_445, 128 : i32
      %dma_start3A_447 = arith.constant 5 : i32
      %dma_start3A_448 = arith.constant 0 : i32
      %dma_start3A_449 = arith.constant 0 : i32
      %dma_start3A_450 = tpu.memref_slice %arg14[%dma_start3A_447, %dma_start3A_448, %dma_start3A_449] : memref<6x32x128xf32, #tpu.memory_space<vmem>> -> memref<1x32x128xf32, #tpu.memory_space<vmem>>
      %dma_start3A_451 = tpu.memref_squeeze %dma_start3A_450 : memref<1x32x128xf32, #tpu.memory_space<vmem>> -> memref<32x128xf32, #tpu.memory_space<vmem>>
      %dma_start3A_452 = arith.constant 0 : i32
      %dma_start3A_453 = tpu.memref_slice %arg7[%dma_start3A_452, %multiple_of3A_446] : memref<32x1000000xf32, #tpu.memory_space<hbm>> -> memref<32x128xf32, #tpu.memory_space<hbm>>
      %dma_start3A_454 = arith.constant 0 : i32
      %dma_start3A_455 = arith.constant 0 : i32
      %dma_start3A_456 = tpu.memref_slice %arg14[%dma_start3A_447, %dma_start3A_454, %dma_start3A_455] : memref<6x32x128xf32, #tpu.memory_space<vmem>> -> memref<1x32x128xf32, #tpu.memory_space<vmem>>
      %dma_start3A_457 = tpu.memref_squeeze %dma_start3A_456 : memref<1x32x128xf32, #tpu.memory_space<vmem>> -> memref<32x128xf32, #tpu.memory_space<vmem>>
      %dma_start3A_458 = arith.constant 0 : i32
      %dma_start3A_459 = tpu.memref_slice %arg7[%dma_start3A_458, %multiple_of3A_446] : memref<32x1000000xf32, #tpu.memory_space<hbm>> -> memref<32x128xf32, #tpu.memory_space<hbm>>
      tpu.enqueue_dma source(%dma_start3A_459 : memref<32x128xf32, #tpu.memory_space<hbm>>) target(%dma_start3A_457 : memref<32x128xf32, #tpu.memory_space<vmem>>) target_semaphore(%arg18 : memref<!tpu.dma_semaphore, #tpu.memory_space<semaphore_mem>>)
      %dma_wait3A = arith.constant 0 : i32
      %dma_wait3A_460 = arith.constant 0 : i32
      %dma_wait3A_461 = arith.constant 0 : i32
      %dma_wait3A_462 = tpu.memref_slice %arg11[%dma_wait3A, %dma_wait3A_460, %dma_wait3A_461] : memref<6x32x128xf32, #tpu.memory_space<vmem>> -> memref<1x32x128xf32, #tpu.memory_space<vmem>>
      %dma_wait3A_463 = tpu.memref_squeeze %dma_wait3A_462 : memref<1x32x128xf32, #tpu.memory_space<vmem>> -> memref<32x128xf32, #tpu.memory_space<vmem>>
      %dma_wait3A_464 = arith.constant 0 : i32
      %dma_wait3A_465 = tpu.memref_slice %arg4[%dma_wait3A_464, %multiple_of3A] : memref<32x1000000xf32, #tpu.memory_space<hbm>> -> memref<32x128xf32, #tpu.memory_space<hbm>>
      %dma_wait3A_466 = arith.constant 0 : i32
      %dma_wait3A_467 = arith.constant 0 : i32
      %dma_wait3A_468 = tpu.memref_slice %arg11[%dma_wait3A, %dma_wait3A_466, %dma_wait3A_467] : memref<6x32x128xf32, #tpu.memory_space<vmem>> -> memref<1x32x128xf32, #tpu.memory_space<vmem>>
      %dma_wait3A_469 = tpu.memref_squeeze %dma_wait3A_468 : memref<1x32x128xf32, #tpu.memory_space<vmem>> -> memref<32x128xf32, #tpu.memory_space<vmem>>
      %dma_wait3A_470 = arith.constant 0 : i32
      %dma_wait3A_471 = tpu.memref_slice %arg4[%dma_wait3A_470, %multiple_of3A] : memref<32x1000000xf32, #tpu.memory_space<hbm>> -> memref<32x128xf32, #tpu.memory_space<hbm>>
      tpu.wait_dma2 semaphore(%arg16 : memref<!tpu.dma_semaphore, #tpu.memory_space<semaphore_mem>>) src(%dma_wait3A_471 : memref<32x128xf32, #tpu.memory_space<hbm>>) dst(%dma_wait3A_469 : memref<32x128xf32, #tpu.memory_space<vmem>>)
      %dma_wait3A_472 = arith.constant 0 : i32
      %dma_wait3A_473 = arith.constant 0 : i32
      %dma_wait3A_474 = arith.constant 0 : i32
      %dma_wait3A_475 = tpu.memref_slice %arg12[%dma_wait3A_472, %dma_wait3A_473, %dma_wait3A_474] : memref<6x32x128xf32, #tpu.memory_space<vmem>> -> memref<1x32x128xf32, #tpu.memory_space<vmem>>
      %dma_wait3A_476 = tpu.memref_squeeze %dma_wait3A_475 : memref<1x32x128xf32, #tpu.memory_space<vmem>> -> memref<32x128xf32, #tpu.memory_space<vmem>>
      %dma_wait3A_477 = arith.constant 0 : i32
      %dma_wait3A_478 = tpu.memref_slice %arg5[%dma_wait3A_477, %multiple_of3A_94] : memref<32x1000000xf32, #tpu.memory_space<hbm>> -> memref<32x128xf32, #tpu.memory_space<hbm>>
      %dma_wait3A_479 = arith.constant 0 : i32
      %dma_wait3A_480 = arith.constant 0 : i32
      %dma_wait3A_481 = tpu.memref_slice %arg12[%dma_wait3A_472, %dma_wait3A_479, %dma_wait3A_480] : memref<6x32x128xf32, #tpu.memory_space<vmem>> -> memref<1x32x128xf32, #tpu.memory_space<vmem>>
      %dma_wait3A_482 = tpu.memref_squeeze %dma_wait3A_481 : memref<1x32x128xf32, #tpu.memory_space<vmem>> -> memref<32x128xf32, #tpu.memory_space<vmem>>
      %dma_wait3A_483 = arith.constant 0 : i32
      %dma_wait3A_484 = tpu.memref_slice %arg5[%dma_wait3A_483, %multiple_of3A_94] : memref<32x1000000xf32, #tpu.memory_space<hbm>> -> memref<32x128xf32, #tpu.memory_space<hbm>>
      tpu.wait_dma2 semaphore(%arg16 : memref<!tpu.dma_semaphore, #tpu.memory_space<semaphore_mem>>) src(%dma_wait3A_484 : memref<32x128xf32, #tpu.memory_space<hbm>>) dst(%dma_wait3A_482 : memref<32x128xf32, #tpu.memory_space<vmem>>)
      %dma_wait3A_485 = arith.constant 0 : i32
      %dma_wait3A_486 = arith.constant 0 : i32
      %dma_wait3A_487 = arith.constant 0 : i32
      %dma_wait3A_488 = tpu.memref_slice %arg13[%dma_wait3A_485, %dma_wait3A_486, %dma_wait3A_487] : memref<6x32x128xf32, #tpu.memory_space<vmem>> -> memref<1x32x128xf32, #tpu.memory_space<vmem>>
      %dma_wait3A_489 = tpu.memref_squeeze %dma_wait3A_488 : memref<1x32x128xf32, #tpu.memory_space<vmem>> -> memref<32x128xf32, #tpu.memory_space<vmem>>
      %dma_wait3A_490 = arith.constant 0 : i32
      %dma_wait3A_491 = tpu.memref_slice %arg6[%dma_wait3A_490, %multiple_of3A_110] : memref<32x1000000xf32, #tpu.memory_space<hbm>> -> memref<32x128xf32, #tpu.memory_space<hbm>>
      %dma_wait3A_492 = arith.constant 0 : i32
      %dma_wait3A_493 = arith.constant 0 : i32
      %dma_wait3A_494 = tpu.memref_slice %arg13[%dma_wait3A_485, %dma_wait3A_492, %dma_wait3A_493] : memref<6x32x128xf32, #tpu.memory_space<vmem>> -> memref<1x32x128xf32, #tpu.memory_space<vmem>>
      %dma_wait3A_495 = tpu.memref_squeeze %dma_wait3A_494 : memref<1x32x128xf32, #tpu.memory_space<vmem>> -> memref<32x128xf32, #tpu.memory_space<vmem>>
      %dma_wait3A_496 = arith.constant 0 : i32
      %dma_wait3A_497 = tpu.memref_slice %arg6[%dma_wait3A_496, %multiple_of3A_110] : memref<32x1000000xf32, #tpu.memory_space<hbm>> -> memref<32x128xf32, #tpu.memory_space<hbm>>
      tpu.wait_dma2 semaphore(%arg16 : memref<!tpu.dma_semaphore, #tpu.memory_space<semaphore_mem>>) src(%dma_wait3A_497 : memref<32x128xf32, #tpu.memory_space<hbm>>) dst(%dma_wait3A_495 : memref<32x128xf32, #tpu.memory_space<vmem>>)
      %dma_wait3A_498 = arith.constant 0 : i32
      %dma_wait3A_499 = arith.constant 0 : i32
      %dma_wait3A_500 = arith.constant 0 : i32
      %dma_wait3A_501 = tpu.memref_slice %arg14[%dma_wait3A_498, %dma_wait3A_499, %dma_wait3A_500] : memref<6x32x128xf32, #tpu.memory_space<vmem>> -> memref<1x32x128xf32, #tpu.memory_space<vmem>>
      %dma_wait3A_502 = tpu.memref_squeeze %dma_wait3A_501 : memref<1x32x128xf32, #tpu.memory_space<vmem>> -> memref<32x128xf32, #tpu.memory_space<vmem>>
      %dma_wait3A_503 = arith.constant 0 : i32
      %dma_wait3A_504 = tpu.memref_slice %arg7[%dma_wait3A_503, %multiple_of3A_126] : memref<32x1000000xf32, #tpu.memory_space<hbm>> -> memref<32x128xf32, #tpu.memory_space<hbm>>
      %dma_wait3A_505 = arith.constant 0 : i32
      %dma_wait3A_506 = arith.constant 0 : i32
      %dma_wait3A_507 = tpu.memref_slice %arg14[%dma_wait3A_498, %dma_wait3A_505, %dma_wait3A_506] : memref<6x32x128xf32, #tpu.memory_space<vmem>> -> memref<1x32x128xf32, #tpu.memory_space<vmem>>
      %dma_wait3A_508 = tpu.memref_squeeze %dma_wait3A_507 : memref<1x32x128xf32, #tpu.memory_space<vmem>> -> memref<32x128xf32, #tpu.memory_space<vmem>>
      %dma_wait3A_509 = arith.constant 0 : i32
      %dma_wait3A_510 = tpu.memref_slice %arg7[%dma_wait3A_509, %multiple_of3A_126] : memref<32x1000000xf32, #tpu.memory_space<hbm>> -> memref<32x128xf32, #tpu.memory_space<hbm>>
      tpu.wait_dma2 semaphore(%arg16 : memref<!tpu.dma_semaphore, #tpu.memory_space<semaphore_mem>>) src(%dma_wait3A_510 : memref<32x128xf32, #tpu.memory_space<hbm>>) dst(%dma_wait3A_508 : memref<32x128xf32, #tpu.memory_space<vmem>>)
      %dma_wait3A_511 = arith.constant 1 : i32
      %dma_wait3A_512 = arith.constant 0 : i32
      %dma_wait3A_513 = arith.constant 0 : i32
      %dma_wait3A_514 = tpu.memref_slice %arg11[%dma_wait3A_511, %dma_wait3A_512, %dma_wait3A_513] : memref<6x32x128xf32, #tpu.memory_space<vmem>> -> memref<1x32x128xf32, #tpu.memory_space<vmem>>
      %dma_wait3A_515 = tpu.memref_squeeze %dma_wait3A_514 : memref<1x32x128xf32, #tpu.memory_space<vmem>> -> memref<32x128xf32, #tpu.memory_space<vmem>>
      %dma_wait3A_516 = arith.constant 0 : i32
      %dma_wait3A_517 = tpu.memref_slice %arg4[%dma_wait3A_516, %multiple_of3A_142] : memref<32x1000000xf32, #tpu.memory_space<hbm>> -> memref<32x128xf32, #tpu.memory_space<hbm>>
      %dma_wait3A_518 = arith.constant 0 : i32
      %dma_wait3A_519 = arith.constant 0 : i32
      %dma_wait3A_520 = tpu.memref_slice %arg11[%dma_wait3A_511, %dma_wait3A_518, %dma_wait3A_519] : memref<6x32x128xf32, #tpu.memory_space<vmem>> -> memref<1x32x128xf32, #tpu.memory_space<vmem>>
      %dma_wait3A_521 = tpu.memref_squeeze %dma_wait3A_520 : memref<1x32x128xf32, #tpu.memory_space<vmem>> -> memref<32x128xf32, #tpu.memory_space<vmem>>
      %dma_wait3A_522 = arith.constant 0 : i32
      %dma_wait3A_523 = tpu.memref_slice %arg4[%dma_wait3A_522, %multiple_of3A_142] : memref<32x1000000xf32, #tpu.memory_space<hbm>> -> memref<32x128xf32, #tpu.memory_space<hbm>>
      tpu.wait_dma2 semaphore(%arg16 : memref<!tpu.dma_semaphore, #tpu.memory_space<semaphore_mem>>) src(%dma_wait3A_523 : memref<32x128xf32, #tpu.memory_space<hbm>>) dst(%dma_wait3A_521 : memref<32x128xf32, #tpu.memory_space<vmem>>)
      %dma_wait3A_524 = arith.constant 1 : i32
      %dma_wait3A_525 = arith.constant 0 : i32
      %dma_wait3A_526 = arith.constant 0 : i32
      %dma_wait3A_527 = tpu.memref_slice %arg12[%dma_wait3A_524, %dma_wait3A_525, %dma_wait3A_526] : memref<6x32x128xf32, #tpu.memory_space<vmem>> -> memref<1x32x128xf32, #tpu.memory_space<vmem>>
      %dma_wait3A_528 = tpu.memref_squeeze %dma_wait3A_527 : memref<1x32x128xf32, #tpu.memory_space<vmem>> -> memref<32x128xf32, #tpu.memory_space<vmem>>
      %dma_wait3A_529 = arith.constant 0 : i32
      %dma_wait3A_530 = tpu.memref_slice %arg5[%dma_wait3A_529, %multiple_of3A_158] : memref<32x1000000xf32, #tpu.memory_space<hbm>> -> memref<32x128xf32, #tpu.memory_space<hbm>>
      %dma_wait3A_531 = arith.constant 0 : i32
      %dma_wait3A_532 = arith.constant 0 : i32
      %dma_wait3A_533 = tpu.memref_slice %arg12[%dma_wait3A_524, %dma_wait3A_531, %dma_wait3A_532] : memref<6x32x128xf32, #tpu.memory_space<vmem>> -> memref<1x32x128xf32, #tpu.memory_space<vmem>>
      %dma_wait3A_534 = tpu.memref_squeeze %dma_wait3A_533 : memref<1x32x128xf32, #tpu.memory_space<vmem>> -> memref<32x128xf32, #tpu.memory_space<vmem>>
      %dma_wait3A_535 = arith.constant 0 : i32
      %dma_wait3A_536 = tpu.memref_slice %arg5[%dma_wait3A_535, %multiple_of3A_158] : memref<32x1000000xf32, #tpu.memory_space<hbm>> -> memref<32x128xf32, #tpu.memory_space<hbm>>
      tpu.wait_dma2 semaphore(%arg16 : memref<!tpu.dma_semaphore, #tpu.memory_space<semaphore_mem>>) src(%dma_wait3A_536 : memref<32x128xf32, #tpu.memory_space<hbm>>) dst(%dma_wait3A_534 : memref<32x128xf32, #tpu.memory_space<vmem>>)
      %dma_wait3A_537 = arith.constant 1 : i32
      %dma_wait3A_538 = arith.constant 0 : i32
      %dma_wait3A_539 = arith.constant 0 : i32
      %dma_wait3A_540 = tpu.memref_slice %arg13[%dma_wait3A_537, %dma_wait3A_538, %dma_wait3A_539] : memref<6x32x128xf32, #tpu.memory_space<vmem>> -> memref<1x32x128xf32, #tpu.memory_space<vmem>>
      %dma_wait3A_541 = tpu.memref_squeeze %dma_wait3A_540 : memref<1x32x128xf32, #tpu.memory_space<vmem>> -> memref<32x128xf32, #tpu.memory_space<vmem>>
      %dma_wait3A_542 = arith.constant 0 : i32
      %dma_wait3A_543 = tpu.memref_slice %arg6[%dma_wait3A_542, %multiple_of3A_174] : memref<32x1000000xf32, #tpu.memory_space<hbm>> -> memref<32x128xf32, #tpu.memory_space<hbm>>
      %dma_wait3A_544 = arith.constant 0 : i32
      %dma_wait3A_545 = arith.constant 0 : i32
      %dma_wait3A_546 = tpu.memref_slice %arg13[%dma_wait3A_537, %dma_wait3A_544, %dma_wait3A_545] : memref<6x32x128xf32, #tpu.memory_space<vmem>> -> memref<1x32x128xf32, #tpu.memory_space<vmem>>
      %dma_wait3A_547 = tpu.memref_squeeze %dma_wait3A_546 : memref<1x32x128xf32, #tpu.memory_space<vmem>> -> memref<32x128xf32, #tpu.memory_space<vmem>>
      %dma_wait3A_548 = arith.constant 0 : i32
      %dma_wait3A_549 = tpu.memref_slice %arg6[%dma_wait3A_548, %multiple_of3A_174] : memref<32x1000000xf32, #tpu.memory_space<hbm>> -> memref<32x128xf32, #tpu.memory_space<hbm>>
      tpu.wait_dma2 semaphore(%arg16 : memref<!tpu.dma_semaphore, #tpu.memory_space<semaphore_mem>>) src(%dma_wait3A_549 : memref<32x128xf32, #tpu.memory_space<hbm>>) dst(%dma_wait3A_547 : memref<32x128xf32, #tpu.memory_space<vmem>>)
      %dma_wait3A_550 = arith.constant 1 : i32
      %dma_wait3A_551 = arith.constant 0 : i32
      %dma_wait3A_552 = arith.constant 0 : i32
      %dma_wait3A_553 = tpu.memref_slice %arg14[%dma_wait3A_550, %dma_wait3A_551, %dma_wait3A_552] : memref<6x32x128xf32, #tpu.memory_space<vmem>> -> memref<1x32x128xf32, #tpu.memory_space<vmem>>
      %dma_wait3A_554 = tpu.memref_squeeze %dma_wait3A_553 : memref<1x32x128xf32, #tpu.memory_space<vmem>> -> memref<32x128xf32, #tpu.memory_space<vmem>>
      %dma_wait3A_555 = arith.constant 0 : i32
      %dma_wait3A_556 = tpu.memref_slice %arg7[%dma_wait3A_555, %multiple_of3A_190] : memref<32x1000000xf32, #tpu.memory_space<hbm>> -> memref<32x128xf32, #tpu.memory_space<hbm>>
      %dma_wait3A_557 = arith.constant 0 : i32
      %dma_wait3A_558 = arith.constant 0 : i32
      %dma_wait3A_559 = tpu.memref_slice %arg14[%dma_wait3A_550, %dma_wait3A_557, %dma_wait3A_558] : memref<6x32x128xf32, #tpu.memory_space<vmem>> -> memref<1x32x128xf32, #tpu.memory_space<vmem>>
      %dma_wait3A_560 = tpu.memref_squeeze %dma_wait3A_559 : memref<1x32x128xf32, #tpu.memory_space<vmem>> -> memref<32x128xf32, #tpu.memory_space<vmem>>
      %dma_wait3A_561 = arith.constant 0 : i32
      %dma_wait3A_562 = tpu.memref_slice %arg7[%dma_wait3A_561, %multiple_of3A_190] : memref<32x1000000xf32, #tpu.memory_space<hbm>> -> memref<32x128xf32, #tpu.memory_space<hbm>>
      tpu.wait_dma2 semaphore(%arg16 : memref<!tpu.dma_semaphore, #tpu.memory_space<semaphore_mem>>) src(%dma_wait3A_562 : memref<32x128xf32, #tpu.memory_space<hbm>>) dst(%dma_wait3A_560 : memref<32x128xf32, #tpu.memory_space<vmem>>)
      %broadcast_in_dim3A = arith.constant 0 : i32
      %broadcast_in_dim3A_563 = vector.broadcast %broadcast_in_dim3A : i32 to vector<16xi32>
      %slice3A_564 = vector.extract_strided_slice %sub3A_78 {offsets = [0], sizes = [1], strides = [1]} : vector<16xi32> to vector<1xi32>
      %squeeze3A_565 = vector.extract %slice3A_564[0] : i32 from vector<1xi32>
      %broadcast_in_dim3A_566 = vector.broadcast %squeeze3A_565 : i32 to vector<16xi32>
      %add3A_567 = arith.constant 0 : i32
      %add3A_568 = vector.broadcast %add3A_567 : i32 to vector<16xi32>
      %add3A_569 = arith.addi %add3A_568, %iota3A : vector<16xi32>
      %gather3A = tpu.vector_load_idx %arg11[%broadcast_in_dim3A_563, %add3A_569, %broadcast_in_dim3A_566] : memref<6x32x128xf32, #tpu.memory_space<vmem>>[vector<16xi32>, vector<16xi32>, vector<16xi32>], vector<16xf32>,
      %swap3A = arith.constant 0 : i32
      %swap3A_570 = arith.index_cast %swap3A : i32 to index
      %swap3A_571 = arith.constant 0 : index
      %swap3A_572 = tpu.vector_load %arg15[%swap3A_570, %swap3A_571] {strides = array<i32>} : memref<16x128xf32, #tpu.memory_space<vmem>>, vector<16xf32>,
      tpu.vector_store %arg15[%swap3A_570, %swap3A_571], %gather3A {strides = array<i32>} : memref<16x128xf32, #tpu.memory_space<vmem>>, vector<16xf32>,
      %add3A_573 = arith.constant 16 : i32
      %add3A_574 = vector.broadcast %add3A_573 : i32 to vector<16xi32>
      %add3A_575 = arith.addi %add3A_574, %iota3A : vector<16xi32>
      %gather3A_576 = tpu.vector_load_idx %arg11[%broadcast_in_dim3A_563, %add3A_575, %broadcast_in_dim3A_566] : memref<6x32x128xf32, #tpu.memory_space<vmem>>[vector<16xi32>, vector<16xi32>, vector<16xi32>], vector<16xf32>,
      %swap3A_577 = arith.constant 0 : i32
      %swap3A_578 = arith.index_cast %swap3A_577 : i32 to index
      %swap3A_579 = arith.constant 16 : index
      %swap3A_580 = tpu.vector_load %arg15[%swap3A_578, %swap3A_579] {strides = array<i32>} : memref<16x128xf32, #tpu.memory_space<vmem>>, vector<16xf32>,
      tpu.vector_store %arg15[%swap3A_578, %swap3A_579], %gather3A_576 {strides = array<i32>} : memref<16x128xf32, #tpu.memory_space<vmem>>, vector<16xf32>,
      %slice3A_581 = vector.extract_strided_slice %sub3A_79 {offsets = [0], sizes = [1], strides = [1]} : vector<16xi32> to vector<1xi32>
      %squeeze3A_582 = vector.extract %slice3A_581[0] : i32 from vector<1xi32>
      %broadcast_in_dim3A_583 = vector.broadcast %squeeze3A_582 : i32 to vector<16xi32>
      %add3A_584 = arith.constant 0 : i32
      %add3A_585 = vector.broadcast %add3A_584 : i32 to vector<16xi32>
      %add3A_586 = arith.addi %add3A_585, %iota3A : vector<16xi32>
      %gather3A_587 = tpu.vector_load_idx %arg12[%broadcast_in_dim3A_563, %add3A_586, %broadcast_in_dim3A_583] : memref<6x32x128xf32, #tpu.memory_space<vmem>>[vector<16xi32>, vector<16xi32>, vector<16xi32>], vector<16xf32>,
      %swap3A_588 = arith.constant 0 : i32
      %swap3A_589 = arith.index_cast %swap3A_588 : i32 to index
      %swap3A_590 = arith.constant 32 : index
      %swap3A_591 = tpu.vector_load %arg15[%swap3A_589, %swap3A_590] {strides = array<i32>} : memref<16x128xf32, #tpu.memory_space<vmem>>, vector<16xf32>,
      tpu.vector_store %arg15[%swap3A_589, %swap3A_590], %gather3A_587 {strides = array<i32>} : memref<16x128xf32, #tpu.memory_space<vmem>>, vector<16xf32>,
      %add3A_592 = arith.constant 16 : i32
      %add3A_593 = vector.broadcast %add3A_592 : i32 to vector<16xi32>
      %add3A_594 = arith.addi %add3A_593, %iota3A : vector<16xi32>
      %gather3A_595 = tpu.vector_load_idx %arg12[%broadcast_in_dim3A_563, %add3A_594, %broadcast_in_dim3A_583] : memref<6x32x128xf32, #tpu.memory_space<vmem>>[vector<16xi32>, vector<16xi32>, vector<16xi32>], vector<16xf32>,
      %swap3A_596 = arith.constant 0 : i32
      %swap3A_597 = arith.index_cast %swap3A_596 : i32 to index
      %swap3A_598 = arith.constant 48 : index
      %swap3A_599 = tpu.vector_load %arg15[%swap3A_597, %swap3A_598] {strides = array<i32>} : memref<16x128xf32, #tpu.memory_space<vmem>>, vector<16xf32>,
      tpu.vector_store %arg15[%swap3A_597, %swap3A_598], %gather3A_595 {strides = array<i32>} : memref<16x128xf32, #tpu.memory_space<vmem>>, vector<16xf32>,
      %slice3A_600 = vector.extract_strided_slice %sub3A_78 {offsets = [0], sizes = [1], strides = [1]} : vector<16xi32> to vector<1xi32>
      %squeeze3A_601 = vector.extract %slice3A_600[0] : i32 from vector<1xi32>
      %broadcast_in_dim3A_602 = vector.broadcast %squeeze3A_601 : i32 to vector<16xi32>
      %add3A_603 = arith.constant 0 : i32
      %add3A_604 = vector.broadcast %add3A_603 : i32 to vector<16xi32>
      %add3A_605 = arith.addi %add3A_604, %iota3A : vector<16xi32>
      %gather3A_606 = tpu.vector_load_idx %arg13[%broadcast_in_dim3A_563, %add3A_605, %broadcast_in_dim3A_602] : memref<6x32x128xf32, #tpu.memory_space<vmem>>[vector<16xi32>, vector<16xi32>, vector<16xi32>], vector<16xf32>,
      %swap3A_607 = arith.constant 0 : i32
      %swap3A_608 = arith.index_cast %swap3A_607 : i32 to index
      %swap3A_609 = arith.constant 64 : index
      %swap3A_610 = tpu.vector_load %arg15[%swap3A_608, %swap3A_609] {strides = array<i32>} : memref<16x128xf32, #tpu.memory_space<vmem>>, vector<16xf32>,
      tpu.vector_store %arg15[%swap3A_608, %swap3A_609], %gather3A_606 {strides = array<i32>} : memref<16x128xf32, #tpu.memory_space<vmem>>, vector<16xf32>,
      %add3A_611 = arith.constant 16 : i32
      %add3A_612 = vector.broadcast %add3A_611 : i32 to vector<16xi32>
      %add3A_613 = arith.addi %add3A_612, %iota3A : vector<16xi32>
      %gather3A_614 = tpu.vector_load_idx %arg13[%broadcast_in_dim3A_563, %add3A_613, %broadcast_in_dim3A_602] : memref<6x32x128xf32, #tpu.memory_space<vmem>>[vector<16xi32>, vector<16xi32>, vector<16xi32>], vector<16xf32>,
      %swap3A_615 = arith.constant 0 : i32
      %swap3A_616 = arith.index_cast %swap3A_615 : i32 to index
      %swap3A_617 = arith.constant 80 : index
      %swap3A_618 = tpu.vector_load %arg15[%swap3A_616, %swap3A_617] {strides = array<i32>} : memref<16x128xf32, #tpu.memory_space<vmem>>, vector<16xf32>,
      tpu.vector_store %arg15[%swap3A_616, %swap3A_617], %gather3A_614 {strides = array<i32>} : memref<16x128xf32, #tpu.memory_space<vmem>>, vector<16xf32>,
      %slice3A_619 = vector.extract_strided_slice %sub3A_79 {offsets = [0], sizes = [1], strides = [1]} : vector<16xi32> to vector<1xi32>
      %squeeze3A_620 = vector.extract %slice3A_619[0] : i32 from vector<1xi32>
      %broadcast_in_dim3A_621 = vector.broadcast %squeeze3A_620 : i32 to vector<16xi32>
      %add3A_622 = arith.constant 0 : i32
      %add3A_623 = vector.broadcast %add3A_622 : i32 to vector<16xi32>
      %add3A_624 = arith.addi %add3A_623, %iota3A : vector<16xi32>
      %gather3A_625 = tpu.vector_load_idx %arg14[%broadcast_in_dim3A_563, %add3A_624, %broadcast_in_dim3A_621] : memref<6x32x128xf32, #tpu.memory_space<vmem>>[vector<16xi32>, vector<16xi32>, vector<16xi32>], vector<16xf32>,
      %swap3A_626 = arith.constant 0 : i32
      %swap3A_627 = arith.index_cast %swap3A_626 : i32 to index
      %swap3A_628 = arith.constant 96 : index
      %swap3A_629 = tpu.vector_load %arg15[%swap3A_627, %swap3A_628] {strides = array<i32>} : memref<16x128xf32, #tpu.memory_space<vmem>>, vector<16xf32>,
      tpu.vector_store %arg15[%swap3A_627, %swap3A_628], %gather3A_625 {strides = array<i32>} : memref<16x128xf32, #tpu.memory_space<vmem>>, vector<16xf32>,
      %add3A_630 = arith.constant 16 : i32
      %add3A_631 = vector.broadcast %add3A_630 : i32 to vector<16xi32>
      %add3A_632 = arith.addi %add3A_631, %iota3A : vector<16xi32>
      %gather3A_633 = tpu.vector_load_idx %arg14[%broadcast_in_dim3A_563, %add3A_632, %broadcast_in_dim3A_621] : memref<6x32x128xf32, #tpu.memory_space<vmem>>[vector<16xi32>, vector<16xi32>, vector<16xi32>], vector<16xf32>,
      %swap3A_634 = arith.constant 0 : i32
      %swap3A_635 = arith.index_cast %swap3A_634 : i32 to index
      %swap3A_636 = arith.constant 112 : index
      %swap3A_637 = tpu.vector_load %arg15[%swap3A_635, %swap3A_636] {strides = array<i32>} : memref<16x128xf32, #tpu.memory_space<vmem>>, vector<16xf32>,
      tpu.vector_store %arg15[%swap3A_635, %swap3A_636], %gather3A_633 {strides = array<i32>} : memref<16x128xf32, #tpu.memory_space<vmem>>, vector<16xf32>,
      %broadcast_in_dim3A_638 = arith.constant 1 : i32
      %broadcast_in_dim3A_639 = vector.broadcast %broadcast_in_dim3A_638 : i32 to vector<16xi32>
      %slice3A_640 = vector.extract_strided_slice %sub3A_78 {offsets = [1], sizes = [1], strides = [1]} : vector<16xi32> to vector<1xi32>
      %squeeze3A_641 = vector.extract %slice3A_640[0] : i32 from vector<1xi32>
      %broadcast_in_dim3A_642 = vector.broadcast %squeeze3A_641 : i32 to vector<16xi32>
      %add3A_643 = arith.constant 0 : i32
      %add3A_644 = vector.broadcast %add3A_643 : i32 to vector<16xi32>
      %add3A_645 = arith.addi %add3A_644, %iota3A : vector<16xi32>
      %gather3A_646 = tpu.vector_load_idx %arg11[%broadcast_in_dim3A_639, %add3A_645, %broadcast_in_dim3A_642] : memref<6x32x128xf32, #tpu.memory_space<vmem>>[vector<16xi32>, vector<16xi32>, vector<16xi32>], vector<16xf32>,
      %swap3A_647 = arith.constant 1 : i32
      %swap3A_648 = arith.index_cast %swap3A_647 : i32 to index
      %swap3A_649 = arith.constant 0 : index
      %swap3A_650 = tpu.vector_load %arg15[%swap3A_648, %swap3A_649] {strides = array<i32>} : memref<16x128xf32, #tpu.memory_space<vmem>>, vector<16xf32>,
      tpu.vector_store %arg15[%swap3A_648, %swap3A_649], %gather3A_646 {strides = array<i32>} : memref<16x128xf32, #tpu.memory_space<vmem>>, vector<16xf32>,
      %add3A_651 = arith.constant 16 : i32
      %add3A_652 = vector.broadcast %add3A_651 : i32 to vector<16xi32>
      %add3A_653 = arith.addi %add3A_652, %iota3A : vector<16xi32>
      %gather3A_654 = tpu.vector_load_idx %arg11[%broadcast_in_dim3A_639, %add3A_653, %broadcast_in_dim3A_642] : memref<6x32x128xf32, #tpu.memory_space<vmem>>[vector<16xi32>, vector<16xi32>, vector<16xi32>], vector<16xf32>,
      %swap3A_655 = arith.constant 1 : i32
      %swap3A_656 = arith.index_cast %swap3A_655 : i32 to index
      %swap3A_657 = arith.constant 16 : index
      %swap3A_658 = tpu.vector_load %arg15[%swap3A_656, %swap3A_657] {strides = array<i32>} : memref<16x128xf32, #tpu.memory_space<vmem>>, vector<16xf32>,
      tpu.vector_store %arg15[%swap3A_656, %swap3A_657], %gather3A_654 {strides = array<i32>} : memref<16x128xf32, #tpu.memory_space<vmem>>, vector<16xf32>,
      %slice3A_659 = vector.extract_strided_slice %sub3A_79 {offsets = [1], sizes = [1], strides = [1]} : vector<16xi32> to vector<1xi32>
      %squeeze3A_660 = vector.extract %slice3A_659[0] : i32 from vector<1xi32>
      %broadcast_in_dim3A_661 = vector.broadcast %squeeze3A_660 : i32 to vector<16xi32>
      %add3A_662 = arith.constant 0 : i32
      %add3A_663 = vector.broadcast %add3A_662 : i32 to vector<16xi32>
      %add3A_664 = arith.addi %add3A_663, %iota3A : vector<16xi32>
      %gather3A_665 = tpu.vector_load_idx %arg12[%broadcast_in_dim3A_639, %add3A_664, %broadcast_in_dim3A_661] : memref<6x32x128xf32, #tpu.memory_space<vmem>>[vector<16xi32>, vector<16xi32>, vector<16xi32>], vector<16xf32>,
      %swap3A_666 = arith.constant 1 : i32
      %swap3A_667 = arith.index_cast %swap3A_666 : i32 to index
      %swap3A_668 = arith.constant 32 : index
      %swap3A_669 = tpu.vector_load %arg15[%swap3A_667, %swap3A_668] {strides = array<i32>} : memref<16x128xf32, #tpu.memory_space<vmem>>, vector<16xf32>,
      tpu.vector_store %arg15[%swap3A_667, %swap3A_668], %gather3A_665 {strides = array<i32>} : memref<16x128xf32, #tpu.memory_space<vmem>>, vector<16xf32>,
      %add3A_670 = arith.constant 16 : i32
      %add3A_671 = vector.broadcast %add3A_670 : i32 to vector<16xi32>
      %add3A_672 = arith.addi %add3A_671, %iota3A : vector<16xi32>
      %gather3A_673 = tpu.vector_load_idx %arg12[%broadcast_in_dim3A_639, %add3A_672, %broadcast_in_dim3A_661] : memref<6x32x128xf32, #tpu.memory_space<vmem>>[vector<16xi32>, vector<16xi32>, vector<16xi32>], vector<16xf32>,
      %swap3A_674 = arith.constant 1 : i32
      %swap3A_675 = arith.index_cast %swap3A_674 : i32 to index
      %swap3A_676 = arith.constant 48 : index
      %swap3A_677 = tpu.vector_load %arg15[%swap3A_675, %swap3A_676] {strides = array<i32>} : memref<16x128xf32, #tpu.memory_space<vmem>>, vector<16xf32>,
      tpu.vector_store %arg15[%swap3A_675, %swap3A_676], %gather3A_673 {strides = array<i32>} : memref<16x128xf32, #tpu.memory_space<vmem>>, vector<16xf32>,
      %slice3A_678 = vector.extract_strided_slice %sub3A_78 {offsets = [1], sizes = [1], strides = [1]} : vector<16xi32> to vector<1xi32>
      %squeeze3A_679 = vector.extract %slice3A_678[0] : i32 from vector<1xi32>
      %broadcast_in_dim3A_680 = vector.broadcast %squeeze3A_679 : i32 to vector<16xi32>
      %add3A_681 = arith.constant 0 : i32
      %add3A_682 = vector.broadcast %add3A_681 : i32 to vector<16xi32>
      %add3A_683 = arith.addi %add3A_682, %iota3A : vector<16xi32>
      %gather3A_684 = tpu.vector_load_idx %arg13[%broadcast_in_dim3A_639, %add3A_683, %broadcast_in_dim3A_680] : memref<6x32x128xf32, #tpu.memory_space<vmem>>[vector<16xi32>, vector<16xi32>, vector<16xi32>], vector<16xf32>,
      %swap3A_685 = arith.constant 1 : i32
      %swap3A_686 = arith.index_cast %swap3A_685 : i32 to index
      %swap3A_687 = arith.constant 64 : index
      %swap3A_688 = tpu.vector_load %arg15[%swap3A_686, %swap3A_687] {strides = array<i32>} : memref<16x128xf32, #tpu.memory_space<vmem>>, vector<16xf32>,
      tpu.vector_store %arg15[%swap3A_686, %swap3A_687], %gather3A_684 {strides = array<i32>} : memref<16x128xf32, #tpu.memory_space<vmem>>, vector<16xf32>,
      %add3A_689 = arith.constant 16 : i32
      %add3A_690 = vector.broadcast %add3A_689 : i32 to vector<16xi32>
      %add3A_691 = arith.addi %add3A_690, %iota3A : vector<16xi32>
      %gather3A_692 = tpu.vector_load_idx %arg13[%broadcast_in_dim3A_639, %add3A_691, %broadcast_in_dim3A_680] : memref<6x32x128xf32, #tpu.memory_space<vmem>>[vector<16xi32>, vector<16xi32>, vector<16xi32>], vector<16xf32>,
      %swap3A_693 = arith.constant 1 : i32
      %swap3A_694 = arith.index_cast %swap3A_693 : i32 to index
      %swap3A_695 = arith.constant 80 : index
      %swap3A_696 = tpu.vector_load %arg15[%swap3A_694, %swap3A_695] {strides = array<i32>} : memref<16x128xf32, #tpu.memory_space<vmem>>, vector<16xf32>,
      tpu.vector_store %arg15[%swap3A_694, %swap3A_695], %gather3A_692 {strides = array<i32>} : memref<16x128xf32, #tpu.memory_space<vmem>>, vector<16xf32>,
      %slice3A_697 = vector.extract_strided_slice %sub3A_79 {offsets = [1], sizes = [1], strides = [1]} : vector<16xi32> to vector<1xi32>
      %squeeze3A_698 = vector.extract %slice3A_697[0] : i32 from vector<1xi32>
      %broadcast_in_dim3A_699 = vector.broadcast %squeeze3A_698 : i32 to vector<16xi32>
      %add3A_700 = arith.constant 0 : i32
      %add3A_701 = vector.broadcast %add3A_700 : i32 to vector<16xi32>
      %add3A_702 = arith.addi %add3A_701, %iota3A : vector<16xi32>
      %gather3A_703 = tpu.vector_load_idx %arg14[%broadcast_in_dim3A_639, %add3A_702, %broadcast_in_dim3A_699] : memref<6x32x128xf32, #tpu.memory_space<vmem>>[vector<16xi32>, vector<16xi32>, vector<16xi32>], vector<16xf32>,
      %swap3A_704 = arith.constant 1 : i32
      %swap3A_705 = arith.index_cast %swap3A_704 : i32 to index
      %swap3A_706 = arith.constant 96 : index
      %swap3A_707 = tpu.vector_load %arg15[%swap3A_705, %swap3A_706] {strides = array<i32>} : memref<16x128xf32, #tpu.memory_space<vmem>>, vector<16xf32>,
      tpu.vector_store %arg15[%swap3A_705, %swap3A_706], %gather3A_703 {strides = array<i32>} : memref<16x128xf32, #tpu.memory_space<vmem>>, vector<16xf32>,
      %add3A_708 = arith.constant 16 : i32
      %add3A_709 = vector.broadcast %add3A_708 : i32 to vector<16xi32>
      %add3A_710 = arith.addi %add3A_709, %iota3A : vector<16xi32>
      %gather3A_711 = tpu.vector_load_idx %arg14[%broadcast_in_dim3A_639, %add3A_710, %broadcast_in_dim3A_699] : memref<6x32x128xf32, #tpu.memory_space<vmem>>[vector<16xi32>, vector<16xi32>, vector<16xi32>], vector<16xf32>,
      %swap3A_712 = arith.constant 1 : i32
      %swap3A_713 = arith.index_cast %swap3A_712 : i32 to index
      %swap3A_714 = arith.constant 112 : index
      %swap3A_715 = tpu.vector_load %arg15[%swap3A_713, %swap3A_714] {strides = array<i32>} : memref<16x128xf32, #tpu.memory_space<vmem>>, vector<16xf32>,
      tpu.vector_store %arg15[%swap3A_713, %swap3A_714], %gather3A_711 {strides = array<i32>} : memref<16x128xf32, #tpu.memory_space<vmem>>, vector<16xf32>,
      %slice3A_716 = vector.extract_strided_slice %mul3A_43 {offsets = [6], sizes = [1], strides = [1]} : vector<16xi32> to vector<1xi32>
      %squeeze3A_717 = vector.extract %slice3A_716[0] : i32 from vector<1xi32>
      %multiple_of3A_718 = tpu.assume_multiple %squeeze3A_717, 128 : i32
      %dma_start3A_719 = arith.constant 0 : i32
      %dma_start3A_720 = arith.constant 0 : i32
      %dma_start3A_721 = arith.constant 0 : i32
      %dma_start3A_722 = tpu.memref_slice %arg11[%dma_start3A_719, %dma_start3A_720, %dma_start3A_721] : memref<6x32x128xf32, #tpu.memory_space<vmem>> -> memref<1x32x128xf32, #tpu.memory_space<vmem>>
      %dma_start3A_723 = tpu.memref_squeeze %dma_start3A_722 : memref<1x32x128xf32, #tpu.memory_space<vmem>> -> memref<32x128xf32, #tpu.memory_space<vmem>>
      %dma_start3A_724 = arith.constant 0 : i32
      %dma_start3A_725 = tpu.memref_slice %arg4[%dma_start3A_724, %multiple_of3A_718] : memref<32x1000000xf32, #tpu.memory_space<hbm>> -> memref<32x128xf32, #tpu.memory_space<hbm>>
      %dma_start3A_726 = arith.constant 0 : i32
      %dma_start3A_727 = arith.constant 0 : i32
      %dma_start3A_728 = tpu.memref_slice %arg11[%dma_start3A_719, %dma_start3A_726, %dma_start3A_727] : memref<6x32x128xf32, #tpu.memory_space<vmem>> -> memref<1x32x128xf32, #tpu.memory_space<vmem>>
      %dma_start3A_729 = tpu.memref_squeeze %dma_start3A_728 : memref<1x32x128xf32, #tpu.memory_space<vmem>> -> memref<32x128xf32, #tpu.memory_space<vmem>>
      %dma_start3A_730 = arith.constant 0 : i32
      %dma_start3A_731 = tpu.memref_slice %arg4[%dma_start3A_730, %multiple_of3A_718] : memref<32x1000000xf32, #tpu.memory_space<hbm>> -> memref<32x128xf32, #tpu.memory_space<hbm>>
      tpu.enqueue_dma source(%dma_start3A_731 : memref<32x128xf32, #tpu.memory_space<hbm>>) target(%dma_start3A_729 : memref<32x128xf32, #tpu.memory_space<vmem>>) target_semaphore(%arg16 : memref<!tpu.dma_semaphore, #tpu.memory_space<semaphore_mem>>)
      %slice3A_732 = vector.extract_strided_slice %mul3A_77 {offsets = [6], sizes = [1], strides = [1]} : vector<16xi32> to vector<1xi32>
      %squeeze3A_733 = vector.extract %slice3A_732[0] : i32 from vector<1xi32>
      %multiple_of3A_734 = tpu.assume_multiple %squeeze3A_733, 128 : i32
      %dma_start3A_735 = arith.constant 0 : i32
      %dma_start3A_736 = arith.constant 0 : i32
      %dma_start3A_737 = arith.constant 0 : i32
      %dma_start3A_738 = tpu.memref_slice %arg12[%dma_start3A_735, %dma_start3A_736, %dma_start3A_737] : memref<6x32x128xf32, #tpu.memory_space<vmem>> -> memref<1x32x128xf32, #tpu.memory_space<vmem>>
      %dma_start3A_739 = tpu.memref_squeeze %dma_start3A_738 : memref<1x32x128xf32, #tpu.memory_space<vmem>> -> memref<32x128xf32, #tpu.memory_space<vmem>>
      %dma_start3A_740 = arith.constant 0 : i32
      %dma_start3A_741 = tpu.memref_slice %arg5[%dma_start3A_740, %multiple_of3A_734] : memref<32x1000000xf32, #tpu.memory_space<hbm>> -> memref<32x128xf32, #tpu.memory_space<hbm>>
      %dma_start3A_742 = arith.constant 0 : i32
      %dma_start3A_743 = arith.constant 0 : i32
      %dma_start3A_744 = tpu.memref_slice %arg12[%dma_start3A_735, %dma_start3A_742, %dma_start3A_743] : memref<6x32x128xf32, #tpu.memory_space<vmem>> -> memref<1x32x128xf32, #tpu.memory_space<vmem>>
      %dma_start3A_745 = tpu.memref_squeeze %dma_start3A_744 : memref<1x32x128xf32, #tpu.memory_space<vmem>> -> memref<32x128xf32, #tpu.memory_space<vmem>>
      %dma_start3A_746 = arith.constant 0 : i32
      %dma_start3A_747 = tpu.memref_slice %arg5[%dma_start3A_746, %multiple_of3A_734] : memref<32x1000000xf32, #tpu.memory_space<hbm>> -> memref<32x128xf32, #tpu.memory_space<hbm>>
      tpu.enqueue_dma source(%dma_start3A_747 : memref<32x128xf32, #tpu.memory_space<hbm>>) target(%dma_start3A_745 : memref<32x128xf32, #tpu.memory_space<vmem>>) target_semaphore(%arg16 : memref<!tpu.dma_semaphore, #tpu.memory_space<semaphore_mem>>)
      %slice3A_748 = vector.extract_strided_slice %mul3A_43 {offsets = [6], sizes = [1], strides = [1]} : vector<16xi32> to vector<1xi32>
      %squeeze3A_749 = vector.extract %slice3A_748[0] : i32 from vector<1xi32>
      %multiple_of3A_750 = tpu.assume_multiple %squeeze3A_749, 128 : i32
      %dma_start3A_751 = arith.constant 0 : i32
      %dma_start3A_752 = arith.constant 0 : i32
      %dma_start3A_753 = arith.constant 0 : i32
      %dma_start3A_754 = tpu.memref_slice %arg13[%dma_start3A_751, %dma_start3A_752, %dma_start3A_753] : memref<6x32x128xf32, #tpu.memory_space<vmem>> -> memref<1x32x128xf32, #tpu.memory_space<vmem>>
      %dma_start3A_755 = tpu.memref_squeeze %dma_start3A_754 : memref<1x32x128xf32, #tpu.memory_space<vmem>> -> memref<32x128xf32, #tpu.memory_space<vmem>>
      %dma_start3A_756 = arith.constant 0 : i32
      %dma_start3A_757 = tpu.memref_slice %arg6[%dma_start3A_756, %multiple_of3A_750] : memref<32x1000000xf32, #tpu.memory_space<hbm>> -> memref<32x128xf32, #tpu.memory_space<hbm>>
      %dma_start3A_758 = arith.constant 0 : i32
      %dma_start3A_759 = arith.constant 0 : i32
      %dma_start3A_760 = tpu.memref_slice %arg13[%dma_start3A_751, %dma_start3A_758, %dma_start3A_759] : memref<6x32x128xf32, #tpu.memory_space<vmem>> -> memref<1x32x128xf32, #tpu.memory_space<vmem>>
      %dma_start3A_761 = tpu.memref_squeeze %dma_start3A_760 : memref<1x32x128xf32, #tpu.memory_space<vmem>> -> memref<32x128xf32, #tpu.memory_space<vmem>>
      %dma_start3A_762 = arith.constant 0 : i32
      %dma_start3A_763 = tpu.memref_slice %arg6[%dma_start3A_762, %multiple_of3A_750] : memref<32x1000000xf32, #tpu.memory_space<hbm>> -> memref<32x128xf32, #tpu.memory_space<hbm>>
      tpu.enqueue_dma source(%dma_start3A_763 : memref<32x128xf32, #tpu.memory_space<hbm>>) target(%dma_start3A_761 : memref<32x128xf32, #tpu.memory_space<vmem>>) target_semaphore(%arg16 : memref<!tpu.dma_semaphore, #tpu.memory_space<semaphore_mem>>)
      %slice3A_764 = vector.extract_strided_slice %mul3A_77 {offsets = [6], sizes = [1], strides = [1]} : vector<16xi32> to vector<1xi32>
      %squeeze3A_765 = vector.extract %slice3A_764[0] : i32 from vector<1xi32>
      %multiple_of3A_766 = tpu.assume_multiple %squeeze3A_765, 128 : i32
      %dma_start3A_767 = arith.constant 0 : i32
      %dma_start3A_768 = arith.constant 0 : i32
      %dma_start3A_769 = arith.constant 0 : i32
      %dma_start3A_770 = tpu.memref_slice %arg14[%dma_start3A_767, %dma_start3A_768, %dma_start3A_769] : memref<6x32x128xf32, #tpu.memory_space<vmem>> -> memref<1x32x128xf32, #tpu.memory_space<vmem>>
      %dma_start3A_771 = tpu.memref_squeeze %dma_start3A_770 : memref<1x32x128xf32, #tpu.memory_space<vmem>> -> memref<32x128xf32, #tpu.memory_space<vmem>>
      %dma_start3A_772 = arith.constant 0 : i32
      %dma_start3A_773 = tpu.memref_slice %arg7[%dma_start3A_772, %multiple_of3A_766] : memref<32x1000000xf32, #tpu.memory_space<hbm>> -> memref<32x128xf32, #tpu.memory_space<hbm>>
      %dma_start3A_774 = arith.constant 0 : i32
      %dma_start3A_775 = arith.constant 0 : i32
      %dma_start3A_776 = tpu.memref_slice %arg14[%dma_start3A_767, %dma_start3A_774, %dma_start3A_775] : memref<6x32x128xf32, #tpu.memory_space<vmem>> -> memref<1x32x128xf32, #tpu.memory_space<vmem>>
      %dma_start3A_777 = tpu.memref_squeeze %dma_start3A_776 : memref<1x32x128xf32, #tpu.memory_space<vmem>> -> memref<32x128xf32, #tpu.memory_space<vmem>>
      %dma_start3A_778 = arith.constant 0 : i32
      %dma_start3A_779 = tpu.memref_slice %arg7[%dma_start3A_778, %multiple_of3A_766] : memref<32x1000000xf32, #tpu.memory_space<hbm>> -> memref<32x128xf32, #tpu.memory_space<hbm>>
      tpu.enqueue_dma source(%dma_start3A_779 : memref<32x128xf32, #tpu.memory_space<hbm>>) target(%dma_start3A_777 : memref<32x128xf32, #tpu.memory_space<vmem>>) target_semaphore(%arg16 : memref<!tpu.dma_semaphore, #tpu.memory_space<semaphore_mem>>)
      %slice3A_780 = vector.extract_strided_slice %mul3A_43 {offsets = [7], sizes = [1], strides = [1]} : vector<16xi32> to vector<1xi32>
      %squeeze3A_781 = vector.extract %slice3A_780[0] : i32 from vector<1xi32>
      %multiple_of3A_782 = tpu.assume_multiple %squeeze3A_781, 128 : i32
      %dma_start3A_783 = arith.constant 1 : i32
      %dma_start3A_784 = arith.constant 0 : i32
      %dma_start3A_785 = arith.constant 0 : i32
      %dma_start3A_786 = tpu.memref_slice %arg11[%dma_start3A_783, %dma_start3A_784, %dma_start3A_785] : memref<6x32x128xf32, #tpu.memory_space<vmem>> -> memref<1x32x128xf32, #tpu.memory_space<vmem>>
      %dma_start3A_787 = tpu.memref_squeeze %dma_start3A_786 : memref<1x32x128xf32, #tpu.memory_space<vmem>> -> memref<32x128xf32, #tpu.memory_space<vmem>>
      %dma_start3A_788 = arith.constant 0 : i32
      %dma_start3A_789 = tpu.memref_slice %arg4[%dma_start3A_788, %multiple_of3A_782] : memref<32x1000000xf32, #tpu.memory_space<hbm>> -> memref<32x128xf32, #tpu.memory_space<hbm>>
      %dma_start3A_790 = arith.constant 0 : i32
      %dma_start3A_791 = arith.constant 0 : i32
      %dma_start3A_792 = tpu.memref_slice %arg11[%dma_start3A_783, %dma_start3A_790, %dma_start3A_791] : memref<6x32x128xf32, #tpu.memory_space<vmem>> -> memref<1x32x128xf32, #tpu.memory_space<vmem>>
      %dma_start3A_793 = tpu.memref_squeeze %dma_start3A_792 : memref<1x32x128xf32, #tpu.memory_space<vmem>> -> memref<32x128xf32, #tpu.memory_space<vmem>>
      %dma_start3A_794 = arith.constant 0 : i32
      %dma_start3A_795 = tpu.memref_slice %arg4[%dma_start3A_794, %multiple_of3A_782] : memref<32x1000000xf32, #tpu.memory_space<hbm>> -> memref<32x128xf32, #tpu.memory_space<hbm>>
      tpu.enqueue_dma source(%dma_start3A_795 : memref<32x128xf32, #tpu.memory_space<hbm>>) target(%dma_start3A_793 : memref<32x128xf32, #tpu.memory_space<vmem>>) target_semaphore(%arg16 : memref<!tpu.dma_semaphore, #tpu.memory_space<semaphore_mem>>)
      %slice3A_796 = vector.extract_strided_slice %mul3A_77 {offsets = [7], sizes = [1], strides = [1]} : vector<16xi32> to vector<1xi32>
      %squeeze3A_797 = vector.extract %slice3A_796[0] : i32 from vector<1xi32>
      %multiple_of3A_798 = tpu.assume_multiple %squeeze3A_797, 128 : i32
      %dma_start3A_799 = arith.constant 1 : i32
      %dma_start3A_800 = arith.constant 0 : i32
      %dma_start3A_801 = arith.constant 0 : i32
      %dma_start3A_802 = tpu.memref_slice %arg12[%dma_start3A_799, %dma_start3A_800, %dma_start3A_801] : memref<6x32x128xf32, #tpu.memory_space<vmem>> -> memref<1x32x128xf32, #tpu.memory_space<vmem>>
      %dma_start3A_803 = tpu.memref_squeeze %dma_start3A_802 : memref<1x32x128xf32, #tpu.memory_space<vmem>> -> memref<32x128xf32, #tpu.memory_space<vmem>>
      %dma_start3A_804 = arith.constant 0 : i32
      %dma_start3A_805 = tpu.memref_slice %arg5[%dma_start3A_804, %multiple_of3A_798] : memref<32x1000000xf32, #tpu.memory_space<hbm>> -> memref<32x128xf32, #tpu.memory_space<hbm>>
      %dma_start3A_806 = arith.constant 0 : i32
      %dma_start3A_807 = arith.constant 0 : i32
      %dma_start3A_808 = tpu.memref_slice %arg12[%dma_start3A_799, %dma_start3A_806, %dma_start3A_807] : memref<6x32x128xf32, #tpu.memory_space<vmem>> -> memref<1x32x128xf32, #tpu.memory_space<vmem>>
      %dma_start3A_809 = tpu.memref_squeeze %dma_start3A_808 : memref<1x32x128xf32, #tpu.memory_space<vmem>> -> memref<32x128xf32, #tpu.memory_space<vmem>>
      %dma_start3A_810 = arith.constant 0 : i32
      %dma_start3A_811 = tpu.memref_slice %arg5[%dma_start3A_810, %multiple_of3A_798] : memref<32x1000000xf32, #tpu.memory_space<hbm>> -> memref<32x128xf32, #tpu.memory_space<hbm>>
      tpu.enqueue_dma source(%dma_start3A_811 : memref<32x128xf32, #tpu.memory_space<hbm>>) target(%dma_start3A_809 : memref<32x128xf32, #tpu.memory_space<vmem>>) target_semaphore(%arg16 : memref<!tpu.dma_semaphore, #tpu.memory_space<semaphore_mem>>)
      %slice3A_812 = vector.extract_strided_slice %mul3A_43 {offsets = [7], sizes = [1], strides = [1]} : vector<16xi32> to vector<1xi32>
      %squeeze3A_813 = vector.extract %slice3A_812[0] : i32 from vector<1xi32>
      %multiple_of3A_814 = tpu.assume_multiple %squeeze3A_813, 128 : i32
      %dma_start3A_815 = arith.constant 1 : i32
      %dma_start3A_816 = arith.constant 0 : i32
      %dma_start3A_817 = arith.constant 0 : i32
      %dma_start3A_818 = tpu.memref_slice %arg13[%dma_start3A_815, %dma_start3A_816, %dma_start3A_817] : memref<6x32x128xf32, #tpu.memory_space<vmem>> -> memref<1x32x128xf32, #tpu.memory_space<vmem>>
      %dma_start3A_819 = tpu.memref_squeeze %dma_start3A_818 : memref<1x32x128xf32, #tpu.memory_space<vmem>> -> memref<32x128xf32, #tpu.memory_space<vmem>>
      %dma_start3A_820 = arith.constant 0 : i32
      %dma_start3A_821 = tpu.memref_slice %arg6[%dma_start3A_820, %multiple_of3A_814] : memref<32x1000000xf32, #tpu.memory_space<hbm>> -> memref<32x128xf32, #tpu.memory_space<hbm>>
      %dma_start3A_822 = arith.constant 0 : i32
      %dma_start3A_823 = arith.constant 0 : i32
      %dma_start3A_824 = tpu.memref_slice %arg13[%dma_start3A_815, %dma_start3A_822, %dma_start3A_823] : memref<6x32x128xf32, #tpu.memory_space<vmem>> -> memref<1x32x128xf32, #tpu.memory_space<vmem>>
      %dma_start3A_825 = tpu.memref_squeeze %dma_start3A_824 : memref<1x32x128xf32, #tpu.memory_space<vmem>> -> memref<32x128xf32, #tpu.memory_space<vmem>>
      %dma_start3A_826 = arith.constant 0 : i32
      %dma_start3A_827 = tpu.memref_slice %arg6[%dma_start3A_826, %multiple_of3A_814] : memref<32x1000000xf32, #tpu.memory_space<hbm>> -> memref<32x128xf32, #tpu.memory_space<hbm>>
      tpu.enqueue_dma source(%dma_start3A_827 : memref<32x128xf32, #tpu.memory_space<hbm>>) target(%dma_start3A_825 : memref<32x128xf32, #tpu.memory_space<vmem>>) target_semaphore(%arg16 : memref<!tpu.dma_semaphore, #tpu.memory_space<semaphore_mem>>)
      %slice3A_828 = vector.extract_strided_slice %mul3A_77 {offsets = [7], sizes = [1], strides = [1]} : vector<16xi32> to vector<1xi32>
      %squeeze3A_829 = vector.extract %slice3A_828[0] : i32 from vector<1xi32>
      %multiple_of3A_830 = tpu.assume_multiple %squeeze3A_829, 128 : i32
      %dma_start3A_831 = arith.constant 1 : i32
      %dma_start3A_832 = arith.constant 0 : i32
      %dma_start3A_833 = arith.constant 0 : i32
      %dma_start3A_834 = tpu.memref_slice %arg14[%dma_start3A_831, %dma_start3A_832, %dma_start3A_833] : memref<6x32x128xf32, #tpu.memory_space<vmem>> -> memref<1x32x128xf32, #tpu.memory_space<vmem>>
      %dma_start3A_835 = tpu.memref_squeeze %dma_start3A_834 : memref<1x32x128xf32, #tpu.memory_space<vmem>> -> memref<32x128xf32, #tpu.memory_space<vmem>>
      %dma_start3A_836 = arith.constant 0 : i32
      %dma_start3A_837 = tpu.memref_slice %arg7[%dma_start3A_836, %multiple_of3A_830] : memref<32x1000000xf32, #tpu.memory_space<hbm>> -> memref<32x128xf32, #tpu.memory_space<hbm>>
      %dma_start3A_838 = arith.constant 0 : i32
      %dma_start3A_839 = arith.constant 0 : i32
      %dma_start3A_840 = tpu.memref_slice %arg14[%dma_start3A_831, %dma_start3A_838, %dma_start3A_839] : memref<6x32x128xf32, #tpu.memory_space<vmem>> -> memref<1x32x128xf32, #tpu.memory_space<vmem>>
      %dma_start3A_841 = tpu.memref_squeeze %dma_start3A_840 : memref<1x32x128xf32, #tpu.memory_space<vmem>> -> memref<32x128xf32, #tpu.memory_space<vmem>>
      %dma_start3A_842 = arith.constant 0 : i32
      %dma_start3A_843 = tpu.memref_slice %arg7[%dma_start3A_842, %multiple_of3A_830] : memref<32x1000000xf32, #tpu.memory_space<hbm>> -> memref<32x128xf32, #tpu.memory_space<hbm>>
      tpu.enqueue_dma source(%dma_start3A_843 : memref<32x128xf32, #tpu.memory_space<hbm>>) target(%dma_start3A_841 : memref<32x128xf32, #tpu.memory_space<vmem>>) target_semaphore(%arg16 : memref<!tpu.dma_semaphore, #tpu.memory_space<semaphore_mem>>)
      %dma_wait3A_844 = arith.constant 2 : i32
      %dma_wait3A_845 = arith.constant 0 : i32
      %dma_wait3A_846 = arith.constant 0 : i32
      %dma_wait3A_847 = tpu.memref_slice %arg11[%dma_wait3A_844, %dma_wait3A_845, %dma_wait3A_846] : memref<6x32x128xf32, #tpu.memory_space<vmem>> -> memref<1x32x128xf32, #tpu.memory_space<vmem>>
      %dma_wait3A_848 = tpu.memref_squeeze %dma_wait3A_847 : memref<1x32x128xf32, #tpu.memory_space<vmem>> -> memref<32x128xf32, #tpu.memory_space<vmem>>
      %dma_wait3A_849 = arith.constant 0 : i32
      %dma_wait3A_850 = tpu.memref_slice %arg4[%dma_wait3A_849, %multiple_of3A_206] : memref<32x1000000xf32, #tpu.memory_space<hbm>> -> memref<32x128xf32, #tpu.memory_space<hbm>>
      %dma_wait3A_851 = arith.constant 0 : i32
      %dma_wait3A_852 = arith.constant 0 : i32
      %dma_wait3A_853 = tpu.memref_slice %arg11[%dma_wait3A_844, %dma_wait3A_851, %dma_wait3A_852] : memref<6x32x128xf32, #tpu.memory_space<vmem>> -> memref<1x32x128xf32, #tpu.memory_space<vmem>>
      %dma_wait3A_854 = tpu.memref_squeeze %dma_wait3A_853 : memref<1x32x128xf32, #tpu.memory_space<vmem>> -> memref<32x128xf32, #tpu.memory_space<vmem>>
      %dma_wait3A_855 = arith.constant 0 : i32
      %dma_wait3A_856 = tpu.memref_slice %arg4[%dma_wait3A_855, %multiple_of3A_206] : memref<32x1000000xf32, #tpu.memory_space<hbm>> -> memref<32x128xf32, #tpu.memory_space<hbm>>
      tpu.wait_dma2 semaphore(%arg17 : memref<!tpu.dma_semaphore, #tpu.memory_space<semaphore_mem>>) src(%dma_wait3A_856 : memref<32x128xf32, #tpu.memory_space<hbm>>) dst(%dma_wait3A_854 : memref<32x128xf32, #tpu.memory_space<vmem>>)
      %dma_wait3A_857 = arith.constant 2 : i32
      %dma_wait3A_858 = arith.constant 0 : i32
      %dma_wait3A_859 = arith.constant 0 : i32
      %dma_wait3A_860 = tpu.memref_slice %arg12[%dma_wait3A_857, %dma_wait3A_858, %dma_wait3A_859] : memref<6x32x128xf32, #tpu.memory_space<vmem>> -> memref<1x32x128xf32, #tpu.memory_space<vmem>>
      %dma_wait3A_861 = tpu.memref_squeeze %dma_wait3A_860 : memref<1x32x128xf32, #tpu.memory_space<vmem>> -> memref<32x128xf32, #tpu.memory_space<vmem>>
      %dma_wait3A_862 = arith.constant 0 : i32
      %dma_wait3A_863 = tpu.memref_slice %arg5[%dma_wait3A_862, %multiple_of3A_222] : memref<32x1000000xf32, #tpu.memory_space<hbm>> -> memref<32x128xf32, #tpu.memory_space<hbm>>
      %dma_wait3A_864 = arith.constant 0 : i32
      %dma_wait3A_865 = arith.constant 0 : i32
      %dma_wait3A_866 = tpu.memref_slice %arg12[%dma_wait3A_857, %dma_wait3A_864, %dma_wait3A_865] : memref<6x32x128xf32, #tpu.memory_space<vmem>> -> memref<1x32x128xf32, #tpu.memory_space<vmem>>
      %dma_wait3A_867 = tpu.memref_squeeze %dma_wait3A_866 : memref<1x32x128xf32, #tpu.memory_space<vmem>> -> memref<32x128xf32, #tpu.memory_space<vmem>>
      %dma_wait3A_868 = arith.constant 0 : i32
      %dma_wait3A_869 = tpu.memref_slice %arg5[%dma_wait3A_868, %multiple_of3A_222] : memref<32x1000000xf32, #tpu.memory_space<hbm>> -> memref<32x128xf32, #tpu.memory_space<hbm>>
      tpu.wait_dma2 semaphore(%arg17 : memref<!tpu.dma_semaphore, #tpu.memory_space<semaphore_mem>>) src(%dma_wait3A_869 : memref<32x128xf32, #tpu.memory_space<hbm>>) dst(%dma_wait3A_867 : memref<32x128xf32, #tpu.memory_space<vmem>>)
      %dma_wait3A_870 = arith.constant 2 : i32
      %dma_wait3A_871 = arith.constant 0 : i32
      %dma_wait3A_872 = arith.constant 0 : i32
      %dma_wait3A_873 = tpu.memref_slice %arg13[%dma_wait3A_870, %dma_wait3A_871, %dma_wait3A_872] : memref<6x32x128xf32, #tpu.memory_space<vmem>> -> memref<1x32x128xf32, #tpu.memory_space<vmem>>
      %dma_wait3A_874 = tpu.memref_squeeze %dma_wait3A_873 : memref<1x32x128xf32, #tpu.memory_space<vmem>> -> memref<32x128xf32, #tpu.memory_space<vmem>>
      %dma_wait3A_875 = arith.constant 0 : i32
      %dma_wait3A_876 = tpu.memref_slice %arg6[%dma_wait3A_875, %multiple_of3A_238] : memref<32x1000000xf32, #tpu.memory_space<hbm>> -> memref<32x128xf32, #tpu.memory_space<hbm>>
      %dma_wait3A_877 = arith.constant 0 : i32
      %dma_wait3A_878 = arith.constant 0 : i32
      %dma_wait3A_879 = tpu.memref_slice %arg13[%dma_wait3A_870, %dma_wait3A_877, %dma_wait3A_878] : memref<6x32x128xf32, #tpu.memory_space<vmem>> -> memref<1x32x128xf32, #tpu.memory_space<vmem>>
      %dma_wait3A_880 = tpu.memref_squeeze %dma_wait3A_879 : memref<1x32x128xf32, #tpu.memory_space<vmem>> -> memref<32x128xf32, #tpu.memory_space<vmem>>
      %dma_wait3A_881 = arith.constant 0 : i32
      %dma_wait3A_882 = tpu.memref_slice %arg6[%dma_wait3A_881, %multiple_of3A_238] : memref<32x1000000xf32, #tpu.memory_space<hbm>> -> memref<32x128xf32, #tpu.memory_space<hbm>>
      tpu.wait_dma2 semaphore(%arg17 : memref<!tpu.dma_semaphore, #tpu.memory_space<semaphore_mem>>) src(%dma_wait3A_882 : memref<32x128xf32, #tpu.memory_space<hbm>>) dst(%dma_wait3A_880 : memref<32x128xf32, #tpu.memory_space<vmem>>)
      %dma_wait3A_883 = arith.constant 2 : i32
      %dma_wait3A_884 = arith.constant 0 : i32
      %dma_wait3A_885 = arith.constant 0 : i32
      %dma_wait3A_886 = tpu.memref_slice %arg14[%dma_wait3A_883, %dma_wait3A_884, %dma_wait3A_885] : memref<6x32x128xf32, #tpu.memory_space<vmem>> -> memref<1x32x128xf32, #tpu.memory_space<vmem>>
      %dma_wait3A_887 = tpu.memref_squeeze %dma_wait3A_886 : memref<1x32x128xf32, #tpu.memory_space<vmem>> -> memref<32x128xf32, #tpu.memory_space<vmem>>
      %dma_wait3A_888 = arith.constant 0 : i32
      %dma_wait3A_889 = tpu.memref_slice %arg7[%dma_wait3A_888, %multiple_of3A_254] : memref<32x1000000xf32, #tpu.memory_space<hbm>> -> memref<32x128xf32, #tpu.memory_space<hbm>>
      %dma_wait3A_890 = arith.constant 0 : i32
      %dma_wait3A_891 = arith.constant 0 : i32
      %dma_wait3A_892 = tpu.memref_slice %arg14[%dma_wait3A_883, %dma_wait3A_890, %dma_wait3A_891] : memref<6x32x128xf32, #tpu.memory_space<vmem>> -> memref<1x32x128xf32, #tpu.memory_space<vmem>>
      %dma_wait3A_893 = tpu.memref_squeeze %dma_wait3A_892 : memref<1x32x128xf32, #tpu.memory_space<vmem>> -> memref<32x128xf32, #tpu.memory_space<vmem>>
      %dma_wait3A_894 = arith.constant 0 : i32
      %dma_wait3A_895 = tpu.memref_slice %arg7[%dma_wait3A_894, %multiple_of3A_254] : memref<32x1000000xf32, #tpu.memory_space<hbm>> -> memref<32x128xf32, #tpu.memory_space<hbm>>
      tpu.wait_dma2 semaphore(%arg17 : memref<!tpu.dma_semaphore, #tpu.memory_space<semaphore_mem>>) src(%dma_wait3A_895 : memref<32x128xf32, #tpu.memory_space<hbm>>) dst(%dma_wait3A_893 : memref<32x128xf32, #tpu.memory_space<vmem>>)
      %dma_wait3A_896 = arith.constant 3 : i32
      %dma_wait3A_897 = arith.constant 0 : i32
      %dma_wait3A_898 = arith.constant 0 : i32
      %dma_wait3A_899 = tpu.memref_slice %arg11[%dma_wait3A_896, %dma_wait3A_897, %dma_wait3A_898] : memref<6x32x128xf32, #tpu.memory_space<vmem>> -> memref<1x32x128xf32, #tpu.memory_space<vmem>>
      %dma_wait3A_900 = tpu.memref_squeeze %dma_wait3A_899 : memref<1x32x128xf32, #tpu.memory_space<vmem>> -> memref<32x128xf32, #tpu.memory_space<vmem>>
      %dma_wait3A_901 = arith.constant 0 : i32
      %dma_wait3A_902 = tpu.memref_slice %arg4[%dma_wait3A_901, %multiple_of3A_270] : memref<32x1000000xf32, #tpu.memory_space<hbm>> -> memref<32x128xf32, #tpu.memory_space<hbm>>
      %dma_wait3A_903 = arith.constant 0 : i32
      %dma_wait3A_904 = arith.constant 0 : i32
      %dma_wait3A_905 = tpu.memref_slice %arg11[%dma_wait3A_896, %dma_wait3A_903, %dma_wait3A_904] : memref<6x32x128xf32, #tpu.memory_space<vmem>> -> memref<1x32x128xf32, #tpu.memory_space<vmem>>
      %dma_wait3A_906 = tpu.memref_squeeze %dma_wait3A_905 : memref<1x32x128xf32, #tpu.memory_space<vmem>> -> memref<32x128xf32, #tpu.memory_space<vmem>>
      %dma_wait3A_907 = arith.constant 0 : i32
      %dma_wait3A_908 = tpu.memref_slice %arg4[%dma_wait3A_907, %multiple_of3A_270] : memref<32x1000000xf32, #tpu.memory_space<hbm>> -> memref<32x128xf32, #tpu.memory_space<hbm>>
      tpu.wait_dma2 semaphore(%arg17 : memref<!tpu.dma_semaphore, #tpu.memory_space<semaphore_mem>>) src(%dma_wait3A_908 : memref<32x128xf32, #tpu.memory_space<hbm>>) dst(%dma_wait3A_906 : memref<32x128xf32, #tpu.memory_space<vmem>>)
      %dma_wait3A_909 = arith.constant 3 : i32
      %dma_wait3A_910 = arith.constant 0 : i32
      %dma_wait3A_911 = arith.constant 0 : i32
      %dma_wait3A_912 = tpu.memref_slice %arg12[%dma_wait3A_909, %dma_wait3A_910, %dma_wait3A_911] : memref<6x32x128xf32, #tpu.memory_space<vmem>> -> memref<1x32x128xf32, #tpu.memory_space<vmem>>
      %dma_wait3A_913 = tpu.memref_squeeze %dma_wait3A_912 : memref<1x32x128xf32, #tpu.memory_space<vmem>> -> memref<32x128xf32, #tpu.memory_space<vmem>>
      %dma_wait3A_914 = arith.constant 0 : i32
      %dma_wait3A_915 = tpu.memref_slice %arg5[%dma_wait3A_914, %multiple_of3A_286] : memref<32x1000000xf32, #tpu.memory_space<hbm>> -> memref<32x128xf32, #tpu.memory_space<hbm>>
      %dma_wait3A_916 = arith.constant 0 : i32
      %dma_wait3A_917 = arith.constant 0 : i32
      %dma_wait3A_918 = tpu.memref_slice %arg12[%dma_wait3A_909, %dma_wait3A_916, %dma_wait3A_917] : memref<6x32x128xf32, #tpu.memory_space<vmem>> -> memref<1x32x128xf32, #tpu.memory_space<vmem>>
      %dma_wait3A_919 = tpu.memref_squeeze %dma_wait3A_918 : memref<1x32x128xf32, #tpu.memory_space<vmem>> -> memref<32x128xf32, #tpu.memory_space<vmem>>
      %dma_wait3A_920 = arith.constant 0 : i32
      %dma_wait3A_921 = tpu.memref_slice %arg5[%dma_wait3A_920, %multiple_of3A_286] : memref<32x1000000xf32, #tpu.memory_space<hbm>> -> memref<32x128xf32, #tpu.memory_space<hbm>>
      tpu.wait_dma2 semaphore(%arg17 : memref<!tpu.dma_semaphore, #tpu.memory_space<semaphore_mem>>) src(%dma_wait3A_921 : memref<32x128xf32, #tpu.memory_space<hbm>>) dst(%dma_wait3A_919 : memref<32x128xf32, #tpu.memory_space<vmem>>)
      %dma_wait3A_922 = arith.constant 3 : i32
      %dma_wait3A_923 = arith.constant 0 : i32
      %dma_wait3A_924 = arith.constant 0 : i32
      %dma_wait3A_925 = tpu.memref_slice %arg13[%dma_wait3A_922, %dma_wait3A_923, %dma_wait3A_924] : memref<6x32x128xf32, #tpu.memory_space<vmem>> -> memref<1x32x128xf32, #tpu.memory_space<vmem>>
      %dma_wait3A_926 = tpu.memref_squeeze %dma_wait3A_925 : memref<1x32x128xf32, #tpu.memory_space<vmem>> -> memref<32x128xf32, #tpu.memory_space<vmem>>
      %dma_wait3A_927 = arith.constant 0 : i32
      %dma_wait3A_928 = tpu.memref_slice %arg6[%dma_wait3A_927, %multiple_of3A_302] : memref<32x1000000xf32, #tpu.memory_space<hbm>> -> memref<32x128xf32, #tpu.memory_space<hbm>>
      %dma_wait3A_929 = arith.constant 0 : i32
      %dma_wait3A_930 = arith.constant 0 : i32
      %dma_wait3A_931 = tpu.memref_slice %arg13[%dma_wait3A_922, %dma_wait3A_929, %dma_wait3A_930] : memref<6x32x128xf32, #tpu.memory_space<vmem>> -> memref<1x32x128xf32, #tpu.memory_space<vmem>>
      %dma_wait3A_932 = tpu.memref_squeeze %dma_wait3A_931 : memref<1x32x128xf32, #tpu.memory_space<vmem>> -> memref<32x128xf32, #tpu.memory_space<vmem>>
      %dma_wait3A_933 = arith.constant 0 : i32
      %dma_wait3A_934 = tpu.memref_slice %arg6[%dma_wait3A_933, %multiple_of3A_302] : memref<32x1000000xf32, #tpu.memory_space<hbm>> -> memref<32x128xf32, #tpu.memory_space<hbm>>
      tpu.wait_dma2 semaphore(%arg17 : memref<!tpu.dma_semaphore, #tpu.memory_space<semaphore_mem>>) src(%dma_wait3A_934 : memref<32x128xf32, #tpu.memory_space<hbm>>) dst(%dma_wait3A_932 : memref<32x128xf32, #tpu.memory_space<vmem>>)
      %dma_wait3A_935 = arith.constant 3 : i32
      %dma_wait3A_936 = arith.constant 0 : i32
      %dma_wait3A_937 = arith.constant 0 : i32
      %dma_wait3A_938 = tpu.memref_slice %arg14[%dma_wait3A_935, %dma_wait3A_936, %dma_wait3A_937] : memref<6x32x128xf32, #tpu.memory_space<vmem>> -> memref<1x32x128xf32, #tpu.memory_space<vmem>>
      %dma_wait3A_939 = tpu.memref_squeeze %dma_wait3A_938 : memref<1x32x128xf32, #tpu.memory_space<vmem>> -> memref<32x128xf32, #tpu.memory_space<vmem>>
      %dma_wait3A_940 = arith.constant 0 : i32
      %dma_wait3A_941 = tpu.memref_slice %arg7[%dma_wait3A_940, %multiple_of3A_318] : memref<32x1000000xf32, #tpu.memory_space<hbm>> -> memref<32x128xf32, #tpu.memory_space<hbm>>
      %dma_wait3A_942 = arith.constant 0 : i32
      %dma_wait3A_943 = arith.constant 0 : i32
      %dma_wait3A_944 = tpu.memref_slice %arg14[%dma_wait3A_935, %dma_wait3A_942, %dma_wait3A_943] : memref<6x32x128xf32, #tpu.memory_space<vmem>> -> memref<1x32x128xf32, #tpu.memory_space<vmem>>
      %dma_wait3A_945 = tpu.memref_squeeze %dma_wait3A_944 : memref<1x32x128xf32, #tpu.memory_space<vmem>> -> memref<32x128xf32, #tpu.memory_space<vmem>>
      %dma_wait3A_946 = arith.constant 0 : i32
      %dma_wait3A_947 = tpu.memref_slice %arg7[%dma_wait3A_946, %multiple_of3A_318] : memref<32x1000000xf32, #tpu.memory_space<hbm>> -> memref<32x128xf32, #tpu.memory_space<hbm>>
      tpu.wait_dma2 semaphore(%arg17 : memref<!tpu.dma_semaphore, #tpu.memory_space<semaphore_mem>>) src(%dma_wait3A_947 : memref<32x128xf32, #tpu.memory_space<hbm>>) dst(%dma_wait3A_945 : memref<32x128xf32, #tpu.memory_space<vmem>>)
      %broadcast_in_dim3A_948 = arith.constant 2 : i32
      %broadcast_in_dim3A_949 = vector.broadcast %broadcast_in_dim3A_948 : i32 to vector<16xi32>
      %slice3A_950 = vector.extract_strided_slice %sub3A_78 {offsets = [2], sizes = [1], strides = [1]} : vector<16xi32> to vector<1xi32>
      %squeeze3A_951 = vector.extract %slice3A_950[0] : i32 from vector<1xi32>
      %broadcast_in_dim3A_952 = vector.broadcast %squeeze3A_951 : i32 to vector<16xi32>
      %add3A_953 = arith.constant 0 : i32
      %add3A_954 = vector.broadcast %add3A_953 : i32 to vector<16xi32>
      %add3A_955 = arith.addi %add3A_954, %iota3A : vector<16xi32>
      %gather3A_956 = tpu.vector_load_idx %arg11[%broadcast_in_dim3A_949, %add3A_955, %broadcast_in_dim3A_952] : memref<6x32x128xf32, #tpu.memory_space<vmem>>[vector<16xi32>, vector<16xi32>, vector<16xi32>], vector<16xf32>,
      %swap3A_957 = arith.constant 2 : i32
      %swap3A_958 = arith.index_cast %swap3A_957 : i32 to index
      %swap3A_959 = arith.constant 0 : index
      %swap3A_960 = tpu.vector_load %arg15[%swap3A_958, %swap3A_959] {strides = array<i32>} : memref<16x128xf32, #tpu.memory_space<vmem>>, vector<16xf32>,
      tpu.vector_store %arg15[%swap3A_958, %swap3A_959], %gather3A_956 {strides = array<i32>} : memref<16x128xf32, #tpu.memory_space<vmem>>, vector<16xf32>,
      %add3A_961 = arith.constant 16 : i32
      %add3A_962 = vector.broadcast %add3A_961 : i32 to vector<16xi32>
      %add3A_963 = arith.addi %add3A_962, %iota3A : vector<16xi32>
      %gather3A_964 = tpu.vector_load_idx %arg11[%broadcast_in_dim3A_949, %add3A_963, %broadcast_in_dim3A_952] : memref<6x32x128xf32, #tpu.memory_space<vmem>>[vector<16xi32>, vector<16xi32>, vector<16xi32>], vector<16xf32>,
      %swap3A_965 = arith.constant 2 : i32
      %swap3A_966 = arith.index_cast %swap3A_965 : i32 to index
      %swap3A_967 = arith.constant 16 : index
      %swap3A_968 = tpu.vector_load %arg15[%swap3A_966, %swap3A_967] {strides = array<i32>} : memref<16x128xf32, #tpu.memory_space<vmem>>, vector<16xf32>,
      tpu.vector_store %arg15[%swap3A_966, %swap3A_967], %gather3A_964 {strides = array<i32>} : memref<16x128xf32, #tpu.memory_space<vmem>>, vector<16xf32>,
      %slice3A_969 = vector.extract_strided_slice %sub3A_79 {offsets = [2], sizes = [1], strides = [1]} : vector<16xi32> to vector<1xi32>
      %squeeze3A_970 = vector.extract %slice3A_969[0] : i32 from vector<1xi32>
      %broadcast_in_dim3A_971 = vector.broadcast %squeeze3A_970 : i32 to vector<16xi32>
      %add3A_972 = arith.constant 0 : i32
      %add3A_973 = vector.broadcast %add3A_972 : i32 to vector<16xi32>
      %add3A_974 = arith.addi %add3A_973, %iota3A : vector<16xi32>
      %gather3A_975 = tpu.vector_load_idx %arg12[%broadcast_in_dim3A_949, %add3A_974, %broadcast_in_dim3A_971] : memref<6x32x128xf32, #tpu.memory_space<vmem>>[vector<16xi32>, vector<16xi32>, vector<16xi32>], vector<16xf32>,
      %swap3A_976 = arith.constant 2 : i32
      %swap3A_977 = arith.index_cast %swap3A_976 : i32 to index
      %swap3A_978 = arith.constant 32 : index
      %swap3A_979 = tpu.vector_load %arg15[%swap3A_977, %swap3A_978] {strides = array<i32>} : memref<16x128xf32, #tpu.memory_space<vmem>>, vector<16xf32>,
      tpu.vector_store %arg15[%swap3A_977, %swap3A_978], %gather3A_975 {strides = array<i32>} : memref<16x128xf32, #tpu.memory_space<vmem>>, vector<16xf32>,
      %add3A_980 = arith.constant 16 : i32
      %add3A_981 = vector.broadcast %add3A_980 : i32 to vector<16xi32>
      %add3A_982 = arith.addi %add3A_981, %iota3A : vector<16xi32>
      %gather3A_983 = tpu.vector_load_idx %arg12[%broadcast_in_dim3A_949, %add3A_982, %broadcast_in_dim3A_971] : memref<6x32x128xf32, #tpu.memory_space<vmem>>[vector<16xi32>, vector<16xi32>, vector<16xi32>], vector<16xf32>,
      %swap3A_984 = arith.constant 2 : i32
      %swap3A_985 = arith.index_cast %swap3A_984 : i32 to index
      %swap3A_986 = arith.constant 48 : index
      %swap3A_987 = tpu.vector_load %arg15[%swap3A_985, %swap3A_986] {strides = array<i32>} : memref<16x128xf32, #tpu.memory_space<vmem>>, vector<16xf32>,
      tpu.vector_store %arg15[%swap3A_985, %swap3A_986], %gather3A_983 {strides = array<i32>} : memref<16x128xf32, #tpu.memory_space<vmem>>, vector<16xf32>,
      %slice3A_988 = vector.extract_strided_slice %sub3A_78 {offsets = [2], sizes = [1], strides = [1]} : vector<16xi32> to vector<1xi32>
      %squeeze3A_989 = vector.extract %slice3A_988[0] : i32 from vector<1xi32>
      %broadcast_in_dim3A_990 = vector.broadcast %squeeze3A_989 : i32 to vector<16xi32>
      %add3A_991 = arith.constant 0 : i32
      %add3A_992 = vector.broadcast %add3A_991 : i32 to vector<16xi32>
      %add3A_993 = arith.addi %add3A_992, %iota3A : vector<16xi32>
      %gather3A_994 = tpu.vector_load_idx %arg13[%broadcast_in_dim3A_949, %add3A_993, %broadcast_in_dim3A_990] : memref<6x32x128xf32, #tpu.memory_space<vmem>>[vector<16xi32>, vector<16xi32>, vector<16xi32>], vector<16xf32>,
      %swap3A_995 = arith.constant 2 : i32
      %swap3A_996 = arith.index_cast %swap3A_995 : i32 to index
      %swap3A_997 = arith.constant 64 : index
      %swap3A_998 = tpu.vector_load %arg15[%swap3A_996, %swap3A_997] {strides = array<i32>} : memref<16x128xf32, #tpu.memory_space<vmem>>, vector<16xf32>,
      tpu.vector_store %arg15[%swap3A_996, %swap3A_997], %gather3A_994 {strides = array<i32>} : memref<16x128xf32, #tpu.memory_space<vmem>>, vector<16xf32>,
      %add3A_999 = arith.constant 16 : i32
      %add3A_1000 = vector.broadcast %add3A_999 : i32 to vector<16xi32>
      %add3A_1001 = arith.addi %add3A_1000, %iota3A : vector<16xi32>
      %gather3A_1002 = tpu.vector_load_idx %arg13[%broadcast_in_dim3A_949, %add3A_1001, %broadcast_in_dim3A_990] : memref<6x32x128xf32, #tpu.memory_space<vmem>>[vector<16xi32>, vector<16xi32>, vector<16xi32>], vector<16xf32>,
      %swap3A_1003 = arith.constant 2 : i32
      %swap3A_1004 = arith.index_cast %swap3A_1003 : i32 to index
      %swap3A_1005 = arith.constant 80 : index
      %swap3A_1006 = tpu.vector_load %arg15[%swap3A_1004, %swap3A_1005] {strides = array<i32>} : memref<16x128xf32, #tpu.memory_space<vmem>>, vector<16xf32>,
      tpu.vector_store %arg15[%swap3A_1004, %swap3A_1005], %gather3A_1002 {strides = array<i32>} : memref<16x128xf32, #tpu.memory_space<vmem>>, vector<16xf32>,
      %slice3A_1007 = vector.extract_strided_slice %sub3A_79 {offsets = [2], sizes = [1], strides = [1]} : vector<16xi32> to vector<1xi32>
      %squeeze3A_1008 = vector.extract %slice3A_1007[0] : i32 from vector<1xi32>
      %broadcast_in_dim3A_1009 = vector.broadcast %squeeze3A_1008 : i32 to vector<16xi32>
      %add3A_1010 = arith.constant 0 : i32
      %add3A_1011 = vector.broadcast %add3A_1010 : i32 to vector<16xi32>
      %add3A_1012 = arith.addi %add3A_1011, %iota3A : vector<16xi32>
      %gather3A_1013 = tpu.vector_load_idx %arg14[%broadcast_in_dim3A_949, %add3A_1012, %broadcast_in_dim3A_1009] : memref<6x32x128xf32, #tpu.memory_space<vmem>>[vector<16xi32>, vector<16xi32>, vector<16xi32>], vector<16xf32>,
      %swap3A_1014 = arith.constant 2 : i32
      %swap3A_1015 = arith.index_cast %swap3A_1014 : i32 to index
      %swap3A_1016 = arith.constant 96 : index
      %swap3A_1017 = tpu.vector_load %arg15[%swap3A_1015, %swap3A_1016] {strides = array<i32>} : memref<16x128xf32, #tpu.memory_space<vmem>>, vector<16xf32>,
      tpu.vector_store %arg15[%swap3A_1015, %swap3A_1016], %gather3A_1013 {strides = array<i32>} : memref<16x128xf32, #tpu.memory_space<vmem>>, vector<16xf32>,
      %add3A_1018 = arith.constant 16 : i32
      %add3A_1019 = vector.broadcast %add3A_1018 : i32 to vector<16xi32>
      %add3A_1020 = arith.addi %add3A_1019, %iota3A : vector<16xi32>
      %gather3A_1021 = tpu.vector_load_idx %arg14[%broadcast_in_dim3A_949, %add3A_1020, %broadcast_in_dim3A_1009] : memref<6x32x128xf32, #tpu.memory_space<vmem>>[vector<16xi32>, vector<16xi32>, vector<16xi32>], vector<16xf32>,
      %swap3A_1022 = arith.constant 2 : i32
      %swap3A_1023 = arith.index_cast %swap3A_1022 : i32 to index
      %swap3A_1024 = arith.constant 112 : index
      %swap3A_1025 = tpu.vector_load %arg15[%swap3A_1023, %swap3A_1024] {strides = array<i32>} : memref<16x128xf32, #tpu.memory_space<vmem>>, vector<16xf32>,
      tpu.vector_store %arg15[%swap3A_1023, %swap3A_1024], %gather3A_1021 {strides = array<i32>} : memref<16x128xf32, #tpu.memory_space<vmem>>, vector<16xf32>,
      %broadcast_in_dim3A_1026 = arith.constant 3 : i32
      %broadcast_in_dim3A_1027 = vector.broadcast %broadcast_in_dim3A_1026 : i32 to vector<16xi32>
      %slice3A_1028 = vector.extract_strided_slice %sub3A_78 {offsets = [3], sizes = [1], strides = [1]} : vector<16xi32> to vector<1xi32>
      %squeeze3A_1029 = vector.extract %slice3A_1028[0] : i32 from vector<1xi32>
      %broadcast_in_dim3A_1030 = vector.broadcast %squeeze3A_1029 : i32 to vector<16xi32>
      %add3A_1031 = arith.constant 0 : i32
      %add3A_1032 = vector.broadcast %add3A_1031 : i32 to vector<16xi32>
      %add3A_1033 = arith.addi %add3A_1032, %iota3A : vector<16xi32>
      %gather3A_1034 = tpu.vector_load_idx %arg11[%broadcast_in_dim3A_1027, %add3A_1033, %broadcast_in_dim3A_1030] : memref<6x32x128xf32, #tpu.memory_space<vmem>>[vector<16xi32>, vector<16xi32>, vector<16xi32>], vector<16xf32>,
      %swap3A_1035 = arith.constant 3 : i32
      %swap3A_1036 = arith.index_cast %swap3A_1035 : i32 to index
      %swap3A_1037 = arith.constant 0 : index
      %swap3A_1038 = tpu.vector_load %arg15[%swap3A_1036, %swap3A_1037] {strides = array<i32>} : memref<16x128xf32, #tpu.memory_space<vmem>>, vector<16xf32>,
      tpu.vector_store %arg15[%swap3A_1036, %swap3A_1037], %gather3A_1034 {strides = array<i32>} : memref<16x128xf32, #tpu.memory_space<vmem>>, vector<16xf32>,
      %add3A_1039 = arith.constant 16 : i32
      %add3A_1040 = vector.broadcast %add3A_1039 : i32 to vector<16xi32>
      %add3A_1041 = arith.addi %add3A_1040, %iota3A : vector<16xi32>
      %gather3A_1042 = tpu.vector_load_idx %arg11[%broadcast_in_dim3A_1027, %add3A_1041, %broadcast_in_dim3A_1030] : memref<6x32x128xf32, #tpu.memory_space<vmem>>[vector<16xi32>, vector<16xi32>, vector<16xi32>], vector<16xf32>,
      %swap3A_1043 = arith.constant 3 : i32
      %swap3A_1044 = arith.index_cast %swap3A_1043 : i32 to index
      %swap3A_1045 = arith.constant 16 : index
      %swap3A_1046 = tpu.vector_load %arg15[%swap3A_1044, %swap3A_1045] {strides = array<i32>} : memref<16x128xf32, #tpu.memory_space<vmem>>, vector<16xf32>,
      tpu.vector_store %arg15[%swap3A_1044, %swap3A_1045], %gather3A_1042 {strides = array<i32>} : memref<16x128xf32, #tpu.memory_space<vmem>>, vector<16xf32>,
      %slice3A_1047 = vector.extract_strided_slice %sub3A_79 {offsets = [3], sizes = [1], strides = [1]} : vector<16xi32> to vector<1xi32>
      %squeeze3A_1048 = vector.extract %slice3A_1047[0] : i32 from vector<1xi32>
      %broadcast_in_dim3A_1049 = vector.broadcast %squeeze3A_1048 : i32 to vector<16xi32>
      %add3A_1050 = arith.constant 0 : i32
      %add3A_1051 = vector.broadcast %add3A_1050 : i32 to vector<16xi32>
      %add3A_1052 = arith.addi %add3A_1051, %iota3A : vector<16xi32>
      %gather3A_1053 = tpu.vector_load_idx %arg12[%broadcast_in_dim3A_1027, %add3A_1052, %broadcast_in_dim3A_1049] : memref<6x32x128xf32, #tpu.memory_space<vmem>>[vector<16xi32>, vector<16xi32>, vector<16xi32>], vector<16xf32>,
      %swap3A_1054 = arith.constant 3 : i32
      %swap3A_1055 = arith.index_cast %swap3A_1054 : i32 to index
      %swap3A_1056 = arith.constant 32 : index
      %swap3A_1057 = tpu.vector_load %arg15[%swap3A_1055, %swap3A_1056] {strides = array<i32>} : memref<16x128xf32, #tpu.memory_space<vmem>>, vector<16xf32>,
      tpu.vector_store %arg15[%swap3A_1055, %swap3A_1056], %gather3A_1053 {strides = array<i32>} : memref<16x128xf32, #tpu.memory_space<vmem>>, vector<16xf32>,
      %add3A_1058 = arith.constant 16 : i32
      %add3A_1059 = vector.broadcast %add3A_1058 : i32 to vector<16xi32>
      %add3A_1060 = arith.addi %add3A_1059, %iota3A : vector<16xi32>
      %gather3A_1061 = tpu.vector_load_idx %arg12[%broadcast_in_dim3A_1027, %add3A_1060, %broadcast_in_dim3A_1049] : memref<6x32x128xf32, #tpu.memory_space<vmem>>[vector<16xi32>, vector<16xi32>, vector<16xi32>], vector<16xf32>,
      %swap3A_1062 = arith.constant 3 : i32
      %swap3A_1063 = arith.index_cast %swap3A_1062 : i32 to index
      %swap3A_1064 = arith.constant 48 : index
      %swap3A_1065 = tpu.vector_load %arg15[%swap3A_1063, %swap3A_1064] {strides = array<i32>} : memref<16x128xf32, #tpu.memory_space<vmem>>, vector<16xf32>,
      tpu.vector_store %arg15[%swap3A_1063, %swap3A_1064], %gather3A_1061 {strides = array<i32>} : memref<16x128xf32, #tpu.memory_space<vmem>>, vector<16xf32>,
      %slice3A_1066 = vector.extract_strided_slice %sub3A_78 {offsets = [3], sizes = [1], strides = [1]} : vector<16xi32> to vector<1xi32>
      %squeeze3A_1067 = vector.extract %slice3A_1066[0] : i32 from vector<1xi32>
      %broadcast_in_dim3A_1068 = vector.broadcast %squeeze3A_1067 : i32 to vector<16xi32>
      %add3A_1069 = arith.constant 0 : i32
      %add3A_1070 = vector.broadcast %add3A_1069 : i32 to vector<16xi32>
      %add3A_1071 = arith.addi %add3A_1070, %iota3A : vector<16xi32>
      %gather3A_1072 = tpu.vector_load_idx %arg13[%broadcast_in_dim3A_1027, %add3A_1071, %broadcast_in_dim3A_1068] : memref<6x32x128xf32, #tpu.memory_space<vmem>>[vector<16xi32>, vector<16xi32>, vector<16xi32>], vector<16xf32>,
      %swap3A_1073 = arith.constant 3 : i32
      %swap3A_1074 = arith.index_cast %swap3A_1073 : i32 to index
      %swap3A_1075 = arith.constant 64 : index
      %swap3A_1076 = tpu.vector_load %arg15[%swap3A_1074, %swap3A_1075] {strides = array<i32>} : memref<16x128xf32, #tpu.memory_space<vmem>>, vector<16xf32>,
      tpu.vector_store %arg15[%swap3A_1074, %swap3A_1075], %gather3A_1072 {strides = array<i32>} : memref<16x128xf32, #tpu.memory_space<vmem>>, vector<16xf32>,
      %add3A_1077 = arith.constant 16 : i32
      %add3A_1078 = vector.broadcast %add3A_1077 : i32 to vector<16xi32>
      %add3A_1079 = arith.addi %add3A_1078, %iota3A : vector<16xi32>
      %gather3A_1080 = tpu.vector_load_idx %arg13[%broadcast_in_dim3A_1027, %add3A_1079, %broadcast_in_dim3A_1068] : memref<6x32x128xf32, #tpu.memory_space<vmem>>[vector<16xi32>, vector<16xi32>, vector<16xi32>], vector<16xf32>,
      %swap3A_1081 = arith.constant 3 : i32
      %swap3A_1082 = arith.index_cast %swap3A_1081 : i32 to index
      %swap3A_1083 = arith.constant 80 : index
      %swap3A_1084 = tpu.vector_load %arg15[%swap3A_1082, %swap3A_1083] {strides = array<i32>} : memref<16x128xf32, #tpu.memory_space<vmem>>, vector<16xf32>,
      tpu.vector_store %arg15[%swap3A_1082, %swap3A_1083], %gather3A_1080 {strides = array<i32>} : memref<16x128xf32, #tpu.memory_space<vmem>>, vector<16xf32>,
      %slice3A_1085 = vector.extract_strided_slice %sub3A_79 {offsets = [3], sizes = [1], strides = [1]} : vector<16xi32> to vector<1xi32>
      %squeeze3A_1086 = vector.extract %slice3A_1085[0] : i32 from vector<1xi32>
      %broadcast_in_dim3A_1087 = vector.broadcast %squeeze3A_1086 : i32 to vector<16xi32>
      %add3A_1088 = arith.constant 0 : i32
      %add3A_1089 = vector.broadcast %add3A_1088 : i32 to vector<16xi32>
      %add3A_1090 = arith.addi %add3A_1089, %iota3A : vector<16xi32>
      %gather3A_1091 = tpu.vector_load_idx %arg14[%broadcast_in_dim3A_1027, %add3A_1090, %broadcast_in_dim3A_1087] : memref<6x32x128xf32, #tpu.memory_space<vmem>>[vector<16xi32>, vector<16xi32>, vector<16xi32>], vector<16xf32>,
      %swap3A_1092 = arith.constant 3 : i32
      %swap3A_1093 = arith.index_cast %swap3A_1092 : i32 to index
      %swap3A_1094 = arith.constant 96 : index
      %swap3A_1095 = tpu.vector_load %arg15[%swap3A_1093, %swap3A_1094] {strides = array<i32>} : memref<16x128xf32, #tpu.memory_space<vmem>>, vector<16xf32>,
      tpu.vector_store %arg15[%swap3A_1093, %swap3A_1094], %gather3A_1091 {strides = array<i32>} : memref<16x128xf32, #tpu.memory_space<vmem>>, vector<16xf32>,
      %add3A_1096 = arith.constant 16 : i32
      %add3A_1097 = vector.broadcast %add3A_1096 : i32 to vector<16xi32>
      %add3A_1098 = arith.addi %add3A_1097, %iota3A : vector<16xi32>
      %gather3A_1099 = tpu.vector_load_idx %arg14[%broadcast_in_dim3A_1027, %add3A_1098, %broadcast_in_dim3A_1087] : memref<6x32x128xf32, #tpu.memory_space<vmem>>[vector<16xi32>, vector<16xi32>, vector<16xi32>], vector<16xf32>,
      %swap3A_1100 = arith.constant 3 : i32
      %swap3A_1101 = arith.index_cast %swap3A_1100 : i32 to index
      %swap3A_1102 = arith.constant 112 : index
      %swap3A_1103 = tpu.vector_load %arg15[%swap3A_1101, %swap3A_1102] {strides = array<i32>} : memref<16x128xf32, #tpu.memory_space<vmem>>, vector<16xf32>,
      tpu.vector_store %arg15[%swap3A_1101, %swap3A_1102], %gather3A_1099 {strides = array<i32>} : memref<16x128xf32, #tpu.memory_space<vmem>>, vector<16xf32>,
      %slice3A_1104 = vector.extract_strided_slice %mul3A_43 {offsets = [8], sizes = [1], strides = [1]} : vector<16xi32> to vector<1xi32>
      %squeeze3A_1105 = vector.extract %slice3A_1104[0] : i32 from vector<1xi32>
      %multiple_of3A_1106 = tpu.assume_multiple %squeeze3A_1105, 128 : i32
      %dma_start3A_1107 = arith.constant 2 : i32
      %dma_start3A_1108 = arith.constant 0 : i32
      %dma_start3A_1109 = arith.constant 0 : i32
      %dma_start3A_1110 = tpu.memref_slice %arg11[%dma_start3A_1107, %dma_start3A_1108, %dma_start3A_1109] : memref<6x32x128xf32, #tpu.memory_space<vmem>> -> memref<1x32x128xf32, #tpu.memory_space<vmem>>
      %dma_start3A_1111 = tpu.memref_squeeze %dma_start3A_1110 : memref<1x32x128xf32, #tpu.memory_space<vmem>> -> memref<32x128xf32, #tpu.memory_space<vmem>>
      %dma_start3A_1112 = arith.constant 0 : i32
      %dma_start3A_1113 = tpu.memref_slice %arg4[%dma_start3A_1112, %multiple_of3A_1106] : memref<32x1000000xf32, #tpu.memory_space<hbm>> -> memref<32x128xf32, #tpu.memory_space<hbm>>
      %dma_start3A_1114 = arith.constant 0 : i32
      %dma_start3A_1115 = arith.constant 0 : i32
      %dma_start3A_1116 = tpu.memref_slice %arg11[%dma_start3A_1107, %dma_start3A_1114, %dma_start3A_1115] : memref<6x32x128xf32, #tpu.memory_space<vmem>> -> memref<1x32x128xf32, #tpu.memory_space<vmem>>
      %dma_start3A_1117 = tpu.memref_squeeze %dma_start3A_1116 : memref<1x32x128xf32, #tpu.memory_space<vmem>> -> memref<32x128xf32, #tpu.memory_space<vmem>>
      %dma_start3A_1118 = arith.constant 0 : i32
      %dma_start3A_1119 = tpu.memref_slice %arg4[%dma_start3A_1118, %multiple_of3A_1106] : memref<32x1000000xf32, #tpu.memory_space<hbm>> -> memref<32x128xf32, #tpu.memory_space<hbm>>
      tpu.enqueue_dma source(%dma_start3A_1119 : memref<32x128xf32, #tpu.memory_space<hbm>>) target(%dma_start3A_1117 : memref<32x128xf32, #tpu.memory_space<vmem>>) target_semaphore(%arg17 : memref<!tpu.dma_semaphore, #tpu.memory_space<semaphore_mem>>)
      %slice3A_1120 = vector.extract_strided_slice %mul3A_77 {offsets = [8], sizes = [1], strides = [1]} : vector<16xi32> to vector<1xi32>
      %squeeze3A_1121 = vector.extract %slice3A_1120[0] : i32 from vector<1xi32>
      %multiple_of3A_1122 = tpu.assume_multiple %squeeze3A_1121, 128 : i32
      %dma_start3A_1123 = arith.constant 2 : i32
      %dma_start3A_1124 = arith.constant 0 : i32
      %dma_start3A_1125 = arith.constant 0 : i32
      %dma_start3A_1126 = tpu.memref_slice %arg12[%dma_start3A_1123, %dma_start3A_1124, %dma_start3A_1125] : memref<6x32x128xf32, #tpu.memory_space<vmem>> -> memref<1x32x128xf32, #tpu.memory_space<vmem>>
      %dma_start3A_1127 = tpu.memref_squeeze %dma_start3A_1126 : memref<1x32x128xf32, #tpu.memory_space<vmem>> -> memref<32x128xf32, #tpu.memory_space<vmem>>
      %dma_start3A_1128 = arith.constant 0 : i32
      %dma_start3A_1129 = tpu.memref_slice %arg5[%dma_start3A_1128, %multiple_of3A_1122] : memref<32x1000000xf32, #tpu.memory_space<hbm>> -> memref<32x128xf32, #tpu.memory_space<hbm>>
      %dma_start3A_1130 = arith.constant 0 : i32
      %dma_start3A_1131 = arith.constant 0 : i32
      %dma_start3A_1132 = tpu.memref_slice %arg12[%dma_start3A_1123, %dma_start3A_1130, %dma_start3A_1131] : memref<6x32x128xf32, #tpu.memory_space<vmem>> -> memref<1x32x128xf32, #tpu.memory_space<vmem>>
      %dma_start3A_1133 = tpu.memref_squeeze %dma_start3A_1132 : memref<1x32x128xf32, #tpu.memory_space<vmem>> -> memref<32x128xf32, #tpu.memory_space<vmem>>
      %dma_start3A_1134 = arith.constant 0 : i32
      %dma_start3A_1135 = tpu.memref_slice %arg5[%dma_start3A_1134, %multiple_of3A_1122] : memref<32x1000000xf32, #tpu.memory_space<hbm>> -> memref<32x128xf32, #tpu.memory_space<hbm>>
      tpu.enqueue_dma source(%dma_start3A_1135 : memref<32x128xf32, #tpu.memory_space<hbm>>) target(%dma_start3A_1133 : memref<32x128xf32, #tpu.memory_space<vmem>>) target_semaphore(%arg17 : memref<!tpu.dma_semaphore, #tpu.memory_space<semaphore_mem>>)
      %slice3A_1136 = vector.extract_strided_slice %mul3A_43 {offsets = [8], sizes = [1], strides = [1]} : vector<16xi32> to vector<1xi32>
      %squeeze3A_1137 = vector.extract %slice3A_1136[0] : i32 from vector<1xi32>
      %multiple_of3A_1138 = tpu.assume_multiple %squeeze3A_1137, 128 : i32
      %dma_start3A_1139 = arith.constant 2 : i32
      %dma_start3A_1140 = arith.constant 0 : i32
      %dma_start3A_1141 = arith.constant 0 : i32
      %dma_start3A_1142 = tpu.memref_slice %arg13[%dma_start3A_1139, %dma_start3A_1140, %dma_start3A_1141] : memref<6x32x128xf32, #tpu.memory_space<vmem>> -> memref<1x32x128xf32, #tpu.memory_space<vmem>>
      %dma_start3A_1143 = tpu.memref_squeeze %dma_start3A_1142 : memref<1x32x128xf32, #tpu.memory_space<vmem>> -> memref<32x128xf32, #tpu.memory_space<vmem>>
      %dma_start3A_1144 = arith.constant 0 : i32
      %dma_start3A_1145 = tpu.memref_slice %arg6[%dma_start3A_1144, %multiple_of3A_1138] : memref<32x1000000xf32, #tpu.memory_space<hbm>> -> memref<32x128xf32, #tpu.memory_space<hbm>>
      %dma_start3A_1146 = arith.constant 0 : i32
      %dma_start3A_1147 = arith.constant 0 : i32
      %dma_start3A_1148 = tpu.memref_slice %arg13[%dma_start3A_1139, %dma_start3A_1146, %dma_start3A_1147] : memref<6x32x128xf32, #tpu.memory_space<vmem>> -> memref<1x32x128xf32, #tpu.memory_space<vmem>>
      %dma_start3A_1149 = tpu.memref_squeeze %dma_start3A_1148 : memref<1x32x128xf32, #tpu.memory_space<vmem>> -> memref<32x128xf32, #tpu.memory_space<vmem>>
      %dma_start3A_1150 = arith.constant 0 : i32
      %dma_start3A_1151 = tpu.memref_slice %arg6[%dma_start3A_1150, %multiple_of3A_1138] : memref<32x1000000xf32, #tpu.memory_space<hbm>> -> memref<32x128xf32, #tpu.memory_space<hbm>>
      tpu.enqueue_dma source(%dma_start3A_1151 : memref<32x128xf32, #tpu.memory_space<hbm>>) target(%dma_start3A_1149 : memref<32x128xf32, #tpu.memory_space<vmem>>) target_semaphore(%arg17 : memref<!tpu.dma_semaphore, #tpu.memory_space<semaphore_mem>>)
      %slice3A_1152 = vector.extract_strided_slice %mul3A_77 {offsets = [8], sizes = [1], strides = [1]} : vector<16xi32> to vector<1xi32>
      %squeeze3A_1153 = vector.extract %slice3A_1152[0] : i32 from vector<1xi32>
      %multiple_of3A_1154 = tpu.assume_multiple %squeeze3A_1153, 128 : i32
      %dma_start3A_1155 = arith.constant 2 : i32
      %dma_start3A_1156 = arith.constant 0 : i32
      %dma_start3A_1157 = arith.constant 0 : i32
      %dma_start3A_1158 = tpu.memref_slice %arg14[%dma_start3A_1155, %dma_start3A_1156, %dma_start3A_1157] : memref<6x32x128xf32, #tpu.memory_space<vmem>> -> memref<1x32x128xf32, #tpu.memory_space<vmem>>
      %dma_start3A_1159 = tpu.memref_squeeze %dma_start3A_1158 : memref<1x32x128xf32, #tpu.memory_space<vmem>> -> memref<32x128xf32, #tpu.memory_space<vmem>>
      %dma_start3A_1160 = arith.constant 0 : i32
      %dma_start3A_1161 = tpu.memref_slice %arg7[%dma_start3A_1160, %multiple_of3A_1154] : memref<32x1000000xf32, #tpu.memory_space<hbm>> -> memref<32x128xf32, #tpu.memory_space<hbm>>
      %dma_start3A_1162 = arith.constant 0 : i32
      %dma_start3A_1163 = arith.constant 0 : i32
      %dma_start3A_1164 = tpu.memref_slice %arg14[%dma_start3A_1155, %dma_start3A_1162, %dma_start3A_1163] : memref<6x32x128xf32, #tpu.memory_space<vmem>> -> memref<1x32x128xf32, #tpu.memory_space<vmem>>
      %dma_start3A_1165 = tpu.memref_squeeze %dma_start3A_1164 : memref<1x32x128xf32, #tpu.memory_space<vmem>> -> memref<32x128xf32, #tpu.memory_space<vmem>>
      %dma_start3A_1166 = arith.constant 0 : i32
      %dma_start3A_1167 = tpu.memref_slice %arg7[%dma_start3A_1166, %multiple_of3A_1154] : memref<32x1000000xf32, #tpu.memory_space<hbm>> -> memref<32x128xf32, #tpu.memory_space<hbm>>
      tpu.enqueue_dma source(%dma_start3A_1167 : memref<32x128xf32, #tpu.memory_space<hbm>>) target(%dma_start3A_1165 : memref<32x128xf32, #tpu.memory_space<vmem>>) target_semaphore(%arg17 : memref<!tpu.dma_semaphore, #tpu.memory_space<semaphore_mem>>)
      %slice3A_1168 = vector.extract_strided_slice %mul3A_43 {offsets = [9], sizes = [1], strides = [1]} : vector<16xi32> to vector<1xi32>
      %squeeze3A_1169 = vector.extract %slice3A_1168[0] : i32 from vector<1xi32>
      %multiple_of3A_1170 = tpu.assume_multiple %squeeze3A_1169, 128 : i32
      %dma_start3A_1171 = arith.constant 3 : i32
      %dma_start3A_1172 = arith.constant 0 : i32
      %dma_start3A_1173 = arith.constant 0 : i32
      %dma_start3A_1174 = tpu.memref_slice %arg11[%dma_start3A_1171, %dma_start3A_1172, %dma_start3A_1173] : memref<6x32x128xf32, #tpu.memory_space<vmem>> -> memref<1x32x128xf32, #tpu.memory_space<vmem>>
      %dma_start3A_1175 = tpu.memref_squeeze %dma_start3A_1174 : memref<1x32x128xf32, #tpu.memory_space<vmem>> -> memref<32x128xf32, #tpu.memory_space<vmem>>
      %dma_start3A_1176 = arith.constant 0 : i32
      %dma_start3A_1177 = tpu.memref_slice %arg4[%dma_start3A_1176, %multiple_of3A_1170] : memref<32x1000000xf32, #tpu.memory_space<hbm>> -> memref<32x128xf32, #tpu.memory_space<hbm>>
      %dma_start3A_1178 = arith.constant 0 : i32
      %dma_start3A_1179 = arith.constant 0 : i32
      %dma_start3A_1180 = tpu.memref_slice %arg11[%dma_start3A_1171, %dma_start3A_1178, %dma_start3A_1179] : memref<6x32x128xf32, #tpu.memory_space<vmem>> -> memref<1x32x128xf32, #tpu.memory_space<vmem>>
      %dma_start3A_1181 = tpu.memref_squeeze %dma_start3A_1180 : memref<1x32x128xf32, #tpu.memory_space<vmem>> -> memref<32x128xf32, #tpu.memory_space<vmem>>
      %dma_start3A_1182 = arith.constant 0 : i32
      %dma_start3A_1183 = tpu.memref_slice %arg4[%dma_start3A_1182, %multiple_of3A_1170] : memref<32x1000000xf32, #tpu.memory_space<hbm>> -> memref<32x128xf32, #tpu.memory_space<hbm>>
      tpu.enqueue_dma source(%dma_start3A_1183 : memref<32x128xf32, #tpu.memory_space<hbm>>) target(%dma_start3A_1181 : memref<32x128xf32, #tpu.memory_space<vmem>>) target_semaphore(%arg17 : memref<!tpu.dma_semaphore, #tpu.memory_space<semaphore_mem>>)
      %slice3A_1184 = vector.extract_strided_slice %mul3A_77 {offsets = [9], sizes = [1], strides = [1]} : vector<16xi32> to vector<1xi32>
      %squeeze3A_1185 = vector.extract %slice3A_1184[0] : i32 from vector<1xi32>
      %multiple_of3A_1186 = tpu.assume_multiple %squeeze3A_1185, 128 : i32
      %dma_start3A_1187 = arith.constant 3 : i32
      %dma_start3A_1188 = arith.constant 0 : i32
      %dma_start3A_1189 = arith.constant 0 : i32
      %dma_start3A_1190 = tpu.memref_slice %arg12[%dma_start3A_1187, %dma_start3A_1188, %dma_start3A_1189] : memref<6x32x128xf32, #tpu.memory_space<vmem>> -> memref<1x32x128xf32, #tpu.memory_space<vmem>>
      %dma_start3A_1191 = tpu.memref_squeeze %dma_start3A_1190 : memref<1x32x128xf32, #tpu.memory_space<vmem>> -> memref<32x128xf32, #tpu.memory_space<vmem>>
      %dma_start3A_1192 = arith.constant 0 : i32
      %dma_start3A_1193 = tpu.memref_slice %arg5[%dma_start3A_1192, %multiple_of3A_1186] : memref<32x1000000xf32, #tpu.memory_space<hbm>> -> memref<32x128xf32, #tpu.memory_space<hbm>>
      %dma_start3A_1194 = arith.constant 0 : i32
      %dma_start3A_1195 = arith.constant 0 : i32
      %dma_start3A_1196 = tpu.memref_slice %arg12[%dma_start3A_1187, %dma_start3A_1194, %dma_start3A_1195] : memref<6x32x128xf32, #tpu.memory_space<vmem>> -> memref<1x32x128xf32, #tpu.memory_space<vmem>>
      %dma_start3A_1197 = tpu.memref_squeeze %dma_start3A_1196 : memref<1x32x128xf32, #tpu.memory_space<vmem>> -> memref<32x128xf32, #tpu.memory_space<vmem>>
      %dma_start3A_1198 = arith.constant 0 : i32
      %dma_start3A_1199 = tpu.memref_slice %arg5[%dma_start3A_1198, %multiple_of3A_1186] : memref<32x1000000xf32, #tpu.memory_space<hbm>> -> memref<32x128xf32, #tpu.memory_space<hbm>>
      tpu.enqueue_dma source(%dma_start3A_1199 : memref<32x128xf32, #tpu.memory_space<hbm>>) target(%dma_start3A_1197 : memref<32x128xf32, #tpu.memory_space<vmem>>) target_semaphore(%arg17 : memref<!tpu.dma_semaphore, #tpu.memory_space<semaphore_mem>>)
      %slice3A_1200 = vector.extract_strided_slice %mul3A_43 {offsets = [9], sizes = [1], strides = [1]} : vector<16xi32> to vector<1xi32>
      %squeeze3A_1201 = vector.extract %slice3A_1200[0] : i32 from vector<1xi32>
      %multiple_of3A_1202 = tpu.assume_multiple %squeeze3A_1201, 128 : i32
      %dma_start3A_1203 = arith.constant 3 : i32
      %dma_start3A_1204 = arith.constant 0 : i32
      %dma_start3A_1205 = arith.constant 0 : i32
      %dma_start3A_1206 = tpu.memref_slice %arg13[%dma_start3A_1203, %dma_start3A_1204, %dma_start3A_1205] : memref<6x32x128xf32, #tpu.memory_space<vmem>> -> memref<1x32x128xf32, #tpu.memory_space<vmem>>
      %dma_start3A_1207 = tpu.memref_squeeze %dma_start3A_1206 : memref<1x32x128xf32, #tpu.memory_space<vmem>> -> memref<32x128xf32, #tpu.memory_space<vmem>>
      %dma_start3A_1208 = arith.constant 0 : i32
      %dma_start3A_1209 = tpu.memref_slice %arg6[%dma_start3A_1208, %multiple_of3A_1202] : memref<32x1000000xf32, #tpu.memory_space<hbm>> -> memref<32x128xf32, #tpu.memory_space<hbm>>
      %dma_start3A_1210 = arith.constant 0 : i32
      %dma_start3A_1211 = arith.constant 0 : i32
      %dma_start3A_1212 = tpu.memref_slice %arg13[%dma_start3A_1203, %dma_start3A_1210, %dma_start3A_1211] : memref<6x32x128xf32, #tpu.memory_space<vmem>> -> memref<1x32x128xf32, #tpu.memory_space<vmem>>
      %dma_start3A_1213 = tpu.memref_squeeze %dma_start3A_1212 : memref<1x32x128xf32, #tpu.memory_space<vmem>> -> memref<32x128xf32, #tpu.memory_space<vmem>>
      %dma_start3A_1214 = arith.constant 0 : i32
      %dma_start3A_1215 = tpu.memref_slice %arg6[%dma_start3A_1214, %multiple_of3A_1202] : memref<32x1000000xf32, #tpu.memory_space<hbm>> -> memref<32x128xf32, #tpu.memory_space<hbm>>
      tpu.enqueue_dma source(%dma_start3A_1215 : memref<32x128xf32, #tpu.memory_space<hbm>>) target(%dma_start3A_1213 : memref<32x128xf32, #tpu.memory_space<vmem>>) target_semaphore(%arg17 : memref<!tpu.dma_semaphore, #tpu.memory_space<semaphore_mem>>)
      %slice3A_1216 = vector.extract_strided_slice %mul3A_77 {offsets = [9], sizes = [1], strides = [1]} : vector<16xi32> to vector<1xi32>
      %squeeze3A_1217 = vector.extract %slice3A_1216[0] : i32 from vector<1xi32>
      %multiple_of3A_1218 = tpu.assume_multiple %squeeze3A_1217, 128 : i32
      %dma_start3A_1219 = arith.constant 3 : i32
      %dma_start3A_1220 = arith.constant 0 : i32
      %dma_start3A_1221 = arith.constant 0 : i32
      %dma_start3A_1222 = tpu.memref_slice %arg14[%dma_start3A_1219, %dma_start3A_1220, %dma_start3A_1221] : memref<6x32x128xf32, #tpu.memory_space<vmem>> -> memref<1x32x128xf32, #tpu.memory_space<vmem>>
      %dma_start3A_1223 = tpu.memref_squeeze %dma_start3A_1222 : memref<1x32x128xf32, #tpu.memory_space<vmem>> -> memref<32x128xf32, #tpu.memory_space<vmem>>
      %dma_start3A_1224 = arith.constant 0 : i32
      %dma_start3A_1225 = tpu.memref_slice %arg7[%dma_start3A_1224, %multiple_of3A_1218] : memref<32x1000000xf32, #tpu.memory_space<hbm>> -> memref<32x128xf32, #tpu.memory_space<hbm>>
      %dma_start3A_1226 = arith.constant 0 : i32
      %dma_start3A_1227 = arith.constant 0 : i32
      %dma_start3A_1228 = tpu.memref_slice %arg14[%dma_start3A_1219, %dma_start3A_1226, %dma_start3A_1227] : memref<6x32x128xf32, #tpu.memory_space<vmem>> -> memref<1x32x128xf32, #tpu.memory_space<vmem>>
      %dma_start3A_1229 = tpu.memref_squeeze %dma_start3A_1228 : memref<1x32x128xf32, #tpu.memory_space<vmem>> -> memref<32x128xf32, #tpu.memory_space<vmem>>
      %dma_start3A_1230 = arith.constant 0 : i32
      %dma_start3A_1231 = tpu.memref_slice %arg7[%dma_start3A_1230, %multiple_of3A_1218] : memref<32x1000000xf32, #tpu.memory_space<hbm>> -> memref<32x128xf32, #tpu.memory_space<hbm>>
      tpu.enqueue_dma source(%dma_start3A_1231 : memref<32x128xf32, #tpu.memory_space<hbm>>) target(%dma_start3A_1229 : memref<32x128xf32, #tpu.memory_space<vmem>>) target_semaphore(%arg17 : memref<!tpu.dma_semaphore, #tpu.memory_space<semaphore_mem>>)
      %dma_wait3A_1232 = arith.constant 4 : i32
      %dma_wait3A_1233 = arith.constant 0 : i32
      %dma_wait3A_1234 = arith.constant 0 : i32
      %dma_wait3A_1235 = tpu.memref_slice %arg11[%dma_wait3A_1232, %dma_wait3A_1233, %dma_wait3A_1234] : memref<6x32x128xf32, #tpu.memory_space<vmem>> -> memref<1x32x128xf32, #tpu.memory_space<vmem>>
      %dma_wait3A_1236 = tpu.memref_squeeze %dma_wait3A_1235 : memref<1x32x128xf32, #tpu.memory_space<vmem>> -> memref<32x128xf32, #tpu.memory_space<vmem>>
      %dma_wait3A_1237 = arith.constant 0 : i32
      %dma_wait3A_1238 = tpu.memref_slice %arg4[%dma_wait3A_1237, %multiple_of3A_334] : memref<32x1000000xf32, #tpu.memory_space<hbm>> -> memref<32x128xf32, #tpu.memory_space<hbm>>
      %dma_wait3A_1239 = arith.constant 0 : i32
      %dma_wait3A_1240 = arith.constant 0 : i32
      %dma_wait3A_1241 = tpu.memref_slice %arg11[%dma_wait3A_1232, %dma_wait3A_1239, %dma_wait3A_1240] : memref<6x32x128xf32, #tpu.memory_space<vmem>> -> memref<1x32x128xf32, #tpu.memory_space<vmem>>
      %dma_wait3A_1242 = tpu.memref_squeeze %dma_wait3A_1241 : memref<1x32x128xf32, #tpu.memory_space<vmem>> -> memref<32x128xf32, #tpu.memory_space<vmem>>
      %dma_wait3A_1243 = arith.constant 0 : i32
      %dma_wait3A_1244 = tpu.memref_slice %arg4[%dma_wait3A_1243, %multiple_of3A_334] : memref<32x1000000xf32, #tpu.memory_space<hbm>> -> memref<32x128xf32, #tpu.memory_space<hbm>>
      tpu.wait_dma2 semaphore(%arg18 : memref<!tpu.dma_semaphore, #tpu.memory_space<semaphore_mem>>) src(%dma_wait3A_1244 : memref<32x128xf32, #tpu.memory_space<hbm>>) dst(%dma_wait3A_1242 : memref<32x128xf32, #tpu.memory_space<vmem>>)
      %dma_wait3A_1245 = arith.constant 4 : i32
      %dma_wait3A_1246 = arith.constant 0 : i32
      %dma_wait3A_1247 = arith.constant 0 : i32
      %dma_wait3A_1248 = tpu.memref_slice %arg12[%dma_wait3A_1245, %dma_wait3A_1246, %dma_wait3A_1247] : memref<6x32x128xf32, #tpu.memory_space<vmem>> -> memref<1x32x128xf32, #tpu.memory_space<vmem>>
      %dma_wait3A_1249 = tpu.memref_squeeze %dma_wait3A_1248 : memref<1x32x128xf32, #tpu.memory_space<vmem>> -> memref<32x128xf32, #tpu.memory_space<vmem>>
      %dma_wait3A_1250 = arith.constant 0 : i32
      %dma_wait3A_1251 = tpu.memref_slice %arg5[%dma_wait3A_1250, %multiple_of3A_350] : memref<32x1000000xf32, #tpu.memory_space<hbm>> -> memref<32x128xf32, #tpu.memory_space<hbm>>
      %dma_wait3A_1252 = arith.constant 0 : i32
      %dma_wait3A_1253 = arith.constant 0 : i32
      %dma_wait3A_1254 = tpu.memref_slice %arg12[%dma_wait3A_1245, %dma_wait3A_1252, %dma_wait3A_1253] : memref<6x32x128xf32, #tpu.memory_space<vmem>> -> memref<1x32x128xf32, #tpu.memory_space<vmem>>
      %dma_wait3A_1255 = tpu.memref_squeeze %dma_wait3A_1254 : memref<1x32x128xf32, #tpu.memory_space<vmem>> -> memref<32x128xf32, #tpu.memory_space<vmem>>
      %dma_wait3A_1256 = arith.constant 0 : i32
      %dma_wait3A_1257 = tpu.memref_slice %arg5[%dma_wait3A_1256, %multiple_of3A_350] : memref<32x1000000xf32, #tpu.memory_space<hbm>> -> memref<32x128xf32, #tpu.memory_space<hbm>>
      tpu.wait_dma2 semaphore(%arg18 : memref<!tpu.dma_semaphore, #tpu.memory_space<semaphore_mem>>) src(%dma_wait3A_1257 : memref<32x128xf32, #tpu.memory_space<hbm>>) dst(%dma_wait3A_1255 : memref<32x128xf32, #tpu.memory_space<vmem>>)
      %dma_wait3A_1258 = arith.constant 4 : i32
      %dma_wait3A_1259 = arith.constant 0 : i32
      %dma_wait3A_1260 = arith.constant 0 : i32
      %dma_wait3A_1261 = tpu.memref_slice %arg13[%dma_wait3A_1258, %dma_wait3A_1259, %dma_wait3A_1260] : memref<6x32x128xf32, #tpu.memory_space<vmem>> -> memref<1x32x128xf32, #tpu.memory_space<vmem>>
      %dma_wait3A_1262 = tpu.memref_squeeze %dma_wait3A_1261 : memref<1x32x128xf32, #tpu.memory_space<vmem>> -> memref<32x128xf32, #tpu.memory_space<vmem>>
      %dma_wait3A_1263 = arith.constant 0 : i32
      %dma_wait3A_1264 = tpu.memref_slice %arg6[%dma_wait3A_1263, %multiple_of3A_366] : memref<32x1000000xf32, #tpu.memory_space<hbm>> -> memref<32x128xf32, #tpu.memory_space<hbm>>
      %dma_wait3A_1265 = arith.constant 0 : i32
      %dma_wait3A_1266 = arith.constant 0 : i32
      %dma_wait3A_1267 = tpu.memref_slice %arg13[%dma_wait3A_1258, %dma_wait3A_1265, %dma_wait3A_1266] : memref<6x32x128xf32, #tpu.memory_space<vmem>> -> memref<1x32x128xf32, #tpu.memory_space<vmem>>
      %dma_wait3A_1268 = tpu.memref_squeeze %dma_wait3A_1267 : memref<1x32x128xf32, #tpu.memory_space<vmem>> -> memref<32x128xf32, #tpu.memory_space<vmem>>
      %dma_wait3A_1269 = arith.constant 0 : i32
      %dma_wait3A_1270 = tpu.memref_slice %arg6[%dma_wait3A_1269, %multiple_of3A_366] : memref<32x1000000xf32, #tpu.memory_space<hbm>> -> memref<32x128xf32, #tpu.memory_space<hbm>>
      tpu.wait_dma2 semaphore(%arg18 : memref<!tpu.dma_semaphore, #tpu.memory_space<semaphore_mem>>) src(%dma_wait3A_1270 : memref<32x128xf32, #tpu.memory_space<hbm>>) dst(%dma_wait3A_1268 : memref<32x128xf32, #tpu.memory_space<vmem>>)
      %dma_wait3A_1271 = arith.constant 4 : i32
      %dma_wait3A_1272 = arith.constant 0 : i32
      %dma_wait3A_1273 = arith.constant 0 : i32
      %dma_wait3A_1274 = tpu.memref_slice %arg14[%dma_wait3A_1271, %dma_wait3A_1272, %dma_wait3A_1273] : memref<6x32x128xf32, #tpu.memory_space<vmem>> -> memref<1x32x128xf32, #tpu.memory_space<vmem>>
      %dma_wait3A_1275 = tpu.memref_squeeze %dma_wait3A_1274 : memref<1x32x128xf32, #tpu.memory_space<vmem>> -> memref<32x128xf32, #tpu.memory_space<vmem>>
      %dma_wait3A_1276 = arith.constant 0 : i32
      %dma_wait3A_1277 = tpu.memref_slice %arg7[%dma_wait3A_1276, %multiple_of3A_382] : memref<32x1000000xf32, #tpu.memory_space<hbm>> -> memref<32x128xf32, #tpu.memory_space<hbm>>
      %dma_wait3A_1278 = arith.constant 0 : i32
      %dma_wait3A_1279 = arith.constant 0 : i32
      %dma_wait3A_1280 = tpu.memref_slice %arg14[%dma_wait3A_1271, %dma_wait3A_1278, %dma_wait3A_1279] : memref<6x32x128xf32, #tpu.memory_space<vmem>> -> memref<1x32x128xf32, #tpu.memory_space<vmem>>
      %dma_wait3A_1281 = tpu.memref_squeeze %dma_wait3A_1280 : memref<1x32x128xf32, #tpu.memory_space<vmem>> -> memref<32x128xf32, #tpu.memory_space<vmem>>
      %dma_wait3A_1282 = arith.constant 0 : i32
      %dma_wait3A_1283 = tpu.memref_slice %arg7[%dma_wait3A_1282, %multiple_of3A_382] : memref<32x1000000xf32, #tpu.memory_space<hbm>> -> memref<32x128xf32, #tpu.memory_space<hbm>>
      tpu.wait_dma2 semaphore(%arg18 : memref<!tpu.dma_semaphore, #tpu.memory_space<semaphore_mem>>) src(%dma_wait3A_1283 : memref<32x128xf32, #tpu.memory_space<hbm>>) dst(%dma_wait3A_1281 : memref<32x128xf32, #tpu.memory_space<vmem>>)
      %dma_wait3A_1284 = arith.constant 5 : i32
      %dma_wait3A_1285 = arith.constant 0 : i32
      %dma_wait3A_1286 = arith.constant 0 : i32
      %dma_wait3A_1287 = tpu.memref_slice %arg11[%dma_wait3A_1284, %dma_wait3A_1285, %dma_wait3A_1286] : memref<6x32x128xf32, #tpu.memory_space<vmem>> -> memref<1x32x128xf32, #tpu.memory_space<vmem>>
      %dma_wait3A_1288 = tpu.memref_squeeze %dma_wait3A_1287 : memref<1x32x128xf32, #tpu.memory_space<vmem>> -> memref<32x128xf32, #tpu.memory_space<vmem>>
      %dma_wait3A_1289 = arith.constant 0 : i32
      %dma_wait3A_1290 = tpu.memref_slice %arg4[%dma_wait3A_1289, %multiple_of3A_398] : memref<32x1000000xf32, #tpu.memory_space<hbm>> -> memref<32x128xf32, #tpu.memory_space<hbm>>
      %dma_wait3A_1291 = arith.constant 0 : i32
      %dma_wait3A_1292 = arith.constant 0 : i32
      %dma_wait3A_1293 = tpu.memref_slice %arg11[%dma_wait3A_1284, %dma_wait3A_1291, %dma_wait3A_1292] : memref<6x32x128xf32, #tpu.memory_space<vmem>> -> memref<1x32x128xf32, #tpu.memory_space<vmem>>
      %dma_wait3A_1294 = tpu.memref_squeeze %dma_wait3A_1293 : memref<1x32x128xf32, #tpu.memory_space<vmem>> -> memref<32x128xf32, #tpu.memory_space<vmem>>
      %dma_wait3A_1295 = arith.constant 0 : i32
      %dma_wait3A_1296 = tpu.memref_slice %arg4[%dma_wait3A_1295, %multiple_of3A_398] : memref<32x1000000xf32, #tpu.memory_space<hbm>> -> memref<32x128xf32, #tpu.memory_space<hbm>>
      tpu.wait_dma2 semaphore(%arg18 : memref<!tpu.dma_semaphore, #tpu.memory_space<semaphore_mem>>) src(%dma_wait3A_1296 : memref<32x128xf32, #tpu.memory_space<hbm>>) dst(%dma_wait3A_1294 : memref<32x128xf32, #tpu.memory_space<vmem>>)
      %dma_wait3A_1297 = arith.constant 5 : i32
      %dma_wait3A_1298 = arith.constant 0 : i32
      %dma_wait3A_1299 = arith.constant 0 : i32
      %dma_wait3A_1300 = tpu.memref_slice %arg12[%dma_wait3A_1297, %dma_wait3A_1298, %dma_wait3A_1299] : memref<6x32x128xf32, #tpu.memory_space<vmem>> -> memref<1x32x128xf32, #tpu.memory_space<vmem>>
      %dma_wait3A_1301 = tpu.memref_squeeze %dma_wait3A_1300 : memref<1x32x128xf32, #tpu.memory_space<vmem>> -> memref<32x128xf32, #tpu.memory_space<vmem>>
      %dma_wait3A_1302 = arith.constant 0 : i32
      %dma_wait3A_1303 = tpu.memref_slice %arg5[%dma_wait3A_1302, %multiple_of3A_414] : memref<32x1000000xf32, #tpu.memory_space<hbm>> -> memref<32x128xf32, #tpu.memory_space<hbm>>
      %dma_wait3A_1304 = arith.constant 0 : i32
      %dma_wait3A_1305 = arith.constant 0 : i32
      %dma_wait3A_1306 = tpu.memref_slice %arg12[%dma_wait3A_1297, %dma_wait3A_1304, %dma_wait3A_1305] : memref<6x32x128xf32, #tpu.memory_space<vmem>> -> memref<1x32x128xf32, #tpu.memory_space<vmem>>
      %dma_wait3A_1307 = tpu.memref_squeeze %dma_wait3A_1306 : memref<1x32x128xf32, #tpu.memory_space<vmem>> -> memref<32x128xf32, #tpu.memory_space<vmem>>
      %dma_wait3A_1308 = arith.constant 0 : i32
      %dma_wait3A_1309 = tpu.memref_slice %arg5[%dma_wait3A_1308, %multiple_of3A_414] : memref<32x1000000xf32, #tpu.memory_space<hbm>> -> memref<32x128xf32, #tpu.memory_space<hbm>>
      tpu.wait_dma2 semaphore(%arg18 : memref<!tpu.dma_semaphore, #tpu.memory_space<semaphore_mem>>) src(%dma_wait3A_1309 : memref<32x128xf32, #tpu.memory_space<hbm>>) dst(%dma_wait3A_1307 : memref<32x128xf32, #tpu.memory_space<vmem>>)
      %dma_wait3A_1310 = arith.constant 5 : i32
      %dma_wait3A_1311 = arith.constant 0 : i32
      %dma_wait3A_1312 = arith.constant 0 : i32
      %dma_wait3A_1313 = tpu.memref_slice %arg13[%dma_wait3A_1310, %dma_wait3A_1311, %dma_wait3A_1312] : memref<6x32x128xf32, #tpu.memory_space<vmem>> -> memref<1x32x128xf32, #tpu.memory_space<vmem>>
      %dma_wait3A_1314 = tpu.memref_squeeze %dma_wait3A_1313 : memref<1x32x128xf32, #tpu.memory_space<vmem>> -> memref<32x128xf32, #tpu.memory_space<vmem>>
      %dma_wait3A_1315 = arith.constant 0 : i32
      %dma_wait3A_1316 = tpu.memref_slice %arg6[%dma_wait3A_1315, %multiple_of3A_430] : memref<32x1000000xf32, #tpu.memory_space<hbm>> -> memref<32x128xf32, #tpu.memory_space<hbm>>
      %dma_wait3A_1317 = arith.constant 0 : i32
      %dma_wait3A_1318 = arith.constant 0 : i32
      %dma_wait3A_1319 = tpu.memref_slice %arg13[%dma_wait3A_1310, %dma_wait3A_1317, %dma_wait3A_1318] : memref<6x32x128xf32, #tpu.memory_space<vmem>> -> memref<1x32x128xf32, #tpu.memory_space<vmem>>
      %dma_wait3A_1320 = tpu.memref_squeeze %dma_wait3A_1319 : memref<1x32x128xf32, #tpu.memory_space<vmem>> -> memref<32x128xf32, #tpu.memory_space<vmem>>
      %dma_wait3A_1321 = arith.constant 0 : i32
      %dma_wait3A_1322 = tpu.memref_slice %arg6[%dma_wait3A_1321, %multiple_of3A_430] : memref<32x1000000xf32, #tpu.memory_space<hbm>> -> memref<32x128xf32, #tpu.memory_space<hbm>>
      tpu.wait_dma2 semaphore(%arg18 : memref<!tpu.dma_semaphore, #tpu.memory_space<semaphore_mem>>) src(%dma_wait3A_1322 : memref<32x128xf32, #tpu.memory_space<hbm>>) dst(%dma_wait3A_1320 : memref<32x128xf32, #tpu.memory_space<vmem>>)
      %dma_wait3A_1323 = arith.constant 5 : i32
      %dma_wait3A_1324 = arith.constant 0 : i32
      %dma_wait3A_1325 = arith.constant 0 : i32
      %dma_wait3A_1326 = tpu.memref_slice %arg14[%dma_wait3A_1323, %dma_wait3A_1324, %dma_wait3A_1325] : memref<6x32x128xf32, #tpu.memory_space<vmem>> -> memref<1x32x128xf32, #tpu.memory_space<vmem>>
      %dma_wait3A_1327 = tpu.memref_squeeze %dma_wait3A_1326 : memref<1x32x128xf32, #tpu.memory_space<vmem>> -> memref<32x128xf32, #tpu.memory_space<vmem>>
      %dma_wait3A_1328 = arith.constant 0 : i32
      %dma_wait3A_1329 = tpu.memref_slice %arg7[%dma_wait3A_1328, %multiple_of3A_446] : memref<32x1000000xf32, #tpu.memory_space<hbm>> -> memref<32x128xf32, #tpu.memory_space<hbm>>
      %dma_wait3A_1330 = arith.constant 0 : i32
      %dma_wait3A_1331 = arith.constant 0 : i32
      %dma_wait3A_1332 = tpu.memref_slice %arg14[%dma_wait3A_1323, %dma_wait3A_1330, %dma_wait3A_1331] : memref<6x32x128xf32, #tpu.memory_space<vmem>> -> memref<1x32x128xf32, #tpu.memory_space<vmem>>
      %dma_wait3A_1333 = tpu.memref_squeeze %dma_wait3A_1332 : memref<1x32x128xf32, #tpu.memory_space<vmem>> -> memref<32x128xf32, #tpu.memory_space<vmem>>
      %dma_wait3A_1334 = arith.constant 0 : i32
      %dma_wait3A_1335 = tpu.memref_slice %arg7[%dma_wait3A_1334, %multiple_of3A_446] : memref<32x1000000xf32, #tpu.memory_space<hbm>> -> memref<32x128xf32, #tpu.memory_space<hbm>>
      tpu.wait_dma2 semaphore(%arg18 : memref<!tpu.dma_semaphore, #tpu.memory_space<semaphore_mem>>) src(%dma_wait3A_1335 : memref<32x128xf32, #tpu.memory_space<hbm>>) dst(%dma_wait3A_1333 : memref<32x128xf32, #tpu.memory_space<vmem>>)
      %broadcast_in_dim3A_1336 = arith.constant 4 : i32
      %broadcast_in_dim3A_1337 = vector.broadcast %broadcast_in_dim3A_1336 : i32 to vector<16xi32>
      %slice3A_1338 = vector.extract_strided_slice %sub3A_78 {offsets = [4], sizes = [1], strides = [1]} : vector<16xi32> to vector<1xi32>
      %squeeze3A_1339 = vector.extract %slice3A_1338[0] : i32 from vector<1xi32>
      %broadcast_in_dim3A_1340 = vector.broadcast %squeeze3A_1339 : i32 to vector<16xi32>
      %add3A_1341 = arith.constant 0 : i32
      %add3A_1342 = vector.broadcast %add3A_1341 : i32 to vector<16xi32>
      %add3A_1343 = arith.addi %add3A_1342, %iota3A : vector<16xi32>
      %gather3A_1344 = tpu.vector_load_idx %arg11[%broadcast_in_dim3A_1337, %add3A_1343, %broadcast_in_dim3A_1340] : memref<6x32x128xf32, #tpu.memory_space<vmem>>[vector<16xi32>, vector<16xi32>, vector<16xi32>], vector<16xf32>,
      %swap3A_1345 = arith.constant 4 : i32
      %swap3A_1346 = arith.index_cast %swap3A_1345 : i32 to index
      %swap3A_1347 = arith.constant 0 : index
      %swap3A_1348 = tpu.vector_load %arg15[%swap3A_1346, %swap3A_1347] {strides = array<i32>} : memref<16x128xf32, #tpu.memory_space<vmem>>, vector<16xf32>,
      tpu.vector_store %arg15[%swap3A_1346, %swap3A_1347], %gather3A_1344 {strides = array<i32>} : memref<16x128xf32, #tpu.memory_space<vmem>>, vector<16xf32>,
      %add3A_1349 = arith.constant 16 : i32
      %add3A_1350 = vector.broadcast %add3A_1349 : i32 to vector<16xi32>
      %add3A_1351 = arith.addi %add3A_1350, %iota3A : vector<16xi32>
      %gather3A_1352 = tpu.vector_load_idx %arg11[%broadcast_in_dim3A_1337, %add3A_1351, %broadcast_in_dim3A_1340] : memref<6x32x128xf32, #tpu.memory_space<vmem>>[vector<16xi32>, vector<16xi32>, vector<16xi32>], vector<16xf32>,
      %swap3A_1353 = arith.constant 4 : i32
      %swap3A_1354 = arith.index_cast %swap3A_1353 : i32 to index
      %swap3A_1355 = arith.constant 16 : index
      %swap3A_1356 = tpu.vector_load %arg15[%swap3A_1354, %swap3A_1355] {strides = array<i32>} : memref<16x128xf32, #tpu.memory_space<vmem>>, vector<16xf32>,
      tpu.vector_store %arg15[%swap3A_1354, %swap3A_1355], %gather3A_1352 {strides = array<i32>} : memref<16x128xf32, #tpu.memory_space<vmem>>, vector<16xf32>,
      %slice3A_1357 = vector.extract_strided_slice %sub3A_79 {offsets = [4], sizes = [1], strides = [1]} : vector<16xi32> to vector<1xi32>
      %squeeze3A_1358 = vector.extract %slice3A_1357[0] : i32 from vector<1xi32>
      %broadcast_in_dim3A_1359 = vector.broadcast %squeeze3A_1358 : i32 to vector<16xi32>
      %add3A_1360 = arith.constant 0 : i32
      %add3A_1361 = vector.broadcast %add3A_1360 : i32 to vector<16xi32>
      %add3A_1362 = arith.addi %add3A_1361, %iota3A : vector<16xi32>
      %gather3A_1363 = tpu.vector_load_idx %arg12[%broadcast_in_dim3A_1337, %add3A_1362, %broadcast_in_dim3A_1359] : memref<6x32x128xf32, #tpu.memory_space<vmem>>[vector<16xi32>, vector<16xi32>, vector<16xi32>], vector<16xf32>,
      %swap3A_1364 = arith.constant 4 : i32
      %swap3A_1365 = arith.index_cast %swap3A_1364 : i32 to index
      %swap3A_1366 = arith.constant 32 : index
      %swap3A_1367 = tpu.vector_load %arg15[%swap3A_1365, %swap3A_1366] {strides = array<i32>} : memref<16x128xf32, #tpu.memory_space<vmem>>, vector<16xf32>,
      tpu.vector_store %arg15[%swap3A_1365, %swap3A_1366], %gather3A_1363 {strides = array<i32>} : memref<16x128xf32, #tpu.memory_space<vmem>>, vector<16xf32>,
      %add3A_1368 = arith.constant 16 : i32
      %add3A_1369 = vector.broadcast %add3A_1368 : i32 to vector<16xi32>
      %add3A_1370 = arith.addi %add3A_1369, %iota3A : vector<16xi32>
      %gather3A_1371 = tpu.vector_load_idx %arg12[%broadcast_in_dim3A_1337, %add3A_1370, %broadcast_in_dim3A_1359] : memref<6x32x128xf32, #tpu.memory_space<vmem>>[vector<16xi32>, vector<16xi32>, vector<16xi32>], vector<16xf32>,
      %swap3A_1372 = arith.constant 4 : i32
      %swap3A_1373 = arith.index_cast %swap3A_1372 : i32 to index
      %swap3A_1374 = arith.constant 48 : index
      %swap3A_1375 = tpu.vector_load %arg15[%swap3A_1373, %swap3A_1374] {strides = array<i32>} : memref<16x128xf32, #tpu.memory_space<vmem>>, vector<16xf32>,
      tpu.vector_store %arg15[%swap3A_1373, %swap3A_1374], %gather3A_1371 {strides = array<i32>} : memref<16x128xf32, #tpu.memory_space<vmem>>, vector<16xf32>,
      %slice3A_1376 = vector.extract_strided_slice %sub3A_78 {offsets = [4], sizes = [1], strides = [1]} : vector<16xi32> to vector<1xi32>
      %squeeze3A_1377 = vector.extract %slice3A_1376[0] : i32 from vector<1xi32>
      %broadcast_in_dim3A_1378 = vector.broadcast %squeeze3A_1377 : i32 to vector<16xi32>
      %add3A_1379 = arith.constant 0 : i32
      %add3A_1380 = vector.broadcast %add3A_1379 : i32 to vector<16xi32>
      %add3A_1381 = arith.addi %add3A_1380, %iota3A : vector<16xi32>
      %gather3A_1382 = tpu.vector_load_idx %arg13[%broadcast_in_dim3A_1337, %add3A_1381, %broadcast_in_dim3A_1378] : memref<6x32x128xf32, #tpu.memory_space<vmem>>[vector<16xi32>, vector<16xi32>, vector<16xi32>], vector<16xf32>,
      %swap3A_1383 = arith.constant 4 : i32
      %swap3A_1384 = arith.index_cast %swap3A_1383 : i32 to index
      %swap3A_1385 = arith.constant 64 : index
      %swap3A_1386 = tpu.vector_load %arg15[%swap3A_1384, %swap3A_1385] {strides = array<i32>} : memref<16x128xf32, #tpu.memory_space<vmem>>, vector<16xf32>,
      tpu.vector_store %arg15[%swap3A_1384, %swap3A_1385], %gather3A_1382 {strides = array<i32>} : memref<16x128xf32, #tpu.memory_space<vmem>>, vector<16xf32>,
      %add3A_1387 = arith.constant 16 : i32
      %add3A_1388 = vector.broadcast %add3A_1387 : i32 to vector<16xi32>
      %add3A_1389 = arith.addi %add3A_1388, %iota3A : vector<16xi32>
      %gather3A_1390 = tpu.vector_load_idx %arg13[%broadcast_in_dim3A_1337, %add3A_1389, %broadcast_in_dim3A_1378] : memref<6x32x128xf32, #tpu.memory_space<vmem>>[vector<16xi32>, vector<16xi32>, vector<16xi32>], vector<16xf32>,
      %swap3A_1391 = arith.constant 4 : i32
      %swap3A_1392 = arith.index_cast %swap3A_1391 : i32 to index
      %swap3A_1393 = arith.constant 80 : index
      %swap3A_1394 = tpu.vector_load %arg15[%swap3A_1392, %swap3A_1393] {strides = array<i32>} : memref<16x128xf32, #tpu.memory_space<vmem>>, vector<16xf32>,
      tpu.vector_store %arg15[%swap3A_1392, %swap3A_1393], %gather3A_1390 {strides = array<i32>} : memref<16x128xf32, #tpu.memory_space<vmem>>, vector<16xf32>,
      %slice3A_1395 = vector.extract_strided_slice %sub3A_79 {offsets = [4], sizes = [1], strides = [1]} : vector<16xi32> to vector<1xi32>
      %squeeze3A_1396 = vector.extract %slice3A_1395[0] : i32 from vector<1xi32>
      %broadcast_in_dim3A_1397 = vector.broadcast %squeeze3A_1396 : i32 to vector<16xi32>
      %add3A_1398 = arith.constant 0 : i32
      %add3A_1399 = vector.broadcast %add3A_1398 : i32 to vector<16xi32>
      %add3A_1400 = arith.addi %add3A_1399, %iota3A : vector<16xi32>
      %gather3A_1401 = tpu.vector_load_idx %arg14[%broadcast_in_dim3A_1337, %add3A_1400, %broadcast_in_dim3A_1397] : memref<6x32x128xf32, #tpu.memory_space<vmem>>[vector<16xi32>, vector<16xi32>, vector<16xi32>], vector<16xf32>,
      %swap3A_1402 = arith.constant 4 : i32
      %swap3A_1403 = arith.index_cast %swap3A_1402 : i32 to index
      %swap3A_1404 = arith.constant 96 : index
      %swap3A_1405 = tpu.vector_load %arg15[%swap3A_1403, %swap3A_1404] {strides = array<i32>} : memref<16x128xf32, #tpu.memory_space<vmem>>, vector<16xf32>,
      tpu.vector_store %arg15[%swap3A_1403, %swap3A_1404], %gather3A_1401 {strides = array<i32>} : memref<16x128xf32, #tpu.memory_space<vmem>>, vector<16xf32>,
      %add3A_1406 = arith.constant 16 : i32
      %add3A_1407 = vector.broadcast %add3A_1406 : i32 to vector<16xi32>
      %add3A_1408 = arith.addi %add3A_1407, %iota3A : vector<16xi32>
      %gather3A_1409 = tpu.vector_load_idx %arg14[%broadcast_in_dim3A_1337, %add3A_1408, %broadcast_in_dim3A_1397] : memref<6x32x128xf32, #tpu.memory_space<vmem>>[vector<16xi32>, vector<16xi32>, vector<16xi32>], vector<16xf32>,
      %swap3A_1410 = arith.constant 4 : i32
      %swap3A_1411 = arith.index_cast %swap3A_1410 : i32 to index
      %swap3A_1412 = arith.constant 112 : index
      %swap3A_1413 = tpu.vector_load %arg15[%swap3A_1411, %swap3A_1412] {strides = array<i32>} : memref<16x128xf32, #tpu.memory_space<vmem>>, vector<16xf32>,
      tpu.vector_store %arg15[%swap3A_1411, %swap3A_1412], %gather3A_1409 {strides = array<i32>} : memref<16x128xf32, #tpu.memory_space<vmem>>, vector<16xf32>,
      %broadcast_in_dim3A_1414 = arith.constant 5 : i32
      %broadcast_in_dim3A_1415 = vector.broadcast %broadcast_in_dim3A_1414 : i32 to vector<16xi32>
      %slice3A_1416 = vector.extract_strided_slice %sub3A_78 {offsets = [5], sizes = [1], strides = [1]} : vector<16xi32> to vector<1xi32>
      %squeeze3A_1417 = vector.extract %slice3A_1416[0] : i32 from vector<1xi32>
      %broadcast_in_dim3A_1418 = vector.broadcast %squeeze3A_1417 : i32 to vector<16xi32>
      %add3A_1419 = arith.constant 0 : i32
      %add3A_1420 = vector.broadcast %add3A_1419 : i32 to vector<16xi32>
      %add3A_1421 = arith.addi %add3A_1420, %iota3A : vector<16xi32>
      %gather3A_1422 = tpu.vector_load_idx %arg11[%broadcast_in_dim3A_1415, %add3A_1421, %broadcast_in_dim3A_1418] : memref<6x32x128xf32, #tpu.memory_space<vmem>>[vector<16xi32>, vector<16xi32>, vector<16xi32>], vector<16xf32>,
      %swap3A_1423 = arith.constant 5 : i32
      %swap3A_1424 = arith.index_cast %swap3A_1423 : i32 to index
      %swap3A_1425 = arith.constant 0 : index
      %swap3A_1426 = tpu.vector_load %arg15[%swap3A_1424, %swap3A_1425] {strides = array<i32>} : memref<16x128xf32, #tpu.memory_space<vmem>>, vector<16xf32>,
      tpu.vector_store %arg15[%swap3A_1424, %swap3A_1425], %gather3A_1422 {strides = array<i32>} : memref<16x128xf32, #tpu.memory_space<vmem>>, vector<16xf32>,
      %add3A_1427 = arith.constant 16 : i32
      %add3A_1428 = vector.broadcast %add3A_1427 : i32 to vector<16xi32>
      %add3A_1429 = arith.addi %add3A_1428, %iota3A : vector<16xi32>
      %gather3A_1430 = tpu.vector_load_idx %arg11[%broadcast_in_dim3A_1415, %add3A_1429, %broadcast_in_dim3A_1418] : memref<6x32x128xf32, #tpu.memory_space<vmem>>[vector<16xi32>, vector<16xi32>, vector<16xi32>], vector<16xf32>,
      %swap3A_1431 = arith.constant 5 : i32
      %swap3A_1432 = arith.index_cast %swap3A_1431 : i32 to index
      %swap3A_1433 = arith.constant 16 : index
      %swap3A_1434 = tpu.vector_load %arg15[%swap3A_1432, %swap3A_1433] {strides = array<i32>} : memref<16x128xf32, #tpu.memory_space<vmem>>, vector<16xf32>,
      tpu.vector_store %arg15[%swap3A_1432, %swap3A_1433], %gather3A_1430 {strides = array<i32>} : memref<16x128xf32, #tpu.memory_space<vmem>>, vector<16xf32>,
      %slice3A_1435 = vector.extract_strided_slice %sub3A_79 {offsets = [5], sizes = [1], strides = [1]} : vector<16xi32> to vector<1xi32>
      %squeeze3A_1436 = vector.extract %slice3A_1435[0] : i32 from vector<1xi32>
      %broadcast_in_dim3A_1437 = vector.broadcast %squeeze3A_1436 : i32 to vector<16xi32>
      %add3A_1438 = arith.constant 0 : i32
      %add3A_1439 = vector.broadcast %add3A_1438 : i32 to vector<16xi32>
      %add3A_1440 = arith.addi %add3A_1439, %iota3A : vector<16xi32>
      %gather3A_1441 = tpu.vector_load_idx %arg12[%broadcast_in_dim3A_1415, %add3A_1440, %broadcast_in_dim3A_1437] : memref<6x32x128xf32, #tpu.memory_space<vmem>>[vector<16xi32>, vector<16xi32>, vector<16xi32>], vector<16xf32>,
      %swap3A_1442 = arith.constant 5 : i32
      %swap3A_1443 = arith.index_cast %swap3A_1442 : i32 to index
      %swap3A_1444 = arith.constant 32 : index
      %swap3A_1445 = tpu.vector_load %arg15[%swap3A_1443, %swap3A_1444] {strides = array<i32>} : memref<16x128xf32, #tpu.memory_space<vmem>>, vector<16xf32>,
      tpu.vector_store %arg15[%swap3A_1443, %swap3A_1444], %gather3A_1441 {strides = array<i32>} : memref<16x128xf32, #tpu.memory_space<vmem>>, vector<16xf32>,
      %add3A_1446 = arith.constant 16 : i32
      %add3A_1447 = vector.broadcast %add3A_1446 : i32 to vector<16xi32>
      %add3A_1448 = arith.addi %add3A_1447, %iota3A : vector<16xi32>
      %gather3A_1449 = tpu.vector_load_idx %arg12[%broadcast_in_dim3A_1415, %add3A_1448, %broadcast_in_dim3A_1437] : memref<6x32x128xf32, #tpu.memory_space<vmem>>[vector<16xi32>, vector<16xi32>, vector<16xi32>], vector<16xf32>,
      %swap3A_1450 = arith.constant 5 : i32
      %swap3A_1451 = arith.index_cast %swap3A_1450 : i32 to index
      %swap3A_1452 = arith.constant 48 : index
      %swap3A_1453 = tpu.vector_load %arg15[%swap3A_1451, %swap3A_1452] {strides = array<i32>} : memref<16x128xf32, #tpu.memory_space<vmem>>, vector<16xf32>,
      tpu.vector_store %arg15[%swap3A_1451, %swap3A_1452], %gather3A_1449 {strides = array<i32>} : memref<16x128xf32, #tpu.memory_space<vmem>>, vector<16xf32>,
      %slice3A_1454 = vector.extract_strided_slice %sub3A_78 {offsets = [5], sizes = [1], strides = [1]} : vector<16xi32> to vector<1xi32>
      %squeeze3A_1455 = vector.extract %slice3A_1454[0] : i32 from vector<1xi32>
      %broadcast_in_dim3A_1456 = vector.broadcast %squeeze3A_1455 : i32 to vector<16xi32>
      %add3A_1457 = arith.constant 0 : i32
      %add3A_1458 = vector.broadcast %add3A_1457 : i32 to vector<16xi32>
      %add3A_1459 = arith.addi %add3A_1458, %iota3A : vector<16xi32>
      %gather3A_1460 = tpu.vector_load_idx %arg13[%broadcast_in_dim3A_1415, %add3A_1459, %broadcast_in_dim3A_1456] : memref<6x32x128xf32, #tpu.memory_space<vmem>>[vector<16xi32>, vector<16xi32>, vector<16xi32>], vector<16xf32>,
      %swap3A_1461 = arith.constant 5 : i32
      %swap3A_1462 = arith.index_cast %swap3A_1461 : i32 to index
      %swap3A_1463 = arith.constant 64 : index
      %swap3A_1464 = tpu.vector_load %arg15[%swap3A_1462, %swap3A_1463] {strides = array<i32>} : memref<16x128xf32, #tpu.memory_space<vmem>>, vector<16xf32>,
      tpu.vector_store %arg15[%swap3A_1462, %swap3A_1463], %gather3A_1460 {strides = array<i32>} : memref<16x128xf32, #tpu.memory_space<vmem>>, vector<16xf32>,
      %add3A_1465 = arith.constant 16 : i32
      %add3A_1466 = vector.broadcast %add3A_1465 : i32 to vector<16xi32>
      %add3A_1467 = arith.addi %add3A_1466, %iota3A : vector<16xi32>
      %gather3A_1468 = tpu.vector_load_idx %arg13[%broadcast_in_dim3A_1415, %add3A_1467, %broadcast_in_dim3A_1456] : memref<6x32x128xf32, #tpu.memory_space<vmem>>[vector<16xi32>, vector<16xi32>, vector<16xi32>], vector<16xf32>,
      %swap3A_1469 = arith.constant 5 : i32
      %swap3A_1470 = arith.index_cast %swap3A_1469 : i32 to index
      %swap3A_1471 = arith.constant 80 : index
      %swap3A_1472 = tpu.vector_load %arg15[%swap3A_1470, %swap3A_1471] {strides = array<i32>} : memref<16x128xf32, #tpu.memory_space<vmem>>, vector<16xf32>,
      tpu.vector_store %arg15[%swap3A_1470, %swap3A_1471], %gather3A_1468 {strides = array<i32>} : memref<16x128xf32, #tpu.memory_space<vmem>>, vector<16xf32>,
      %slice3A_1473 = vector.extract_strided_slice %sub3A_79 {offsets = [5], sizes = [1], strides = [1]} : vector<16xi32> to vector<1xi32>
      %squeeze3A_1474 = vector.extract %slice3A_1473[0] : i32 from vector<1xi32>
      %broadcast_in_dim3A_1475 = vector.broadcast %squeeze3A_1474 : i32 to vector<16xi32>
      %add3A_1476 = arith.constant 0 : i32
      %add3A_1477 = vector.broadcast %add3A_1476 : i32 to vector<16xi32>
      %add3A_1478 = arith.addi %add3A_1477, %iota3A : vector<16xi32>
      %gather3A_1479 = tpu.vector_load_idx %arg14[%broadcast_in_dim3A_1415, %add3A_1478, %broadcast_in_dim3A_1475] : memref<6x32x128xf32, #tpu.memory_space<vmem>>[vector<16xi32>, vector<16xi32>, vector<16xi32>], vector<16xf32>,
      %swap3A_1480 = arith.constant 5 : i32
      %swap3A_1481 = arith.index_cast %swap3A_1480 : i32 to index
      %swap3A_1482 = arith.constant 96 : index
      %swap3A_1483 = tpu.vector_load %arg15[%swap3A_1481, %swap3A_1482] {strides = array<i32>} : memref<16x128xf32, #tpu.memory_space<vmem>>, vector<16xf32>,
      tpu.vector_store %arg15[%swap3A_1481, %swap3A_1482], %gather3A_1479 {strides = array<i32>} : memref<16x128xf32, #tpu.memory_space<vmem>>, vector<16xf32>,
      %add3A_1484 = arith.constant 16 : i32
      %add3A_1485 = vector.broadcast %add3A_1484 : i32 to vector<16xi32>
      %add3A_1486 = arith.addi %add3A_1485, %iota3A : vector<16xi32>
      %gather3A_1487 = tpu.vector_load_idx %arg14[%broadcast_in_dim3A_1415, %add3A_1486, %broadcast_in_dim3A_1475] : memref<6x32x128xf32, #tpu.memory_space<vmem>>[vector<16xi32>, vector<16xi32>, vector<16xi32>], vector<16xf32>,
      %swap3A_1488 = arith.constant 5 : i32
      %swap3A_1489 = arith.index_cast %swap3A_1488 : i32 to index
      %swap3A_1490 = arith.constant 112 : index
      %swap3A_1491 = tpu.vector_load %arg15[%swap3A_1489, %swap3A_1490] {strides = array<i32>} : memref<16x128xf32, #tpu.memory_space<vmem>>, vector<16xf32>,
      tpu.vector_store %arg15[%swap3A_1489, %swap3A_1490], %gather3A_1487 {strides = array<i32>} : memref<16x128xf32, #tpu.memory_space<vmem>>, vector<16xf32>,
      %slice3A_1492 = vector.extract_strided_slice %mul3A_43 {offsets = [10], sizes = [1], strides = [1]} : vector<16xi32> to vector<1xi32>
      %squeeze3A_1493 = vector.extract %slice3A_1492[0] : i32 from vector<1xi32>
      %multiple_of3A_1494 = tpu.assume_multiple %squeeze3A_1493, 128 : i32
      %dma_start3A_1495 = arith.constant 4 : i32
      %dma_start3A_1496 = arith.constant 0 : i32
      %dma_start3A_1497 = arith.constant 0 : i32
      %dma_start3A_1498 = tpu.memref_slice %arg11[%dma_start3A_1495, %dma_start3A_1496, %dma_start3A_1497] : memref<6x32x128xf32, #tpu.memory_space<vmem>> -> memref<1x32x128xf32, #tpu.memory_space<vmem>>
      %dma_start3A_1499 = tpu.memref_squeeze %dma_start3A_1498 : memref<1x32x128xf32, #tpu.memory_space<vmem>> -> memref<32x128xf32, #tpu.memory_space<vmem>>
      %dma_start3A_1500 = arith.constant 0 : i32
      %dma_start3A_1501 = tpu.memref_slice %arg4[%dma_start3A_1500, %multiple_of3A_1494] : memref<32x1000000xf32, #tpu.memory_space<hbm>> -> memref<32x128xf32, #tpu.memory_space<hbm>>
      %dma_start3A_1502 = arith.constant 0 : i32
      %dma_start3A_1503 = arith.constant 0 : i32
      %dma_start3A_1504 = tpu.memref_slice %arg11[%dma_start3A_1495, %dma_start3A_1502, %dma_start3A_1503] : memref<6x32x128xf32, #tpu.memory_space<vmem>> -> memref<1x32x128xf32, #tpu.memory_space<vmem>>
      %dma_start3A_1505 = tpu.memref_squeeze %dma_start3A_1504 : memref<1x32x128xf32, #tpu.memory_space<vmem>> -> memref<32x128xf32, #tpu.memory_space<vmem>>
      %dma_start3A_1506 = arith.constant 0 : i32
      %dma_start3A_1507 = tpu.memref_slice %arg4[%dma_start3A_1506, %multiple_of3A_1494] : memref<32x1000000xf32, #tpu.memory_space<hbm>> -> memref<32x128xf32, #tpu.memory_space<hbm>>
      tpu.enqueue_dma source(%dma_start3A_1507 : memref<32x128xf32, #tpu.memory_space<hbm>>) target(%dma_start3A_1505 : memref<32x128xf32, #tpu.memory_space<vmem>>) target_semaphore(%arg18 : memref<!tpu.dma_semaphore, #tpu.memory_space<semaphore_mem>>)
      %slice3A_1508 = vector.extract_strided_slice %mul3A_77 {offsets = [10], sizes = [1], strides = [1]} : vector<16xi32> to vector<1xi32>
      %squeeze3A_1509 = vector.extract %slice3A_1508[0] : i32 from vector<1xi32>
      %multiple_of3A_1510 = tpu.assume_multiple %squeeze3A_1509, 128 : i32
      %dma_start3A_1511 = arith.constant 4 : i32
      %dma_start3A_1512 = arith.constant 0 : i32
      %dma_start3A_1513 = arith.constant 0 : i32
      %dma_start3A_1514 = tpu.memref_slice %arg12[%dma_start3A_1511, %dma_start3A_1512, %dma_start3A_1513] : memref<6x32x128xf32, #tpu.memory_space<vmem>> -> memref<1x32x128xf32, #tpu.memory_space<vmem>>
      %dma_start3A_1515 = tpu.memref_squeeze %dma_start3A_1514 : memref<1x32x128xf32, #tpu.memory_space<vmem>> -> memref<32x128xf32, #tpu.memory_space<vmem>>
      %dma_start3A_1516 = arith.constant 0 : i32
      %dma_start3A_1517 = tpu.memref_slice %arg5[%dma_start3A_1516, %multiple_of3A_1510] : memref<32x1000000xf32, #tpu.memory_space<hbm>> -> memref<32x128xf32, #tpu.memory_space<hbm>>
      %dma_start3A_1518 = arith.constant 0 : i32
      %dma_start3A_1519 = arith.constant 0 : i32
      %dma_start3A_1520 = tpu.memref_slice %arg12[%dma_start3A_1511, %dma_start3A_1518, %dma_start3A_1519] : memref<6x32x128xf32, #tpu.memory_space<vmem>> -> memref<1x32x128xf32, #tpu.memory_space<vmem>>
      %dma_start3A_1521 = tpu.memref_squeeze %dma_start3A_1520 : memref<1x32x128xf32, #tpu.memory_space<vmem>> -> memref<32x128xf32, #tpu.memory_space<vmem>>
      %dma_start3A_1522 = arith.constant 0 : i32
      %dma_start3A_1523 = tpu.memref_slice %arg5[%dma_start3A_1522, %multiple_of3A_1510] : memref<32x1000000xf32, #tpu.memory_space<hbm>> -> memref<32x128xf32, #tpu.memory_space<hbm>>
      tpu.enqueue_dma source(%dma_start3A_1523 : memref<32x128xf32, #tpu.memory_space<hbm>>) target(%dma_start3A_1521 : memref<32x128xf32, #tpu.memory_space<vmem>>) target_semaphore(%arg18 : memref<!tpu.dma_semaphore, #tpu.memory_space<semaphore_mem>>)
      %slice3A_1524 = vector.extract_strided_slice %mul3A_43 {offsets = [10], sizes = [1], strides = [1]} : vector<16xi32> to vector<1xi32>
      %squeeze3A_1525 = vector.extract %slice3A_1524[0] : i32 from vector<1xi32>
      %multiple_of3A_1526 = tpu.assume_multiple %squeeze3A_1525, 128 : i32
      %dma_start3A_1527 = arith.constant 4 : i32
      %dma_start3A_1528 = arith.constant 0 : i32
      %dma_start3A_1529 = arith.constant 0 : i32
      %dma_start3A_1530 = tpu.memref_slice %arg13[%dma_start3A_1527, %dma_start3A_1528, %dma_start3A_1529] : memref<6x32x128xf32, #tpu.memory_space<vmem>> -> memref<1x32x128xf32, #tpu.memory_space<vmem>>
      %dma_start3A_1531 = tpu.memref_squeeze %dma_start3A_1530 : memref<1x32x128xf32, #tpu.memory_space<vmem>> -> memref<32x128xf32, #tpu.memory_space<vmem>>
      %dma_start3A_1532 = arith.constant 0 : i32
      %dma_start3A_1533 = tpu.memref_slice %arg6[%dma_start3A_1532, %multiple_of3A_1526] : memref<32x1000000xf32, #tpu.memory_space<hbm>> -> memref<32x128xf32, #tpu.memory_space<hbm>>
      %dma_start3A_1534 = arith.constant 0 : i32
      %dma_start3A_1535 = arith.constant 0 : i32
      %dma_start3A_1536 = tpu.memref_slice %arg13[%dma_start3A_1527, %dma_start3A_1534, %dma_start3A_1535] : memref<6x32x128xf32, #tpu.memory_space<vmem>> -> memref<1x32x128xf32, #tpu.memory_space<vmem>>
      %dma_start3A_1537 = tpu.memref_squeeze %dma_start3A_1536 : memref<1x32x128xf32, #tpu.memory_space<vmem>> -> memref<32x128xf32, #tpu.memory_space<vmem>>
      %dma_start3A_1538 = arith.constant 0 : i32
      %dma_start3A_1539 = tpu.memref_slice %arg6[%dma_start3A_1538, %multiple_of3A_1526] : memref<32x1000000xf32, #tpu.memory_space<hbm>> -> memref<32x128xf32, #tpu.memory_space<hbm>>
      tpu.enqueue_dma source(%dma_start3A_1539 : memref<32x128xf32, #tpu.memory_space<hbm>>) target(%dma_start3A_1537 : memref<32x128xf32, #tpu.memory_space<vmem>>) target_semaphore(%arg18 : memref<!tpu.dma_semaphore, #tpu.memory_space<semaphore_mem>>)
      %slice3A_1540 = vector.extract_strided_slice %mul3A_77 {offsets = [10], sizes = [1], strides = [1]} : vector<16xi32> to vector<1xi32>
      %squeeze3A_1541 = vector.extract %slice3A_1540[0] : i32 from vector<1xi32>
      %multiple_of3A_1542 = tpu.assume_multiple %squeeze3A_1541, 128 : i32
      %dma_start3A_1543 = arith.constant 4 : i32
      %dma_start3A_1544 = arith.constant 0 : i32
      %dma_start3A_1545 = arith.constant 0 : i32
      %dma_start3A_1546 = tpu.memref_slice %arg14[%dma_start3A_1543, %dma_start3A_1544, %dma_start3A_1545] : memref<6x32x128xf32, #tpu.memory_space<vmem>> -> memref<1x32x128xf32, #tpu.memory_space<vmem>>
      %dma_start3A_1547 = tpu.memref_squeeze %dma_start3A_1546 : memref<1x32x128xf32, #tpu.memory_space<vmem>> -> memref<32x128xf32, #tpu.memory_space<vmem>>
      %dma_start3A_1548 = arith.constant 0 : i32
      %dma_start3A_1549 = tpu.memref_slice %arg7[%dma_start3A_1548, %multiple_of3A_1542] : memref<32x1000000xf32, #tpu.memory_space<hbm>> -> memref<32x128xf32, #tpu.memory_space<hbm>>
      %dma_start3A_1550 = arith.constant 0 : i32
      %dma_start3A_1551 = arith.constant 0 : i32
      %dma_start3A_1552 = tpu.memref_slice %arg14[%dma_start3A_1543, %dma_start3A_1550, %dma_start3A_1551] : memref<6x32x128xf32, #tpu.memory_space<vmem>> -> memref<1x32x128xf32, #tpu.memory_space<vmem>>
      %dma_start3A_1553 = tpu.memref_squeeze %dma_start3A_1552 : memref<1x32x128xf32, #tpu.memory_space<vmem>> -> memref<32x128xf32, #tpu.memory_space<vmem>>
      %dma_start3A_1554 = arith.constant 0 : i32
      %dma_start3A_1555 = tpu.memref_slice %arg7[%dma_start3A_1554, %multiple_of3A_1542] : memref<32x1000000xf32, #tpu.memory_space<hbm>> -> memref<32x128xf32, #tpu.memory_space<hbm>>
      tpu.enqueue_dma source(%dma_start3A_1555 : memref<32x128xf32, #tpu.memory_space<hbm>>) target(%dma_start3A_1553 : memref<32x128xf32, #tpu.memory_space<vmem>>) target_semaphore(%arg18 : memref<!tpu.dma_semaphore, #tpu.memory_space<semaphore_mem>>)
      %slice3A_1556 = vector.extract_strided_slice %mul3A_43 {offsets = [11], sizes = [1], strides = [1]} : vector<16xi32> to vector<1xi32>
      %squeeze3A_1557 = vector.extract %slice3A_1556[0] : i32 from vector<1xi32>
      %multiple_of3A_1558 = tpu.assume_multiple %squeeze3A_1557, 128 : i32
      %dma_start3A_1559 = arith.constant 5 : i32
      %dma_start3A_1560 = arith.constant 0 : i32
      %dma_start3A_1561 = arith.constant 0 : i32
      %dma_start3A_1562 = tpu.memref_slice %arg11[%dma_start3A_1559, %dma_start3A_1560, %dma_start3A_1561] : memref<6x32x128xf32, #tpu.memory_space<vmem>> -> memref<1x32x128xf32, #tpu.memory_space<vmem>>
      %dma_start3A_1563 = tpu.memref_squeeze %dma_start3A_1562 : memref<1x32x128xf32, #tpu.memory_space<vmem>> -> memref<32x128xf32, #tpu.memory_space<vmem>>
      %dma_start3A_1564 = arith.constant 0 : i32
      %dma_start3A_1565 = tpu.memref_slice %arg4[%dma_start3A_1564, %multiple_of3A_1558] : memref<32x1000000xf32, #tpu.memory_space<hbm>> -> memref<32x128xf32, #tpu.memory_space<hbm>>
      %dma_start3A_1566 = arith.constant 0 : i32
      %dma_start3A_1567 = arith.constant 0 : i32
      %dma_start3A_1568 = tpu.memref_slice %arg11[%dma_start3A_1559, %dma_start3A_1566, %dma_start3A_1567] : memref<6x32x128xf32, #tpu.memory_space<vmem>> -> memref<1x32x128xf32, #tpu.memory_space<vmem>>
      %dma_start3A_1569 = tpu.memref_squeeze %dma_start3A_1568 : memref<1x32x128xf32, #tpu.memory_space<vmem>> -> memref<32x128xf32, #tpu.memory_space<vmem>>
      %dma_start3A_1570 = arith.constant 0 : i32
      %dma_start3A_1571 = tpu.memref_slice %arg4[%dma_start3A_1570, %multiple_of3A_1558] : memref<32x1000000xf32, #tpu.memory_space<hbm>> -> memref<32x128xf32, #tpu.memory_space<hbm>>
      tpu.enqueue_dma source(%dma_start3A_1571 : memref<32x128xf32, #tpu.memory_space<hbm>>) target(%dma_start3A_1569 : memref<32x128xf32, #tpu.memory_space<vmem>>) target_semaphore(%arg18 : memref<!tpu.dma_semaphore, #tpu.memory_space<semaphore_mem>>)
      %slice3A_1572 = vector.extract_strided_slice %mul3A_77 {offsets = [11], sizes = [1], strides = [1]} : vector<16xi32> to vector<1xi32>
      %squeeze3A_1573 = vector.extract %slice3A_1572[0] : i32 from vector<1xi32>
      %multiple_of3A_1574 = tpu.assume_multiple %squeeze3A_1573, 128 : i32
      %dma_start3A_1575 = arith.constant 5 : i32
      %dma_start3A_1576 = arith.constant 0 : i32
      %dma_start3A_1577 = arith.constant 0 : i32
      %dma_start3A_1578 = tpu.memref_slice %arg12[%dma_start3A_1575, %dma_start3A_1576, %dma_start3A_1577] : memref<6x32x128xf32, #tpu.memory_space<vmem>> -> memref<1x32x128xf32, #tpu.memory_space<vmem>>
      %dma_start3A_1579 = tpu.memref_squeeze %dma_start3A_1578 : memref<1x32x128xf32, #tpu.memory_space<vmem>> -> memref<32x128xf32, #tpu.memory_space<vmem>>
      %dma_start3A_1580 = arith.constant 0 : i32
      %dma_start3A_1581 = tpu.memref_slice %arg5[%dma_start3A_1580, %multiple_of3A_1574] : memref<32x1000000xf32, #tpu.memory_space<hbm>> -> memref<32x128xf32, #tpu.memory_space<hbm>>
      %dma_start3A_1582 = arith.constant 0 : i32
      %dma_start3A_1583 = arith.constant 0 : i32
      %dma_start3A_1584 = tpu.memref_slice %arg12[%dma_start3A_1575, %dma_start3A_1582, %dma_start3A_1583] : memref<6x32x128xf32, #tpu.memory_space<vmem>> -> memref<1x32x128xf32, #tpu.memory_space<vmem>>
      %dma_start3A_1585 = tpu.memref_squeeze %dma_start3A_1584 : memref<1x32x128xf32, #tpu.memory_space<vmem>> -> memref<32x128xf32, #tpu.memory_space<vmem>>
      %dma_start3A_1586 = arith.constant 0 : i32
      %dma_start3A_1587 = tpu.memref_slice %arg5[%dma_start3A_1586, %multiple_of3A_1574] : memref<32x1000000xf32, #tpu.memory_space<hbm>> -> memref<32x128xf32, #tpu.memory_space<hbm>>
      tpu.enqueue_dma source(%dma_start3A_1587 : memref<32x128xf32, #tpu.memory_space<hbm>>) target(%dma_start3A_1585 : memref<32x128xf32, #tpu.memory_space<vmem>>) target_semaphore(%arg18 : memref<!tpu.dma_semaphore, #tpu.memory_space<semaphore_mem>>)
      %slice3A_1588 = vector.extract_strided_slice %mul3A_43 {offsets = [11], sizes = [1], strides = [1]} : vector<16xi32> to vector<1xi32>
      %squeeze3A_1589 = vector.extract %slice3A_1588[0] : i32 from vector<1xi32>
      %multiple_of3A_1590 = tpu.assume_multiple %squeeze3A_1589, 128 : i32
      %dma_start3A_1591 = arith.constant 5 : i32
      %dma_start3A_1592 = arith.constant 0 : i32
      %dma_start3A_1593 = arith.constant 0 : i32
      %dma_start3A_1594 = tpu.memref_slice %arg13[%dma_start3A_1591, %dma_start3A_1592, %dma_start3A_1593] : memref<6x32x128xf32, #tpu.memory_space<vmem>> -> memref<1x32x128xf32, #tpu.memory_space<vmem>>
      %dma_start3A_1595 = tpu.memref_squeeze %dma_start3A_1594 : memref<1x32x128xf32, #tpu.memory_space<vmem>> -> memref<32x128xf32, #tpu.memory_space<vmem>>
      %dma_start3A_1596 = arith.constant 0 : i32
      %dma_start3A_1597 = tpu.memref_slice %arg6[%dma_start3A_1596, %multiple_of3A_1590] : memref<32x1000000xf32, #tpu.memory_space<hbm>> -> memref<32x128xf32, #tpu.memory_space<hbm>>
      %dma_start3A_1598 = arith.constant 0 : i32
      %dma_start3A_1599 = arith.constant 0 : i32
      %dma_start3A_1600 = tpu.memref_slice %arg13[%dma_start3A_1591, %dma_start3A_1598, %dma_start3A_1599] : memref<6x32x128xf32, #tpu.memory_space<vmem>> -> memref<1x32x128xf32, #tpu.memory_space<vmem>>
      %dma_start3A_1601 = tpu.memref_squeeze %dma_start3A_1600 : memref<1x32x128xf32, #tpu.memory_space<vmem>> -> memref<32x128xf32, #tpu.memory_space<vmem>>
      %dma_start3A_1602 = arith.constant 0 : i32
      %dma_start3A_1603 = tpu.memref_slice %arg6[%dma_start3A_1602, %multiple_of3A_1590] : memref<32x1000000xf32, #tpu.memory_space<hbm>> -> memref<32x128xf32, #tpu.memory_space<hbm>>
      tpu.enqueue_dma source(%dma_start3A_1603 : memref<32x128xf32, #tpu.memory_space<hbm>>) target(%dma_start3A_1601 : memref<32x128xf32, #tpu.memory_space<vmem>>) target_semaphore(%arg18 : memref<!tpu.dma_semaphore, #tpu.memory_space<semaphore_mem>>)
      %slice3A_1604 = vector.extract_strided_slice %mul3A_77 {offsets = [11], sizes = [1], strides = [1]} : vector<16xi32> to vector<1xi32>
      %squeeze3A_1605 = vector.extract %slice3A_1604[0] : i32 from vector<1xi32>
      %multiple_of3A_1606 = tpu.assume_multiple %squeeze3A_1605, 128 : i32
      %dma_start3A_1607 = arith.constant 5 : i32
      %dma_start3A_1608 = arith.constant 0 : i32
      %dma_start3A_1609 = arith.constant 0 : i32
      %dma_start3A_1610 = tpu.memref_slice %arg14[%dma_start3A_1607, %dma_start3A_1608, %dma_start3A_1609] : memref<6x32x128xf32, #tpu.memory_space<vmem>> -> memref<1x32x128xf32, #tpu.memory_space<vmem>>
      %dma_start3A_1611 = tpu.memref_squeeze %dma_start3A_1610 : memref<1x32x128xf32, #tpu.memory_space<vmem>> -> memref<32x128xf32, #tpu.memory_space<vmem>>
      %dma_start3A_1612 = arith.constant 0 : i32
      %dma_start3A_1613 = tpu.memref_slice %arg7[%dma_start3A_1612, %multiple_of3A_1606] : memref<32x1000000xf32, #tpu.memory_space<hbm>> -> memref<32x128xf32, #tpu.memory_space<hbm>>
      %dma_start3A_1614 = arith.constant 0 : i32
      %dma_start3A_1615 = arith.constant 0 : i32
      %dma_start3A_1616 = tpu.memref_slice %arg14[%dma_start3A_1607, %dma_start3A_1614, %dma_start3A_1615] : memref<6x32x128xf32, #tpu.memory_space<vmem>> -> memref<1x32x128xf32, #tpu.memory_space<vmem>>
      %dma_start3A_1617 = tpu.memref_squeeze %dma_start3A_1616 : memref<1x32x128xf32, #tpu.memory_space<vmem>> -> memref<32x128xf32, #tpu.memory_space<vmem>>
      %dma_start3A_1618 = arith.constant 0 : i32
      %dma_start3A_1619 = tpu.memref_slice %arg7[%dma_start3A_1618, %multiple_of3A_1606] : memref<32x1000000xf32, #tpu.memory_space<hbm>> -> memref<32x128xf32, #tpu.memory_space<hbm>>
      tpu.enqueue_dma source(%dma_start3A_1619 : memref<32x128xf32, #tpu.memory_space<hbm>>) target(%dma_start3A_1617 : memref<32x128xf32, #tpu.memory_space<vmem>>) target_semaphore(%arg18 : memref<!tpu.dma_semaphore, #tpu.memory_space<semaphore_mem>>)
      %dma_wait3A_1620 = arith.constant 0 : i32
      %dma_wait3A_1621 = arith.constant 0 : i32
      %dma_wait3A_1622 = arith.constant 0 : i32
      %dma_wait3A_1623 = tpu.memref_slice %arg11[%dma_wait3A_1620, %dma_wait3A_1621, %dma_wait3A_1622] : memref<6x32x128xf32, #tpu.memory_space<vmem>> -> memref<1x32x128xf32, #tpu.memory_space<vmem>>
      %dma_wait3A_1624 = tpu.memref_squeeze %dma_wait3A_1623 : memref<1x32x128xf32, #tpu.memory_space<vmem>> -> memref<32x128xf32, #tpu.memory_space<vmem>>
      %dma_wait3A_1625 = arith.constant 0 : i32
      %dma_wait3A_1626 = tpu.memref_slice %arg4[%dma_wait3A_1625, %multiple_of3A_718] : memref<32x1000000xf32, #tpu.memory_space<hbm>> -> memref<32x128xf32, #tpu.memory_space<hbm>>
      %dma_wait3A_1627 = arith.constant 0 : i32
      %dma_wait3A_1628 = arith.constant 0 : i32
      %dma_wait3A_1629 = tpu.memref_slice %arg11[%dma_wait3A_1620, %dma_wait3A_1627, %dma_wait3A_1628] : memref<6x32x128xf32, #tpu.memory_space<vmem>> -> memref<1x32x128xf32, #tpu.memory_space<vmem>>
      %dma_wait3A_1630 = tpu.memref_squeeze %dma_wait3A_1629 : memref<1x32x128xf32, #tpu.memory_space<vmem>> -> memref<32x128xf32, #tpu.memory_space<vmem>>
      %dma_wait3A_1631 = arith.constant 0 : i32
      %dma_wait3A_1632 = tpu.memref_slice %arg4[%dma_wait3A_1631, %multiple_of3A_718] : memref<32x1000000xf32, #tpu.memory_space<hbm>> -> memref<32x128xf32, #tpu.memory_space<hbm>>
      tpu.wait_dma2 semaphore(%arg16 : memref<!tpu.dma_semaphore, #tpu.memory_space<semaphore_mem>>) src(%dma_wait3A_1632 : memref<32x128xf32, #tpu.memory_space<hbm>>) dst(%dma_wait3A_1630 : memref<32x128xf32, #tpu.memory_space<vmem>>)
      %dma_wait3A_1633 = arith.constant 0 : i32
      %dma_wait3A_1634 = arith.constant 0 : i32
      %dma_wait3A_1635 = arith.constant 0 : i32
      %dma_wait3A_1636 = tpu.memref_slice %arg12[%dma_wait3A_1633, %dma_wait3A_1634, %dma_wait3A_1635] : memref<6x32x128xf32, #tpu.memory_space<vmem>> -> memref<1x32x128xf32, #tpu.memory_space<vmem>>
      %dma_wait3A_1637 = tpu.memref_squeeze %dma_wait3A_1636 : memref<1x32x128xf32, #tpu.memory_space<vmem>> -> memref<32x128xf32, #tpu.memory_space<vmem>>
      %dma_wait3A_1638 = arith.constant 0 : i32
      %dma_wait3A_1639 = tpu.memref_slice %arg5[%dma_wait3A_1638, %multiple_of3A_734] : memref<32x1000000xf32, #tpu.memory_space<hbm>> -> memref<32x128xf32, #tpu.memory_space<hbm>>
      %dma_wait3A_1640 = arith.constant 0 : i32
      %dma_wait3A_1641 = arith.constant 0 : i32
      %dma_wait3A_1642 = tpu.memref_slice %arg12[%dma_wait3A_1633, %dma_wait3A_1640, %dma_wait3A_1641] : memref<6x32x128xf32, #tpu.memory_space<vmem>> -> memref<1x32x128xf32, #tpu.memory_space<vmem>>
      %dma_wait3A_1643 = tpu.memref_squeeze %dma_wait3A_1642 : memref<1x32x128xf32, #tpu.memory_space<vmem>> -> memref<32x128xf32, #tpu.memory_space<vmem>>
      %dma_wait3A_1644 = arith.constant 0 : i32
      %dma_wait3A_1645 = tpu.memref_slice %arg5[%dma_wait3A_1644, %multiple_of3A_734] : memref<32x1000000xf32, #tpu.memory_space<hbm>> -> memref<32x128xf32, #tpu.memory_space<hbm>>
      tpu.wait_dma2 semaphore(%arg16 : memref<!tpu.dma_semaphore, #tpu.memory_space<semaphore_mem>>) src(%dma_wait3A_1645 : memref<32x128xf32, #tpu.memory_space<hbm>>) dst(%dma_wait3A_1643 : memref<32x128xf32, #tpu.memory_space<vmem>>)
      %dma_wait3A_1646 = arith.constant 0 : i32
      %dma_wait3A_1647 = arith.constant 0 : i32
      %dma_wait3A_1648 = arith.constant 0 : i32
      %dma_wait3A_1649 = tpu.memref_slice %arg13[%dma_wait3A_1646, %dma_wait3A_1647, %dma_wait3A_1648] : memref<6x32x128xf32, #tpu.memory_space<vmem>> -> memref<1x32x128xf32, #tpu.memory_space<vmem>>
      %dma_wait3A_1650 = tpu.memref_squeeze %dma_wait3A_1649 : memref<1x32x128xf32, #tpu.memory_space<vmem>> -> memref<32x128xf32, #tpu.memory_space<vmem>>
      %dma_wait3A_1651 = arith.constant 0 : i32
      %dma_wait3A_1652 = tpu.memref_slice %arg6[%dma_wait3A_1651, %multiple_of3A_750] : memref<32x1000000xf32, #tpu.memory_space<hbm>> -> memref<32x128xf32, #tpu.memory_space<hbm>>
      %dma_wait3A_1653 = arith.constant 0 : i32
      %dma_wait3A_1654 = arith.constant 0 : i32
      %dma_wait3A_1655 = tpu.memref_slice %arg13[%dma_wait3A_1646, %dma_wait3A_1653, %dma_wait3A_1654] : memref<6x32x128xf32, #tpu.memory_space<vmem>> -> memref<1x32x128xf32, #tpu.memory_space<vmem>>
      %dma_wait3A_1656 = tpu.memref_squeeze %dma_wait3A_1655 : memref<1x32x128xf32, #tpu.memory_space<vmem>> -> memref<32x128xf32, #tpu.memory_space<vmem>>
      %dma_wait3A_1657 = arith.constant 0 : i32
      %dma_wait3A_1658 = tpu.memref_slice %arg6[%dma_wait3A_1657, %multiple_of3A_750] : memref<32x1000000xf32, #tpu.memory_space<hbm>> -> memref<32x128xf32, #tpu.memory_space<hbm>>
      tpu.wait_dma2 semaphore(%arg16 : memref<!tpu.dma_semaphore, #tpu.memory_space<semaphore_mem>>) src(%dma_wait3A_1658 : memref<32x128xf32, #tpu.memory_space<hbm>>) dst(%dma_wait3A_1656 : memref<32x128xf32, #tpu.memory_space<vmem>>)
      %dma_wait3A_1659 = arith.constant 0 : i32
      %dma_wait3A_1660 = arith.constant 0 : i32
      %dma_wait3A_1661 = arith.constant 0 : i32
      %dma_wait3A_1662 = tpu.memref_slice %arg14[%dma_wait3A_1659, %dma_wait3A_1660, %dma_wait3A_1661] : memref<6x32x128xf32, #tpu.memory_space<vmem>> -> memref<1x32x128xf32, #tpu.memory_space<vmem>>
      %dma_wait3A_1663 = tpu.memref_squeeze %dma_wait3A_1662 : memref<1x32x128xf32, #tpu.memory_space<vmem>> -> memref<32x128xf32, #tpu.memory_space<vmem>>
      %dma_wait3A_1664 = arith.constant 0 : i32
      %dma_wait3A_1665 = tpu.memref_slice %arg7[%dma_wait3A_1664, %multiple_of3A_766] : memref<32x1000000xf32, #tpu.memory_space<hbm>> -> memref<32x128xf32, #tpu.memory_space<hbm>>
      %dma_wait3A_1666 = arith.constant 0 : i32
      %dma_wait3A_1667 = arith.constant 0 : i32
      %dma_wait3A_1668 = tpu.memref_slice %arg14[%dma_wait3A_1659, %dma_wait3A_1666, %dma_wait3A_1667] : memref<6x32x128xf32, #tpu.memory_space<vmem>> -> memref<1x32x128xf32, #tpu.memory_space<vmem>>
      %dma_wait3A_1669 = tpu.memref_squeeze %dma_wait3A_1668 : memref<1x32x128xf32, #tpu.memory_space<vmem>> -> memref<32x128xf32, #tpu.memory_space<vmem>>
      %dma_wait3A_1670 = arith.constant 0 : i32
      %dma_wait3A_1671 = tpu.memref_slice %arg7[%dma_wait3A_1670, %multiple_of3A_766] : memref<32x1000000xf32, #tpu.memory_space<hbm>> -> memref<32x128xf32, #tpu.memory_space<hbm>>
      tpu.wait_dma2 semaphore(%arg16 : memref<!tpu.dma_semaphore, #tpu.memory_space<semaphore_mem>>) src(%dma_wait3A_1671 : memref<32x128xf32, #tpu.memory_space<hbm>>) dst(%dma_wait3A_1669 : memref<32x128xf32, #tpu.memory_space<vmem>>)
      %dma_wait3A_1672 = arith.constant 1 : i32
      %dma_wait3A_1673 = arith.constant 0 : i32
      %dma_wait3A_1674 = arith.constant 0 : i32
      %dma_wait3A_1675 = tpu.memref_slice %arg11[%dma_wait3A_1672, %dma_wait3A_1673, %dma_wait3A_1674] : memref<6x32x128xf32, #tpu.memory_space<vmem>> -> memref<1x32x128xf32, #tpu.memory_space<vmem>>
      %dma_wait3A_1676 = tpu.memref_squeeze %dma_wait3A_1675 : memref<1x32x128xf32, #tpu.memory_space<vmem>> -> memref<32x128xf32, #tpu.memory_space<vmem>>
      %dma_wait3A_1677 = arith.constant 0 : i32
      %dma_wait3A_1678 = tpu.memref_slice %arg4[%dma_wait3A_1677, %multiple_of3A_782] : memref<32x1000000xf32, #tpu.memory_space<hbm>> -> memref<32x128xf32, #tpu.memory_space<hbm>>
      %dma_wait3A_1679 = arith.constant 0 : i32
      %dma_wait3A_1680 = arith.constant 0 : i32
      %dma_wait3A_1681 = tpu.memref_slice %arg11[%dma_wait3A_1672, %dma_wait3A_1679, %dma_wait3A_1680] : memref<6x32x128xf32, #tpu.memory_space<vmem>> -> memref<1x32x128xf32, #tpu.memory_space<vmem>>
      %dma_wait3A_1682 = tpu.memref_squeeze %dma_wait3A_1681 : memref<1x32x128xf32, #tpu.memory_space<vmem>> -> memref<32x128xf32, #tpu.memory_space<vmem>>
      %dma_wait3A_1683 = arith.constant 0 : i32
      %dma_wait3A_1684 = tpu.memref_slice %arg4[%dma_wait3A_1683, %multiple_of3A_782] : memref<32x1000000xf32, #tpu.memory_space<hbm>> -> memref<32x128xf32, #tpu.memory_space<hbm>>
      tpu.wait_dma2 semaphore(%arg16 : memref<!tpu.dma_semaphore, #tpu.memory_space<semaphore_mem>>) src(%dma_wait3A_1684 : memref<32x128xf32, #tpu.memory_space<hbm>>) dst(%dma_wait3A_1682 : memref<32x128xf32, #tpu.memory_space<vmem>>)
      %dma_wait3A_1685 = arith.constant 1 : i32
      %dma_wait3A_1686 = arith.constant 0 : i32
      %dma_wait3A_1687 = arith.constant 0 : i32
      %dma_wait3A_1688 = tpu.memref_slice %arg12[%dma_wait3A_1685, %dma_wait3A_1686, %dma_wait3A_1687] : memref<6x32x128xf32, #tpu.memory_space<vmem>> -> memref<1x32x128xf32, #tpu.memory_space<vmem>>
      %dma_wait3A_1689 = tpu.memref_squeeze %dma_wait3A_1688 : memref<1x32x128xf32, #tpu.memory_space<vmem>> -> memref<32x128xf32, #tpu.memory_space<vmem>>
      %dma_wait3A_1690 = arith.constant 0 : i32
      %dma_wait3A_1691 = tpu.memref_slice %arg5[%dma_wait3A_1690, %multiple_of3A_798] : memref<32x1000000xf32, #tpu.memory_space<hbm>> -> memref<32x128xf32, #tpu.memory_space<hbm>>
      %dma_wait3A_1692 = arith.constant 0 : i32
      %dma_wait3A_1693 = arith.constant 0 : i32
      %dma_wait3A_1694 = tpu.memref_slice %arg12[%dma_wait3A_1685, %dma_wait3A_1692, %dma_wait3A_1693] : memref<6x32x128xf32, #tpu.memory_space<vmem>> -> memref<1x32x128xf32, #tpu.memory_space<vmem>>
      %dma_wait3A_1695 = tpu.memref_squeeze %dma_wait3A_1694 : memref<1x32x128xf32, #tpu.memory_space<vmem>> -> memref<32x128xf32, #tpu.memory_space<vmem>>
      %dma_wait3A_1696 = arith.constant 0 : i32
      %dma_wait3A_1697 = tpu.memref_slice %arg5[%dma_wait3A_1696, %multiple_of3A_798] : memref<32x1000000xf32, #tpu.memory_space<hbm>> -> memref<32x128xf32, #tpu.memory_space<hbm>>
      tpu.wait_dma2 semaphore(%arg16 : memref<!tpu.dma_semaphore, #tpu.memory_space<semaphore_mem>>) src(%dma_wait3A_1697 : memref<32x128xf32, #tpu.memory_space<hbm>>) dst(%dma_wait3A_1695 : memref<32x128xf32, #tpu.memory_space<vmem>>)
      %dma_wait3A_1698 = arith.constant 1 : i32
      %dma_wait3A_1699 = arith.constant 0 : i32
      %dma_wait3A_1700 = arith.constant 0 : i32
      %dma_wait3A_1701 = tpu.memref_slice %arg13[%dma_wait3A_1698, %dma_wait3A_1699, %dma_wait3A_1700] : memref<6x32x128xf32, #tpu.memory_space<vmem>> -> memref<1x32x128xf32, #tpu.memory_space<vmem>>
      %dma_wait3A_1702 = tpu.memref_squeeze %dma_wait3A_1701 : memref<1x32x128xf32, #tpu.memory_space<vmem>> -> memref<32x128xf32, #tpu.memory_space<vmem>>
      %dma_wait3A_1703 = arith.constant 0 : i32
      %dma_wait3A_1704 = tpu.memref_slice %arg6[%dma_wait3A_1703, %multiple_of3A_814] : memref<32x1000000xf32, #tpu.memory_space<hbm>> -> memref<32x128xf32, #tpu.memory_space<hbm>>
      %dma_wait3A_1705 = arith.constant 0 : i32
      %dma_wait3A_1706 = arith.constant 0 : i32
      %dma_wait3A_1707 = tpu.memref_slice %arg13[%dma_wait3A_1698, %dma_wait3A_1705, %dma_wait3A_1706] : memref<6x32x128xf32, #tpu.memory_space<vmem>> -> memref<1x32x128xf32, #tpu.memory_space<vmem>>
      %dma_wait3A_1708 = tpu.memref_squeeze %dma_wait3A_1707 : memref<1x32x128xf32, #tpu.memory_space<vmem>> -> memref<32x128xf32, #tpu.memory_space<vmem>>
      %dma_wait3A_1709 = arith.constant 0 : i32
      %dma_wait3A_1710 = tpu.memref_slice %arg6[%dma_wait3A_1709, %multiple_of3A_814] : memref<32x1000000xf32, #tpu.memory_space<hbm>> -> memref<32x128xf32, #tpu.memory_space<hbm>>
      tpu.wait_dma2 semaphore(%arg16 : memref<!tpu.dma_semaphore, #tpu.memory_space<semaphore_mem>>) src(%dma_wait3A_1710 : memref<32x128xf32, #tpu.memory_space<hbm>>) dst(%dma_wait3A_1708 : memref<32x128xf32, #tpu.memory_space<vmem>>)
      %dma_wait3A_1711 = arith.constant 1 : i32
      %dma_wait3A_1712 = arith.constant 0 : i32
      %dma_wait3A_1713 = arith.constant 0 : i32
      %dma_wait3A_1714 = tpu.memref_slice %arg14[%dma_wait3A_1711, %dma_wait3A_1712, %dma_wait3A_1713] : memref<6x32x128xf32, #tpu.memory_space<vmem>> -> memref<1x32x128xf32, #tpu.memory_space<vmem>>
      %dma_wait3A_1715 = tpu.memref_squeeze %dma_wait3A_1714 : memref<1x32x128xf32, #tpu.memory_space<vmem>> -> memref<32x128xf32, #tpu.memory_space<vmem>>
      %dma_wait3A_1716 = arith.constant 0 : i32
      %dma_wait3A_1717 = tpu.memref_slice %arg7[%dma_wait3A_1716, %multiple_of3A_830] : memref<32x1000000xf32, #tpu.memory_space<hbm>> -> memref<32x128xf32, #tpu.memory_space<hbm>>
      %dma_wait3A_1718 = arith.constant 0 : i32
      %dma_wait3A_1719 = arith.constant 0 : i32
      %dma_wait3A_1720 = tpu.memref_slice %arg14[%dma_wait3A_1711, %dma_wait3A_1718, %dma_wait3A_1719] : memref<6x32x128xf32, #tpu.memory_space<vmem>> -> memref<1x32x128xf32, #tpu.memory_space<vmem>>
      %dma_wait3A_1721 = tpu.memref_squeeze %dma_wait3A_1720 : memref<1x32x128xf32, #tpu.memory_space<vmem>> -> memref<32x128xf32, #tpu.memory_space<vmem>>
      %dma_wait3A_1722 = arith.constant 0 : i32
      %dma_wait3A_1723 = tpu.memref_slice %arg7[%dma_wait3A_1722, %multiple_of3A_830] : memref<32x1000000xf32, #tpu.memory_space<hbm>> -> memref<32x128xf32, #tpu.memory_space<hbm>>
      tpu.wait_dma2 semaphore(%arg16 : memref<!tpu.dma_semaphore, #tpu.memory_space<semaphore_mem>>) src(%dma_wait3A_1723 : memref<32x128xf32, #tpu.memory_space<hbm>>) dst(%dma_wait3A_1721 : memref<32x128xf32, #tpu.memory_space<vmem>>)
      %broadcast_in_dim3A_1724 = arith.constant 0 : i32
      %broadcast_in_dim3A_1725 = vector.broadcast %broadcast_in_dim3A_1724 : i32 to vector<16xi32>
      %slice3A_1726 = vector.extract_strided_slice %sub3A_78 {offsets = [6], sizes = [1], strides = [1]} : vector<16xi32> to vector<1xi32>
      %squeeze3A_1727 = vector.extract %slice3A_1726[0] : i32 from vector<1xi32>
      %broadcast_in_dim3A_1728 = vector.broadcast %squeeze3A_1727 : i32 to vector<16xi32>
      %add3A_1729 = arith.constant 0 : i32
      %add3A_1730 = vector.broadcast %add3A_1729 : i32 to vector<16xi32>
      %add3A_1731 = arith.addi %add3A_1730, %iota3A : vector<16xi32>
      %gather3A_1732 = tpu.vector_load_idx %arg11[%broadcast_in_dim3A_1725, %add3A_1731, %broadcast_in_dim3A_1728] : memref<6x32x128xf32, #tpu.memory_space<vmem>>[vector<16xi32>, vector<16xi32>, vector<16xi32>], vector<16xf32>,
      %swap3A_1733 = arith.constant 6 : i32
      %swap3A_1734 = arith.index_cast %swap3A_1733 : i32 to index
      %swap3A_1735 = arith.constant 0 : index
      %swap3A_1736 = tpu.vector_load %arg15[%swap3A_1734, %swap3A_1735] {strides = array<i32>} : memref<16x128xf32, #tpu.memory_space<vmem>>, vector<16xf32>,
      tpu.vector_store %arg15[%swap3A_1734, %swap3A_1735], %gather3A_1732 {strides = array<i32>} : memref<16x128xf32, #tpu.memory_space<vmem>>, vector<16xf32>,
      %add3A_1737 = arith.constant 16 : i32
      %add3A_1738 = vector.broadcast %add3A_1737 : i32 to vector<16xi32>
      %add3A_1739 = arith.addi %add3A_1738, %iota3A : vector<16xi32>
      %gather3A_1740 = tpu.vector_load_idx %arg11[%broadcast_in_dim3A_1725, %add3A_1739, %broadcast_in_dim3A_1728] : memref<6x32x128xf32, #tpu.memory_space<vmem>>[vector<16xi32>, vector<16xi32>, vector<16xi32>], vector<16xf32>,
      %swap3A_1741 = arith.constant 6 : i32
      %swap3A_1742 = arith.index_cast %swap3A_1741 : i32 to index
      %swap3A_1743 = arith.constant 16 : index
      %swap3A_1744 = tpu.vector_load %arg15[%swap3A_1742, %swap3A_1743] {strides = array<i32>} : memref<16x128xf32, #tpu.memory_space<vmem>>, vector<16xf32>,
      tpu.vector_store %arg15[%swap3A_1742, %swap3A_1743], %gather3A_1740 {strides = array<i32>} : memref<16x128xf32, #tpu.memory_space<vmem>>, vector<16xf32>,
      %slice3A_1745 = vector.extract_strided_slice %sub3A_79 {offsets = [6], sizes = [1], strides = [1]} : vector<16xi32> to vector<1xi32>
      %squeeze3A_1746 = vector.extract %slice3A_1745[0] : i32 from vector<1xi32>
      %broadcast_in_dim3A_1747 = vector.broadcast %squeeze3A_1746 : i32 to vector<16xi32>
      %add3A_1748 = arith.constant 0 : i32
      %add3A_1749 = vector.broadcast %add3A_1748 : i32 to vector<16xi32>
      %add3A_1750 = arith.addi %add3A_1749, %iota3A : vector<16xi32>
      %gather3A_1751 = tpu.vector_load_idx %arg12[%broadcast_in_dim3A_1725, %add3A_1750, %broadcast_in_dim3A_1747] : memref<6x32x128xf32, #tpu.memory_space<vmem>>[vector<16xi32>, vector<16xi32>, vector<16xi32>], vector<16xf32>,
      %swap3A_1752 = arith.constant 6 : i32
      %swap3A_1753 = arith.index_cast %swap3A_1752 : i32 to index
      %swap3A_1754 = arith.constant 32 : index
      %swap3A_1755 = tpu.vector_load %arg15[%swap3A_1753, %swap3A_1754] {strides = array<i32>} : memref<16x128xf32, #tpu.memory_space<vmem>>, vector<16xf32>,
      tpu.vector_store %arg15[%swap3A_1753, %swap3A_1754], %gather3A_1751 {strides = array<i32>} : memref<16x128xf32, #tpu.memory_space<vmem>>, vector<16xf32>,
      %add3A_1756 = arith.constant 16 : i32
      %add3A_1757 = vector.broadcast %add3A_1756 : i32 to vector<16xi32>
      %add3A_1758 = arith.addi %add3A_1757, %iota3A : vector<16xi32>
      %gather3A_1759 = tpu.vector_load_idx %arg12[%broadcast_in_dim3A_1725, %add3A_1758, %broadcast_in_dim3A_1747] : memref<6x32x128xf32, #tpu.memory_space<vmem>>[vector<16xi32>, vector<16xi32>, vector<16xi32>], vector<16xf32>,
      %swap3A_1760 = arith.constant 6 : i32
      %swap3A_1761 = arith.index_cast %swap3A_1760 : i32 to index
      %swap3A_1762 = arith.constant 48 : index
      %swap3A_1763 = tpu.vector_load %arg15[%swap3A_1761, %swap3A_1762] {strides = array<i32>} : memref<16x128xf32, #tpu.memory_space<vmem>>, vector<16xf32>,
      tpu.vector_store %arg15[%swap3A_1761, %swap3A_1762], %gather3A_1759 {strides = array<i32>} : memref<16x128xf32, #tpu.memory_space<vmem>>, vector<16xf32>,
      %slice3A_1764 = vector.extract_strided_slice %sub3A_78 {offsets = [6], sizes = [1], strides = [1]} : vector<16xi32> to vector<1xi32>
      %squeeze3A_1765 = vector.extract %slice3A_1764[0] : i32 from vector<1xi32>
      %broadcast_in_dim3A_1766 = vector.broadcast %squeeze3A_1765 : i32 to vector<16xi32>
      %add3A_1767 = arith.constant 0 : i32
      %add3A_1768 = vector.broadcast %add3A_1767 : i32 to vector<16xi32>
      %add3A_1769 = arith.addi %add3A_1768, %iota3A : vector<16xi32>
      %gather3A_1770 = tpu.vector_load_idx %arg13[%broadcast_in_dim3A_1725, %add3A_1769, %broadcast_in_dim3A_1766] : memref<6x32x128xf32, #tpu.memory_space<vmem>>[vector<16xi32>, vector<16xi32>, vector<16xi32>], vector<16xf32>,
      %swap3A_1771 = arith.constant 6 : i32
      %swap3A_1772 = arith.index_cast %swap3A_1771 : i32 to index
      %swap3A_1773 = arith.constant 64 : index
      %swap3A_1774 = tpu.vector_load %arg15[%swap3A_1772, %swap3A_1773] {strides = array<i32>} : memref<16x128xf32, #tpu.memory_space<vmem>>, vector<16xf32>,
      tpu.vector_store %arg15[%swap3A_1772, %swap3A_1773], %gather3A_1770 {strides = array<i32>} : memref<16x128xf32, #tpu.memory_space<vmem>>, vector<16xf32>,
      %add3A_1775 = arith.constant 16 : i32
      %add3A_1776 = vector.broadcast %add3A_1775 : i32 to vector<16xi32>
      %add3A_1777 = arith.addi %add3A_1776, %iota3A : vector<16xi32>
      %gather3A_1778 = tpu.vector_load_idx %arg13[%broadcast_in_dim3A_1725, %add3A_1777, %broadcast_in_dim3A_1766] : memref<6x32x128xf32, #tpu.memory_space<vmem>>[vector<16xi32>, vector<16xi32>, vector<16xi32>], vector<16xf32>,
      %swap3A_1779 = arith.constant 6 : i32
      %swap3A_1780 = arith.index_cast %swap3A_1779 : i32 to index
      %swap3A_1781 = arith.constant 80 : index
      %swap3A_1782 = tpu.vector_load %arg15[%swap3A_1780, %swap3A_1781] {strides = array<i32>} : memref<16x128xf32, #tpu.memory_space<vmem>>, vector<16xf32>,
      tpu.vector_store %arg15[%swap3A_1780, %swap3A_1781], %gather3A_1778 {strides = array<i32>} : memref<16x128xf32, #tpu.memory_space<vmem>>, vector<16xf32>,
      %slice3A_1783 = vector.extract_strided_slice %sub3A_79 {offsets = [6], sizes = [1], strides = [1]} : vector<16xi32> to vector<1xi32>
      %squeeze3A_1784 = vector.extract %slice3A_1783[0] : i32 from vector<1xi32>
      %broadcast_in_dim3A_1785 = vector.broadcast %squeeze3A_1784 : i32 to vector<16xi32>
      %add3A_1786 = arith.constant 0 : i32
      %add3A_1787 = vector.broadcast %add3A_1786 : i32 to vector<16xi32>
      %add3A_1788 = arith.addi %add3A_1787, %iota3A : vector<16xi32>
      %gather3A_1789 = tpu.vector_load_idx %arg14[%broadcast_in_dim3A_1725, %add3A_1788, %broadcast_in_dim3A_1785] : memref<6x32x128xf32, #tpu.memory_space<vmem>>[vector<16xi32>, vector<16xi32>, vector<16xi32>], vector<16xf32>,
      %swap3A_1790 = arith.constant 6 : i32
      %swap3A_1791 = arith.index_cast %swap3A_1790 : i32 to index
      %swap3A_1792 = arith.constant 96 : index
      %swap3A_1793 = tpu.vector_load %arg15[%swap3A_1791, %swap3A_1792] {strides = array<i32>} : memref<16x128xf32, #tpu.memory_space<vmem>>, vector<16xf32>,
      tpu.vector_store %arg15[%swap3A_1791, %swap3A_1792], %gather3A_1789 {strides = array<i32>} : memref<16x128xf32, #tpu.memory_space<vmem>>, vector<16xf32>,
      %add3A_1794 = arith.constant 16 : i32
      %add3A_1795 = vector.broadcast %add3A_1794 : i32 to vector<16xi32>
      %add3A_1796 = arith.addi %add3A_1795, %iota3A : vector<16xi32>
      %gather3A_1797 = tpu.vector_load_idx %arg14[%broadcast_in_dim3A_1725, %add3A_1796, %broadcast_in_dim3A_1785] : memref<6x32x128xf32, #tpu.memory_space<vmem>>[vector<16xi32>, vector<16xi32>, vector<16xi32>], vector<16xf32>,
      %swap3A_1798 = arith.constant 6 : i32
      %swap3A_1799 = arith.index_cast %swap3A_1798 : i32 to index
      %swap3A_1800 = arith.constant 112 : index
      %swap3A_1801 = tpu.vector_load %arg15[%swap3A_1799, %swap3A_1800] {strides = array<i32>} : memref<16x128xf32, #tpu.memory_space<vmem>>, vector<16xf32>,
      tpu.vector_store %arg15[%swap3A_1799, %swap3A_1800], %gather3A_1797 {strides = array<i32>} : memref<16x128xf32, #tpu.memory_space<vmem>>, vector<16xf32>,
      %broadcast_in_dim3A_1802 = arith.constant 1 : i32
      %broadcast_in_dim3A_1803 = vector.broadcast %broadcast_in_dim3A_1802 : i32 to vector<16xi32>
      %slice3A_1804 = vector.extract_strided_slice %sub3A_78 {offsets = [7], sizes = [1], strides = [1]} : vector<16xi32> to vector<1xi32>
      %squeeze3A_1805 = vector.extract %slice3A_1804[0] : i32 from vector<1xi32>
      %broadcast_in_dim3A_1806 = vector.broadcast %squeeze3A_1805 : i32 to vector<16xi32>
      %add3A_1807 = arith.constant 0 : i32
      %add3A_1808 = vector.broadcast %add3A_1807 : i32 to vector<16xi32>
      %add3A_1809 = arith.addi %add3A_1808, %iota3A : vector<16xi32>
      %gather3A_1810 = tpu.vector_load_idx %arg11[%broadcast_in_dim3A_1803, %add3A_1809, %broadcast_in_dim3A_1806] : memref<6x32x128xf32, #tpu.memory_space<vmem>>[vector<16xi32>, vector<16xi32>, vector<16xi32>], vector<16xf32>,
      %swap3A_1811 = arith.constant 7 : i32
      %swap3A_1812 = arith.index_cast %swap3A_1811 : i32 to index
      %swap3A_1813 = arith.constant 0 : index
      %swap3A_1814 = tpu.vector_load %arg15[%swap3A_1812, %swap3A_1813] {strides = array<i32>} : memref<16x128xf32, #tpu.memory_space<vmem>>, vector<16xf32>,
      tpu.vector_store %arg15[%swap3A_1812, %swap3A_1813], %gather3A_1810 {strides = array<i32>} : memref<16x128xf32, #tpu.memory_space<vmem>>, vector<16xf32>,
      %add3A_1815 = arith.constant 16 : i32
      %add3A_1816 = vector.broadcast %add3A_1815 : i32 to vector<16xi32>
      %add3A_1817 = arith.addi %add3A_1816, %iota3A : vector<16xi32>
      %gather3A_1818 = tpu.vector_load_idx %arg11[%broadcast_in_dim3A_1803, %add3A_1817, %broadcast_in_dim3A_1806] : memref<6x32x128xf32, #tpu.memory_space<vmem>>[vector<16xi32>, vector<16xi32>, vector<16xi32>], vector<16xf32>,
      %swap3A_1819 = arith.constant 7 : i32
      %swap3A_1820 = arith.index_cast %swap3A_1819 : i32 to index
      %swap3A_1821 = arith.constant 16 : index
      %swap3A_1822 = tpu.vector_load %arg15[%swap3A_1820, %swap3A_1821] {strides = array<i32>} : memref<16x128xf32, #tpu.memory_space<vmem>>, vector<16xf32>,
      tpu.vector_store %arg15[%swap3A_1820, %swap3A_1821], %gather3A_1818 {strides = array<i32>} : memref<16x128xf32, #tpu.memory_space<vmem>>, vector<16xf32>,
      %slice3A_1823 = vector.extract_strided_slice %sub3A_79 {offsets = [7], sizes = [1], strides = [1]} : vector<16xi32> to vector<1xi32>
      %squeeze3A_1824 = vector.extract %slice3A_1823[0] : i32 from vector<1xi32>
      %broadcast_in_dim3A_1825 = vector.broadcast %squeeze3A_1824 : i32 to vector<16xi32>
      %add3A_1826 = arith.constant 0 : i32
      %add3A_1827 = vector.broadcast %add3A_1826 : i32 to vector<16xi32>
      %add3A_1828 = arith.addi %add3A_1827, %iota3A : vector<16xi32>
      %gather3A_1829 = tpu.vector_load_idx %arg12[%broadcast_in_dim3A_1803, %add3A_1828, %broadcast_in_dim3A_1825] : memref<6x32x128xf32, #tpu.memory_space<vmem>>[vector<16xi32>, vector<16xi32>, vector<16xi32>], vector<16xf32>,
      %swap3A_1830 = arith.constant 7 : i32
      %swap3A_1831 = arith.index_cast %swap3A_1830 : i32 to index
      %swap3A_1832 = arith.constant 32 : index
      %swap3A_1833 = tpu.vector_load %arg15[%swap3A_1831, %swap3A_1832] {strides = array<i32>} : memref<16x128xf32, #tpu.memory_space<vmem>>, vector<16xf32>,
      tpu.vector_store %arg15[%swap3A_1831, %swap3A_1832], %gather3A_1829 {strides = array<i32>} : memref<16x128xf32, #tpu.memory_space<vmem>>, vector<16xf32>,
      %add3A_1834 = arith.constant 16 : i32
      %add3A_1835 = vector.broadcast %add3A_1834 : i32 to vector<16xi32>
      %add3A_1836 = arith.addi %add3A_1835, %iota3A : vector<16xi32>
      %gather3A_1837 = tpu.vector_load_idx %arg12[%broadcast_in_dim3A_1803, %add3A_1836, %broadcast_in_dim3A_1825] : memref<6x32x128xf32, #tpu.memory_space<vmem>>[vector<16xi32>, vector<16xi32>, vector<16xi32>], vector<16xf32>,
      %swap3A_1838 = arith.constant 7 : i32
      %swap3A_1839 = arith.index_cast %swap3A_1838 : i32 to index
      %swap3A_1840 = arith.constant 48 : index
      %swap3A_1841 = tpu.vector_load %arg15[%swap3A_1839, %swap3A_1840] {strides = array<i32>} : memref<16x128xf32, #tpu.memory_space<vmem>>, vector<16xf32>,
      tpu.vector_store %arg15[%swap3A_1839, %swap3A_1840], %gather3A_1837 {strides = array<i32>} : memref<16x128xf32, #tpu.memory_space<vmem>>, vector<16xf32>,
      %slice3A_1842 = vector.extract_strided_slice %sub3A_78 {offsets = [7], sizes = [1], strides = [1]} : vector<16xi32> to vector<1xi32>
      %squeeze3A_1843 = vector.extract %slice3A_1842[0] : i32 from vector<1xi32>
      %broadcast_in_dim3A_1844 = vector.broadcast %squeeze3A_1843 : i32 to vector<16xi32>
      %add3A_1845 = arith.constant 0 : i32
      %add3A_1846 = vector.broadcast %add3A_1845 : i32 to vector<16xi32>
      %add3A_1847 = arith.addi %add3A_1846, %iota3A : vector<16xi32>
      %gather3A_1848 = tpu.vector_load_idx %arg13[%broadcast_in_dim3A_1803, %add3A_1847, %broadcast_in_dim3A_1844] : memref<6x32x128xf32, #tpu.memory_space<vmem>>[vector<16xi32>, vector<16xi32>, vector<16xi32>], vector<16xf32>,
      %swap3A_1849 = arith.constant 7 : i32
      %swap3A_1850 = arith.index_cast %swap3A_1849 : i32 to index
      %swap3A_1851 = arith.constant 64 : index
      %swap3A_1852 = tpu.vector_load %arg15[%swap3A_1850, %swap3A_1851] {strides = array<i32>} : memref<16x128xf32, #tpu.memory_space<vmem>>, vector<16xf32>,
      tpu.vector_store %arg15[%swap3A_1850, %swap3A_1851], %gather3A_1848 {strides = array<i32>} : memref<16x128xf32, #tpu.memory_space<vmem>>, vector<16xf32>,
      %add3A_1853 = arith.constant 16 : i32
      %add3A_1854 = vector.broadcast %add3A_1853 : i32 to vector<16xi32>
      %add3A_1855 = arith.addi %add3A_1854, %iota3A : vector<16xi32>
      %gather3A_1856 = tpu.vector_load_idx %arg13[%broadcast_in_dim3A_1803, %add3A_1855, %broadcast_in_dim3A_1844] : memref<6x32x128xf32, #tpu.memory_space<vmem>>[vector<16xi32>, vector<16xi32>, vector<16xi32>], vector<16xf32>,
      %swap3A_1857 = arith.constant 7 : i32
      %swap3A_1858 = arith.index_cast %swap3A_1857 : i32 to index
      %swap3A_1859 = arith.constant 80 : index
      %swap3A_1860 = tpu.vector_load %arg15[%swap3A_1858, %swap3A_1859] {strides = array<i32>} : memref<16x128xf32, #tpu.memory_space<vmem>>, vector<16xf32>,
      tpu.vector_store %arg15[%swap3A_1858, %swap3A_1859], %gather3A_1856 {strides = array<i32>} : memref<16x128xf32, #tpu.memory_space<vmem>>, vector<16xf32>,
      %slice3A_1861 = vector.extract_strided_slice %sub3A_79 {offsets = [7], sizes = [1], strides = [1]} : vector<16xi32> to vector<1xi32>
      %squeeze3A_1862 = vector.extract %slice3A_1861[0] : i32 from vector<1xi32>
      %broadcast_in_dim3A_1863 = vector.broadcast %squeeze3A_1862 : i32 to vector<16xi32>
      %add3A_1864 = arith.constant 0 : i32
      %add3A_1865 = vector.broadcast %add3A_1864 : i32 to vector<16xi32>
      %add3A_1866 = arith.addi %add3A_1865, %iota3A : vector<16xi32>
      %gather3A_1867 = tpu.vector_load_idx %arg14[%broadcast_in_dim3A_1803, %add3A_1866, %broadcast_in_dim3A_1863] : memref<6x32x128xf32, #tpu.memory_space<vmem>>[vector<16xi32>, vector<16xi32>, vector<16xi32>], vector<16xf32>,
      %swap3A_1868 = arith.constant 7 : i32
      %swap3A_1869 = arith.index_cast %swap3A_1868 : i32 to index
      %swap3A_1870 = arith.constant 96 : index
      %swap3A_1871 = tpu.vector_load %arg15[%swap3A_1869, %swap3A_1870] {strides = array<i32>} : memref<16x128xf32, #tpu.memory_space<vmem>>, vector<16xf32>,
      tpu.vector_store %arg15[%swap3A_1869, %swap3A_1870], %gather3A_1867 {strides = array<i32>} : memref<16x128xf32, #tpu.memory_space<vmem>>, vector<16xf32>,
      %add3A_1872 = arith.constant 16 : i32
      %add3A_1873 = vector.broadcast %add3A_1872 : i32 to vector<16xi32>
      %add3A_1874 = arith.addi %add3A_1873, %iota3A : vector<16xi32>
      %gather3A_1875 = tpu.vector_load_idx %arg14[%broadcast_in_dim3A_1803, %add3A_1874, %broadcast_in_dim3A_1863] : memref<6x32x128xf32, #tpu.memory_space<vmem>>[vector<16xi32>, vector<16xi32>, vector<16xi32>], vector<16xf32>,
      %swap3A_1876 = arith.constant 7 : i32
      %swap3A_1877 = arith.index_cast %swap3A_1876 : i32 to index
      %swap3A_1878 = arith.constant 112 : index
      %swap3A_1879 = tpu.vector_load %arg15[%swap3A_1877, %swap3A_1878] {strides = array<i32>} : memref<16x128xf32, #tpu.memory_space<vmem>>, vector<16xf32>,
      tpu.vector_store %arg15[%swap3A_1877, %swap3A_1878], %gather3A_1875 {strides = array<i32>} : memref<16x128xf32, #tpu.memory_space<vmem>>, vector<16xf32>,
      %slice3A_1880 = vector.extract_strided_slice %mul3A_43 {offsets = [12], sizes = [1], strides = [1]} : vector<16xi32> to vector<1xi32>
      %squeeze3A_1881 = vector.extract %slice3A_1880[0] : i32 from vector<1xi32>
      %multiple_of3A_1882 = tpu.assume_multiple %squeeze3A_1881, 128 : i32
      %dma_start3A_1883 = arith.constant 0 : i32
      %dma_start3A_1884 = arith.constant 0 : i32
      %dma_start3A_1885 = arith.constant 0 : i32
      %dma_start3A_1886 = tpu.memref_slice %arg11[%dma_start3A_1883, %dma_start3A_1884, %dma_start3A_1885] : memref<6x32x128xf32, #tpu.memory_space<vmem>> -> memref<1x32x128xf32, #tpu.memory_space<vmem>>
      %dma_start3A_1887 = tpu.memref_squeeze %dma_start3A_1886 : memref<1x32x128xf32, #tpu.memory_space<vmem>> -> memref<32x128xf32, #tpu.memory_space<vmem>>
      %dma_start3A_1888 = arith.constant 0 : i32
      %dma_start3A_1889 = tpu.memref_slice %arg4[%dma_start3A_1888, %multiple_of3A_1882] : memref<32x1000000xf32, #tpu.memory_space<hbm>> -> memref<32x128xf32, #tpu.memory_space<hbm>>
      %dma_start3A_1890 = arith.constant 0 : i32
      %dma_start3A_1891 = arith.constant 0 : i32
      %dma_start3A_1892 = tpu.memref_slice %arg11[%dma_start3A_1883, %dma_start3A_1890, %dma_start3A_1891] : memref<6x32x128xf32, #tpu.memory_space<vmem>> -> memref<1x32x128xf32, #tpu.memory_space<vmem>>
      %dma_start3A_1893 = tpu.memref_squeeze %dma_start3A_1892 : memref<1x32x128xf32, #tpu.memory_space<vmem>> -> memref<32x128xf32, #tpu.memory_space<vmem>>
      %dma_start3A_1894 = arith.constant 0 : i32
      %dma_start3A_1895 = tpu.memref_slice %arg4[%dma_start3A_1894, %multiple_of3A_1882] : memref<32x1000000xf32, #tpu.memory_space<hbm>> -> memref<32x128xf32, #tpu.memory_space<hbm>>
      tpu.enqueue_dma source(%dma_start3A_1895 : memref<32x128xf32, #tpu.memory_space<hbm>>) target(%dma_start3A_1893 : memref<32x128xf32, #tpu.memory_space<vmem>>) target_semaphore(%arg16 : memref<!tpu.dma_semaphore, #tpu.memory_space<semaphore_mem>>)
      %slice3A_1896 = vector.extract_strided_slice %mul3A_77 {offsets = [12], sizes = [1], strides = [1]} : vector<16xi32> to vector<1xi32>
      %squeeze3A_1897 = vector.extract %slice3A_1896[0] : i32 from vector<1xi32>
      %multiple_of3A_1898 = tpu.assume_multiple %squeeze3A_1897, 128 : i32
      %dma_start3A_1899 = arith.constant 0 : i32
      %dma_start3A_1900 = arith.constant 0 : i32
      %dma_start3A_1901 = arith.constant 0 : i32
      %dma_start3A_1902 = tpu.memref_slice %arg12[%dma_start3A_1899, %dma_start3A_1900, %dma_start3A_1901] : memref<6x32x128xf32, #tpu.memory_space<vmem>> -> memref<1x32x128xf32, #tpu.memory_space<vmem>>
      %dma_start3A_1903 = tpu.memref_squeeze %dma_start3A_1902 : memref<1x32x128xf32, #tpu.memory_space<vmem>> -> memref<32x128xf32, #tpu.memory_space<vmem>>
      %dma_start3A_1904 = arith.constant 0 : i32
      %dma_start3A_1905 = tpu.memref_slice %arg5[%dma_start3A_1904, %multiple_of3A_1898] : memref<32x1000000xf32, #tpu.memory_space<hbm>> -> memref<32x128xf32, #tpu.memory_space<hbm>>
      %dma_start3A_1906 = arith.constant 0 : i32
      %dma_start3A_1907 = arith.constant 0 : i32
      %dma_start3A_1908 = tpu.memref_slice %arg12[%dma_start3A_1899, %dma_start3A_1906, %dma_start3A_1907] : memref<6x32x128xf32, #tpu.memory_space<vmem>> -> memref<1x32x128xf32, #tpu.memory_space<vmem>>
      %dma_start3A_1909 = tpu.memref_squeeze %dma_start3A_1908 : memref<1x32x128xf32, #tpu.memory_space<vmem>> -> memref<32x128xf32, #tpu.memory_space<vmem>>
      %dma_start3A_1910 = arith.constant 0 : i32
      %dma_start3A_1911 = tpu.memref_slice %arg5[%dma_start3A_1910, %multiple_of3A_1898] : memref<32x1000000xf32, #tpu.memory_space<hbm>> -> memref<32x128xf32, #tpu.memory_space<hbm>>
      tpu.enqueue_dma source(%dma_start3A_1911 : memref<32x128xf32, #tpu.memory_space<hbm>>) target(%dma_start3A_1909 : memref<32x128xf32, #tpu.memory_space<vmem>>) target_semaphore(%arg16 : memref<!tpu.dma_semaphore, #tpu.memory_space<semaphore_mem>>)
      %slice3A_1912 = vector.extract_strided_slice %mul3A_43 {offsets = [12], sizes = [1], strides = [1]} : vector<16xi32> to vector<1xi32>
      %squeeze3A_1913 = vector.extract %slice3A_1912[0] : i32 from vector<1xi32>
      %multiple_of3A_1914 = tpu.assume_multiple %squeeze3A_1913, 128 : i32
      %dma_start3A_1915 = arith.constant 0 : i32
      %dma_start3A_1916 = arith.constant 0 : i32
      %dma_start3A_1917 = arith.constant 0 : i32
      %dma_start3A_1918 = tpu.memref_slice %arg13[%dma_start3A_1915, %dma_start3A_1916, %dma_start3A_1917] : memref<6x32x128xf32, #tpu.memory_space<vmem>> -> memref<1x32x128xf32, #tpu.memory_space<vmem>>
      %dma_start3A_1919 = tpu.memref_squeeze %dma_start3A_1918 : memref<1x32x128xf32, #tpu.memory_space<vmem>> -> memref<32x128xf32, #tpu.memory_space<vmem>>
      %dma_start3A_1920 = arith.constant 0 : i32
      %dma_start3A_1921 = tpu.memref_slice %arg6[%dma_start3A_1920, %multiple_of3A_1914] : memref<32x1000000xf32, #tpu.memory_space<hbm>> -> memref<32x128xf32, #tpu.memory_space<hbm>>
      %dma_start3A_1922 = arith.constant 0 : i32
      %dma_start3A_1923 = arith.constant 0 : i32
      %dma_start3A_1924 = tpu.memref_slice %arg13[%dma_start3A_1915, %dma_start3A_1922, %dma_start3A_1923] : memref<6x32x128xf32, #tpu.memory_space<vmem>> -> memref<1x32x128xf32, #tpu.memory_space<vmem>>
      %dma_start3A_1925 = tpu.memref_squeeze %dma_start3A_1924 : memref<1x32x128xf32, #tpu.memory_space<vmem>> -> memref<32x128xf32, #tpu.memory_space<vmem>>
      %dma_start3A_1926 = arith.constant 0 : i32
      %dma_start3A_1927 = tpu.memref_slice %arg6[%dma_start3A_1926, %multiple_of3A_1914] : memref<32x1000000xf32, #tpu.memory_space<hbm>> -> memref<32x128xf32, #tpu.memory_space<hbm>>
      tpu.enqueue_dma source(%dma_start3A_1927 : memref<32x128xf32, #tpu.memory_space<hbm>>) target(%dma_start3A_1925 : memref<32x128xf32, #tpu.memory_space<vmem>>) target_semaphore(%arg16 : memref<!tpu.dma_semaphore, #tpu.memory_space<semaphore_mem>>)
      %slice3A_1928 = vector.extract_strided_slice %mul3A_77 {offsets = [12], sizes = [1], strides = [1]} : vector<16xi32> to vector<1xi32>
      %squeeze3A_1929 = vector.extract %slice3A_1928[0] : i32 from vector<1xi32>
      %multiple_of3A_1930 = tpu.assume_multiple %squeeze3A_1929, 128 : i32
      %dma_start3A_1931 = arith.constant 0 : i32
      %dma_start3A_1932 = arith.constant 0 : i32
      %dma_start3A_1933 = arith.constant 0 : i32
      %dma_start3A_1934 = tpu.memref_slice %arg14[%dma_start3A_1931, %dma_start3A_1932, %dma_start3A_1933] : memref<6x32x128xf32, #tpu.memory_space<vmem>> -> memref<1x32x128xf32, #tpu.memory_space<vmem>>
      %dma_start3A_1935 = tpu.memref_squeeze %dma_start3A_1934 : memref<1x32x128xf32, #tpu.memory_space<vmem>> -> memref<32x128xf32, #tpu.memory_space<vmem>>
      %dma_start3A_1936 = arith.constant 0 : i32
      %dma_start3A_1937 = tpu.memref_slice %arg7[%dma_start3A_1936, %multiple_of3A_1930] : memref<32x1000000xf32, #tpu.memory_space<hbm>> -> memref<32x128xf32, #tpu.memory_space<hbm>>
      %dma_start3A_1938 = arith.constant 0 : i32
      %dma_start3A_1939 = arith.constant 0 : i32
      %dma_start3A_1940 = tpu.memref_slice %arg14[%dma_start3A_1931, %dma_start3A_1938, %dma_start3A_1939] : memref<6x32x128xf32, #tpu.memory_space<vmem>> -> memref<1x32x128xf32, #tpu.memory_space<vmem>>
      %dma_start3A_1941 = tpu.memref_squeeze %dma_start3A_1940 : memref<1x32x128xf32, #tpu.memory_space<vmem>> -> memref<32x128xf32, #tpu.memory_space<vmem>>
      %dma_start3A_1942 = arith.constant 0 : i32
      %dma_start3A_1943 = tpu.memref_slice %arg7[%dma_start3A_1942, %multiple_of3A_1930] : memref<32x1000000xf32, #tpu.memory_space<hbm>> -> memref<32x128xf32, #tpu.memory_space<hbm>>
      tpu.enqueue_dma source(%dma_start3A_1943 : memref<32x128xf32, #tpu.memory_space<hbm>>) target(%dma_start3A_1941 : memref<32x128xf32, #tpu.memory_space<vmem>>) target_semaphore(%arg16 : memref<!tpu.dma_semaphore, #tpu.memory_space<semaphore_mem>>)
      %slice3A_1944 = vector.extract_strided_slice %mul3A_43 {offsets = [13], sizes = [1], strides = [1]} : vector<16xi32> to vector<1xi32>
      %squeeze3A_1945 = vector.extract %slice3A_1944[0] : i32 from vector<1xi32>
      %multiple_of3A_1946 = tpu.assume_multiple %squeeze3A_1945, 128 : i32
      %dma_start3A_1947 = arith.constant 1 : i32
      %dma_start3A_1948 = arith.constant 0 : i32
      %dma_start3A_1949 = arith.constant 0 : i32
      %dma_start3A_1950 = tpu.memref_slice %arg11[%dma_start3A_1947, %dma_start3A_1948, %dma_start3A_1949] : memref<6x32x128xf32, #tpu.memory_space<vmem>> -> memref<1x32x128xf32, #tpu.memory_space<vmem>>
      %dma_start3A_1951 = tpu.memref_squeeze %dma_start3A_1950 : memref<1x32x128xf32, #tpu.memory_space<vmem>> -> memref<32x128xf32, #tpu.memory_space<vmem>>
      %dma_start3A_1952 = arith.constant 0 : i32
      %dma_start3A_1953 = tpu.memref_slice %arg4[%dma_start3A_1952, %multiple_of3A_1946] : memref<32x1000000xf32, #tpu.memory_space<hbm>> -> memref<32x128xf32, #tpu.memory_space<hbm>>
      %dma_start3A_1954 = arith.constant 0 : i32
      %dma_start3A_1955 = arith.constant 0 : i32
      %dma_start3A_1956 = tpu.memref_slice %arg11[%dma_start3A_1947, %dma_start3A_1954, %dma_start3A_1955] : memref<6x32x128xf32, #tpu.memory_space<vmem>> -> memref<1x32x128xf32, #tpu.memory_space<vmem>>
      %dma_start3A_1957 = tpu.memref_squeeze %dma_start3A_1956 : memref<1x32x128xf32, #tpu.memory_space<vmem>> -> memref<32x128xf32, #tpu.memory_space<vmem>>
      %dma_start3A_1958 = arith.constant 0 : i32
      %dma_start3A_1959 = tpu.memref_slice %arg4[%dma_start3A_1958, %multiple_of3A_1946] : memref<32x1000000xf32, #tpu.memory_space<hbm>> -> memref<32x128xf32, #tpu.memory_space<hbm>>
      tpu.enqueue_dma source(%dma_start3A_1959 : memref<32x128xf32, #tpu.memory_space<hbm>>) target(%dma_start3A_1957 : memref<32x128xf32, #tpu.memory_space<vmem>>) target_semaphore(%arg16 : memref<!tpu.dma_semaphore, #tpu.memory_space<semaphore_mem>>)
      %slice3A_1960 = vector.extract_strided_slice %mul3A_77 {offsets = [13], sizes = [1], strides = [1]} : vector<16xi32> to vector<1xi32>
      %squeeze3A_1961 = vector.extract %slice3A_1960[0] : i32 from vector<1xi32>
      %multiple_of3A_1962 = tpu.assume_multiple %squeeze3A_1961, 128 : i32
      %dma_start3A_1963 = arith.constant 1 : i32
      %dma_start3A_1964 = arith.constant 0 : i32
      %dma_start3A_1965 = arith.constant 0 : i32
      %dma_start3A_1966 = tpu.memref_slice %arg12[%dma_start3A_1963, %dma_start3A_1964, %dma_start3A_1965] : memref<6x32x128xf32, #tpu.memory_space<vmem>> -> memref<1x32x128xf32, #tpu.memory_space<vmem>>
      %dma_start3A_1967 = tpu.memref_squeeze %dma_start3A_1966 : memref<1x32x128xf32, #tpu.memory_space<vmem>> -> memref<32x128xf32, #tpu.memory_space<vmem>>
      %dma_start3A_1968 = arith.constant 0 : i32
      %dma_start3A_1969 = tpu.memref_slice %arg5[%dma_start3A_1968, %multiple_of3A_1962] : memref<32x1000000xf32, #tpu.memory_space<hbm>> -> memref<32x128xf32, #tpu.memory_space<hbm>>
      %dma_start3A_1970 = arith.constant 0 : i32
      %dma_start3A_1971 = arith.constant 0 : i32
      %dma_start3A_1972 = tpu.memref_slice %arg12[%dma_start3A_1963, %dma_start3A_1970, %dma_start3A_1971] : memref<6x32x128xf32, #tpu.memory_space<vmem>> -> memref<1x32x128xf32, #tpu.memory_space<vmem>>
      %dma_start3A_1973 = tpu.memref_squeeze %dma_start3A_1972 : memref<1x32x128xf32, #tpu.memory_space<vmem>> -> memref<32x128xf32, #tpu.memory_space<vmem>>
      %dma_start3A_1974 = arith.constant 0 : i32
      %dma_start3A_1975 = tpu.memref_slice %arg5[%dma_start3A_1974, %multiple_of3A_1962] : memref<32x1000000xf32, #tpu.memory_space<hbm>> -> memref<32x128xf32, #tpu.memory_space<hbm>>
      tpu.enqueue_dma source(%dma_start3A_1975 : memref<32x128xf32, #tpu.memory_space<hbm>>) target(%dma_start3A_1973 : memref<32x128xf32, #tpu.memory_space<vmem>>) target_semaphore(%arg16 : memref<!tpu.dma_semaphore, #tpu.memory_space<semaphore_mem>>)
      %slice3A_1976 = vector.extract_strided_slice %mul3A_43 {offsets = [13], sizes = [1], strides = [1]} : vector<16xi32> to vector<1xi32>
      %squeeze3A_1977 = vector.extract %slice3A_1976[0] : i32 from vector<1xi32>
      %multiple_of3A_1978 = tpu.assume_multiple %squeeze3A_1977, 128 : i32
      %dma_start3A_1979 = arith.constant 1 : i32
      %dma_start3A_1980 = arith.constant 0 : i32
      %dma_start3A_1981 = arith.constant 0 : i32
      %dma_start3A_1982 = tpu.memref_slice %arg13[%dma_start3A_1979, %dma_start3A_1980, %dma_start3A_1981] : memref<6x32x128xf32, #tpu.memory_space<vmem>> -> memref<1x32x128xf32, #tpu.memory_space<vmem>>
      %dma_start3A_1983 = tpu.memref_squeeze %dma_start3A_1982 : memref<1x32x128xf32, #tpu.memory_space<vmem>> -> memref<32x128xf32, #tpu.memory_space<vmem>>
      %dma_start3A_1984 = arith.constant 0 : i32
      %dma_start3A_1985 = tpu.memref_slice %arg6[%dma_start3A_1984, %multiple_of3A_1978] : memref<32x1000000xf32, #tpu.memory_space<hbm>> -> memref<32x128xf32, #tpu.memory_space<hbm>>
      %dma_start3A_1986 = arith.constant 0 : i32
      %dma_start3A_1987 = arith.constant 0 : i32
      %dma_start3A_1988 = tpu.memref_slice %arg13[%dma_start3A_1979, %dma_start3A_1986, %dma_start3A_1987] : memref<6x32x128xf32, #tpu.memory_space<vmem>> -> memref<1x32x128xf32, #tpu.memory_space<vmem>>
      %dma_start3A_1989 = tpu.memref_squeeze %dma_start3A_1988 : memref<1x32x128xf32, #tpu.memory_space<vmem>> -> memref<32x128xf32, #tpu.memory_space<vmem>>
      %dma_start3A_1990 = arith.constant 0 : i32
      %dma_start3A_1991 = tpu.memref_slice %arg6[%dma_start3A_1990, %multiple_of3A_1978] : memref<32x1000000xf32, #tpu.memory_space<hbm>> -> memref<32x128xf32, #tpu.memory_space<hbm>>
      tpu.enqueue_dma source(%dma_start3A_1991 : memref<32x128xf32, #tpu.memory_space<hbm>>) target(%dma_start3A_1989 : memref<32x128xf32, #tpu.memory_space<vmem>>) target_semaphore(%arg16 : memref<!tpu.dma_semaphore, #tpu.memory_space<semaphore_mem>>)
      %slice3A_1992 = vector.extract_strided_slice %mul3A_77 {offsets = [13], sizes = [1], strides = [1]} : vector<16xi32> to vector<1xi32>
      %squeeze3A_1993 = vector.extract %slice3A_1992[0] : i32 from vector<1xi32>
      %multiple_of3A_1994 = tpu.assume_multiple %squeeze3A_1993, 128 : i32
      %dma_start3A_1995 = arith.constant 1 : i32
      %dma_start3A_1996 = arith.constant 0 : i32
      %dma_start3A_1997 = arith.constant 0 : i32
      %dma_start3A_1998 = tpu.memref_slice %arg14[%dma_start3A_1995, %dma_start3A_1996, %dma_start3A_1997] : memref<6x32x128xf32, #tpu.memory_space<vmem>> -> memref<1x32x128xf32, #tpu.memory_space<vmem>>
      %dma_start3A_1999 = tpu.memref_squeeze %dma_start3A_1998 : memref<1x32x128xf32, #tpu.memory_space<vmem>> -> memref<32x128xf32, #tpu.memory_space<vmem>>
      %dma_start3A_2000 = arith.constant 0 : i32
      %dma_start3A_2001 = tpu.memref_slice %arg7[%dma_start3A_2000, %multiple_of3A_1994] : memref<32x1000000xf32, #tpu.memory_space<hbm>> -> memref<32x128xf32, #tpu.memory_space<hbm>>
      %dma_start3A_2002 = arith.constant 0 : i32
      %dma_start3A_2003 = arith.constant 0 : i32
      %dma_start3A_2004 = tpu.memref_slice %arg14[%dma_start3A_1995, %dma_start3A_2002, %dma_start3A_2003] : memref<6x32x128xf32, #tpu.memory_space<vmem>> -> memref<1x32x128xf32, #tpu.memory_space<vmem>>
      %dma_start3A_2005 = tpu.memref_squeeze %dma_start3A_2004 : memref<1x32x128xf32, #tpu.memory_space<vmem>> -> memref<32x128xf32, #tpu.memory_space<vmem>>
      %dma_start3A_2006 = arith.constant 0 : i32
      %dma_start3A_2007 = tpu.memref_slice %arg7[%dma_start3A_2006, %multiple_of3A_1994] : memref<32x1000000xf32, #tpu.memory_space<hbm>> -> memref<32x128xf32, #tpu.memory_space<hbm>>
      tpu.enqueue_dma source(%dma_start3A_2007 : memref<32x128xf32, #tpu.memory_space<hbm>>) target(%dma_start3A_2005 : memref<32x128xf32, #tpu.memory_space<vmem>>) target_semaphore(%arg16 : memref<!tpu.dma_semaphore, #tpu.memory_space<semaphore_mem>>)
      %dma_wait3A_2008 = arith.constant 2 : i32
      %dma_wait3A_2009 = arith.constant 0 : i32
      %dma_wait3A_2010 = arith.constant 0 : i32
      %dma_wait3A_2011 = tpu.memref_slice %arg11[%dma_wait3A_2008, %dma_wait3A_2009, %dma_wait3A_2010] : memref<6x32x128xf32, #tpu.memory_space<vmem>> -> memref<1x32x128xf32, #tpu.memory_space<vmem>>
      %dma_wait3A_2012 = tpu.memref_squeeze %dma_wait3A_2011 : memref<1x32x128xf32, #tpu.memory_space<vmem>> -> memref<32x128xf32, #tpu.memory_space<vmem>>
      %dma_wait3A_2013 = arith.constant 0 : i32
      %dma_wait3A_2014 = tpu.memref_slice %arg4[%dma_wait3A_2013, %multiple_of3A_1106] : memref<32x1000000xf32, #tpu.memory_space<hbm>> -> memref<32x128xf32, #tpu.memory_space<hbm>>
      %dma_wait3A_2015 = arith.constant 0 : i32
      %dma_wait3A_2016 = arith.constant 0 : i32
      %dma_wait3A_2017 = tpu.memref_slice %arg11[%dma_wait3A_2008, %dma_wait3A_2015, %dma_wait3A_2016] : memref<6x32x128xf32, #tpu.memory_space<vmem>> -> memref<1x32x128xf32, #tpu.memory_space<vmem>>
      %dma_wait3A_2018 = tpu.memref_squeeze %dma_wait3A_2017 : memref<1x32x128xf32, #tpu.memory_space<vmem>> -> memref<32x128xf32, #tpu.memory_space<vmem>>
      %dma_wait3A_2019 = arith.constant 0 : i32
      %dma_wait3A_2020 = tpu.memref_slice %arg4[%dma_wait3A_2019, %multiple_of3A_1106] : memref<32x1000000xf32, #tpu.memory_space<hbm>> -> memref<32x128xf32, #tpu.memory_space<hbm>>
      tpu.wait_dma2 semaphore(%arg17 : memref<!tpu.dma_semaphore, #tpu.memory_space<semaphore_mem>>) src(%dma_wait3A_2020 : memref<32x128xf32, #tpu.memory_space<hbm>>) dst(%dma_wait3A_2018 : memref<32x128xf32, #tpu.memory_space<vmem>>)
      %dma_wait3A_2021 = arith.constant 2 : i32
      %dma_wait3A_2022 = arith.constant 0 : i32
      %dma_wait3A_2023 = arith.constant 0 : i32
      %dma_wait3A_2024 = tpu.memref_slice %arg12[%dma_wait3A_2021, %dma_wait3A_2022, %dma_wait3A_2023] : memref<6x32x128xf32, #tpu.memory_space<vmem>> -> memref<1x32x128xf32, #tpu.memory_space<vmem>>
      %dma_wait3A_2025 = tpu.memref_squeeze %dma_wait3A_2024 : memref<1x32x128xf32, #tpu.memory_space<vmem>> -> memref<32x128xf32, #tpu.memory_space<vmem>>
      %dma_wait3A_2026 = arith.constant 0 : i32
      %dma_wait3A_2027 = tpu.memref_slice %arg5[%dma_wait3A_2026, %multiple_of3A_1122] : memref<32x1000000xf32, #tpu.memory_space<hbm>> -> memref<32x128xf32, #tpu.memory_space<hbm>>
      %dma_wait3A_2028 = arith.constant 0 : i32
      %dma_wait3A_2029 = arith.constant 0 : i32
      %dma_wait3A_2030 = tpu.memref_slice %arg12[%dma_wait3A_2021, %dma_wait3A_2028, %dma_wait3A_2029] : memref<6x32x128xf32, #tpu.memory_space<vmem>> -> memref<1x32x128xf32, #tpu.memory_space<vmem>>
      %dma_wait3A_2031 = tpu.memref_squeeze %dma_wait3A_2030 : memref<1x32x128xf32, #tpu.memory_space<vmem>> -> memref<32x128xf32, #tpu.memory_space<vmem>>
      %dma_wait3A_2032 = arith.constant 0 : i32
      %dma_wait3A_2033 = tpu.memref_slice %arg5[%dma_wait3A_2032, %multiple_of3A_1122] : memref<32x1000000xf32, #tpu.memory_space<hbm>> -> memref<32x128xf32, #tpu.memory_space<hbm>>
      tpu.wait_dma2 semaphore(%arg17 : memref<!tpu.dma_semaphore, #tpu.memory_space<semaphore_mem>>) src(%dma_wait3A_2033 : memref<32x128xf32, #tpu.memory_space<hbm>>) dst(%dma_wait3A_2031 : memref<32x128xf32, #tpu.memory_space<vmem>>)
      %dma_wait3A_2034 = arith.constant 2 : i32
      %dma_wait3A_2035 = arith.constant 0 : i32
      %dma_wait3A_2036 = arith.constant 0 : i32
      %dma_wait3A_2037 = tpu.memref_slice %arg13[%dma_wait3A_2034, %dma_wait3A_2035, %dma_wait3A_2036] : memref<6x32x128xf32, #tpu.memory_space<vmem>> -> memref<1x32x128xf32, #tpu.memory_space<vmem>>
      %dma_wait3A_2038 = tpu.memref_squeeze %dma_wait3A_2037 : memref<1x32x128xf32, #tpu.memory_space<vmem>> -> memref<32x128xf32, #tpu.memory_space<vmem>>
      %dma_wait3A_2039 = arith.constant 0 : i32
      %dma_wait3A_2040 = tpu.memref_slice %arg6[%dma_wait3A_2039, %multiple_of3A_1138] : memref<32x1000000xf32, #tpu.memory_space<hbm>> -> memref<32x128xf32, #tpu.memory_space<hbm>>
      %dma_wait3A_2041 = arith.constant 0 : i32
      %dma_wait3A_2042 = arith.constant 0 : i32
      %dma_wait3A_2043 = tpu.memref_slice %arg13[%dma_wait3A_2034, %dma_wait3A_2041, %dma_wait3A_2042] : memref<6x32x128xf32, #tpu.memory_space<vmem>> -> memref<1x32x128xf32, #tpu.memory_space<vmem>>
      %dma_wait3A_2044 = tpu.memref_squeeze %dma_wait3A_2043 : memref<1x32x128xf32, #tpu.memory_space<vmem>> -> memref<32x128xf32, #tpu.memory_space<vmem>>
      %dma_wait3A_2045 = arith.constant 0 : i32
      %dma_wait3A_2046 = tpu.memref_slice %arg6[%dma_wait3A_2045, %multiple_of3A_1138] : memref<32x1000000xf32, #tpu.memory_space<hbm>> -> memref<32x128xf32, #tpu.memory_space<hbm>>
      tpu.wait_dma2 semaphore(%arg17 : memref<!tpu.dma_semaphore, #tpu.memory_space<semaphore_mem>>) src(%dma_wait3A_2046 : memref<32x128xf32, #tpu.memory_space<hbm>>) dst(%dma_wait3A_2044 : memref<32x128xf32, #tpu.memory_space<vmem>>)
      %dma_wait3A_2047 = arith.constant 2 : i32
      %dma_wait3A_2048 = arith.constant 0 : i32
      %dma_wait3A_2049 = arith.constant 0 : i32
      %dma_wait3A_2050 = tpu.memref_slice %arg14[%dma_wait3A_2047, %dma_wait3A_2048, %dma_wait3A_2049] : memref<6x32x128xf32, #tpu.memory_space<vmem>> -> memref<1x32x128xf32, #tpu.memory_space<vmem>>
      %dma_wait3A_2051 = tpu.memref_squeeze %dma_wait3A_2050 : memref<1x32x128xf32, #tpu.memory_space<vmem>> -> memref<32x128xf32, #tpu.memory_space<vmem>>
      %dma_wait3A_2052 = arith.constant 0 : i32
      %dma_wait3A_2053 = tpu.memref_slice %arg7[%dma_wait3A_2052, %multiple_of3A_1154] : memref<32x1000000xf32, #tpu.memory_space<hbm>> -> memref<32x128xf32, #tpu.memory_space<hbm>>
      %dma_wait3A_2054 = arith.constant 0 : i32
      %dma_wait3A_2055 = arith.constant 0 : i32
      %dma_wait3A_2056 = tpu.memref_slice %arg14[%dma_wait3A_2047, %dma_wait3A_2054, %dma_wait3A_2055] : memref<6x32x128xf32, #tpu.memory_space<vmem>> -> memref<1x32x128xf32, #tpu.memory_space<vmem>>
      %dma_wait3A_2057 = tpu.memref_squeeze %dma_wait3A_2056 : memref<1x32x128xf32, #tpu.memory_space<vmem>> -> memref<32x128xf32, #tpu.memory_space<vmem>>
      %dma_wait3A_2058 = arith.constant 0 : i32
      %dma_wait3A_2059 = tpu.memref_slice %arg7[%dma_wait3A_2058, %multiple_of3A_1154] : memref<32x1000000xf32, #tpu.memory_space<hbm>> -> memref<32x128xf32, #tpu.memory_space<hbm>>
      tpu.wait_dma2 semaphore(%arg17 : memref<!tpu.dma_semaphore, #tpu.memory_space<semaphore_mem>>) src(%dma_wait3A_2059 : memref<32x128xf32, #tpu.memory_space<hbm>>) dst(%dma_wait3A_2057 : memref<32x128xf32, #tpu.memory_space<vmem>>)
      %dma_wait3A_2060 = arith.constant 3 : i32
      %dma_wait3A_2061 = arith.constant 0 : i32
      %dma_wait3A_2062 = arith.constant 0 : i32
      %dma_wait3A_2063 = tpu.memref_slice %arg11[%dma_wait3A_2060, %dma_wait3A_2061, %dma_wait3A_2062] : memref<6x32x128xf32, #tpu.memory_space<vmem>> -> memref<1x32x128xf32, #tpu.memory_space<vmem>>
      %dma_wait3A_2064 = tpu.memref_squeeze %dma_wait3A_2063 : memref<1x32x128xf32, #tpu.memory_space<vmem>> -> memref<32x128xf32, #tpu.memory_space<vmem>>
      %dma_wait3A_2065 = arith.constant 0 : i32
      %dma_wait3A_2066 = tpu.memref_slice %arg4[%dma_wait3A_2065, %multiple_of3A_1170] : memref<32x1000000xf32, #tpu.memory_space<hbm>> -> memref<32x128xf32, #tpu.memory_space<hbm>>
      %dma_wait3A_2067 = arith.constant 0 : i32
      %dma_wait3A_2068 = arith.constant 0 : i32
      %dma_wait3A_2069 = tpu.memref_slice %arg11[%dma_wait3A_2060, %dma_wait3A_2067, %dma_wait3A_2068] : memref<6x32x128xf32, #tpu.memory_space<vmem>> -> memref<1x32x128xf32, #tpu.memory_space<vmem>>
      %dma_wait3A_2070 = tpu.memref_squeeze %dma_wait3A_2069 : memref<1x32x128xf32, #tpu.memory_space<vmem>> -> memref<32x128xf32, #tpu.memory_space<vmem>>
      %dma_wait3A_2071 = arith.constant 0 : i32
      %dma_wait3A_2072 = tpu.memref_slice %arg4[%dma_wait3A_2071, %multiple_of3A_1170] : memref<32x1000000xf32, #tpu.memory_space<hbm>> -> memref<32x128xf32, #tpu.memory_space<hbm>>
      tpu.wait_dma2 semaphore(%arg17 : memref<!tpu.dma_semaphore, #tpu.memory_space<semaphore_mem>>) src(%dma_wait3A_2072 : memref<32x128xf32, #tpu.memory_space<hbm>>) dst(%dma_wait3A_2070 : memref<32x128xf32, #tpu.memory_space<vmem>>)
      %dma_wait3A_2073 = arith.constant 3 : i32
      %dma_wait3A_2074 = arith.constant 0 : i32
      %dma_wait3A_2075 = arith.constant 0 : i32
      %dma_wait3A_2076 = tpu.memref_slice %arg12[%dma_wait3A_2073, %dma_wait3A_2074, %dma_wait3A_2075] : memref<6x32x128xf32, #tpu.memory_space<vmem>> -> memref<1x32x128xf32, #tpu.memory_space<vmem>>
      %dma_wait3A_2077 = tpu.memref_squeeze %dma_wait3A_2076 : memref<1x32x128xf32, #tpu.memory_space<vmem>> -> memref<32x128xf32, #tpu.memory_space<vmem>>
      %dma_wait3A_2078 = arith.constant 0 : i32
      %dma_wait3A_2079 = tpu.memref_slice %arg5[%dma_wait3A_2078, %multiple_of3A_1186] : memref<32x1000000xf32, #tpu.memory_space<hbm>> -> memref<32x128xf32, #tpu.memory_space<hbm>>
      %dma_wait3A_2080 = arith.constant 0 : i32
      %dma_wait3A_2081 = arith.constant 0 : i32
      %dma_wait3A_2082 = tpu.memref_slice %arg12[%dma_wait3A_2073, %dma_wait3A_2080, %dma_wait3A_2081] : memref<6x32x128xf32, #tpu.memory_space<vmem>> -> memref<1x32x128xf32, #tpu.memory_space<vmem>>
      %dma_wait3A_2083 = tpu.memref_squeeze %dma_wait3A_2082 : memref<1x32x128xf32, #tpu.memory_space<vmem>> -> memref<32x128xf32, #tpu.memory_space<vmem>>
      %dma_wait3A_2084 = arith.constant 0 : i32
      %dma_wait3A_2085 = tpu.memref_slice %arg5[%dma_wait3A_2084, %multiple_of3A_1186] : memref<32x1000000xf32, #tpu.memory_space<hbm>> -> memref<32x128xf32, #tpu.memory_space<hbm>>
      tpu.wait_dma2 semaphore(%arg17 : memref<!tpu.dma_semaphore, #tpu.memory_space<semaphore_mem>>) src(%dma_wait3A_2085 : memref<32x128xf32, #tpu.memory_space<hbm>>) dst(%dma_wait3A_2083 : memref<32x128xf32, #tpu.memory_space<vmem>>)
      %dma_wait3A_2086 = arith.constant 3 : i32
      %dma_wait3A_2087 = arith.constant 0 : i32
      %dma_wait3A_2088 = arith.constant 0 : i32
      %dma_wait3A_2089 = tpu.memref_slice %arg13[%dma_wait3A_2086, %dma_wait3A_2087, %dma_wait3A_2088] : memref<6x32x128xf32, #tpu.memory_space<vmem>> -> memref<1x32x128xf32, #tpu.memory_space<vmem>>
      %dma_wait3A_2090 = tpu.memref_squeeze %dma_wait3A_2089 : memref<1x32x128xf32, #tpu.memory_space<vmem>> -> memref<32x128xf32, #tpu.memory_space<vmem>>
      %dma_wait3A_2091 = arith.constant 0 : i32
      %dma_wait3A_2092 = tpu.memref_slice %arg6[%dma_wait3A_2091, %multiple_of3A_1202] : memref<32x1000000xf32, #tpu.memory_space<hbm>> -> memref<32x128xf32, #tpu.memory_space<hbm>>
      %dma_wait3A_2093 = arith.constant 0 : i32
      %dma_wait3A_2094 = arith.constant 0 : i32
      %dma_wait3A_2095 = tpu.memref_slice %arg13[%dma_wait3A_2086, %dma_wait3A_2093, %dma_wait3A_2094] : memref<6x32x128xf32, #tpu.memory_space<vmem>> -> memref<1x32x128xf32, #tpu.memory_space<vmem>>
      %dma_wait3A_2096 = tpu.memref_squeeze %dma_wait3A_2095 : memref<1x32x128xf32, #tpu.memory_space<vmem>> -> memref<32x128xf32, #tpu.memory_space<vmem>>
      %dma_wait3A_2097 = arith.constant 0 : i32
      %dma_wait3A_2098 = tpu.memref_slice %arg6[%dma_wait3A_2097, %multiple_of3A_1202] : memref<32x1000000xf32, #tpu.memory_space<hbm>> -> memref<32x128xf32, #tpu.memory_space<hbm>>
      tpu.wait_dma2 semaphore(%arg17 : memref<!tpu.dma_semaphore, #tpu.memory_space<semaphore_mem>>) src(%dma_wait3A_2098 : memref<32x128xf32, #tpu.memory_space<hbm>>) dst(%dma_wait3A_2096 : memref<32x128xf32, #tpu.memory_space<vmem>>)
      %dma_wait3A_2099 = arith.constant 3 : i32
      %dma_wait3A_2100 = arith.constant 0 : i32
      %dma_wait3A_2101 = arith.constant 0 : i32
      %dma_wait3A_2102 = tpu.memref_slice %arg14[%dma_wait3A_2099, %dma_wait3A_2100, %dma_wait3A_2101] : memref<6x32x128xf32, #tpu.memory_space<vmem>> -> memref<1x32x128xf32, #tpu.memory_space<vmem>>
      %dma_wait3A_2103 = tpu.memref_squeeze %dma_wait3A_2102 : memref<1x32x128xf32, #tpu.memory_space<vmem>> -> memref<32x128xf32, #tpu.memory_space<vmem>>
      %dma_wait3A_2104 = arith.constant 0 : i32
      %dma_wait3A_2105 = tpu.memref_slice %arg7[%dma_wait3A_2104, %multiple_of3A_1218] : memref<32x1000000xf32, #tpu.memory_space<hbm>> -> memref<32x128xf32, #tpu.memory_space<hbm>>
      %dma_wait3A_2106 = arith.constant 0 : i32
      %dma_wait3A_2107 = arith.constant 0 : i32
      %dma_wait3A_2108 = tpu.memref_slice %arg14[%dma_wait3A_2099, %dma_wait3A_2106, %dma_wait3A_2107] : memref<6x32x128xf32, #tpu.memory_space<vmem>> -> memref<1x32x128xf32, #tpu.memory_space<vmem>>
      %dma_wait3A_2109 = tpu.memref_squeeze %dma_wait3A_2108 : memref<1x32x128xf32, #tpu.memory_space<vmem>> -> memref<32x128xf32, #tpu.memory_space<vmem>>
      %dma_wait3A_2110 = arith.constant 0 : i32
      %dma_wait3A_2111 = tpu.memref_slice %arg7[%dma_wait3A_2110, %multiple_of3A_1218] : memref<32x1000000xf32, #tpu.memory_space<hbm>> -> memref<32x128xf32, #tpu.memory_space<hbm>>
      tpu.wait_dma2 semaphore(%arg17 : memref<!tpu.dma_semaphore, #tpu.memory_space<semaphore_mem>>) src(%dma_wait3A_2111 : memref<32x128xf32, #tpu.memory_space<hbm>>) dst(%dma_wait3A_2109 : memref<32x128xf32, #tpu.memory_space<vmem>>)
      %broadcast_in_dim3A_2112 = arith.constant 2 : i32
      %broadcast_in_dim3A_2113 = vector.broadcast %broadcast_in_dim3A_2112 : i32 to vector<16xi32>
      %slice3A_2114 = vector.extract_strided_slice %sub3A_78 {offsets = [8], sizes = [1], strides = [1]} : vector<16xi32> to vector<1xi32>
      %squeeze3A_2115 = vector.extract %slice3A_2114[0] : i32 from vector<1xi32>
      %broadcast_in_dim3A_2116 = vector.broadcast %squeeze3A_2115 : i32 to vector<16xi32>
      %add3A_2117 = arith.constant 0 : i32
      %add3A_2118 = vector.broadcast %add3A_2117 : i32 to vector<16xi32>
      %add3A_2119 = arith.addi %add3A_2118, %iota3A : vector<16xi32>
      %gather3A_2120 = tpu.vector_load_idx %arg11[%broadcast_in_dim3A_2113, %add3A_2119, %broadcast_in_dim3A_2116] : memref<6x32x128xf32, #tpu.memory_space<vmem>>[vector<16xi32>, vector<16xi32>, vector<16xi32>], vector<16xf32>,
      %swap3A_2121 = arith.constant 8 : i32
      %swap3A_2122 = arith.index_cast %swap3A_2121 : i32 to index
      %swap3A_2123 = arith.constant 0 : index
      %swap3A_2124 = tpu.vector_load %arg15[%swap3A_2122, %swap3A_2123] {strides = array<i32>} : memref<16x128xf32, #tpu.memory_space<vmem>>, vector<16xf32>,
      tpu.vector_store %arg15[%swap3A_2122, %swap3A_2123], %gather3A_2120 {strides = array<i32>} : memref<16x128xf32, #tpu.memory_space<vmem>>, vector<16xf32>,
      %add3A_2125 = arith.constant 16 : i32
      %add3A_2126 = vector.broadcast %add3A_2125 : i32 to vector<16xi32>
      %add3A_2127 = arith.addi %add3A_2126, %iota3A : vector<16xi32>
      %gather3A_2128 = tpu.vector_load_idx %arg11[%broadcast_in_dim3A_2113, %add3A_2127, %broadcast_in_dim3A_2116] : memref<6x32x128xf32, #tpu.memory_space<vmem>>[vector<16xi32>, vector<16xi32>, vector<16xi32>], vector<16xf32>,
      %swap3A_2129 = arith.constant 8 : i32
      %swap3A_2130 = arith.index_cast %swap3A_2129 : i32 to index
      %swap3A_2131 = arith.constant 16 : index
      %swap3A_2132 = tpu.vector_load %arg15[%swap3A_2130, %swap3A_2131] {strides = array<i32>} : memref<16x128xf32, #tpu.memory_space<vmem>>, vector<16xf32>,
      tpu.vector_store %arg15[%swap3A_2130, %swap3A_2131], %gather3A_2128 {strides = array<i32>} : memref<16x128xf32, #tpu.memory_space<vmem>>, vector<16xf32>,
      %slice3A_2133 = vector.extract_strided_slice %sub3A_79 {offsets = [8], sizes = [1], strides = [1]} : vector<16xi32> to vector<1xi32>
      %squeeze3A_2134 = vector.extract %slice3A_2133[0] : i32 from vector<1xi32>
      %broadcast_in_dim3A_2135 = vector.broadcast %squeeze3A_2134 : i32 to vector<16xi32>
      %add3A_2136 = arith.constant 0 : i32
      %add3A_2137 = vector.broadcast %add3A_2136 : i32 to vector<16xi32>
      %add3A_2138 = arith.addi %add3A_2137, %iota3A : vector<16xi32>
      %gather3A_2139 = tpu.vector_load_idx %arg12[%broadcast_in_dim3A_2113, %add3A_2138, %broadcast_in_dim3A_2135] : memref<6x32x128xf32, #tpu.memory_space<vmem>>[vector<16xi32>, vector<16xi32>, vector<16xi32>], vector<16xf32>,
      %swap3A_2140 = arith.constant 8 : i32
      %swap3A_2141 = arith.index_cast %swap3A_2140 : i32 to index
      %swap3A_2142 = arith.constant 32 : index
      %swap3A_2143 = tpu.vector_load %arg15[%swap3A_2141, %swap3A_2142] {strides = array<i32>} : memref<16x128xf32, #tpu.memory_space<vmem>>, vector<16xf32>,
      tpu.vector_store %arg15[%swap3A_2141, %swap3A_2142], %gather3A_2139 {strides = array<i32>} : memref<16x128xf32, #tpu.memory_space<vmem>>, vector<16xf32>,
      %add3A_2144 = arith.constant 16 : i32
      %add3A_2145 = vector.broadcast %add3A_2144 : i32 to vector<16xi32>
      %add3A_2146 = arith.addi %add3A_2145, %iota3A : vector<16xi32>
      %gather3A_2147 = tpu.vector_load_idx %arg12[%broadcast_in_dim3A_2113, %add3A_2146, %broadcast_in_dim3A_2135] : memref<6x32x128xf32, #tpu.memory_space<vmem>>[vector<16xi32>, vector<16xi32>, vector<16xi32>], vector<16xf32>,
      %swap3A_2148 = arith.constant 8 : i32
      %swap3A_2149 = arith.index_cast %swap3A_2148 : i32 to index
      %swap3A_2150 = arith.constant 48 : index
      %swap3A_2151 = tpu.vector_load %arg15[%swap3A_2149, %swap3A_2150] {strides = array<i32>} : memref<16x128xf32, #tpu.memory_space<vmem>>, vector<16xf32>,
      tpu.vector_store %arg15[%swap3A_2149, %swap3A_2150], %gather3A_2147 {strides = array<i32>} : memref<16x128xf32, #tpu.memory_space<vmem>>, vector<16xf32>,
      %slice3A_2152 = vector.extract_strided_slice %sub3A_78 {offsets = [8], sizes = [1], strides = [1]} : vector<16xi32> to vector<1xi32>
      %squeeze3A_2153 = vector.extract %slice3A_2152[0] : i32 from vector<1xi32>
      %broadcast_in_dim3A_2154 = vector.broadcast %squeeze3A_2153 : i32 to vector<16xi32>
      %add3A_2155 = arith.constant 0 : i32
      %add3A_2156 = vector.broadcast %add3A_2155 : i32 to vector<16xi32>
      %add3A_2157 = arith.addi %add3A_2156, %iota3A : vector<16xi32>
      %gather3A_2158 = tpu.vector_load_idx %arg13[%broadcast_in_dim3A_2113, %add3A_2157, %broadcast_in_dim3A_2154] : memref<6x32x128xf32, #tpu.memory_space<vmem>>[vector<16xi32>, vector<16xi32>, vector<16xi32>], vector<16xf32>,
      %swap3A_2159 = arith.constant 8 : i32
      %swap3A_2160 = arith.index_cast %swap3A_2159 : i32 to index
      %swap3A_2161 = arith.constant 64 : index
      %swap3A_2162 = tpu.vector_load %arg15[%swap3A_2160, %swap3A_2161] {strides = array<i32>} : memref<16x128xf32, #tpu.memory_space<vmem>>, vector<16xf32>,
      tpu.vector_store %arg15[%swap3A_2160, %swap3A_2161], %gather3A_2158 {strides = array<i32>} : memref<16x128xf32, #tpu.memory_space<vmem>>, vector<16xf32>,
      %add3A_2163 = arith.constant 16 : i32
      %add3A_2164 = vector.broadcast %add3A_2163 : i32 to vector<16xi32>
      %add3A_2165 = arith.addi %add3A_2164, %iota3A : vector<16xi32>
      %gather3A_2166 = tpu.vector_load_idx %arg13[%broadcast_in_dim3A_2113, %add3A_2165, %broadcast_in_dim3A_2154] : memref<6x32x128xf32, #tpu.memory_space<vmem>>[vector<16xi32>, vector<16xi32>, vector<16xi32>], vector<16xf32>,
      %swap3A_2167 = arith.constant 8 : i32
      %swap3A_2168 = arith.index_cast %swap3A_2167 : i32 to index
      %swap3A_2169 = arith.constant 80 : index
      %swap3A_2170 = tpu.vector_load %arg15[%swap3A_2168, %swap3A_2169] {strides = array<i32>} : memref<16x128xf32, #tpu.memory_space<vmem>>, vector<16xf32>,
      tpu.vector_store %arg15[%swap3A_2168, %swap3A_2169], %gather3A_2166 {strides = array<i32>} : memref<16x128xf32, #tpu.memory_space<vmem>>, vector<16xf32>,
      %slice3A_2171 = vector.extract_strided_slice %sub3A_79 {offsets = [8], sizes = [1], strides = [1]} : vector<16xi32> to vector<1xi32>
      %squeeze3A_2172 = vector.extract %slice3A_2171[0] : i32 from vector<1xi32>
      %broadcast_in_dim3A_2173 = vector.broadcast %squeeze3A_2172 : i32 to vector<16xi32>
      %add3A_2174 = arith.constant 0 : i32
      %add3A_2175 = vector.broadcast %add3A_2174 : i32 to vector<16xi32>
      %add3A_2176 = arith.addi %add3A_2175, %iota3A : vector<16xi32>
      %gather3A_2177 = tpu.vector_load_idx %arg14[%broadcast_in_dim3A_2113, %add3A_2176, %broadcast_in_dim3A_2173] : memref<6x32x128xf32, #tpu.memory_space<vmem>>[vector<16xi32>, vector<16xi32>, vector<16xi32>], vector<16xf32>,
      %swap3A_2178 = arith.constant 8 : i32
      %swap3A_2179 = arith.index_cast %swap3A_2178 : i32 to index
      %swap3A_2180 = arith.constant 96 : index
      %swap3A_2181 = tpu.vector_load %arg15[%swap3A_2179, %swap3A_2180] {strides = array<i32>} : memref<16x128xf32, #tpu.memory_space<vmem>>, vector<16xf32>,
      tpu.vector_store %arg15[%swap3A_2179, %swap3A_2180], %gather3A_2177 {strides = array<i32>} : memref<16x128xf32, #tpu.memory_space<vmem>>, vector<16xf32>,
      %add3A_2182 = arith.constant 16 : i32
      %add3A_2183 = vector.broadcast %add3A_2182 : i32 to vector<16xi32>
      %add3A_2184 = arith.addi %add3A_2183, %iota3A : vector<16xi32>
      %gather3A_2185 = tpu.vector_load_idx %arg14[%broadcast_in_dim3A_2113, %add3A_2184, %broadcast_in_dim3A_2173] : memref<6x32x128xf32, #tpu.memory_space<vmem>>[vector<16xi32>, vector<16xi32>, vector<16xi32>], vector<16xf32>,
      %swap3A_2186 = arith.constant 8 : i32
      %swap3A_2187 = arith.index_cast %swap3A_2186 : i32 to index
      %swap3A_2188 = arith.constant 112 : index
      %swap3A_2189 = tpu.vector_load %arg15[%swap3A_2187, %swap3A_2188] {strides = array<i32>} : memref<16x128xf32, #tpu.memory_space<vmem>>, vector<16xf32>,
      tpu.vector_store %arg15[%swap3A_2187, %swap3A_2188], %gather3A_2185 {strides = array<i32>} : memref<16x128xf32, #tpu.memory_space<vmem>>, vector<16xf32>,
      %broadcast_in_dim3A_2190 = arith.constant 3 : i32
      %broadcast_in_dim3A_2191 = vector.broadcast %broadcast_in_dim3A_2190 : i32 to vector<16xi32>
      %slice3A_2192 = vector.extract_strided_slice %sub3A_78 {offsets = [9], sizes = [1], strides = [1]} : vector<16xi32> to vector<1xi32>
      %squeeze3A_2193 = vector.extract %slice3A_2192[0] : i32 from vector<1xi32>
      %broadcast_in_dim3A_2194 = vector.broadcast %squeeze3A_2193 : i32 to vector<16xi32>
      %add3A_2195 = arith.constant 0 : i32
      %add3A_2196 = vector.broadcast %add3A_2195 : i32 to vector<16xi32>
      %add3A_2197 = arith.addi %add3A_2196, %iota3A : vector<16xi32>
      %gather3A_2198 = tpu.vector_load_idx %arg11[%broadcast_in_dim3A_2191, %add3A_2197, %broadcast_in_dim3A_2194] : memref<6x32x128xf32, #tpu.memory_space<vmem>>[vector<16xi32>, vector<16xi32>, vector<16xi32>], vector<16xf32>,
      %swap3A_2199 = arith.constant 9 : i32
      %swap3A_2200 = arith.index_cast %swap3A_2199 : i32 to index
      %swap3A_2201 = arith.constant 0 : index
      %swap3A_2202 = tpu.vector_load %arg15[%swap3A_2200, %swap3A_2201] {strides = array<i32>} : memref<16x128xf32, #tpu.memory_space<vmem>>, vector<16xf32>,
      tpu.vector_store %arg15[%swap3A_2200, %swap3A_2201], %gather3A_2198 {strides = array<i32>} : memref<16x128xf32, #tpu.memory_space<vmem>>, vector<16xf32>,
      %add3A_2203 = arith.constant 16 : i32
      %add3A_2204 = vector.broadcast %add3A_2203 : i32 to vector<16xi32>
      %add3A_2205 = arith.addi %add3A_2204, %iota3A : vector<16xi32>
      %gather3A_2206 = tpu.vector_load_idx %arg11[%broadcast_in_dim3A_2191, %add3A_2205, %broadcast_in_dim3A_2194] : memref<6x32x128xf32, #tpu.memory_space<vmem>>[vector<16xi32>, vector<16xi32>, vector<16xi32>], vector<16xf32>,
      %swap3A_2207 = arith.constant 9 : i32
      %swap3A_2208 = arith.index_cast %swap3A_2207 : i32 to index
      %swap3A_2209 = arith.constant 16 : index
      %swap3A_2210 = tpu.vector_load %arg15[%swap3A_2208, %swap3A_2209] {strides = array<i32>} : memref<16x128xf32, #tpu.memory_space<vmem>>, vector<16xf32>,
      tpu.vector_store %arg15[%swap3A_2208, %swap3A_2209], %gather3A_2206 {strides = array<i32>} : memref<16x128xf32, #tpu.memory_space<vmem>>, vector<16xf32>,
      %slice3A_2211 = vector.extract_strided_slice %sub3A_79 {offsets = [9], sizes = [1], strides = [1]} : vector<16xi32> to vector<1xi32>
      %squeeze3A_2212 = vector.extract %slice3A_2211[0] : i32 from vector<1xi32>
      %broadcast_in_dim3A_2213 = vector.broadcast %squeeze3A_2212 : i32 to vector<16xi32>
      %add3A_2214 = arith.constant 0 : i32
      %add3A_2215 = vector.broadcast %add3A_2214 : i32 to vector<16xi32>
      %add3A_2216 = arith.addi %add3A_2215, %iota3A : vector<16xi32>
      %gather3A_2217 = tpu.vector_load_idx %arg12[%broadcast_in_dim3A_2191, %add3A_2216, %broadcast_in_dim3A_2213] : memref<6x32x128xf32, #tpu.memory_space<vmem>>[vector<16xi32>, vector<16xi32>, vector<16xi32>], vector<16xf32>,
      %swap3A_2218 = arith.constant 9 : i32
      %swap3A_2219 = arith.index_cast %swap3A_2218 : i32 to index
      %swap3A_2220 = arith.constant 32 : index
      %swap3A_2221 = tpu.vector_load %arg15[%swap3A_2219, %swap3A_2220] {strides = array<i32>} : memref<16x128xf32, #tpu.memory_space<vmem>>, vector<16xf32>,
      tpu.vector_store %arg15[%swap3A_2219, %swap3A_2220], %gather3A_2217 {strides = array<i32>} : memref<16x128xf32, #tpu.memory_space<vmem>>, vector<16xf32>,
      %add3A_2222 = arith.constant 16 : i32
      %add3A_2223 = vector.broadcast %add3A_2222 : i32 to vector<16xi32>
      %add3A_2224 = arith.addi %add3A_2223, %iota3A : vector<16xi32>
      %gather3A_2225 = tpu.vector_load_idx %arg12[%broadcast_in_dim3A_2191, %add3A_2224, %broadcast_in_dim3A_2213] : memref<6x32x128xf32, #tpu.memory_space<vmem>>[vector<16xi32>, vector<16xi32>, vector<16xi32>], vector<16xf32>,
      %swap3A_2226 = arith.constant 9 : i32
      %swap3A_2227 = arith.index_cast %swap3A_2226 : i32 to index
      %swap3A_2228 = arith.constant 48 : index
      %swap3A_2229 = tpu.vector_load %arg15[%swap3A_2227, %swap3A_2228] {strides = array<i32>} : memref<16x128xf32, #tpu.memory_space<vmem>>, vector<16xf32>,
      tpu.vector_store %arg15[%swap3A_2227, %swap3A_2228], %gather3A_2225 {strides = array<i32>} : memref<16x128xf32, #tpu.memory_space<vmem>>, vector<16xf32>,
      %slice3A_2230 = vector.extract_strided_slice %sub3A_78 {offsets = [9], sizes = [1], strides = [1]} : vector<16xi32> to vector<1xi32>
      %squeeze3A_2231 = vector.extract %slice3A_2230[0] : i32 from vector<1xi32>
      %broadcast_in_dim3A_2232 = vector.broadcast %squeeze3A_2231 : i32 to vector<16xi32>
      %add3A_2233 = arith.constant 0 : i32
      %add3A_2234 = vector.broadcast %add3A_2233 : i32 to vector<16xi32>
      %add3A_2235 = arith.addi %add3A_2234, %iota3A : vector<16xi32>
      %gather3A_2236 = tpu.vector_load_idx %arg13[%broadcast_in_dim3A_2191, %add3A_2235, %broadcast_in_dim3A_2232] : memref<6x32x128xf32, #tpu.memory_space<vmem>>[vector<16xi32>, vector<16xi32>, vector<16xi32>], vector<16xf32>,
      %swap3A_2237 = arith.constant 9 : i32
      %swap3A_2238 = arith.index_cast %swap3A_2237 : i32 to index
      %swap3A_2239 = arith.constant 64 : index
      %swap3A_2240 = tpu.vector_load %arg15[%swap3A_2238, %swap3A_2239] {strides = array<i32>} : memref<16x128xf32, #tpu.memory_space<vmem>>, vector<16xf32>,
      tpu.vector_store %arg15[%swap3A_2238, %swap3A_2239], %gather3A_2236 {strides = array<i32>} : memref<16x128xf32, #tpu.memory_space<vmem>>, vector<16xf32>,
      %add3A_2241 = arith.constant 16 : i32
      %add3A_2242 = vector.broadcast %add3A_2241 : i32 to vector<16xi32>
      %add3A_2243 = arith.addi %add3A_2242, %iota3A : vector<16xi32>
      %gather3A_2244 = tpu.vector_load_idx %arg13[%broadcast_in_dim3A_2191, %add3A_2243, %broadcast_in_dim3A_2232] : memref<6x32x128xf32, #tpu.memory_space<vmem>>[vector<16xi32>, vector<16xi32>, vector<16xi32>], vector<16xf32>,
      %swap3A_2245 = arith.constant 9 : i32
      %swap3A_2246 = arith.index_cast %swap3A_2245 : i32 to index
      %swap3A_2247 = arith.constant 80 : index
      %swap3A_2248 = tpu.vector_load %arg15[%swap3A_2246, %swap3A_2247] {strides = array<i32>} : memref<16x128xf32, #tpu.memory_space<vmem>>, vector<16xf32>,
      tpu.vector_store %arg15[%swap3A_2246, %swap3A_2247], %gather3A_2244 {strides = array<i32>} : memref<16x128xf32, #tpu.memory_space<vmem>>, vector<16xf32>,
      %slice3A_2249 = vector.extract_strided_slice %sub3A_79 {offsets = [9], sizes = [1], strides = [1]} : vector<16xi32> to vector<1xi32>
      %squeeze3A_2250 = vector.extract %slice3A_2249[0] : i32 from vector<1xi32>
      %broadcast_in_dim3A_2251 = vector.broadcast %squeeze3A_2250 : i32 to vector<16xi32>
      %add3A_2252 = arith.constant 0 : i32
      %add3A_2253 = vector.broadcast %add3A_2252 : i32 to vector<16xi32>
      %add3A_2254 = arith.addi %add3A_2253, %iota3A : vector<16xi32>
      %gather3A_2255 = tpu.vector_load_idx %arg14[%broadcast_in_dim3A_2191, %add3A_2254, %broadcast_in_dim3A_2251] : memref<6x32x128xf32, #tpu.memory_space<vmem>>[vector<16xi32>, vector<16xi32>, vector<16xi32>], vector<16xf32>,
      %swap3A_2256 = arith.constant 9 : i32
      %swap3A_2257 = arith.index_cast %swap3A_2256 : i32 to index
      %swap3A_2258 = arith.constant 96 : index
      %swap3A_2259 = tpu.vector_load %arg15[%swap3A_2257, %swap3A_2258] {strides = array<i32>} : memref<16x128xf32, #tpu.memory_space<vmem>>, vector<16xf32>,
      tpu.vector_store %arg15[%swap3A_2257, %swap3A_2258], %gather3A_2255 {strides = array<i32>} : memref<16x128xf32, #tpu.memory_space<vmem>>, vector<16xf32>,
      %add3A_2260 = arith.constant 16 : i32
      %add3A_2261 = vector.broadcast %add3A_2260 : i32 to vector<16xi32>
      %add3A_2262 = arith.addi %add3A_2261, %iota3A : vector<16xi32>
      %gather3A_2263 = tpu.vector_load_idx %arg14[%broadcast_in_dim3A_2191, %add3A_2262, %broadcast_in_dim3A_2251] : memref<6x32x128xf32, #tpu.memory_space<vmem>>[vector<16xi32>, vector<16xi32>, vector<16xi32>], vector<16xf32>,
      %swap3A_2264 = arith.constant 9 : i32
      %swap3A_2265 = arith.index_cast %swap3A_2264 : i32 to index
      %swap3A_2266 = arith.constant 112 : index
      %swap3A_2267 = tpu.vector_load %arg15[%swap3A_2265, %swap3A_2266] {strides = array<i32>} : memref<16x128xf32, #tpu.memory_space<vmem>>, vector<16xf32>,
      tpu.vector_store %arg15[%swap3A_2265, %swap3A_2266], %gather3A_2263 {strides = array<i32>} : memref<16x128xf32, #tpu.memory_space<vmem>>, vector<16xf32>,
      %slice3A_2268 = vector.extract_strided_slice %mul3A_43 {offsets = [14], sizes = [1], strides = [1]} : vector<16xi32> to vector<1xi32>
      %squeeze3A_2269 = vector.extract %slice3A_2268[0] : i32 from vector<1xi32>
      %multiple_of3A_2270 = tpu.assume_multiple %squeeze3A_2269, 128 : i32
      %dma_start3A_2271 = arith.constant 2 : i32
      %dma_start3A_2272 = arith.constant 0 : i32
      %dma_start3A_2273 = arith.constant 0 : i32
      %dma_start3A_2274 = tpu.memref_slice %arg11[%dma_start3A_2271, %dma_start3A_2272, %dma_start3A_2273] : memref<6x32x128xf32, #tpu.memory_space<vmem>> -> memref<1x32x128xf32, #tpu.memory_space<vmem>>
      %dma_start3A_2275 = tpu.memref_squeeze %dma_start3A_2274 : memref<1x32x128xf32, #tpu.memory_space<vmem>> -> memref<32x128xf32, #tpu.memory_space<vmem>>
      %dma_start3A_2276 = arith.constant 0 : i32
      %dma_start3A_2277 = tpu.memref_slice %arg4[%dma_start3A_2276, %multiple_of3A_2270] : memref<32x1000000xf32, #tpu.memory_space<hbm>> -> memref<32x128xf32, #tpu.memory_space<hbm>>
      %dma_start3A_2278 = arith.constant 0 : i32
      %dma_start3A_2279 = arith.constant 0 : i32
      %dma_start3A_2280 = tpu.memref_slice %arg11[%dma_start3A_2271, %dma_start3A_2278, %dma_start3A_2279] : memref<6x32x128xf32, #tpu.memory_space<vmem>> -> memref<1x32x128xf32, #tpu.memory_space<vmem>>
      %dma_start3A_2281 = tpu.memref_squeeze %dma_start3A_2280 : memref<1x32x128xf32, #tpu.memory_space<vmem>> -> memref<32x128xf32, #tpu.memory_space<vmem>>
      %dma_start3A_2282 = arith.constant 0 : i32
      %dma_start3A_2283 = tpu.memref_slice %arg4[%dma_start3A_2282, %multiple_of3A_2270] : memref<32x1000000xf32, #tpu.memory_space<hbm>> -> memref<32x128xf32, #tpu.memory_space<hbm>>
      tpu.enqueue_dma source(%dma_start3A_2283 : memref<32x128xf32, #tpu.memory_space<hbm>>) target(%dma_start3A_2281 : memref<32x128xf32, #tpu.memory_space<vmem>>) target_semaphore(%arg17 : memref<!tpu.dma_semaphore, #tpu.memory_space<semaphore_mem>>)
      %slice3A_2284 = vector.extract_strided_slice %mul3A_77 {offsets = [14], sizes = [1], strides = [1]} : vector<16xi32> to vector<1xi32>
      %squeeze3A_2285 = vector.extract %slice3A_2284[0] : i32 from vector<1xi32>
      %multiple_of3A_2286 = tpu.assume_multiple %squeeze3A_2285, 128 : i32
      %dma_start3A_2287 = arith.constant 2 : i32
      %dma_start3A_2288 = arith.constant 0 : i32
      %dma_start3A_2289 = arith.constant 0 : i32
      %dma_start3A_2290 = tpu.memref_slice %arg12[%dma_start3A_2287, %dma_start3A_2288, %dma_start3A_2289] : memref<6x32x128xf32, #tpu.memory_space<vmem>> -> memref<1x32x128xf32, #tpu.memory_space<vmem>>
      %dma_start3A_2291 = tpu.memref_squeeze %dma_start3A_2290 : memref<1x32x128xf32, #tpu.memory_space<vmem>> -> memref<32x128xf32, #tpu.memory_space<vmem>>
      %dma_start3A_2292 = arith.constant 0 : i32
      %dma_start3A_2293 = tpu.memref_slice %arg5[%dma_start3A_2292, %multiple_of3A_2286] : memref<32x1000000xf32, #tpu.memory_space<hbm>> -> memref<32x128xf32, #tpu.memory_space<hbm>>
      %dma_start3A_2294 = arith.constant 0 : i32
      %dma_start3A_2295 = arith.constant 0 : i32
      %dma_start3A_2296 = tpu.memref_slice %arg12[%dma_start3A_2287, %dma_start3A_2294, %dma_start3A_2295] : memref<6x32x128xf32, #tpu.memory_space<vmem>> -> memref<1x32x128xf32, #tpu.memory_space<vmem>>
      %dma_start3A_2297 = tpu.memref_squeeze %dma_start3A_2296 : memref<1x32x128xf32, #tpu.memory_space<vmem>> -> memref<32x128xf32, #tpu.memory_space<vmem>>
      %dma_start3A_2298 = arith.constant 0 : i32
      %dma_start3A_2299 = tpu.memref_slice %arg5[%dma_start3A_2298, %multiple_of3A_2286] : memref<32x1000000xf32, #tpu.memory_space<hbm>> -> memref<32x128xf32, #tpu.memory_space<hbm>>
      tpu.enqueue_dma source(%dma_start3A_2299 : memref<32x128xf32, #tpu.memory_space<hbm>>) target(%dma_start3A_2297 : memref<32x128xf32, #tpu.memory_space<vmem>>) target_semaphore(%arg17 : memref<!tpu.dma_semaphore, #tpu.memory_space<semaphore_mem>>)
      %slice3A_2300 = vector.extract_strided_slice %mul3A_43 {offsets = [14], sizes = [1], strides = [1]} : vector<16xi32> to vector<1xi32>
      %squeeze3A_2301 = vector.extract %slice3A_2300[0] : i32 from vector<1xi32>
      %multiple_of3A_2302 = tpu.assume_multiple %squeeze3A_2301, 128 : i32
      %dma_start3A_2303 = arith.constant 2 : i32
      %dma_start3A_2304 = arith.constant 0 : i32
      %dma_start3A_2305 = arith.constant 0 : i32
      %dma_start3A_2306 = tpu.memref_slice %arg13[%dma_start3A_2303, %dma_start3A_2304, %dma_start3A_2305] : memref<6x32x128xf32, #tpu.memory_space<vmem>> -> memref<1x32x128xf32, #tpu.memory_space<vmem>>
      %dma_start3A_2307 = tpu.memref_squeeze %dma_start3A_2306 : memref<1x32x128xf32, #tpu.memory_space<vmem>> -> memref<32x128xf32, #tpu.memory_space<vmem>>
      %dma_start3A_2308 = arith.constant 0 : i32
      %dma_start3A_2309 = tpu.memref_slice %arg6[%dma_start3A_2308, %multiple_of3A_2302] : memref<32x1000000xf32, #tpu.memory_space<hbm>> -> memref<32x128xf32, #tpu.memory_space<hbm>>
      %dma_start3A_2310 = arith.constant 0 : i32
      %dma_start3A_2311 = arith.constant 0 : i32
      %dma_start3A_2312 = tpu.memref_slice %arg13[%dma_start3A_2303, %dma_start3A_2310, %dma_start3A_2311] : memref<6x32x128xf32, #tpu.memory_space<vmem>> -> memref<1x32x128xf32, #tpu.memory_space<vmem>>
      %dma_start3A_2313 = tpu.memref_squeeze %dma_start3A_2312 : memref<1x32x128xf32, #tpu.memory_space<vmem>> -> memref<32x128xf32, #tpu.memory_space<vmem>>
      %dma_start3A_2314 = arith.constant 0 : i32
      %dma_start3A_2315 = tpu.memref_slice %arg6[%dma_start3A_2314, %multiple_of3A_2302] : memref<32x1000000xf32, #tpu.memory_space<hbm>> -> memref<32x128xf32, #tpu.memory_space<hbm>>
      tpu.enqueue_dma source(%dma_start3A_2315 : memref<32x128xf32, #tpu.memory_space<hbm>>) target(%dma_start3A_2313 : memref<32x128xf32, #tpu.memory_space<vmem>>) target_semaphore(%arg17 : memref<!tpu.dma_semaphore, #tpu.memory_space<semaphore_mem>>)
      %slice3A_2316 = vector.extract_strided_slice %mul3A_77 {offsets = [14], sizes = [1], strides = [1]} : vector<16xi32> to vector<1xi32>
      %squeeze3A_2317 = vector.extract %slice3A_2316[0] : i32 from vector<1xi32>
      %multiple_of3A_2318 = tpu.assume_multiple %squeeze3A_2317, 128 : i32
      %dma_start3A_2319 = arith.constant 2 : i32
      %dma_start3A_2320 = arith.constant 0 : i32
      %dma_start3A_2321 = arith.constant 0 : i32
      %dma_start3A_2322 = tpu.memref_slice %arg14[%dma_start3A_2319, %dma_start3A_2320, %dma_start3A_2321] : memref<6x32x128xf32, #tpu.memory_space<vmem>> -> memref<1x32x128xf32, #tpu.memory_space<vmem>>
      %dma_start3A_2323 = tpu.memref_squeeze %dma_start3A_2322 : memref<1x32x128xf32, #tpu.memory_space<vmem>> -> memref<32x128xf32, #tpu.memory_space<vmem>>
      %dma_start3A_2324 = arith.constant 0 : i32
      %dma_start3A_2325 = tpu.memref_slice %arg7[%dma_start3A_2324, %multiple_of3A_2318] : memref<32x1000000xf32, #tpu.memory_space<hbm>> -> memref<32x128xf32, #tpu.memory_space<hbm>>
      %dma_start3A_2326 = arith.constant 0 : i32
      %dma_start3A_2327 = arith.constant 0 : i32
      %dma_start3A_2328 = tpu.memref_slice %arg14[%dma_start3A_2319, %dma_start3A_2326, %dma_start3A_2327] : memref<6x32x128xf32, #tpu.memory_space<vmem>> -> memref<1x32x128xf32, #tpu.memory_space<vmem>>
      %dma_start3A_2329 = tpu.memref_squeeze %dma_start3A_2328 : memref<1x32x128xf32, #tpu.memory_space<vmem>> -> memref<32x128xf32, #tpu.memory_space<vmem>>
      %dma_start3A_2330 = arith.constant 0 : i32
      %dma_start3A_2331 = tpu.memref_slice %arg7[%dma_start3A_2330, %multiple_of3A_2318] : memref<32x1000000xf32, #tpu.memory_space<hbm>> -> memref<32x128xf32, #tpu.memory_space<hbm>>
      tpu.enqueue_dma source(%dma_start3A_2331 : memref<32x128xf32, #tpu.memory_space<hbm>>) target(%dma_start3A_2329 : memref<32x128xf32, #tpu.memory_space<vmem>>) target_semaphore(%arg17 : memref<!tpu.dma_semaphore, #tpu.memory_space<semaphore_mem>>)
      %slice3A_2332 = vector.extract_strided_slice %mul3A_43 {offsets = [15], sizes = [1], strides = [1]} : vector<16xi32> to vector<1xi32>
      %squeeze3A_2333 = vector.extract %slice3A_2332[0] : i32 from vector<1xi32>
      %multiple_of3A_2334 = tpu.assume_multiple %squeeze3A_2333, 128 : i32
      %dma_start3A_2335 = arith.constant 3 : i32
      %dma_start3A_2336 = arith.constant 0 : i32
      %dma_start3A_2337 = arith.constant 0 : i32
      %dma_start3A_2338 = tpu.memref_slice %arg11[%dma_start3A_2335, %dma_start3A_2336, %dma_start3A_2337] : memref<6x32x128xf32, #tpu.memory_space<vmem>> -> memref<1x32x128xf32, #tpu.memory_space<vmem>>
      %dma_start3A_2339 = tpu.memref_squeeze %dma_start3A_2338 : memref<1x32x128xf32, #tpu.memory_space<vmem>> -> memref<32x128xf32, #tpu.memory_space<vmem>>
      %dma_start3A_2340 = arith.constant 0 : i32
      %dma_start3A_2341 = tpu.memref_slice %arg4[%dma_start3A_2340, %multiple_of3A_2334] : memref<32x1000000xf32, #tpu.memory_space<hbm>> -> memref<32x128xf32, #tpu.memory_space<hbm>>
      %dma_start3A_2342 = arith.constant 0 : i32
      %dma_start3A_2343 = arith.constant 0 : i32
      %dma_start3A_2344 = tpu.memref_slice %arg11[%dma_start3A_2335, %dma_start3A_2342, %dma_start3A_2343] : memref<6x32x128xf32, #tpu.memory_space<vmem>> -> memref<1x32x128xf32, #tpu.memory_space<vmem>>
      %dma_start3A_2345 = tpu.memref_squeeze %dma_start3A_2344 : memref<1x32x128xf32, #tpu.memory_space<vmem>> -> memref<32x128xf32, #tpu.memory_space<vmem>>
      %dma_start3A_2346 = arith.constant 0 : i32
      %dma_start3A_2347 = tpu.memref_slice %arg4[%dma_start3A_2346, %multiple_of3A_2334] : memref<32x1000000xf32, #tpu.memory_space<hbm>> -> memref<32x128xf32, #tpu.memory_space<hbm>>
      tpu.enqueue_dma source(%dma_start3A_2347 : memref<32x128xf32, #tpu.memory_space<hbm>>) target(%dma_start3A_2345 : memref<32x128xf32, #tpu.memory_space<vmem>>) target_semaphore(%arg17 : memref<!tpu.dma_semaphore, #tpu.memory_space<semaphore_mem>>)
      %slice3A_2348 = vector.extract_strided_slice %mul3A_77 {offsets = [15], sizes = [1], strides = [1]} : vector<16xi32> to vector<1xi32>
      %squeeze3A_2349 = vector.extract %slice3A_2348[0] : i32 from vector<1xi32>
      %multiple_of3A_2350 = tpu.assume_multiple %squeeze3A_2349, 128 : i32
      %dma_start3A_2351 = arith.constant 3 : i32
      %dma_start3A_2352 = arith.constant 0 : i32
      %dma_start3A_2353 = arith.constant 0 : i32
      %dma_start3A_2354 = tpu.memref_slice %arg12[%dma_start3A_2351, %dma_start3A_2352, %dma_start3A_2353] : memref<6x32x128xf32, #tpu.memory_space<vmem>> -> memref<1x32x128xf32, #tpu.memory_space<vmem>>
      %dma_start3A_2355 = tpu.memref_squeeze %dma_start3A_2354 : memref<1x32x128xf32, #tpu.memory_space<vmem>> -> memref<32x128xf32, #tpu.memory_space<vmem>>
      %dma_start3A_2356 = arith.constant 0 : i32
      %dma_start3A_2357 = tpu.memref_slice %arg5[%dma_start3A_2356, %multiple_of3A_2350] : memref<32x1000000xf32, #tpu.memory_space<hbm>> -> memref<32x128xf32, #tpu.memory_space<hbm>>
      %dma_start3A_2358 = arith.constant 0 : i32
      %dma_start3A_2359 = arith.constant 0 : i32
      %dma_start3A_2360 = tpu.memref_slice %arg12[%dma_start3A_2351, %dma_start3A_2358, %dma_start3A_2359] : memref<6x32x128xf32, #tpu.memory_space<vmem>> -> memref<1x32x128xf32, #tpu.memory_space<vmem>>
      %dma_start3A_2361 = tpu.memref_squeeze %dma_start3A_2360 : memref<1x32x128xf32, #tpu.memory_space<vmem>> -> memref<32x128xf32, #tpu.memory_space<vmem>>
      %dma_start3A_2362 = arith.constant 0 : i32
      %dma_start3A_2363 = tpu.memref_slice %arg5[%dma_start3A_2362, %multiple_of3A_2350] : memref<32x1000000xf32, #tpu.memory_space<hbm>> -> memref<32x128xf32, #tpu.memory_space<hbm>>
      tpu.enqueue_dma source(%dma_start3A_2363 : memref<32x128xf32, #tpu.memory_space<hbm>>) target(%dma_start3A_2361 : memref<32x128xf32, #tpu.memory_space<vmem>>) target_semaphore(%arg17 : memref<!tpu.dma_semaphore, #tpu.memory_space<semaphore_mem>>)
      %slice3A_2364 = vector.extract_strided_slice %mul3A_43 {offsets = [15], sizes = [1], strides = [1]} : vector<16xi32> to vector<1xi32>
      %squeeze3A_2365 = vector.extract %slice3A_2364[0] : i32 from vector<1xi32>
      %multiple_of3A_2366 = tpu.assume_multiple %squeeze3A_2365, 128 : i32
      %dma_start3A_2367 = arith.constant 3 : i32
      %dma_start3A_2368 = arith.constant 0 : i32
      %dma_start3A_2369 = arith.constant 0 : i32
      %dma_start3A_2370 = tpu.memref_slice %arg13[%dma_start3A_2367, %dma_start3A_2368, %dma_start3A_2369] : memref<6x32x128xf32, #tpu.memory_space<vmem>> -> memref<1x32x128xf32, #tpu.memory_space<vmem>>
      %dma_start3A_2371 = tpu.memref_squeeze %dma_start3A_2370 : memref<1x32x128xf32, #tpu.memory_space<vmem>> -> memref<32x128xf32, #tpu.memory_space<vmem>>
      %dma_start3A_2372 = arith.constant 0 : i32
      %dma_start3A_2373 = tpu.memref_slice %arg6[%dma_start3A_2372, %multiple_of3A_2366] : memref<32x1000000xf32, #tpu.memory_space<hbm>> -> memref<32x128xf32, #tpu.memory_space<hbm>>
      %dma_start3A_2374 = arith.constant 0 : i32
      %dma_start3A_2375 = arith.constant 0 : i32
      %dma_start3A_2376 = tpu.memref_slice %arg13[%dma_start3A_2367, %dma_start3A_2374, %dma_start3A_2375] : memref<6x32x128xf32, #tpu.memory_space<vmem>> -> memref<1x32x128xf32, #tpu.memory_space<vmem>>
      %dma_start3A_2377 = tpu.memref_squeeze %dma_start3A_2376 : memref<1x32x128xf32, #tpu.memory_space<vmem>> -> memref<32x128xf32, #tpu.memory_space<vmem>>
      %dma_start3A_2378 = arith.constant 0 : i32
      %dma_start3A_2379 = tpu.memref_slice %arg6[%dma_start3A_2378, %multiple_of3A_2366] : memref<32x1000000xf32, #tpu.memory_space<hbm>> -> memref<32x128xf32, #tpu.memory_space<hbm>>
      tpu.enqueue_dma source(%dma_start3A_2379 : memref<32x128xf32, #tpu.memory_space<hbm>>) target(%dma_start3A_2377 : memref<32x128xf32, #tpu.memory_space<vmem>>) target_semaphore(%arg17 : memref<!tpu.dma_semaphore, #tpu.memory_space<semaphore_mem>>)
      %slice3A_2380 = vector.extract_strided_slice %mul3A_77 {offsets = [15], sizes = [1], strides = [1]} : vector<16xi32> to vector<1xi32>
      %squeeze3A_2381 = vector.extract %slice3A_2380[0] : i32 from vector<1xi32>
      %multiple_of3A_2382 = tpu.assume_multiple %squeeze3A_2381, 128 : i32
      %dma_start3A_2383 = arith.constant 3 : i32
      %dma_start3A_2384 = arith.constant 0 : i32
      %dma_start3A_2385 = arith.constant 0 : i32
      %dma_start3A_2386 = tpu.memref_slice %arg14[%dma_start3A_2383, %dma_start3A_2384, %dma_start3A_2385] : memref<6x32x128xf32, #tpu.memory_space<vmem>> -> memref<1x32x128xf32, #tpu.memory_space<vmem>>
      %dma_start3A_2387 = tpu.memref_squeeze %dma_start3A_2386 : memref<1x32x128xf32, #tpu.memory_space<vmem>> -> memref<32x128xf32, #tpu.memory_space<vmem>>
      %dma_start3A_2388 = arith.constant 0 : i32
      %dma_start3A_2389 = tpu.memref_slice %arg7[%dma_start3A_2388, %multiple_of3A_2382] : memref<32x1000000xf32, #tpu.memory_space<hbm>> -> memref<32x128xf32, #tpu.memory_space<hbm>>
      %dma_start3A_2390 = arith.constant 0 : i32
      %dma_start3A_2391 = arith.constant 0 : i32
      %dma_start3A_2392 = tpu.memref_slice %arg14[%dma_start3A_2383, %dma_start3A_2390, %dma_start3A_2391] : memref<6x32x128xf32, #tpu.memory_space<vmem>> -> memref<1x32x128xf32, #tpu.memory_space<vmem>>
      %dma_start3A_2393 = tpu.memref_squeeze %dma_start3A_2392 : memref<1x32x128xf32, #tpu.memory_space<vmem>> -> memref<32x128xf32, #tpu.memory_space<vmem>>
      %dma_start3A_2394 = arith.constant 0 : i32
      %dma_start3A_2395 = tpu.memref_slice %arg7[%dma_start3A_2394, %multiple_of3A_2382] : memref<32x1000000xf32, #tpu.memory_space<hbm>> -> memref<32x128xf32, #tpu.memory_space<hbm>>
      tpu.enqueue_dma source(%dma_start3A_2395 : memref<32x128xf32, #tpu.memory_space<hbm>>) target(%dma_start3A_2393 : memref<32x128xf32, #tpu.memory_space<vmem>>) target_semaphore(%arg17 : memref<!tpu.dma_semaphore, #tpu.memory_space<semaphore_mem>>)
      %dma_wait3A_2396 = arith.constant 4 : i32
      %dma_wait3A_2397 = arith.constant 0 : i32
      %dma_wait3A_2398 = arith.constant 0 : i32
      %dma_wait3A_2399 = tpu.memref_slice %arg11[%dma_wait3A_2396, %dma_wait3A_2397, %dma_wait3A_2398] : memref<6x32x128xf32, #tpu.memory_space<vmem>> -> memref<1x32x128xf32, #tpu.memory_space<vmem>>
      %dma_wait3A_2400 = tpu.memref_squeeze %dma_wait3A_2399 : memref<1x32x128xf32, #tpu.memory_space<vmem>> -> memref<32x128xf32, #tpu.memory_space<vmem>>
      %dma_wait3A_2401 = arith.constant 0 : i32
      %dma_wait3A_2402 = tpu.memref_slice %arg4[%dma_wait3A_2401, %multiple_of3A_1494] : memref<32x1000000xf32, #tpu.memory_space<hbm>> -> memref<32x128xf32, #tpu.memory_space<hbm>>
      %dma_wait3A_2403 = arith.constant 0 : i32
      %dma_wait3A_2404 = arith.constant 0 : i32
      %dma_wait3A_2405 = tpu.memref_slice %arg11[%dma_wait3A_2396, %dma_wait3A_2403, %dma_wait3A_2404] : memref<6x32x128xf32, #tpu.memory_space<vmem>> -> memref<1x32x128xf32, #tpu.memory_space<vmem>>
      %dma_wait3A_2406 = tpu.memref_squeeze %dma_wait3A_2405 : memref<1x32x128xf32, #tpu.memory_space<vmem>> -> memref<32x128xf32, #tpu.memory_space<vmem>>
      %dma_wait3A_2407 = arith.constant 0 : i32
      %dma_wait3A_2408 = tpu.memref_slice %arg4[%dma_wait3A_2407, %multiple_of3A_1494] : memref<32x1000000xf32, #tpu.memory_space<hbm>> -> memref<32x128xf32, #tpu.memory_space<hbm>>
      tpu.wait_dma2 semaphore(%arg18 : memref<!tpu.dma_semaphore, #tpu.memory_space<semaphore_mem>>) src(%dma_wait3A_2408 : memref<32x128xf32, #tpu.memory_space<hbm>>) dst(%dma_wait3A_2406 : memref<32x128xf32, #tpu.memory_space<vmem>>)
      %dma_wait3A_2409 = arith.constant 4 : i32
      %dma_wait3A_2410 = arith.constant 0 : i32
      %dma_wait3A_2411 = arith.constant 0 : i32
      %dma_wait3A_2412 = tpu.memref_slice %arg12[%dma_wait3A_2409, %dma_wait3A_2410, %dma_wait3A_2411] : memref<6x32x128xf32, #tpu.memory_space<vmem>> -> memref<1x32x128xf32, #tpu.memory_space<vmem>>
      %dma_wait3A_2413 = tpu.memref_squeeze %dma_wait3A_2412 : memref<1x32x128xf32, #tpu.memory_space<vmem>> -> memref<32x128xf32, #tpu.memory_space<vmem>>
      %dma_wait3A_2414 = arith.constant 0 : i32
      %dma_wait3A_2415 = tpu.memref_slice %arg5[%dma_wait3A_2414, %multiple_of3A_1510] : memref<32x1000000xf32, #tpu.memory_space<hbm>> -> memref<32x128xf32, #tpu.memory_space<hbm>>
      %dma_wait3A_2416 = arith.constant 0 : i32
      %dma_wait3A_2417 = arith.constant 0 : i32
      %dma_wait3A_2418 = tpu.memref_slice %arg12[%dma_wait3A_2409, %dma_wait3A_2416, %dma_wait3A_2417] : memref<6x32x128xf32, #tpu.memory_space<vmem>> -> memref<1x32x128xf32, #tpu.memory_space<vmem>>
      %dma_wait3A_2419 = tpu.memref_squeeze %dma_wait3A_2418 : memref<1x32x128xf32, #tpu.memory_space<vmem>> -> memref<32x128xf32, #tpu.memory_space<vmem>>
      %dma_wait3A_2420 = arith.constant 0 : i32
      %dma_wait3A_2421 = tpu.memref_slice %arg5[%dma_wait3A_2420, %multiple_of3A_1510] : memref<32x1000000xf32, #tpu.memory_space<hbm>> -> memref<32x128xf32, #tpu.memory_space<hbm>>
      tpu.wait_dma2 semaphore(%arg18 : memref<!tpu.dma_semaphore, #tpu.memory_space<semaphore_mem>>) src(%dma_wait3A_2421 : memref<32x128xf32, #tpu.memory_space<hbm>>) dst(%dma_wait3A_2419 : memref<32x128xf32, #tpu.memory_space<vmem>>)
      %dma_wait3A_2422 = arith.constant 4 : i32
      %dma_wait3A_2423 = arith.constant 0 : i32
      %dma_wait3A_2424 = arith.constant 0 : i32
      %dma_wait3A_2425 = tpu.memref_slice %arg13[%dma_wait3A_2422, %dma_wait3A_2423, %dma_wait3A_2424] : memref<6x32x128xf32, #tpu.memory_space<vmem>> -> memref<1x32x128xf32, #tpu.memory_space<vmem>>
      %dma_wait3A_2426 = tpu.memref_squeeze %dma_wait3A_2425 : memref<1x32x128xf32, #tpu.memory_space<vmem>> -> memref<32x128xf32, #tpu.memory_space<vmem>>
      %dma_wait3A_2427 = arith.constant 0 : i32
      %dma_wait3A_2428 = tpu.memref_slice %arg6[%dma_wait3A_2427, %multiple_of3A_1526] : memref<32x1000000xf32, #tpu.memory_space<hbm>> -> memref<32x128xf32, #tpu.memory_space<hbm>>
      %dma_wait3A_2429 = arith.constant 0 : i32
      %dma_wait3A_2430 = arith.constant 0 : i32
      %dma_wait3A_2431 = tpu.memref_slice %arg13[%dma_wait3A_2422, %dma_wait3A_2429, %dma_wait3A_2430] : memref<6x32x128xf32, #tpu.memory_space<vmem>> -> memref<1x32x128xf32, #tpu.memory_space<vmem>>
      %dma_wait3A_2432 = tpu.memref_squeeze %dma_wait3A_2431 : memref<1x32x128xf32, #tpu.memory_space<vmem>> -> memref<32x128xf32, #tpu.memory_space<vmem>>
      %dma_wait3A_2433 = arith.constant 0 : i32
      %dma_wait3A_2434 = tpu.memref_slice %arg6[%dma_wait3A_2433, %multiple_of3A_1526] : memref<32x1000000xf32, #tpu.memory_space<hbm>> -> memref<32x128xf32, #tpu.memory_space<hbm>>
      tpu.wait_dma2 semaphore(%arg18 : memref<!tpu.dma_semaphore, #tpu.memory_space<semaphore_mem>>) src(%dma_wait3A_2434 : memref<32x128xf32, #tpu.memory_space<hbm>>) dst(%dma_wait3A_2432 : memref<32x128xf32, #tpu.memory_space<vmem>>)
      %dma_wait3A_2435 = arith.constant 4 : i32
      %dma_wait3A_2436 = arith.constant 0 : i32
      %dma_wait3A_2437 = arith.constant 0 : i32
      %dma_wait3A_2438 = tpu.memref_slice %arg14[%dma_wait3A_2435, %dma_wait3A_2436, %dma_wait3A_2437] : memref<6x32x128xf32, #tpu.memory_space<vmem>> -> memref<1x32x128xf32, #tpu.memory_space<vmem>>
      %dma_wait3A_2439 = tpu.memref_squeeze %dma_wait3A_2438 : memref<1x32x128xf32, #tpu.memory_space<vmem>> -> memref<32x128xf32, #tpu.memory_space<vmem>>
      %dma_wait3A_2440 = arith.constant 0 : i32
      %dma_wait3A_2441 = tpu.memref_slice %arg7[%dma_wait3A_2440, %multiple_of3A_1542] : memref<32x1000000xf32, #tpu.memory_space<hbm>> -> memref<32x128xf32, #tpu.memory_space<hbm>>
      %dma_wait3A_2442 = arith.constant 0 : i32
      %dma_wait3A_2443 = arith.constant 0 : i32
      %dma_wait3A_2444 = tpu.memref_slice %arg14[%dma_wait3A_2435, %dma_wait3A_2442, %dma_wait3A_2443] : memref<6x32x128xf32, #tpu.memory_space<vmem>> -> memref<1x32x128xf32, #tpu.memory_space<vmem>>
      %dma_wait3A_2445 = tpu.memref_squeeze %dma_wait3A_2444 : memref<1x32x128xf32, #tpu.memory_space<vmem>> -> memref<32x128xf32, #tpu.memory_space<vmem>>
      %dma_wait3A_2446 = arith.constant 0 : i32
      %dma_wait3A_2447 = tpu.memref_slice %arg7[%dma_wait3A_2446, %multiple_of3A_1542] : memref<32x1000000xf32, #tpu.memory_space<hbm>> -> memref<32x128xf32, #tpu.memory_space<hbm>>
      tpu.wait_dma2 semaphore(%arg18 : memref<!tpu.dma_semaphore, #tpu.memory_space<semaphore_mem>>) src(%dma_wait3A_2447 : memref<32x128xf32, #tpu.memory_space<hbm>>) dst(%dma_wait3A_2445 : memref<32x128xf32, #tpu.memory_space<vmem>>)
      %dma_wait3A_2448 = arith.constant 5 : i32
      %dma_wait3A_2449 = arith.constant 0 : i32
      %dma_wait3A_2450 = arith.constant 0 : i32
      %dma_wait3A_2451 = tpu.memref_slice %arg11[%dma_wait3A_2448, %dma_wait3A_2449, %dma_wait3A_2450] : memref<6x32x128xf32, #tpu.memory_space<vmem>> -> memref<1x32x128xf32, #tpu.memory_space<vmem>>
      %dma_wait3A_2452 = tpu.memref_squeeze %dma_wait3A_2451 : memref<1x32x128xf32, #tpu.memory_space<vmem>> -> memref<32x128xf32, #tpu.memory_space<vmem>>
      %dma_wait3A_2453 = arith.constant 0 : i32
      %dma_wait3A_2454 = tpu.memref_slice %arg4[%dma_wait3A_2453, %multiple_of3A_1558] : memref<32x1000000xf32, #tpu.memory_space<hbm>> -> memref<32x128xf32, #tpu.memory_space<hbm>>
      %dma_wait3A_2455 = arith.constant 0 : i32
      %dma_wait3A_2456 = arith.constant 0 : i32
      %dma_wait3A_2457 = tpu.memref_slice %arg11[%dma_wait3A_2448, %dma_wait3A_2455, %dma_wait3A_2456] : memref<6x32x128xf32, #tpu.memory_space<vmem>> -> memref<1x32x128xf32, #tpu.memory_space<vmem>>
      %dma_wait3A_2458 = tpu.memref_squeeze %dma_wait3A_2457 : memref<1x32x128xf32, #tpu.memory_space<vmem>> -> memref<32x128xf32, #tpu.memory_space<vmem>>
      %dma_wait3A_2459 = arith.constant 0 : i32
      %dma_wait3A_2460 = tpu.memref_slice %arg4[%dma_wait3A_2459, %multiple_of3A_1558] : memref<32x1000000xf32, #tpu.memory_space<hbm>> -> memref<32x128xf32, #tpu.memory_space<hbm>>
      tpu.wait_dma2 semaphore(%arg18 : memref<!tpu.dma_semaphore, #tpu.memory_space<semaphore_mem>>) src(%dma_wait3A_2460 : memref<32x128xf32, #tpu.memory_space<hbm>>) dst(%dma_wait3A_2458 : memref<32x128xf32, #tpu.memory_space<vmem>>)
      %dma_wait3A_2461 = arith.constant 5 : i32
      %dma_wait3A_2462 = arith.constant 0 : i32
      %dma_wait3A_2463 = arith.constant 0 : i32
      %dma_wait3A_2464 = tpu.memref_slice %arg12[%dma_wait3A_2461, %dma_wait3A_2462, %dma_wait3A_2463] : memref<6x32x128xf32, #tpu.memory_space<vmem>> -> memref<1x32x128xf32, #tpu.memory_space<vmem>>
      %dma_wait3A_2465 = tpu.memref_squeeze %dma_wait3A_2464 : memref<1x32x128xf32, #tpu.memory_space<vmem>> -> memref<32x128xf32, #tpu.memory_space<vmem>>
      %dma_wait3A_2466 = arith.constant 0 : i32
      %dma_wait3A_2467 = tpu.memref_slice %arg5[%dma_wait3A_2466, %multiple_of3A_1574] : memref<32x1000000xf32, #tpu.memory_space<hbm>> -> memref<32x128xf32, #tpu.memory_space<hbm>>
      %dma_wait3A_2468 = arith.constant 0 : i32
      %dma_wait3A_2469 = arith.constant 0 : i32
      %dma_wait3A_2470 = tpu.memref_slice %arg12[%dma_wait3A_2461, %dma_wait3A_2468, %dma_wait3A_2469] : memref<6x32x128xf32, #tpu.memory_space<vmem>> -> memref<1x32x128xf32, #tpu.memory_space<vmem>>
      %dma_wait3A_2471 = tpu.memref_squeeze %dma_wait3A_2470 : memref<1x32x128xf32, #tpu.memory_space<vmem>> -> memref<32x128xf32, #tpu.memory_space<vmem>>
      %dma_wait3A_2472 = arith.constant 0 : i32
      %dma_wait3A_2473 = tpu.memref_slice %arg5[%dma_wait3A_2472, %multiple_of3A_1574] : memref<32x1000000xf32, #tpu.memory_space<hbm>> -> memref<32x128xf32, #tpu.memory_space<hbm>>
      tpu.wait_dma2 semaphore(%arg18 : memref<!tpu.dma_semaphore, #tpu.memory_space<semaphore_mem>>) src(%dma_wait3A_2473 : memref<32x128xf32, #tpu.memory_space<hbm>>) dst(%dma_wait3A_2471 : memref<32x128xf32, #tpu.memory_space<vmem>>)
      %dma_wait3A_2474 = arith.constant 5 : i32
      %dma_wait3A_2475 = arith.constant 0 : i32
      %dma_wait3A_2476 = arith.constant 0 : i32
      %dma_wait3A_2477 = tpu.memref_slice %arg13[%dma_wait3A_2474, %dma_wait3A_2475, %dma_wait3A_2476] : memref<6x32x128xf32, #tpu.memory_space<vmem>> -> memref<1x32x128xf32, #tpu.memory_space<vmem>>
      %dma_wait3A_2478 = tpu.memref_squeeze %dma_wait3A_2477 : memref<1x32x128xf32, #tpu.memory_space<vmem>> -> memref<32x128xf32, #tpu.memory_space<vmem>>
      %dma_wait3A_2479 = arith.constant 0 : i32
      %dma_wait3A_2480 = tpu.memref_slice %arg6[%dma_wait3A_2479, %multiple_of3A_1590] : memref<32x1000000xf32, #tpu.memory_space<hbm>> -> memref<32x128xf32, #tpu.memory_space<hbm>>
      %dma_wait3A_2481 = arith.constant 0 : i32
      %dma_wait3A_2482 = arith.constant 0 : i32
      %dma_wait3A_2483 = tpu.memref_slice %arg13[%dma_wait3A_2474, %dma_wait3A_2481, %dma_wait3A_2482] : memref<6x32x128xf32, #tpu.memory_space<vmem>> -> memref<1x32x128xf32, #tpu.memory_space<vmem>>
      %dma_wait3A_2484 = tpu.memref_squeeze %dma_wait3A_2483 : memref<1x32x128xf32, #tpu.memory_space<vmem>> -> memref<32x128xf32, #tpu.memory_space<vmem>>
      %dma_wait3A_2485 = arith.constant 0 : i32
      %dma_wait3A_2486 = tpu.memref_slice %arg6[%dma_wait3A_2485, %multiple_of3A_1590] : memref<32x1000000xf32, #tpu.memory_space<hbm>> -> memref<32x128xf32, #tpu.memory_space<hbm>>
      tpu.wait_dma2 semaphore(%arg18 : memref<!tpu.dma_semaphore, #tpu.memory_space<semaphore_mem>>) src(%dma_wait3A_2486 : memref<32x128xf32, #tpu.memory_space<hbm>>) dst(%dma_wait3A_2484 : memref<32x128xf32, #tpu.memory_space<vmem>>)
      %dma_wait3A_2487 = arith.constant 5 : i32
      %dma_wait3A_2488 = arith.constant 0 : i32
      %dma_wait3A_2489 = arith.constant 0 : i32
      %dma_wait3A_2490 = tpu.memref_slice %arg14[%dma_wait3A_2487, %dma_wait3A_2488, %dma_wait3A_2489] : memref<6x32x128xf32, #tpu.memory_space<vmem>> -> memref<1x32x128xf32, #tpu.memory_space<vmem>>
      %dma_wait3A_2491 = tpu.memref_squeeze %dma_wait3A_2490 : memref<1x32x128xf32, #tpu.memory_space<vmem>> -> memref<32x128xf32, #tpu.memory_space<vmem>>
      %dma_wait3A_2492 = arith.constant 0 : i32
      %dma_wait3A_2493 = tpu.memref_slice %arg7[%dma_wait3A_2492, %multiple_of3A_1606] : memref<32x1000000xf32, #tpu.memory_space<hbm>> -> memref<32x128xf32, #tpu.memory_space<hbm>>
      %dma_wait3A_2494 = arith.constant 0 : i32
      %dma_wait3A_2495 = arith.constant 0 : i32
      %dma_wait3A_2496 = tpu.memref_slice %arg14[%dma_wait3A_2487, %dma_wait3A_2494, %dma_wait3A_2495] : memref<6x32x128xf32, #tpu.memory_space<vmem>> -> memref<1x32x128xf32, #tpu.memory_space<vmem>>
      %dma_wait3A_2497 = tpu.memref_squeeze %dma_wait3A_2496 : memref<1x32x128xf32, #tpu.memory_space<vmem>> -> memref<32x128xf32, #tpu.memory_space<vmem>>
      %dma_wait3A_2498 = arith.constant 0 : i32
      %dma_wait3A_2499 = tpu.memref_slice %arg7[%dma_wait3A_2498, %multiple_of3A_1606] : memref<32x1000000xf32, #tpu.memory_space<hbm>> -> memref<32x128xf32, #tpu.memory_space<hbm>>
      tpu.wait_dma2 semaphore(%arg18 : memref<!tpu.dma_semaphore, #tpu.memory_space<semaphore_mem>>) src(%dma_wait3A_2499 : memref<32x128xf32, #tpu.memory_space<hbm>>) dst(%dma_wait3A_2497 : memref<32x128xf32, #tpu.memory_space<vmem>>)
      %broadcast_in_dim3A_2500 = arith.constant 4 : i32
      %broadcast_in_dim3A_2501 = vector.broadcast %broadcast_in_dim3A_2500 : i32 to vector<16xi32>
      %slice3A_2502 = vector.extract_strided_slice %sub3A_78 {offsets = [10], sizes = [1], strides = [1]} : vector<16xi32> to vector<1xi32>
      %squeeze3A_2503 = vector.extract %slice3A_2502[0] : i32 from vector<1xi32>
      %broadcast_in_dim3A_2504 = vector.broadcast %squeeze3A_2503 : i32 to vector<16xi32>
      %add3A_2505 = arith.constant 0 : i32
      %add3A_2506 = vector.broadcast %add3A_2505 : i32 to vector<16xi32>
      %add3A_2507 = arith.addi %add3A_2506, %iota3A : vector<16xi32>
      %gather3A_2508 = tpu.vector_load_idx %arg11[%broadcast_in_dim3A_2501, %add3A_2507, %broadcast_in_dim3A_2504] : memref<6x32x128xf32, #tpu.memory_space<vmem>>[vector<16xi32>, vector<16xi32>, vector<16xi32>], vector<16xf32>,
      %swap3A_2509 = arith.constant 10 : i32
      %swap3A_2510 = arith.index_cast %swap3A_2509 : i32 to index
      %swap3A_2511 = arith.constant 0 : index
      %swap3A_2512 = tpu.vector_load %arg15[%swap3A_2510, %swap3A_2511] {strides = array<i32>} : memref<16x128xf32, #tpu.memory_space<vmem>>, vector<16xf32>,
      tpu.vector_store %arg15[%swap3A_2510, %swap3A_2511], %gather3A_2508 {strides = array<i32>} : memref<16x128xf32, #tpu.memory_space<vmem>>, vector<16xf32>,
      %add3A_2513 = arith.constant 16 : i32
      %add3A_2514 = vector.broadcast %add3A_2513 : i32 to vector<16xi32>
      %add3A_2515 = arith.addi %add3A_2514, %iota3A : vector<16xi32>
      %gather3A_2516 = tpu.vector_load_idx %arg11[%broadcast_in_dim3A_2501, %add3A_2515, %broadcast_in_dim3A_2504] : memref<6x32x128xf32, #tpu.memory_space<vmem>>[vector<16xi32>, vector<16xi32>, vector<16xi32>], vector<16xf32>,
      %swap3A_2517 = arith.constant 10 : i32
      %swap3A_2518 = arith.index_cast %swap3A_2517 : i32 to index
      %swap3A_2519 = arith.constant 16 : index
      %swap3A_2520 = tpu.vector_load %arg15[%swap3A_2518, %swap3A_2519] {strides = array<i32>} : memref<16x128xf32, #tpu.memory_space<vmem>>, vector<16xf32>,
      tpu.vector_store %arg15[%swap3A_2518, %swap3A_2519], %gather3A_2516 {strides = array<i32>} : memref<16x128xf32, #tpu.memory_space<vmem>>, vector<16xf32>,
      %slice3A_2521 = vector.extract_strided_slice %sub3A_79 {offsets = [10], sizes = [1], strides = [1]} : vector<16xi32> to vector<1xi32>
      %squeeze3A_2522 = vector.extract %slice3A_2521[0] : i32 from vector<1xi32>
      %broadcast_in_dim3A_2523 = vector.broadcast %squeeze3A_2522 : i32 to vector<16xi32>
      %add3A_2524 = arith.constant 0 : i32
      %add3A_2525 = vector.broadcast %add3A_2524 : i32 to vector<16xi32>
      %add3A_2526 = arith.addi %add3A_2525, %iota3A : vector<16xi32>
      %gather3A_2527 = tpu.vector_load_idx %arg12[%broadcast_in_dim3A_2501, %add3A_2526, %broadcast_in_dim3A_2523] : memref<6x32x128xf32, #tpu.memory_space<vmem>>[vector<16xi32>, vector<16xi32>, vector<16xi32>], vector<16xf32>,
      %swap3A_2528 = arith.constant 10 : i32
      %swap3A_2529 = arith.index_cast %swap3A_2528 : i32 to index
      %swap3A_2530 = arith.constant 32 : index
      %swap3A_2531 = tpu.vector_load %arg15[%swap3A_2529, %swap3A_2530] {strides = array<i32>} : memref<16x128xf32, #tpu.memory_space<vmem>>, vector<16xf32>,
      tpu.vector_store %arg15[%swap3A_2529, %swap3A_2530], %gather3A_2527 {strides = array<i32>} : memref<16x128xf32, #tpu.memory_space<vmem>>, vector<16xf32>,
      %add3A_2532 = arith.constant 16 : i32
      %add3A_2533 = vector.broadcast %add3A_2532 : i32 to vector<16xi32>
      %add3A_2534 = arith.addi %add3A_2533, %iota3A : vector<16xi32>
      %gather3A_2535 = tpu.vector_load_idx %arg12[%broadcast_in_dim3A_2501, %add3A_2534, %broadcast_in_dim3A_2523] : memref<6x32x128xf32, #tpu.memory_space<vmem>>[vector<16xi32>, vector<16xi32>, vector<16xi32>], vector<16xf32>,
      %swap3A_2536 = arith.constant 10 : i32
      %swap3A_2537 = arith.index_cast %swap3A_2536 : i32 to index
      %swap3A_2538 = arith.constant 48 : index
      %swap3A_2539 = tpu.vector_load %arg15[%swap3A_2537, %swap3A_2538] {strides = array<i32>} : memref<16x128xf32, #tpu.memory_space<vmem>>, vector<16xf32>,
      tpu.vector_store %arg15[%swap3A_2537, %swap3A_2538], %gather3A_2535 {strides = array<i32>} : memref<16x128xf32, #tpu.memory_space<vmem>>, vector<16xf32>,
      %slice3A_2540 = vector.extract_strided_slice %sub3A_78 {offsets = [10], sizes = [1], strides = [1]} : vector<16xi32> to vector<1xi32>
      %squeeze3A_2541 = vector.extract %slice3A_2540[0] : i32 from vector<1xi32>
      %broadcast_in_dim3A_2542 = vector.broadcast %squeeze3A_2541 : i32 to vector<16xi32>
      %add3A_2543 = arith.constant 0 : i32
      %add3A_2544 = vector.broadcast %add3A_2543 : i32 to vector<16xi32>
      %add3A_2545 = arith.addi %add3A_2544, %iota3A : vector<16xi32>
      %gather3A_2546 = tpu.vector_load_idx %arg13[%broadcast_in_dim3A_2501, %add3A_2545, %broadcast_in_dim3A_2542] : memref<6x32x128xf32, #tpu.memory_space<vmem>>[vector<16xi32>, vector<16xi32>, vector<16xi32>], vector<16xf32>,
      %swap3A_2547 = arith.constant 10 : i32
      %swap3A_2548 = arith.index_cast %swap3A_2547 : i32 to index
      %swap3A_2549 = arith.constant 64 : index
      %swap3A_2550 = tpu.vector_load %arg15[%swap3A_2548, %swap3A_2549] {strides = array<i32>} : memref<16x128xf32, #tpu.memory_space<vmem>>, vector<16xf32>,
      tpu.vector_store %arg15[%swap3A_2548, %swap3A_2549], %gather3A_2546 {strides = array<i32>} : memref<16x128xf32, #tpu.memory_space<vmem>>, vector<16xf32>,
      %add3A_2551 = arith.constant 16 : i32
      %add3A_2552 = vector.broadcast %add3A_2551 : i32 to vector<16xi32>
      %add3A_2553 = arith.addi %add3A_2552, %iota3A : vector<16xi32>
      %gather3A_2554 = tpu.vector_load_idx %arg13[%broadcast_in_dim3A_2501, %add3A_2553, %broadcast_in_dim3A_2542] : memref<6x32x128xf32, #tpu.memory_space<vmem>>[vector<16xi32>, vector<16xi32>, vector<16xi32>], vector<16xf32>,
      %swap3A_2555 = arith.constant 10 : i32
      %swap3A_2556 = arith.index_cast %swap3A_2555 : i32 to index
      %swap3A_2557 = arith.constant 80 : index
      %swap3A_2558 = tpu.vector_load %arg15[%swap3A_2556, %swap3A_2557] {strides = array<i32>} : memref<16x128xf32, #tpu.memory_space<vmem>>, vector<16xf32>,
      tpu.vector_store %arg15[%swap3A_2556, %swap3A_2557], %gather3A_2554 {strides = array<i32>} : memref<16x128xf32, #tpu.memory_space<vmem>>, vector<16xf32>,
      %slice3A_2559 = vector.extract_strided_slice %sub3A_79 {offsets = [10], sizes = [1], strides = [1]} : vector<16xi32> to vector<1xi32>
      %squeeze3A_2560 = vector.extract %slice3A_2559[0] : i32 from vector<1xi32>
      %broadcast_in_dim3A_2561 = vector.broadcast %squeeze3A_2560 : i32 to vector<16xi32>
      %add3A_2562 = arith.constant 0 : i32
      %add3A_2563 = vector.broadcast %add3A_2562 : i32 to vector<16xi32>
      %add3A_2564 = arith.addi %add3A_2563, %iota3A : vector<16xi32>
      %gather3A_2565 = tpu.vector_load_idx %arg14[%broadcast_in_dim3A_2501, %add3A_2564, %broadcast_in_dim3A_2561] : memref<6x32x128xf32, #tpu.memory_space<vmem>>[vector<16xi32>, vector<16xi32>, vector<16xi32>], vector<16xf32>,
      %swap3A_2566 = arith.constant 10 : i32
      %swap3A_2567 = arith.index_cast %swap3A_2566 : i32 to index
      %swap3A_2568 = arith.constant 96 : index
      %swap3A_2569 = tpu.vector_load %arg15[%swap3A_2567, %swap3A_2568] {strides = array<i32>} : memref<16x128xf32, #tpu.memory_space<vmem>>, vector<16xf32>,
      tpu.vector_store %arg15[%swap3A_2567, %swap3A_2568], %gather3A_2565 {strides = array<i32>} : memref<16x128xf32, #tpu.memory_space<vmem>>, vector<16xf32>,
      %add3A_2570 = arith.constant 16 : i32
      %add3A_2571 = vector.broadcast %add3A_2570 : i32 to vector<16xi32>
      %add3A_2572 = arith.addi %add3A_2571, %iota3A : vector<16xi32>
      %gather3A_2573 = tpu.vector_load_idx %arg14[%broadcast_in_dim3A_2501, %add3A_2572, %broadcast_in_dim3A_2561] : memref<6x32x128xf32, #tpu.memory_space<vmem>>[vector<16xi32>, vector<16xi32>, vector<16xi32>], vector<16xf32>,
      %swap3A_2574 = arith.constant 10 : i32
      %swap3A_2575 = arith.index_cast %swap3A_2574 : i32 to index
      %swap3A_2576 = arith.constant 112 : index
      %swap3A_2577 = tpu.vector_load %arg15[%swap3A_2575, %swap3A_2576] {strides = array<i32>} : memref<16x128xf32, #tpu.memory_space<vmem>>, vector<16xf32>,
      tpu.vector_store %arg15[%swap3A_2575, %swap3A_2576], %gather3A_2573 {strides = array<i32>} : memref<16x128xf32, #tpu.memory_space<vmem>>, vector<16xf32>,
      %broadcast_in_dim3A_2578 = arith.constant 5 : i32
      %broadcast_in_dim3A_2579 = vector.broadcast %broadcast_in_dim3A_2578 : i32 to vector<16xi32>
      %slice3A_2580 = vector.extract_strided_slice %sub3A_78 {offsets = [11], sizes = [1], strides = [1]} : vector<16xi32> to vector<1xi32>
      %squeeze3A_2581 = vector.extract %slice3A_2580[0] : i32 from vector<1xi32>
      %broadcast_in_dim3A_2582 = vector.broadcast %squeeze3A_2581 : i32 to vector<16xi32>
      %add3A_2583 = arith.constant 0 : i32
      %add3A_2584 = vector.broadcast %add3A_2583 : i32 to vector<16xi32>
      %add3A_2585 = arith.addi %add3A_2584, %iota3A : vector<16xi32>
      %gather3A_2586 = tpu.vector_load_idx %arg11[%broadcast_in_dim3A_2579, %add3A_2585, %broadcast_in_dim3A_2582] : memref<6x32x128xf32, #tpu.memory_space<vmem>>[vector<16xi32>, vector<16xi32>, vector<16xi32>], vector<16xf32>,
      %swap3A_2587 = arith.constant 11 : i32
      %swap3A_2588 = arith.index_cast %swap3A_2587 : i32 to index
      %swap3A_2589 = arith.constant 0 : index
      %swap3A_2590 = tpu.vector_load %arg15[%swap3A_2588, %swap3A_2589] {strides = array<i32>} : memref<16x128xf32, #tpu.memory_space<vmem>>, vector<16xf32>,
      tpu.vector_store %arg15[%swap3A_2588, %swap3A_2589], %gather3A_2586 {strides = array<i32>} : memref<16x128xf32, #tpu.memory_space<vmem>>, vector<16xf32>,
      %add3A_2591 = arith.constant 16 : i32
      %add3A_2592 = vector.broadcast %add3A_2591 : i32 to vector<16xi32>
      %add3A_2593 = arith.addi %add3A_2592, %iota3A : vector<16xi32>
      %gather3A_2594 = tpu.vector_load_idx %arg11[%broadcast_in_dim3A_2579, %add3A_2593, %broadcast_in_dim3A_2582] : memref<6x32x128xf32, #tpu.memory_space<vmem>>[vector<16xi32>, vector<16xi32>, vector<16xi32>], vector<16xf32>,
      %swap3A_2595 = arith.constant 11 : i32
      %swap3A_2596 = arith.index_cast %swap3A_2595 : i32 to index
      %swap3A_2597 = arith.constant 16 : index
      %swap3A_2598 = tpu.vector_load %arg15[%swap3A_2596, %swap3A_2597] {strides = array<i32>} : memref<16x128xf32, #tpu.memory_space<vmem>>, vector<16xf32>,
      tpu.vector_store %arg15[%swap3A_2596, %swap3A_2597], %gather3A_2594 {strides = array<i32>} : memref<16x128xf32, #tpu.memory_space<vmem>>, vector<16xf32>,
      %slice3A_2599 = vector.extract_strided_slice %sub3A_79 {offsets = [11], sizes = [1], strides = [1]} : vector<16xi32> to vector<1xi32>
      %squeeze3A_2600 = vector.extract %slice3A_2599[0] : i32 from vector<1xi32>
      %broadcast_in_dim3A_2601 = vector.broadcast %squeeze3A_2600 : i32 to vector<16xi32>
      %add3A_2602 = arith.constant 0 : i32
      %add3A_2603 = vector.broadcast %add3A_2602 : i32 to vector<16xi32>
      %add3A_2604 = arith.addi %add3A_2603, %iota3A : vector<16xi32>
      %gather3A_2605 = tpu.vector_load_idx %arg12[%broadcast_in_dim3A_2579, %add3A_2604, %broadcast_in_dim3A_2601] : memref<6x32x128xf32, #tpu.memory_space<vmem>>[vector<16xi32>, vector<16xi32>, vector<16xi32>], vector<16xf32>,
      %swap3A_2606 = arith.constant 11 : i32
      %swap3A_2607 = arith.index_cast %swap3A_2606 : i32 to index
      %swap3A_2608 = arith.constant 32 : index
      %swap3A_2609 = tpu.vector_load %arg15[%swap3A_2607, %swap3A_2608] {strides = array<i32>} : memref<16x128xf32, #tpu.memory_space<vmem>>, vector<16xf32>,
      tpu.vector_store %arg15[%swap3A_2607, %swap3A_2608], %gather3A_2605 {strides = array<i32>} : memref<16x128xf32, #tpu.memory_space<vmem>>, vector<16xf32>,
      %add3A_2610 = arith.constant 16 : i32
      %add3A_2611 = vector.broadcast %add3A_2610 : i32 to vector<16xi32>
      %add3A_2612 = arith.addi %add3A_2611, %iota3A : vector<16xi32>
      %gather3A_2613 = tpu.vector_load_idx %arg12[%broadcast_in_dim3A_2579, %add3A_2612, %broadcast_in_dim3A_2601] : memref<6x32x128xf32, #tpu.memory_space<vmem>>[vector<16xi32>, vector<16xi32>, vector<16xi32>], vector<16xf32>,
      %swap3A_2614 = arith.constant 11 : i32
      %swap3A_2615 = arith.index_cast %swap3A_2614 : i32 to index
      %swap3A_2616 = arith.constant 48 : index
      %swap3A_2617 = tpu.vector_load %arg15[%swap3A_2615, %swap3A_2616] {strides = array<i32>} : memref<16x128xf32, #tpu.memory_space<vmem>>, vector<16xf32>,
      tpu.vector_store %arg15[%swap3A_2615, %swap3A_2616], %gather3A_2613 {strides = array<i32>} : memref<16x128xf32, #tpu.memory_space<vmem>>, vector<16xf32>,
      %slice3A_2618 = vector.extract_strided_slice %sub3A_78 {offsets = [11], sizes = [1], strides = [1]} : vector<16xi32> to vector<1xi32>
      %squeeze3A_2619 = vector.extract %slice3A_2618[0] : i32 from vector<1xi32>
      %broadcast_in_dim3A_2620 = vector.broadcast %squeeze3A_2619 : i32 to vector<16xi32>
      %add3A_2621 = arith.constant 0 : i32
      %add3A_2622 = vector.broadcast %add3A_2621 : i32 to vector<16xi32>
      %add3A_2623 = arith.addi %add3A_2622, %iota3A : vector<16xi32>
      %gather3A_2624 = tpu.vector_load_idx %arg13[%broadcast_in_dim3A_2579, %add3A_2623, %broadcast_in_dim3A_2620] : memref<6x32x128xf32, #tpu.memory_space<vmem>>[vector<16xi32>, vector<16xi32>, vector<16xi32>], vector<16xf32>,
      %swap3A_2625 = arith.constant 11 : i32
      %swap3A_2626 = arith.index_cast %swap3A_2625 : i32 to index
      %swap3A_2627 = arith.constant 64 : index
      %swap3A_2628 = tpu.vector_load %arg15[%swap3A_2626, %swap3A_2627] {strides = array<i32>} : memref<16x128xf32, #tpu.memory_space<vmem>>, vector<16xf32>,
      tpu.vector_store %arg15[%swap3A_2626, %swap3A_2627], %gather3A_2624 {strides = array<i32>} : memref<16x128xf32, #tpu.memory_space<vmem>>, vector<16xf32>,
      %add3A_2629 = arith.constant 16 : i32
      %add3A_2630 = vector.broadcast %add3A_2629 : i32 to vector<16xi32>
      %add3A_2631 = arith.addi %add3A_2630, %iota3A : vector<16xi32>
      %gather3A_2632 = tpu.vector_load_idx %arg13[%broadcast_in_dim3A_2579, %add3A_2631, %broadcast_in_dim3A_2620] : memref<6x32x128xf32, #tpu.memory_space<vmem>>[vector<16xi32>, vector<16xi32>, vector<16xi32>], vector<16xf32>,
      %swap3A_2633 = arith.constant 11 : i32
      %swap3A_2634 = arith.index_cast %swap3A_2633 : i32 to index
      %swap3A_2635 = arith.constant 80 : index
      %swap3A_2636 = tpu.vector_load %arg15[%swap3A_2634, %swap3A_2635] {strides = array<i32>} : memref<16x128xf32, #tpu.memory_space<vmem>>, vector<16xf32>,
      tpu.vector_store %arg15[%swap3A_2634, %swap3A_2635], %gather3A_2632 {strides = array<i32>} : memref<16x128xf32, #tpu.memory_space<vmem>>, vector<16xf32>,
      %slice3A_2637 = vector.extract_strided_slice %sub3A_79 {offsets = [11], sizes = [1], strides = [1]} : vector<16xi32> to vector<1xi32>
      %squeeze3A_2638 = vector.extract %slice3A_2637[0] : i32 from vector<1xi32>
      %broadcast_in_dim3A_2639 = vector.broadcast %squeeze3A_2638 : i32 to vector<16xi32>
      %add3A_2640 = arith.constant 0 : i32
      %add3A_2641 = vector.broadcast %add3A_2640 : i32 to vector<16xi32>
      %add3A_2642 = arith.addi %add3A_2641, %iota3A : vector<16xi32>
      %gather3A_2643 = tpu.vector_load_idx %arg14[%broadcast_in_dim3A_2579, %add3A_2642, %broadcast_in_dim3A_2639] : memref<6x32x128xf32, #tpu.memory_space<vmem>>[vector<16xi32>, vector<16xi32>, vector<16xi32>], vector<16xf32>,
      %swap3A_2644 = arith.constant 11 : i32
      %swap3A_2645 = arith.index_cast %swap3A_2644 : i32 to index
      %swap3A_2646 = arith.constant 96 : index
      %swap3A_2647 = tpu.vector_load %arg15[%swap3A_2645, %swap3A_2646] {strides = array<i32>} : memref<16x128xf32, #tpu.memory_space<vmem>>, vector<16xf32>,
      tpu.vector_store %arg15[%swap3A_2645, %swap3A_2646], %gather3A_2643 {strides = array<i32>} : memref<16x128xf32, #tpu.memory_space<vmem>>, vector<16xf32>,
      %add3A_2648 = arith.constant 16 : i32
      %add3A_2649 = vector.broadcast %add3A_2648 : i32 to vector<16xi32>
      %add3A_2650 = arith.addi %add3A_2649, %iota3A : vector<16xi32>
      %gather3A_2651 = tpu.vector_load_idx %arg14[%broadcast_in_dim3A_2579, %add3A_2650, %broadcast_in_dim3A_2639] : memref<6x32x128xf32, #tpu.memory_space<vmem>>[vector<16xi32>, vector<16xi32>, vector<16xi32>], vector<16xf32>,
      %swap3A_2652 = arith.constant 11 : i32
      %swap3A_2653 = arith.index_cast %swap3A_2652 : i32 to index
      %swap3A_2654 = arith.constant 112 : index
      %swap3A_2655 = tpu.vector_load %arg15[%swap3A_2653, %swap3A_2654] {strides = array<i32>} : memref<16x128xf32, #tpu.memory_space<vmem>>, vector<16xf32>,
      tpu.vector_store %arg15[%swap3A_2653, %swap3A_2654], %gather3A_2651 {strides = array<i32>} : memref<16x128xf32, #tpu.memory_space<vmem>>, vector<16xf32>,
      %dma_wait3A_2656 = arith.constant 0 : i32
      %dma_wait3A_2657 = arith.constant 0 : i32
      %dma_wait3A_2658 = arith.constant 0 : i32
      %dma_wait3A_2659 = tpu.memref_slice %arg11[%dma_wait3A_2656, %dma_wait3A_2657, %dma_wait3A_2658] : memref<6x32x128xf32, #tpu.memory_space<vmem>> -> memref<1x32x128xf32, #tpu.memory_space<vmem>>
      %dma_wait3A_2660 = tpu.memref_squeeze %dma_wait3A_2659 : memref<1x32x128xf32, #tpu.memory_space<vmem>> -> memref<32x128xf32, #tpu.memory_space<vmem>>
      %dma_wait3A_2661 = arith.constant 0 : i32
      %dma_wait3A_2662 = tpu.memref_slice %arg4[%dma_wait3A_2661, %multiple_of3A_1882] : memref<32x1000000xf32, #tpu.memory_space<hbm>> -> memref<32x128xf32, #tpu.memory_space<hbm>>
      %dma_wait3A_2663 = arith.constant 0 : i32
      %dma_wait3A_2664 = arith.constant 0 : i32
      %dma_wait3A_2665 = tpu.memref_slice %arg11[%dma_wait3A_2656, %dma_wait3A_2663, %dma_wait3A_2664] : memref<6x32x128xf32, #tpu.memory_space<vmem>> -> memref<1x32x128xf32, #tpu.memory_space<vmem>>
      %dma_wait3A_2666 = tpu.memref_squeeze %dma_wait3A_2665 : memref<1x32x128xf32, #tpu.memory_space<vmem>> -> memref<32x128xf32, #tpu.memory_space<vmem>>
      %dma_wait3A_2667 = arith.constant 0 : i32
      %dma_wait3A_2668 = tpu.memref_slice %arg4[%dma_wait3A_2667, %multiple_of3A_1882] : memref<32x1000000xf32, #tpu.memory_space<hbm>> -> memref<32x128xf32, #tpu.memory_space<hbm>>
      tpu.wait_dma2 semaphore(%arg16 : memref<!tpu.dma_semaphore, #tpu.memory_space<semaphore_mem>>) src(%dma_wait3A_2668 : memref<32x128xf32, #tpu.memory_space<hbm>>) dst(%dma_wait3A_2666 : memref<32x128xf32, #tpu.memory_space<vmem>>)
      %dma_wait3A_2669 = arith.constant 0 : i32
      %dma_wait3A_2670 = arith.constant 0 : i32
      %dma_wait3A_2671 = arith.constant 0 : i32
      %dma_wait3A_2672 = tpu.memref_slice %arg12[%dma_wait3A_2669, %dma_wait3A_2670, %dma_wait3A_2671] : memref<6x32x128xf32, #tpu.memory_space<vmem>> -> memref<1x32x128xf32, #tpu.memory_space<vmem>>
      %dma_wait3A_2673 = tpu.memref_squeeze %dma_wait3A_2672 : memref<1x32x128xf32, #tpu.memory_space<vmem>> -> memref<32x128xf32, #tpu.memory_space<vmem>>
      %dma_wait3A_2674 = arith.constant 0 : i32
      %dma_wait3A_2675 = tpu.memref_slice %arg5[%dma_wait3A_2674, %multiple_of3A_1898] : memref<32x1000000xf32, #tpu.memory_space<hbm>> -> memref<32x128xf32, #tpu.memory_space<hbm>>
      %dma_wait3A_2676 = arith.constant 0 : i32
      %dma_wait3A_2677 = arith.constant 0 : i32
      %dma_wait3A_2678 = tpu.memref_slice %arg12[%dma_wait3A_2669, %dma_wait3A_2676, %dma_wait3A_2677] : memref<6x32x128xf32, #tpu.memory_space<vmem>> -> memref<1x32x128xf32, #tpu.memory_space<vmem>>
      %dma_wait3A_2679 = tpu.memref_squeeze %dma_wait3A_2678 : memref<1x32x128xf32, #tpu.memory_space<vmem>> -> memref<32x128xf32, #tpu.memory_space<vmem>>
      %dma_wait3A_2680 = arith.constant 0 : i32
      %dma_wait3A_2681 = tpu.memref_slice %arg5[%dma_wait3A_2680, %multiple_of3A_1898] : memref<32x1000000xf32, #tpu.memory_space<hbm>> -> memref<32x128xf32, #tpu.memory_space<hbm>>
      tpu.wait_dma2 semaphore(%arg16 : memref<!tpu.dma_semaphore, #tpu.memory_space<semaphore_mem>>) src(%dma_wait3A_2681 : memref<32x128xf32, #tpu.memory_space<hbm>>) dst(%dma_wait3A_2679 : memref<32x128xf32, #tpu.memory_space<vmem>>)
      %dma_wait3A_2682 = arith.constant 0 : i32
      %dma_wait3A_2683 = arith.constant 0 : i32
      %dma_wait3A_2684 = arith.constant 0 : i32
      %dma_wait3A_2685 = tpu.memref_slice %arg13[%dma_wait3A_2682, %dma_wait3A_2683, %dma_wait3A_2684] : memref<6x32x128xf32, #tpu.memory_space<vmem>> -> memref<1x32x128xf32, #tpu.memory_space<vmem>>
      %dma_wait3A_2686 = tpu.memref_squeeze %dma_wait3A_2685 : memref<1x32x128xf32, #tpu.memory_space<vmem>> -> memref<32x128xf32, #tpu.memory_space<vmem>>
      %dma_wait3A_2687 = arith.constant 0 : i32
      %dma_wait3A_2688 = tpu.memref_slice %arg6[%dma_wait3A_2687, %multiple_of3A_1914] : memref<32x1000000xf32, #tpu.memory_space<hbm>> -> memref<32x128xf32, #tpu.memory_space<hbm>>
      %dma_wait3A_2689 = arith.constant 0 : i32
      %dma_wait3A_2690 = arith.constant 0 : i32
      %dma_wait3A_2691 = tpu.memref_slice %arg13[%dma_wait3A_2682, %dma_wait3A_2689, %dma_wait3A_2690] : memref<6x32x128xf32, #tpu.memory_space<vmem>> -> memref<1x32x128xf32, #tpu.memory_space<vmem>>
      %dma_wait3A_2692 = tpu.memref_squeeze %dma_wait3A_2691 : memref<1x32x128xf32, #tpu.memory_space<vmem>> -> memref<32x128xf32, #tpu.memory_space<vmem>>
      %dma_wait3A_2693 = arith.constant 0 : i32
      %dma_wait3A_2694 = tpu.memref_slice %arg6[%dma_wait3A_2693, %multiple_of3A_1914] : memref<32x1000000xf32, #tpu.memory_space<hbm>> -> memref<32x128xf32, #tpu.memory_space<hbm>>
      tpu.wait_dma2 semaphore(%arg16 : memref<!tpu.dma_semaphore, #tpu.memory_space<semaphore_mem>>) src(%dma_wait3A_2694 : memref<32x128xf32, #tpu.memory_space<hbm>>) dst(%dma_wait3A_2692 : memref<32x128xf32, #tpu.memory_space<vmem>>)
      %dma_wait3A_2695 = arith.constant 0 : i32
      %dma_wait3A_2696 = arith.constant 0 : i32
      %dma_wait3A_2697 = arith.constant 0 : i32
      %dma_wait3A_2698 = tpu.memref_slice %arg14[%dma_wait3A_2695, %dma_wait3A_2696, %dma_wait3A_2697] : memref<6x32x128xf32, #tpu.memory_space<vmem>> -> memref<1x32x128xf32, #tpu.memory_space<vmem>>
      %dma_wait3A_2699 = tpu.memref_squeeze %dma_wait3A_2698 : memref<1x32x128xf32, #tpu.memory_space<vmem>> -> memref<32x128xf32, #tpu.memory_space<vmem>>
      %dma_wait3A_2700 = arith.constant 0 : i32
      %dma_wait3A_2701 = tpu.memref_slice %arg7[%dma_wait3A_2700, %multiple_of3A_1930] : memref<32x1000000xf32, #tpu.memory_space<hbm>> -> memref<32x128xf32, #tpu.memory_space<hbm>>
      %dma_wait3A_2702 = arith.constant 0 : i32
      %dma_wait3A_2703 = arith.constant 0 : i32
      %dma_wait3A_2704 = tpu.memref_slice %arg14[%dma_wait3A_2695, %dma_wait3A_2702, %dma_wait3A_2703] : memref<6x32x128xf32, #tpu.memory_space<vmem>> -> memref<1x32x128xf32, #tpu.memory_space<vmem>>
      %dma_wait3A_2705 = tpu.memref_squeeze %dma_wait3A_2704 : memref<1x32x128xf32, #tpu.memory_space<vmem>> -> memref<32x128xf32, #tpu.memory_space<vmem>>
      %dma_wait3A_2706 = arith.constant 0 : i32
      %dma_wait3A_2707 = tpu.memref_slice %arg7[%dma_wait3A_2706, %multiple_of3A_1930] : memref<32x1000000xf32, #tpu.memory_space<hbm>> -> memref<32x128xf32, #tpu.memory_space<hbm>>
      tpu.wait_dma2 semaphore(%arg16 : memref<!tpu.dma_semaphore, #tpu.memory_space<semaphore_mem>>) src(%dma_wait3A_2707 : memref<32x128xf32, #tpu.memory_space<hbm>>) dst(%dma_wait3A_2705 : memref<32x128xf32, #tpu.memory_space<vmem>>)
      %dma_wait3A_2708 = arith.constant 1 : i32
      %dma_wait3A_2709 = arith.constant 0 : i32
      %dma_wait3A_2710 = arith.constant 0 : i32
      %dma_wait3A_2711 = tpu.memref_slice %arg11[%dma_wait3A_2708, %dma_wait3A_2709, %dma_wait3A_2710] : memref<6x32x128xf32, #tpu.memory_space<vmem>> -> memref<1x32x128xf32, #tpu.memory_space<vmem>>
      %dma_wait3A_2712 = tpu.memref_squeeze %dma_wait3A_2711 : memref<1x32x128xf32, #tpu.memory_space<vmem>> -> memref<32x128xf32, #tpu.memory_space<vmem>>
      %dma_wait3A_2713 = arith.constant 0 : i32
      %dma_wait3A_2714 = tpu.memref_slice %arg4[%dma_wait3A_2713, %multiple_of3A_1946] : memref<32x1000000xf32, #tpu.memory_space<hbm>> -> memref<32x128xf32, #tpu.memory_space<hbm>>
      %dma_wait3A_2715 = arith.constant 0 : i32
      %dma_wait3A_2716 = arith.constant 0 : i32
      %dma_wait3A_2717 = tpu.memref_slice %arg11[%dma_wait3A_2708, %dma_wait3A_2715, %dma_wait3A_2716] : memref<6x32x128xf32, #tpu.memory_space<vmem>> -> memref<1x32x128xf32, #tpu.memory_space<vmem>>
      %dma_wait3A_2718 = tpu.memref_squeeze %dma_wait3A_2717 : memref<1x32x128xf32, #tpu.memory_space<vmem>> -> memref<32x128xf32, #tpu.memory_space<vmem>>
      %dma_wait3A_2719 = arith.constant 0 : i32
      %dma_wait3A_2720 = tpu.memref_slice %arg4[%dma_wait3A_2719, %multiple_of3A_1946] : memref<32x1000000xf32, #tpu.memory_space<hbm>> -> memref<32x128xf32, #tpu.memory_space<hbm>>
      tpu.wait_dma2 semaphore(%arg16 : memref<!tpu.dma_semaphore, #tpu.memory_space<semaphore_mem>>) src(%dma_wait3A_2720 : memref<32x128xf32, #tpu.memory_space<hbm>>) dst(%dma_wait3A_2718 : memref<32x128xf32, #tpu.memory_space<vmem>>)
      %dma_wait3A_2721 = arith.constant 1 : i32
      %dma_wait3A_2722 = arith.constant 0 : i32
      %dma_wait3A_2723 = arith.constant 0 : i32
      %dma_wait3A_2724 = tpu.memref_slice %arg12[%dma_wait3A_2721, %dma_wait3A_2722, %dma_wait3A_2723] : memref<6x32x128xf32, #tpu.memory_space<vmem>> -> memref<1x32x128xf32, #tpu.memory_space<vmem>>
      %dma_wait3A_2725 = tpu.memref_squeeze %dma_wait3A_2724 : memref<1x32x128xf32, #tpu.memory_space<vmem>> -> memref<32x128xf32, #tpu.memory_space<vmem>>
      %dma_wait3A_2726 = arith.constant 0 : i32
      %dma_wait3A_2727 = tpu.memref_slice %arg5[%dma_wait3A_2726, %multiple_of3A_1962] : memref<32x1000000xf32, #tpu.memory_space<hbm>> -> memref<32x128xf32, #tpu.memory_space<hbm>>
      %dma_wait3A_2728 = arith.constant 0 : i32
      %dma_wait3A_2729 = arith.constant 0 : i32
      %dma_wait3A_2730 = tpu.memref_slice %arg12[%dma_wait3A_2721, %dma_wait3A_2728, %dma_wait3A_2729] : memref<6x32x128xf32, #tpu.memory_space<vmem>> -> memref<1x32x128xf32, #tpu.memory_space<vmem>>
      %dma_wait3A_2731 = tpu.memref_squeeze %dma_wait3A_2730 : memref<1x32x128xf32, #tpu.memory_space<vmem>> -> memref<32x128xf32, #tpu.memory_space<vmem>>
      %dma_wait3A_2732 = arith.constant 0 : i32
      %dma_wait3A_2733 = tpu.memref_slice %arg5[%dma_wait3A_2732, %multiple_of3A_1962] : memref<32x1000000xf32, #tpu.memory_space<hbm>> -> memref<32x128xf32, #tpu.memory_space<hbm>>
      tpu.wait_dma2 semaphore(%arg16 : memref<!tpu.dma_semaphore, #tpu.memory_space<semaphore_mem>>) src(%dma_wait3A_2733 : memref<32x128xf32, #tpu.memory_space<hbm>>) dst(%dma_wait3A_2731 : memref<32x128xf32, #tpu.memory_space<vmem>>)
      %dma_wait3A_2734 = arith.constant 1 : i32
      %dma_wait3A_2735 = arith.constant 0 : i32
      %dma_wait3A_2736 = arith.constant 0 : i32
      %dma_wait3A_2737 = tpu.memref_slice %arg13[%dma_wait3A_2734, %dma_wait3A_2735, %dma_wait3A_2736] : memref<6x32x128xf32, #tpu.memory_space<vmem>> -> memref<1x32x128xf32, #tpu.memory_space<vmem>>
      %dma_wait3A_2738 = tpu.memref_squeeze %dma_wait3A_2737 : memref<1x32x128xf32, #tpu.memory_space<vmem>> -> memref<32x128xf32, #tpu.memory_space<vmem>>
      %dma_wait3A_2739 = arith.constant 0 : i32
      %dma_wait3A_2740 = tpu.memref_slice %arg6[%dma_wait3A_2739, %multiple_of3A_1978] : memref<32x1000000xf32, #tpu.memory_space<hbm>> -> memref<32x128xf32, #tpu.memory_space<hbm>>
      %dma_wait3A_2741 = arith.constant 0 : i32
      %dma_wait3A_2742 = arith.constant 0 : i32
      %dma_wait3A_2743 = tpu.memref_slice %arg13[%dma_wait3A_2734, %dma_wait3A_2741, %dma_wait3A_2742] : memref<6x32x128xf32, #tpu.memory_space<vmem>> -> memref<1x32x128xf32, #tpu.memory_space<vmem>>
      %dma_wait3A_2744 = tpu.memref_squeeze %dma_wait3A_2743 : memref<1x32x128xf32, #tpu.memory_space<vmem>> -> memref<32x128xf32, #tpu.memory_space<vmem>>
      %dma_wait3A_2745 = arith.constant 0 : i32
      %dma_wait3A_2746 = tpu.memref_slice %arg6[%dma_wait3A_2745, %multiple_of3A_1978] : memref<32x1000000xf32, #tpu.memory_space<hbm>> -> memref<32x128xf32, #tpu.memory_space<hbm>>
      tpu.wait_dma2 semaphore(%arg16 : memref<!tpu.dma_semaphore, #tpu.memory_space<semaphore_mem>>) src(%dma_wait3A_2746 : memref<32x128xf32, #tpu.memory_space<hbm>>) dst(%dma_wait3A_2744 : memref<32x128xf32, #tpu.memory_space<vmem>>)
      %dma_wait3A_2747 = arith.constant 1 : i32
      %dma_wait3A_2748 = arith.constant 0 : i32
      %dma_wait3A_2749 = arith.constant 0 : i32
      %dma_wait3A_2750 = tpu.memref_slice %arg14[%dma_wait3A_2747, %dma_wait3A_2748, %dma_wait3A_2749] : memref<6x32x128xf32, #tpu.memory_space<vmem>> -> memref<1x32x128xf32, #tpu.memory_space<vmem>>
      %dma_wait3A_2751 = tpu.memref_squeeze %dma_wait3A_2750 : memref<1x32x128xf32, #tpu.memory_space<vmem>> -> memref<32x128xf32, #tpu.memory_space<vmem>>
      %dma_wait3A_2752 = arith.constant 0 : i32
      %dma_wait3A_2753 = tpu.memref_slice %arg7[%dma_wait3A_2752, %multiple_of3A_1994] : memref<32x1000000xf32, #tpu.memory_space<hbm>> -> memref<32x128xf32, #tpu.memory_space<hbm>>
      %dma_wait3A_2754 = arith.constant 0 : i32
      %dma_wait3A_2755 = arith.constant 0 : i32
      %dma_wait3A_2756 = tpu.memref_slice %arg14[%dma_wait3A_2747, %dma_wait3A_2754, %dma_wait3A_2755] : memref<6x32x128xf32, #tpu.memory_space<vmem>> -> memref<1x32x128xf32, #tpu.memory_space<vmem>>
      %dma_wait3A_2757 = tpu.memref_squeeze %dma_wait3A_2756 : memref<1x32x128xf32, #tpu.memory_space<vmem>> -> memref<32x128xf32, #tpu.memory_space<vmem>>
      %dma_wait3A_2758 = arith.constant 0 : i32
      %dma_wait3A_2759 = tpu.memref_slice %arg7[%dma_wait3A_2758, %multiple_of3A_1994] : memref<32x1000000xf32, #tpu.memory_space<hbm>> -> memref<32x128xf32, #tpu.memory_space<hbm>>
      tpu.wait_dma2 semaphore(%arg16 : memref<!tpu.dma_semaphore, #tpu.memory_space<semaphore_mem>>) src(%dma_wait3A_2759 : memref<32x128xf32, #tpu.memory_space<hbm>>) dst(%dma_wait3A_2757 : memref<32x128xf32, #tpu.memory_space<vmem>>)
      %broadcast_in_dim3A_2760 = arith.constant 0 : i32
      %broadcast_in_dim3A_2761 = vector.broadcast %broadcast_in_dim3A_2760 : i32 to vector<16xi32>
      %slice3A_2762 = vector.extract_strided_slice %sub3A_78 {offsets = [12], sizes = [1], strides = [1]} : vector<16xi32> to vector<1xi32>
      %squeeze3A_2763 = vector.extract %slice3A_2762[0] : i32 from vector<1xi32>
      %broadcast_in_dim3A_2764 = vector.broadcast %squeeze3A_2763 : i32 to vector<16xi32>
      %add3A_2765 = arith.constant 0 : i32
      %add3A_2766 = vector.broadcast %add3A_2765 : i32 to vector<16xi32>
      %add3A_2767 = arith.addi %add3A_2766, %iota3A : vector<16xi32>
      %gather3A_2768 = tpu.vector_load_idx %arg11[%broadcast_in_dim3A_2761, %add3A_2767, %broadcast_in_dim3A_2764] : memref<6x32x128xf32, #tpu.memory_space<vmem>>[vector<16xi32>, vector<16xi32>, vector<16xi32>], vector<16xf32>,
      %swap3A_2769 = arith.constant 12 : i32
      %swap3A_2770 = arith.index_cast %swap3A_2769 : i32 to index
      %swap3A_2771 = arith.constant 0 : index
      %swap3A_2772 = tpu.vector_load %arg15[%swap3A_2770, %swap3A_2771] {strides = array<i32>} : memref<16x128xf32, #tpu.memory_space<vmem>>, vector<16xf32>,
      tpu.vector_store %arg15[%swap3A_2770, %swap3A_2771], %gather3A_2768 {strides = array<i32>} : memref<16x128xf32, #tpu.memory_space<vmem>>, vector<16xf32>,
      %add3A_2773 = arith.constant 16 : i32
      %add3A_2774 = vector.broadcast %add3A_2773 : i32 to vector<16xi32>
      %add3A_2775 = arith.addi %add3A_2774, %iota3A : vector<16xi32>
      %gather3A_2776 = tpu.vector_load_idx %arg11[%broadcast_in_dim3A_2761, %add3A_2775, %broadcast_in_dim3A_2764] : memref<6x32x128xf32, #tpu.memory_space<vmem>>[vector<16xi32>, vector<16xi32>, vector<16xi32>], vector<16xf32>,
      %swap3A_2777 = arith.constant 12 : i32
      %swap3A_2778 = arith.index_cast %swap3A_2777 : i32 to index
      %swap3A_2779 = arith.constant 16 : index
      %swap3A_2780 = tpu.vector_load %arg15[%swap3A_2778, %swap3A_2779] {strides = array<i32>} : memref<16x128xf32, #tpu.memory_space<vmem>>, vector<16xf32>,
      tpu.vector_store %arg15[%swap3A_2778, %swap3A_2779], %gather3A_2776 {strides = array<i32>} : memref<16x128xf32, #tpu.memory_space<vmem>>, vector<16xf32>,
      %slice3A_2781 = vector.extract_strided_slice %sub3A_79 {offsets = [12], sizes = [1], strides = [1]} : vector<16xi32> to vector<1xi32>
      %squeeze3A_2782 = vector.extract %slice3A_2781[0] : i32 from vector<1xi32>
      %broadcast_in_dim3A_2783 = vector.broadcast %squeeze3A_2782 : i32 to vector<16xi32>
      %add3A_2784 = arith.constant 0 : i32
      %add3A_2785 = vector.broadcast %add3A_2784 : i32 to vector<16xi32>
      %add3A_2786 = arith.addi %add3A_2785, %iota3A : vector<16xi32>
      %gather3A_2787 = tpu.vector_load_idx %arg12[%broadcast_in_dim3A_2761, %add3A_2786, %broadcast_in_dim3A_2783] : memref<6x32x128xf32, #tpu.memory_space<vmem>>[vector<16xi32>, vector<16xi32>, vector<16xi32>], vector<16xf32>,
      %swap3A_2788 = arith.constant 12 : i32
      %swap3A_2789 = arith.index_cast %swap3A_2788 : i32 to index
      %swap3A_2790 = arith.constant 32 : index
      %swap3A_2791 = tpu.vector_load %arg15[%swap3A_2789, %swap3A_2790] {strides = array<i32>} : memref<16x128xf32, #tpu.memory_space<vmem>>, vector<16xf32>,
      tpu.vector_store %arg15[%swap3A_2789, %swap3A_2790], %gather3A_2787 {strides = array<i32>} : memref<16x128xf32, #tpu.memory_space<vmem>>, vector<16xf32>,
      %add3A_2792 = arith.constant 16 : i32
      %add3A_2793 = vector.broadcast %add3A_2792 : i32 to vector<16xi32>
      %add3A_2794 = arith.addi %add3A_2793, %iota3A : vector<16xi32>
      %gather3A_2795 = tpu.vector_load_idx %arg12[%broadcast_in_dim3A_2761, %add3A_2794, %broadcast_in_dim3A_2783] : memref<6x32x128xf32, #tpu.memory_space<vmem>>[vector<16xi32>, vector<16xi32>, vector<16xi32>], vector<16xf32>,
      %swap3A_2796 = arith.constant 12 : i32
      %swap3A_2797 = arith.index_cast %swap3A_2796 : i32 to index
      %swap3A_2798 = arith.constant 48 : index
      %swap3A_2799 = tpu.vector_load %arg15[%swap3A_2797, %swap3A_2798] {strides = array<i32>} : memref<16x128xf32, #tpu.memory_space<vmem>>, vector<16xf32>,
      tpu.vector_store %arg15[%swap3A_2797, %swap3A_2798], %gather3A_2795 {strides = array<i32>} : memref<16x128xf32, #tpu.memory_space<vmem>>, vector<16xf32>,
      %slice3A_2800 = vector.extract_strided_slice %sub3A_78 {offsets = [12], sizes = [1], strides = [1]} : vector<16xi32> to vector<1xi32>
      %squeeze3A_2801 = vector.extract %slice3A_2800[0] : i32 from vector<1xi32>
      %broadcast_in_dim3A_2802 = vector.broadcast %squeeze3A_2801 : i32 to vector<16xi32>
      %add3A_2803 = arith.constant 0 : i32
      %add3A_2804 = vector.broadcast %add3A_2803 : i32 to vector<16xi32>
      %add3A_2805 = arith.addi %add3A_2804, %iota3A : vector<16xi32>
      %gather3A_2806 = tpu.vector_load_idx %arg13[%broadcast_in_dim3A_2761, %add3A_2805, %broadcast_in_dim3A_2802] : memref<6x32x128xf32, #tpu.memory_space<vmem>>[vector<16xi32>, vector<16xi32>, vector<16xi32>], vector<16xf32>,
      %swap3A_2807 = arith.constant 12 : i32
      %swap3A_2808 = arith.index_cast %swap3A_2807 : i32 to index
      %swap3A_2809 = arith.constant 64 : index
      %swap3A_2810 = tpu.vector_load %arg15[%swap3A_2808, %swap3A_2809] {strides = array<i32>} : memref<16x128xf32, #tpu.memory_space<vmem>>, vector<16xf32>,
      tpu.vector_store %arg15[%swap3A_2808, %swap3A_2809], %gather3A_2806 {strides = array<i32>} : memref<16x128xf32, #tpu.memory_space<vmem>>, vector<16xf32>,
      %add3A_2811 = arith.constant 16 : i32
      %add3A_2812 = vector.broadcast %add3A_2811 : i32 to vector<16xi32>
      %add3A_2813 = arith.addi %add3A_2812, %iota3A : vector<16xi32>
      %gather3A_2814 = tpu.vector_load_idx %arg13[%broadcast_in_dim3A_2761, %add3A_2813, %broadcast_in_dim3A_2802] : memref<6x32x128xf32, #tpu.memory_space<vmem>>[vector<16xi32>, vector<16xi32>, vector<16xi32>], vector<16xf32>,
      %swap3A_2815 = arith.constant 12 : i32
      %swap3A_2816 = arith.index_cast %swap3A_2815 : i32 to index
      %swap3A_2817 = arith.constant 80 : index
      %swap3A_2818 = tpu.vector_load %arg15[%swap3A_2816, %swap3A_2817] {strides = array<i32>} : memref<16x128xf32, #tpu.memory_space<vmem>>, vector<16xf32>,
      tpu.vector_store %arg15[%swap3A_2816, %swap3A_2817], %gather3A_2814 {strides = array<i32>} : memref<16x128xf32, #tpu.memory_space<vmem>>, vector<16xf32>,
      %slice3A_2819 = vector.extract_strided_slice %sub3A_79 {offsets = [12], sizes = [1], strides = [1]} : vector<16xi32> to vector<1xi32>
      %squeeze3A_2820 = vector.extract %slice3A_2819[0] : i32 from vector<1xi32>
      %broadcast_in_dim3A_2821 = vector.broadcast %squeeze3A_2820 : i32 to vector<16xi32>
      %add3A_2822 = arith.constant 0 : i32
      %add3A_2823 = vector.broadcast %add3A_2822 : i32 to vector<16xi32>
      %add3A_2824 = arith.addi %add3A_2823, %iota3A : vector<16xi32>
      %gather3A_2825 = tpu.vector_load_idx %arg14[%broadcast_in_dim3A_2761, %add3A_2824, %broadcast_in_dim3A_2821] : memref<6x32x128xf32, #tpu.memory_space<vmem>>[vector<16xi32>, vector<16xi32>, vector<16xi32>], vector<16xf32>,
      %swap3A_2826 = arith.constant 12 : i32
      %swap3A_2827 = arith.index_cast %swap3A_2826 : i32 to index
      %swap3A_2828 = arith.constant 96 : index
      %swap3A_2829 = tpu.vector_load %arg15[%swap3A_2827, %swap3A_2828] {strides = array<i32>} : memref<16x128xf32, #tpu.memory_space<vmem>>, vector<16xf32>,
      tpu.vector_store %arg15[%swap3A_2827, %swap3A_2828], %gather3A_2825 {strides = array<i32>} : memref<16x128xf32, #tpu.memory_space<vmem>>, vector<16xf32>,
      %add3A_2830 = arith.constant 16 : i32
      %add3A_2831 = vector.broadcast %add3A_2830 : i32 to vector<16xi32>
      %add3A_2832 = arith.addi %add3A_2831, %iota3A : vector<16xi32>
      %gather3A_2833 = tpu.vector_load_idx %arg14[%broadcast_in_dim3A_2761, %add3A_2832, %broadcast_in_dim3A_2821] : memref<6x32x128xf32, #tpu.memory_space<vmem>>[vector<16xi32>, vector<16xi32>, vector<16xi32>], vector<16xf32>,
      %swap3A_2834 = arith.constant 12 : i32
      %swap3A_2835 = arith.index_cast %swap3A_2834 : i32 to index
      %swap3A_2836 = arith.constant 112 : index
      %swap3A_2837 = tpu.vector_load %arg15[%swap3A_2835, %swap3A_2836] {strides = array<i32>} : memref<16x128xf32, #tpu.memory_space<vmem>>, vector<16xf32>,
      tpu.vector_store %arg15[%swap3A_2835, %swap3A_2836], %gather3A_2833 {strides = array<i32>} : memref<16x128xf32, #tpu.memory_space<vmem>>, vector<16xf32>,
      %broadcast_in_dim3A_2838 = arith.constant 1 : i32
      %broadcast_in_dim3A_2839 = vector.broadcast %broadcast_in_dim3A_2838 : i32 to vector<16xi32>
      %slice3A_2840 = vector.extract_strided_slice %sub3A_78 {offsets = [13], sizes = [1], strides = [1]} : vector<16xi32> to vector<1xi32>
      %squeeze3A_2841 = vector.extract %slice3A_2840[0] : i32 from vector<1xi32>
      %broadcast_in_dim3A_2842 = vector.broadcast %squeeze3A_2841 : i32 to vector<16xi32>
      %add3A_2843 = arith.constant 0 : i32
      %add3A_2844 = vector.broadcast %add3A_2843 : i32 to vector<16xi32>
      %add3A_2845 = arith.addi %add3A_2844, %iota3A : vector<16xi32>
      %gather3A_2846 = tpu.vector_load_idx %arg11[%broadcast_in_dim3A_2839, %add3A_2845, %broadcast_in_dim3A_2842] : memref<6x32x128xf32, #tpu.memory_space<vmem>>[vector<16xi32>, vector<16xi32>, vector<16xi32>], vector<16xf32>,
      %swap3A_2847 = arith.constant 13 : i32
      %swap3A_2848 = arith.index_cast %swap3A_2847 : i32 to index
      %swap3A_2849 = arith.constant 0 : index
      %swap3A_2850 = tpu.vector_load %arg15[%swap3A_2848, %swap3A_2849] {strides = array<i32>} : memref<16x128xf32, #tpu.memory_space<vmem>>, vector<16xf32>,
      tpu.vector_store %arg15[%swap3A_2848, %swap3A_2849], %gather3A_2846 {strides = array<i32>} : memref<16x128xf32, #tpu.memory_space<vmem>>, vector<16xf32>,
      %add3A_2851 = arith.constant 16 : i32
      %add3A_2852 = vector.broadcast %add3A_2851 : i32 to vector<16xi32>
      %add3A_2853 = arith.addi %add3A_2852, %iota3A : vector<16xi32>
      %gather3A_2854 = tpu.vector_load_idx %arg11[%broadcast_in_dim3A_2839, %add3A_2853, %broadcast_in_dim3A_2842] : memref<6x32x128xf32, #tpu.memory_space<vmem>>[vector<16xi32>, vector<16xi32>, vector<16xi32>], vector<16xf32>,
      %swap3A_2855 = arith.constant 13 : i32
      %swap3A_2856 = arith.index_cast %swap3A_2855 : i32 to index
      %swap3A_2857 = arith.constant 16 : index
      %swap3A_2858 = tpu.vector_load %arg15[%swap3A_2856, %swap3A_2857] {strides = array<i32>} : memref<16x128xf32, #tpu.memory_space<vmem>>, vector<16xf32>,
      tpu.vector_store %arg15[%swap3A_2856, %swap3A_2857], %gather3A_2854 {strides = array<i32>} : memref<16x128xf32, #tpu.memory_space<vmem>>, vector<16xf32>,
      %slice3A_2859 = vector.extract_strided_slice %sub3A_79 {offsets = [13], sizes = [1], strides = [1]} : vector<16xi32> to vector<1xi32>
      %squeeze3A_2860 = vector.extract %slice3A_2859[0] : i32 from vector<1xi32>
      %broadcast_in_dim3A_2861 = vector.broadcast %squeeze3A_2860 : i32 to vector<16xi32>
      %add3A_2862 = arith.constant 0 : i32
      %add3A_2863 = vector.broadcast %add3A_2862 : i32 to vector<16xi32>
      %add3A_2864 = arith.addi %add3A_2863, %iota3A : vector<16xi32>
      %gather3A_2865 = tpu.vector_load_idx %arg12[%broadcast_in_dim3A_2839, %add3A_2864, %broadcast_in_dim3A_2861] : memref<6x32x128xf32, #tpu.memory_space<vmem>>[vector<16xi32>, vector<16xi32>, vector<16xi32>], vector<16xf32>,
      %swap3A_2866 = arith.constant 13 : i32
      %swap3A_2867 = arith.index_cast %swap3A_2866 : i32 to index
      %swap3A_2868 = arith.constant 32 : index
      %swap3A_2869 = tpu.vector_load %arg15[%swap3A_2867, %swap3A_2868] {strides = array<i32>} : memref<16x128xf32, #tpu.memory_space<vmem>>, vector<16xf32>,
      tpu.vector_store %arg15[%swap3A_2867, %swap3A_2868], %gather3A_2865 {strides = array<i32>} : memref<16x128xf32, #tpu.memory_space<vmem>>, vector<16xf32>,
      %add3A_2870 = arith.constant 16 : i32
      %add3A_2871 = vector.broadcast %add3A_2870 : i32 to vector<16xi32>
      %add3A_2872 = arith.addi %add3A_2871, %iota3A : vector<16xi32>
      %gather3A_2873 = tpu.vector_load_idx %arg12[%broadcast_in_dim3A_2839, %add3A_2872, %broadcast_in_dim3A_2861] : memref<6x32x128xf32, #tpu.memory_space<vmem>>[vector<16xi32>, vector<16xi32>, vector<16xi32>], vector<16xf32>,
      %swap3A_2874 = arith.constant 13 : i32
      %swap3A_2875 = arith.index_cast %swap3A_2874 : i32 to index
      %swap3A_2876 = arith.constant 48 : index
      %swap3A_2877 = tpu.vector_load %arg15[%swap3A_2875, %swap3A_2876] {strides = array<i32>} : memref<16x128xf32, #tpu.memory_space<vmem>>, vector<16xf32>,
      tpu.vector_store %arg15[%swap3A_2875, %swap3A_2876], %gather3A_2873 {strides = array<i32>} : memref<16x128xf32, #tpu.memory_space<vmem>>, vector<16xf32>,
      %slice3A_2878 = vector.extract_strided_slice %sub3A_78 {offsets = [13], sizes = [1], strides = [1]} : vector<16xi32> to vector<1xi32>
      %squeeze3A_2879 = vector.extract %slice3A_2878[0] : i32 from vector<1xi32>
      %broadcast_in_dim3A_2880 = vector.broadcast %squeeze3A_2879 : i32 to vector<16xi32>
      %add3A_2881 = arith.constant 0 : i32
      %add3A_2882 = vector.broadcast %add3A_2881 : i32 to vector<16xi32>
      %add3A_2883 = arith.addi %add3A_2882, %iota3A : vector<16xi32>
      %gather3A_2884 = tpu.vector_load_idx %arg13[%broadcast_in_dim3A_2839, %add3A_2883, %broadcast_in_dim3A_2880] : memref<6x32x128xf32, #tpu.memory_space<vmem>>[vector<16xi32>, vector<16xi32>, vector<16xi32>], vector<16xf32>,
      %swap3A_2885 = arith.constant 13 : i32
      %swap3A_2886 = arith.index_cast %swap3A_2885 : i32 to index
      %swap3A_2887 = arith.constant 64 : index
      %swap3A_2888 = tpu.vector_load %arg15[%swap3A_2886, %swap3A_2887] {strides = array<i32>} : memref<16x128xf32, #tpu.memory_space<vmem>>, vector<16xf32>,
      tpu.vector_store %arg15[%swap3A_2886, %swap3A_2887], %gather3A_2884 {strides = array<i32>} : memref<16x128xf32, #tpu.memory_space<vmem>>, vector<16xf32>,
      %add3A_2889 = arith.constant 16 : i32
      %add3A_2890 = vector.broadcast %add3A_2889 : i32 to vector<16xi32>
      %add3A_2891 = arith.addi %add3A_2890, %iota3A : vector<16xi32>
      %gather3A_2892 = tpu.vector_load_idx %arg13[%broadcast_in_dim3A_2839, %add3A_2891, %broadcast_in_dim3A_2880] : memref<6x32x128xf32, #tpu.memory_space<vmem>>[vector<16xi32>, vector<16xi32>, vector<16xi32>], vector<16xf32>,
      %swap3A_2893 = arith.constant 13 : i32
      %swap3A_2894 = arith.index_cast %swap3A_2893 : i32 to index
      %swap3A_2895 = arith.constant 80 : index
      %swap3A_2896 = tpu.vector_load %arg15[%swap3A_2894, %swap3A_2895] {strides = array<i32>} : memref<16x128xf32, #tpu.memory_space<vmem>>, vector<16xf32>,
      tpu.vector_store %arg15[%swap3A_2894, %swap3A_2895], %gather3A_2892 {strides = array<i32>} : memref<16x128xf32, #tpu.memory_space<vmem>>, vector<16xf32>,
      %slice3A_2897 = vector.extract_strided_slice %sub3A_79 {offsets = [13], sizes = [1], strides = [1]} : vector<16xi32> to vector<1xi32>
      %squeeze3A_2898 = vector.extract %slice3A_2897[0] : i32 from vector<1xi32>
      %broadcast_in_dim3A_2899 = vector.broadcast %squeeze3A_2898 : i32 to vector<16xi32>
      %add3A_2900 = arith.constant 0 : i32
      %add3A_2901 = vector.broadcast %add3A_2900 : i32 to vector<16xi32>
      %add3A_2902 = arith.addi %add3A_2901, %iota3A : vector<16xi32>
      %gather3A_2903 = tpu.vector_load_idx %arg14[%broadcast_in_dim3A_2839, %add3A_2902, %broadcast_in_dim3A_2899] : memref<6x32x128xf32, #tpu.memory_space<vmem>>[vector<16xi32>, vector<16xi32>, vector<16xi32>], vector<16xf32>,
      %swap3A_2904 = arith.constant 13 : i32
      %swap3A_2905 = arith.index_cast %swap3A_2904 : i32 to index
      %swap3A_2906 = arith.constant 96 : index
      %swap3A_2907 = tpu.vector_load %arg15[%swap3A_2905, %swap3A_2906] {strides = array<i32>} : memref<16x128xf32, #tpu.memory_space<vmem>>, vector<16xf32>,
      tpu.vector_store %arg15[%swap3A_2905, %swap3A_2906], %gather3A_2903 {strides = array<i32>} : memref<16x128xf32, #tpu.memory_space<vmem>>, vector<16xf32>,
      %add3A_2908 = arith.constant 16 : i32
      %add3A_2909 = vector.broadcast %add3A_2908 : i32 to vector<16xi32>
      %add3A_2910 = arith.addi %add3A_2909, %iota3A : vector<16xi32>
      %gather3A_2911 = tpu.vector_load_idx %arg14[%broadcast_in_dim3A_2839, %add3A_2910, %broadcast_in_dim3A_2899] : memref<6x32x128xf32, #tpu.memory_space<vmem>>[vector<16xi32>, vector<16xi32>, vector<16xi32>], vector<16xf32>,
      %swap3A_2912 = arith.constant 13 : i32
      %swap3A_2913 = arith.index_cast %swap3A_2912 : i32 to index
      %swap3A_2914 = arith.constant 112 : index
      %swap3A_2915 = tpu.vector_load %arg15[%swap3A_2913, %swap3A_2914] {strides = array<i32>} : memref<16x128xf32, #tpu.memory_space<vmem>>, vector<16xf32>,
      tpu.vector_store %arg15[%swap3A_2913, %swap3A_2914], %gather3A_2911 {strides = array<i32>} : memref<16x128xf32, #tpu.memory_space<vmem>>, vector<16xf32>,
      %dma_wait3A_2916 = arith.constant 2 : i32
      %dma_wait3A_2917 = arith.constant 0 : i32
      %dma_wait3A_2918 = arith.constant 0 : i32
      %dma_wait3A_2919 = tpu.memref_slice %arg11[%dma_wait3A_2916, %dma_wait3A_2917, %dma_wait3A_2918] : memref<6x32x128xf32, #tpu.memory_space<vmem>> -> memref<1x32x128xf32, #tpu.memory_space<vmem>>
      %dma_wait3A_2920 = tpu.memref_squeeze %dma_wait3A_2919 : memref<1x32x128xf32, #tpu.memory_space<vmem>> -> memref<32x128xf32, #tpu.memory_space<vmem>>
      %dma_wait3A_2921 = arith.constant 0 : i32
      %dma_wait3A_2922 = tpu.memref_slice %arg4[%dma_wait3A_2921, %multiple_of3A_2270] : memref<32x1000000xf32, #tpu.memory_space<hbm>> -> memref<32x128xf32, #tpu.memory_space<hbm>>
      %dma_wait3A_2923 = arith.constant 0 : i32
      %dma_wait3A_2924 = arith.constant 0 : i32
      %dma_wait3A_2925 = tpu.memref_slice %arg11[%dma_wait3A_2916, %dma_wait3A_2923, %dma_wait3A_2924] : memref<6x32x128xf32, #tpu.memory_space<vmem>> -> memref<1x32x128xf32, #tpu.memory_space<vmem>>
      %dma_wait3A_2926 = tpu.memref_squeeze %dma_wait3A_2925 : memref<1x32x128xf32, #tpu.memory_space<vmem>> -> memref<32x128xf32, #tpu.memory_space<vmem>>
      %dma_wait3A_2927 = arith.constant 0 : i32
      %dma_wait3A_2928 = tpu.memref_slice %arg4[%dma_wait3A_2927, %multiple_of3A_2270] : memref<32x1000000xf32, #tpu.memory_space<hbm>> -> memref<32x128xf32, #tpu.memory_space<hbm>>
      tpu.wait_dma2 semaphore(%arg17 : memref<!tpu.dma_semaphore, #tpu.memory_space<semaphore_mem>>) src(%dma_wait3A_2928 : memref<32x128xf32, #tpu.memory_space<hbm>>) dst(%dma_wait3A_2926 : memref<32x128xf32, #tpu.memory_space<vmem>>)
      %dma_wait3A_2929 = arith.constant 2 : i32
      %dma_wait3A_2930 = arith.constant 0 : i32
      %dma_wait3A_2931 = arith.constant 0 : i32
      %dma_wait3A_2932 = tpu.memref_slice %arg12[%dma_wait3A_2929, %dma_wait3A_2930, %dma_wait3A_2931] : memref<6x32x128xf32, #tpu.memory_space<vmem>> -> memref<1x32x128xf32, #tpu.memory_space<vmem>>
      %dma_wait3A_2933 = tpu.memref_squeeze %dma_wait3A_2932 : memref<1x32x128xf32, #tpu.memory_space<vmem>> -> memref<32x128xf32, #tpu.memory_space<vmem>>
      %dma_wait3A_2934 = arith.constant 0 : i32
      %dma_wait3A_2935 = tpu.memref_slice %arg5[%dma_wait3A_2934, %multiple_of3A_2286] : memref<32x1000000xf32, #tpu.memory_space<hbm>> -> memref<32x128xf32, #tpu.memory_space<hbm>>
      %dma_wait3A_2936 = arith.constant 0 : i32
      %dma_wait3A_2937 = arith.constant 0 : i32
      %dma_wait3A_2938 = tpu.memref_slice %arg12[%dma_wait3A_2929, %dma_wait3A_2936, %dma_wait3A_2937] : memref<6x32x128xf32, #tpu.memory_space<vmem>> -> memref<1x32x128xf32, #tpu.memory_space<vmem>>
      %dma_wait3A_2939 = tpu.memref_squeeze %dma_wait3A_2938 : memref<1x32x128xf32, #tpu.memory_space<vmem>> -> memref<32x128xf32, #tpu.memory_space<vmem>>
      %dma_wait3A_2940 = arith.constant 0 : i32
      %dma_wait3A_2941 = tpu.memref_slice %arg5[%dma_wait3A_2940, %multiple_of3A_2286] : memref<32x1000000xf32, #tpu.memory_space<hbm>> -> memref<32x128xf32, #tpu.memory_space<hbm>>
      tpu.wait_dma2 semaphore(%arg17 : memref<!tpu.dma_semaphore, #tpu.memory_space<semaphore_mem>>) src(%dma_wait3A_2941 : memref<32x128xf32, #tpu.memory_space<hbm>>) dst(%dma_wait3A_2939 : memref<32x128xf32, #tpu.memory_space<vmem>>)
      %dma_wait3A_2942 = arith.constant 2 : i32
      %dma_wait3A_2943 = arith.constant 0 : i32
      %dma_wait3A_2944 = arith.constant 0 : i32
      %dma_wait3A_2945 = tpu.memref_slice %arg13[%dma_wait3A_2942, %dma_wait3A_2943, %dma_wait3A_2944] : memref<6x32x128xf32, #tpu.memory_space<vmem>> -> memref<1x32x128xf32, #tpu.memory_space<vmem>>
      %dma_wait3A_2946 = tpu.memref_squeeze %dma_wait3A_2945 : memref<1x32x128xf32, #tpu.memory_space<vmem>> -> memref<32x128xf32, #tpu.memory_space<vmem>>
      %dma_wait3A_2947 = arith.constant 0 : i32
      %dma_wait3A_2948 = tpu.memref_slice %arg6[%dma_wait3A_2947, %multiple_of3A_2302] : memref<32x1000000xf32, #tpu.memory_space<hbm>> -> memref<32x128xf32, #tpu.memory_space<hbm>>
      %dma_wait3A_2949 = arith.constant 0 : i32
      %dma_wait3A_2950 = arith.constant 0 : i32
      %dma_wait3A_2951 = tpu.memref_slice %arg13[%dma_wait3A_2942, %dma_wait3A_2949, %dma_wait3A_2950] : memref<6x32x128xf32, #tpu.memory_space<vmem>> -> memref<1x32x128xf32, #tpu.memory_space<vmem>>
      %dma_wait3A_2952 = tpu.memref_squeeze %dma_wait3A_2951 : memref<1x32x128xf32, #tpu.memory_space<vmem>> -> memref<32x128xf32, #tpu.memory_space<vmem>>
      %dma_wait3A_2953 = arith.constant 0 : i32
      %dma_wait3A_2954 = tpu.memref_slice %arg6[%dma_wait3A_2953, %multiple_of3A_2302] : memref<32x1000000xf32, #tpu.memory_space<hbm>> -> memref<32x128xf32, #tpu.memory_space<hbm>>
      tpu.wait_dma2 semaphore(%arg17 : memref<!tpu.dma_semaphore, #tpu.memory_space<semaphore_mem>>) src(%dma_wait3A_2954 : memref<32x128xf32, #tpu.memory_space<hbm>>) dst(%dma_wait3A_2952 : memref<32x128xf32, #tpu.memory_space<vmem>>)
      %dma_wait3A_2955 = arith.constant 2 : i32
      %dma_wait3A_2956 = arith.constant 0 : i32
      %dma_wait3A_2957 = arith.constant 0 : i32
      %dma_wait3A_2958 = tpu.memref_slice %arg14[%dma_wait3A_2955, %dma_wait3A_2956, %dma_wait3A_2957] : memref<6x32x128xf32, #tpu.memory_space<vmem>> -> memref<1x32x128xf32, #tpu.memory_space<vmem>>
      %dma_wait3A_2959 = tpu.memref_squeeze %dma_wait3A_2958 : memref<1x32x128xf32, #tpu.memory_space<vmem>> -> memref<32x128xf32, #tpu.memory_space<vmem>>
      %dma_wait3A_2960 = arith.constant 0 : i32
      %dma_wait3A_2961 = tpu.memref_slice %arg7[%dma_wait3A_2960, %multiple_of3A_2318] : memref<32x1000000xf32, #tpu.memory_space<hbm>> -> memref<32x128xf32, #tpu.memory_space<hbm>>
      %dma_wait3A_2962 = arith.constant 0 : i32
      %dma_wait3A_2963 = arith.constant 0 : i32
      %dma_wait3A_2964 = tpu.memref_slice %arg14[%dma_wait3A_2955, %dma_wait3A_2962, %dma_wait3A_2963] : memref<6x32x128xf32, #tpu.memory_space<vmem>> -> memref<1x32x128xf32, #tpu.memory_space<vmem>>
      %dma_wait3A_2965 = tpu.memref_squeeze %dma_wait3A_2964 : memref<1x32x128xf32, #tpu.memory_space<vmem>> -> memref<32x128xf32, #tpu.memory_space<vmem>>
      %dma_wait3A_2966 = arith.constant 0 : i32
      %dma_wait3A_2967 = tpu.memref_slice %arg7[%dma_wait3A_2966, %multiple_of3A_2318] : memref<32x1000000xf32, #tpu.memory_space<hbm>> -> memref<32x128xf32, #tpu.memory_space<hbm>>
      tpu.wait_dma2 semaphore(%arg17 : memref<!tpu.dma_semaphore, #tpu.memory_space<semaphore_mem>>) src(%dma_wait3A_2967 : memref<32x128xf32, #tpu.memory_space<hbm>>) dst(%dma_wait3A_2965 : memref<32x128xf32, #tpu.memory_space<vmem>>)
      %dma_wait3A_2968 = arith.constant 3 : i32
      %dma_wait3A_2969 = arith.constant 0 : i32
      %dma_wait3A_2970 = arith.constant 0 : i32
      %dma_wait3A_2971 = tpu.memref_slice %arg11[%dma_wait3A_2968, %dma_wait3A_2969, %dma_wait3A_2970] : memref<6x32x128xf32, #tpu.memory_space<vmem>> -> memref<1x32x128xf32, #tpu.memory_space<vmem>>
      %dma_wait3A_2972 = tpu.memref_squeeze %dma_wait3A_2971 : memref<1x32x128xf32, #tpu.memory_space<vmem>> -> memref<32x128xf32, #tpu.memory_space<vmem>>
      %dma_wait3A_2973 = arith.constant 0 : i32
      %dma_wait3A_2974 = tpu.memref_slice %arg4[%dma_wait3A_2973, %multiple_of3A_2334] : memref<32x1000000xf32, #tpu.memory_space<hbm>> -> memref<32x128xf32, #tpu.memory_space<hbm>>
      %dma_wait3A_2975 = arith.constant 0 : i32
      %dma_wait3A_2976 = arith.constant 0 : i32
      %dma_wait3A_2977 = tpu.memref_slice %arg11[%dma_wait3A_2968, %dma_wait3A_2975, %dma_wait3A_2976] : memref<6x32x128xf32, #tpu.memory_space<vmem>> -> memref<1x32x128xf32, #tpu.memory_space<vmem>>
      %dma_wait3A_2978 = tpu.memref_squeeze %dma_wait3A_2977 : memref<1x32x128xf32, #tpu.memory_space<vmem>> -> memref<32x128xf32, #tpu.memory_space<vmem>>
      %dma_wait3A_2979 = arith.constant 0 : i32
      %dma_wait3A_2980 = tpu.memref_slice %arg4[%dma_wait3A_2979, %multiple_of3A_2334] : memref<32x1000000xf32, #tpu.memory_space<hbm>> -> memref<32x128xf32, #tpu.memory_space<hbm>>
      tpu.wait_dma2 semaphore(%arg17 : memref<!tpu.dma_semaphore, #tpu.memory_space<semaphore_mem>>) src(%dma_wait3A_2980 : memref<32x128xf32, #tpu.memory_space<hbm>>) dst(%dma_wait3A_2978 : memref<32x128xf32, #tpu.memory_space<vmem>>)
      %dma_wait3A_2981 = arith.constant 3 : i32
      %dma_wait3A_2982 = arith.constant 0 : i32
      %dma_wait3A_2983 = arith.constant 0 : i32
      %dma_wait3A_2984 = tpu.memref_slice %arg12[%dma_wait3A_2981, %dma_wait3A_2982, %dma_wait3A_2983] : memref<6x32x128xf32, #tpu.memory_space<vmem>> -> memref<1x32x128xf32, #tpu.memory_space<vmem>>
      %dma_wait3A_2985 = tpu.memref_squeeze %dma_wait3A_2984 : memref<1x32x128xf32, #tpu.memory_space<vmem>> -> memref<32x128xf32, #tpu.memory_space<vmem>>
      %dma_wait3A_2986 = arith.constant 0 : i32
      %dma_wait3A_2987 = tpu.memref_slice %arg5[%dma_wait3A_2986, %multiple_of3A_2350] : memref<32x1000000xf32, #tpu.memory_space<hbm>> -> memref<32x128xf32, #tpu.memory_space<hbm>>
      %dma_wait3A_2988 = arith.constant 0 : i32
      %dma_wait3A_2989 = arith.constant 0 : i32
      %dma_wait3A_2990 = tpu.memref_slice %arg12[%dma_wait3A_2981, %dma_wait3A_2988, %dma_wait3A_2989] : memref<6x32x128xf32, #tpu.memory_space<vmem>> -> memref<1x32x128xf32, #tpu.memory_space<vmem>>
      %dma_wait3A_2991 = tpu.memref_squeeze %dma_wait3A_2990 : memref<1x32x128xf32, #tpu.memory_space<vmem>> -> memref<32x128xf32, #tpu.memory_space<vmem>>
      %dma_wait3A_2992 = arith.constant 0 : i32
      %dma_wait3A_2993 = tpu.memref_slice %arg5[%dma_wait3A_2992, %multiple_of3A_2350] : memref<32x1000000xf32, #tpu.memory_space<hbm>> -> memref<32x128xf32, #tpu.memory_space<hbm>>
      tpu.wait_dma2 semaphore(%arg17 : memref<!tpu.dma_semaphore, #tpu.memory_space<semaphore_mem>>) src(%dma_wait3A_2993 : memref<32x128xf32, #tpu.memory_space<hbm>>) dst(%dma_wait3A_2991 : memref<32x128xf32, #tpu.memory_space<vmem>>)
      %dma_wait3A_2994 = arith.constant 3 : i32
      %dma_wait3A_2995 = arith.constant 0 : i32
      %dma_wait3A_2996 = arith.constant 0 : i32
      %dma_wait3A_2997 = tpu.memref_slice %arg13[%dma_wait3A_2994, %dma_wait3A_2995, %dma_wait3A_2996] : memref<6x32x128xf32, #tpu.memory_space<vmem>> -> memref<1x32x128xf32, #tpu.memory_space<vmem>>
      %dma_wait3A_2998 = tpu.memref_squeeze %dma_wait3A_2997 : memref<1x32x128xf32, #tpu.memory_space<vmem>> -> memref<32x128xf32, #tpu.memory_space<vmem>>
      %dma_wait3A_2999 = arith.constant 0 : i32
      %dma_wait3A_3000 = tpu.memref_slice %arg6[%dma_wait3A_2999, %multiple_of3A_2366] : memref<32x1000000xf32, #tpu.memory_space<hbm>> -> memref<32x128xf32, #tpu.memory_space<hbm>>
      %dma_wait3A_3001 = arith.constant 0 : i32
      %dma_wait3A_3002 = arith.constant 0 : i32
      %dma_wait3A_3003 = tpu.memref_slice %arg13[%dma_wait3A_2994, %dma_wait3A_3001, %dma_wait3A_3002] : memref<6x32x128xf32, #tpu.memory_space<vmem>> -> memref<1x32x128xf32, #tpu.memory_space<vmem>>
      %dma_wait3A_3004 = tpu.memref_squeeze %dma_wait3A_3003 : memref<1x32x128xf32, #tpu.memory_space<vmem>> -> memref<32x128xf32, #tpu.memory_space<vmem>>
      %dma_wait3A_3005 = arith.constant 0 : i32
      %dma_wait3A_3006 = tpu.memref_slice %arg6[%dma_wait3A_3005, %multiple_of3A_2366] : memref<32x1000000xf32, #tpu.memory_space<hbm>> -> memref<32x128xf32, #tpu.memory_space<hbm>>
      tpu.wait_dma2 semaphore(%arg17 : memref<!tpu.dma_semaphore, #tpu.memory_space<semaphore_mem>>) src(%dma_wait3A_3006 : memref<32x128xf32, #tpu.memory_space<hbm>>) dst(%dma_wait3A_3004 : memref<32x128xf32, #tpu.memory_space<vmem>>)
      %dma_wait3A_3007 = arith.constant 3 : i32
      %dma_wait3A_3008 = arith.constant 0 : i32
      %dma_wait3A_3009 = arith.constant 0 : i32
      %dma_wait3A_3010 = tpu.memref_slice %arg14[%dma_wait3A_3007, %dma_wait3A_3008, %dma_wait3A_3009] : memref<6x32x128xf32, #tpu.memory_space<vmem>> -> memref<1x32x128xf32, #tpu.memory_space<vmem>>
      %dma_wait3A_3011 = tpu.memref_squeeze %dma_wait3A_3010 : memref<1x32x128xf32, #tpu.memory_space<vmem>> -> memref<32x128xf32, #tpu.memory_space<vmem>>
      %dma_wait3A_3012 = arith.constant 0 : i32
      %dma_wait3A_3013 = tpu.memref_slice %arg7[%dma_wait3A_3012, %multiple_of3A_2382] : memref<32x1000000xf32, #tpu.memory_space<hbm>> -> memref<32x128xf32, #tpu.memory_space<hbm>>
      %dma_wait3A_3014 = arith.constant 0 : i32
      %dma_wait3A_3015 = arith.constant 0 : i32
      %dma_wait3A_3016 = tpu.memref_slice %arg14[%dma_wait3A_3007, %dma_wait3A_3014, %dma_wait3A_3015] : memref<6x32x128xf32, #tpu.memory_space<vmem>> -> memref<1x32x128xf32, #tpu.memory_space<vmem>>
      %dma_wait3A_3017 = tpu.memref_squeeze %dma_wait3A_3016 : memref<1x32x128xf32, #tpu.memory_space<vmem>> -> memref<32x128xf32, #tpu.memory_space<vmem>>
      %dma_wait3A_3018 = arith.constant 0 : i32
      %dma_wait3A_3019 = tpu.memref_slice %arg7[%dma_wait3A_3018, %multiple_of3A_2382] : memref<32x1000000xf32, #tpu.memory_space<hbm>> -> memref<32x128xf32, #tpu.memory_space<hbm>>
      tpu.wait_dma2 semaphore(%arg17 : memref<!tpu.dma_semaphore, #tpu.memory_space<semaphore_mem>>) src(%dma_wait3A_3019 : memref<32x128xf32, #tpu.memory_space<hbm>>) dst(%dma_wait3A_3017 : memref<32x128xf32, #tpu.memory_space<vmem>>)
      %broadcast_in_dim3A_3020 = arith.constant 2 : i32
      %broadcast_in_dim3A_3021 = vector.broadcast %broadcast_in_dim3A_3020 : i32 to vector<16xi32>
      %slice3A_3022 = vector.extract_strided_slice %sub3A_78 {offsets = [14], sizes = [1], strides = [1]} : vector<16xi32> to vector<1xi32>
      %squeeze3A_3023 = vector.extract %slice3A_3022[0] : i32 from vector<1xi32>
      %broadcast_in_dim3A_3024 = vector.broadcast %squeeze3A_3023 : i32 to vector<16xi32>
      %add3A_3025 = arith.constant 0 : i32
      %add3A_3026 = vector.broadcast %add3A_3025 : i32 to vector<16xi32>
      %add3A_3027 = arith.addi %add3A_3026, %iota3A : vector<16xi32>
      %gather3A_3028 = tpu.vector_load_idx %arg11[%broadcast_in_dim3A_3021, %add3A_3027, %broadcast_in_dim3A_3024] : memref<6x32x128xf32, #tpu.memory_space<vmem>>[vector<16xi32>, vector<16xi32>, vector<16xi32>], vector<16xf32>,
      %swap3A_3029 = arith.constant 14 : i32
      %swap3A_3030 = arith.index_cast %swap3A_3029 : i32 to index
      %swap3A_3031 = arith.constant 0 : index
      %swap3A_3032 = tpu.vector_load %arg15[%swap3A_3030, %swap3A_3031] {strides = array<i32>} : memref<16x128xf32, #tpu.memory_space<vmem>>, vector<16xf32>,
      tpu.vector_store %arg15[%swap3A_3030, %swap3A_3031], %gather3A_3028 {strides = array<i32>} : memref<16x128xf32, #tpu.memory_space<vmem>>, vector<16xf32>,
      %add3A_3033 = arith.constant 16 : i32
      %add3A_3034 = vector.broadcast %add3A_3033 : i32 to vector<16xi32>
      %add3A_3035 = arith.addi %add3A_3034, %iota3A : vector<16xi32>
      %gather3A_3036 = tpu.vector_load_idx %arg11[%broadcast_in_dim3A_3021, %add3A_3035, %broadcast_in_dim3A_3024] : memref<6x32x128xf32, #tpu.memory_space<vmem>>[vector<16xi32>, vector<16xi32>, vector<16xi32>], vector<16xf32>,
      %swap3A_3037 = arith.constant 14 : i32
      %swap3A_3038 = arith.index_cast %swap3A_3037 : i32 to index
      %swap3A_3039 = arith.constant 16 : index
      %swap3A_3040 = tpu.vector_load %arg15[%swap3A_3038, %swap3A_3039] {strides = array<i32>} : memref<16x128xf32, #tpu.memory_space<vmem>>, vector<16xf32>,
      tpu.vector_store %arg15[%swap3A_3038, %swap3A_3039], %gather3A_3036 {strides = array<i32>} : memref<16x128xf32, #tpu.memory_space<vmem>>, vector<16xf32>,
      %slice3A_3041 = vector.extract_strided_slice %sub3A_79 {offsets = [14], sizes = [1], strides = [1]} : vector<16xi32> to vector<1xi32>
      %squeeze3A_3042 = vector.extract %slice3A_3041[0] : i32 from vector<1xi32>
      %broadcast_in_dim3A_3043 = vector.broadcast %squeeze3A_3042 : i32 to vector<16xi32>
      %add3A_3044 = arith.constant 0 : i32
      %add3A_3045 = vector.broadcast %add3A_3044 : i32 to vector<16xi32>
      %add3A_3046 = arith.addi %add3A_3045, %iota3A : vector<16xi32>
      %gather3A_3047 = tpu.vector_load_idx %arg12[%broadcast_in_dim3A_3021, %add3A_3046, %broadcast_in_dim3A_3043] : memref<6x32x128xf32, #tpu.memory_space<vmem>>[vector<16xi32>, vector<16xi32>, vector<16xi32>], vector<16xf32>,
      %swap3A_3048 = arith.constant 14 : i32
      %swap3A_3049 = arith.index_cast %swap3A_3048 : i32 to index
      %swap3A_3050 = arith.constant 32 : index
      %swap3A_3051 = tpu.vector_load %arg15[%swap3A_3049, %swap3A_3050] {strides = array<i32>} : memref<16x128xf32, #tpu.memory_space<vmem>>, vector<16xf32>,
      tpu.vector_store %arg15[%swap3A_3049, %swap3A_3050], %gather3A_3047 {strides = array<i32>} : memref<16x128xf32, #tpu.memory_space<vmem>>, vector<16xf32>,
      %add3A_3052 = arith.constant 16 : i32
      %add3A_3053 = vector.broadcast %add3A_3052 : i32 to vector<16xi32>
      %add3A_3054 = arith.addi %add3A_3053, %iota3A : vector<16xi32>
      %gather3A_3055 = tpu.vector_load_idx %arg12[%broadcast_in_dim3A_3021, %add3A_3054, %broadcast_in_dim3A_3043] : memref<6x32x128xf32, #tpu.memory_space<vmem>>[vector<16xi32>, vector<16xi32>, vector<16xi32>], vector<16xf32>,
      %swap3A_3056 = arith.constant 14 : i32
      %swap3A_3057 = arith.index_cast %swap3A_3056 : i32 to index
      %swap3A_3058 = arith.constant 48 : index
      %swap3A_3059 = tpu.vector_load %arg15[%swap3A_3057, %swap3A_3058] {strides = array<i32>} : memref<16x128xf32, #tpu.memory_space<vmem>>, vector<16xf32>,
      tpu.vector_store %arg15[%swap3A_3057, %swap3A_3058], %gather3A_3055 {strides = array<i32>} : memref<16x128xf32, #tpu.memory_space<vmem>>, vector<16xf32>,
      %slice3A_3060 = vector.extract_strided_slice %sub3A_78 {offsets = [14], sizes = [1], strides = [1]} : vector<16xi32> to vector<1xi32>
      %squeeze3A_3061 = vector.extract %slice3A_3060[0] : i32 from vector<1xi32>
      %broadcast_in_dim3A_3062 = vector.broadcast %squeeze3A_3061 : i32 to vector<16xi32>
      %add3A_3063 = arith.constant 0 : i32
      %add3A_3064 = vector.broadcast %add3A_3063 : i32 to vector<16xi32>
      %add3A_3065 = arith.addi %add3A_3064, %iota3A : vector<16xi32>
      %gather3A_3066 = tpu.vector_load_idx %arg13[%broadcast_in_dim3A_3021, %add3A_3065, %broadcast_in_dim3A_3062] : memref<6x32x128xf32, #tpu.memory_space<vmem>>[vector<16xi32>, vector<16xi32>, vector<16xi32>], vector<16xf32>,
      %swap3A_3067 = arith.constant 14 : i32
      %swap3A_3068 = arith.index_cast %swap3A_3067 : i32 to index
      %swap3A_3069 = arith.constant 64 : index
      %swap3A_3070 = tpu.vector_load %arg15[%swap3A_3068, %swap3A_3069] {strides = array<i32>} : memref<16x128xf32, #tpu.memory_space<vmem>>, vector<16xf32>,
      tpu.vector_store %arg15[%swap3A_3068, %swap3A_3069], %gather3A_3066 {strides = array<i32>} : memref<16x128xf32, #tpu.memory_space<vmem>>, vector<16xf32>,
      %add3A_3071 = arith.constant 16 : i32
      %add3A_3072 = vector.broadcast %add3A_3071 : i32 to vector<16xi32>
      %add3A_3073 = arith.addi %add3A_3072, %iota3A : vector<16xi32>
      %gather3A_3074 = tpu.vector_load_idx %arg13[%broadcast_in_dim3A_3021, %add3A_3073, %broadcast_in_dim3A_3062] : memref<6x32x128xf32, #tpu.memory_space<vmem>>[vector<16xi32>, vector<16xi32>, vector<16xi32>], vector<16xf32>,
      %swap3A_3075 = arith.constant 14 : i32
      %swap3A_3076 = arith.index_cast %swap3A_3075 : i32 to index
      %swap3A_3077 = arith.constant 80 : index
      %swap3A_3078 = tpu.vector_load %arg15[%swap3A_3076, %swap3A_3077] {strides = array<i32>} : memref<16x128xf32, #tpu.memory_space<vmem>>, vector<16xf32>,
      tpu.vector_store %arg15[%swap3A_3076, %swap3A_3077], %gather3A_3074 {strides = array<i32>} : memref<16x128xf32, #tpu.memory_space<vmem>>, vector<16xf32>,
      %slice3A_3079 = vector.extract_strided_slice %sub3A_79 {offsets = [14], sizes = [1], strides = [1]} : vector<16xi32> to vector<1xi32>
      %squeeze3A_3080 = vector.extract %slice3A_3079[0] : i32 from vector<1xi32>
      %broadcast_in_dim3A_3081 = vector.broadcast %squeeze3A_3080 : i32 to vector<16xi32>
      %add3A_3082 = arith.constant 0 : i32
      %add3A_3083 = vector.broadcast %add3A_3082 : i32 to vector<16xi32>
      %add3A_3084 = arith.addi %add3A_3083, %iota3A : vector<16xi32>
      %gather3A_3085 = tpu.vector_load_idx %arg14[%broadcast_in_dim3A_3021, %add3A_3084, %broadcast_in_dim3A_3081] : memref<6x32x128xf32, #tpu.memory_space<vmem>>[vector<16xi32>, vector<16xi32>, vector<16xi32>], vector<16xf32>,
      %swap3A_3086 = arith.constant 14 : i32
      %swap3A_3087 = arith.index_cast %swap3A_3086 : i32 to index
      %swap3A_3088 = arith.constant 96 : index
      %swap3A_3089 = tpu.vector_load %arg15[%swap3A_3087, %swap3A_3088] {strides = array<i32>} : memref<16x128xf32, #tpu.memory_space<vmem>>, vector<16xf32>,
      tpu.vector_store %arg15[%swap3A_3087, %swap3A_3088], %gather3A_3085 {strides = array<i32>} : memref<16x128xf32, #tpu.memory_space<vmem>>, vector<16xf32>,
      %add3A_3090 = arith.constant 16 : i32
      %add3A_3091 = vector.broadcast %add3A_3090 : i32 to vector<16xi32>
      %add3A_3092 = arith.addi %add3A_3091, %iota3A : vector<16xi32>
      %gather3A_3093 = tpu.vector_load_idx %arg14[%broadcast_in_dim3A_3021, %add3A_3092, %broadcast_in_dim3A_3081] : memref<6x32x128xf32, #tpu.memory_space<vmem>>[vector<16xi32>, vector<16xi32>, vector<16xi32>], vector<16xf32>,
      %swap3A_3094 = arith.constant 14 : i32
      %swap3A_3095 = arith.index_cast %swap3A_3094 : i32 to index
      %swap3A_3096 = arith.constant 112 : index
      %swap3A_3097 = tpu.vector_load %arg15[%swap3A_3095, %swap3A_3096] {strides = array<i32>} : memref<16x128xf32, #tpu.memory_space<vmem>>, vector<16xf32>,
      tpu.vector_store %arg15[%swap3A_3095, %swap3A_3096], %gather3A_3093 {strides = array<i32>} : memref<16x128xf32, #tpu.memory_space<vmem>>, vector<16xf32>,
      %broadcast_in_dim3A_3098 = arith.constant 3 : i32
      %broadcast_in_dim3A_3099 = vector.broadcast %broadcast_in_dim3A_3098 : i32 to vector<16xi32>
      %slice3A_3100 = vector.extract_strided_slice %sub3A_78 {offsets = [15], sizes = [1], strides = [1]} : vector<16xi32> to vector<1xi32>
      %squeeze3A_3101 = vector.extract %slice3A_3100[0] : i32 from vector<1xi32>
      %broadcast_in_dim3A_3102 = vector.broadcast %squeeze3A_3101 : i32 to vector<16xi32>
      %add3A_3103 = arith.constant 0 : i32
      %add3A_3104 = vector.broadcast %add3A_3103 : i32 to vector<16xi32>
      %add3A_3105 = arith.addi %add3A_3104, %iota3A : vector<16xi32>
      %gather3A_3106 = tpu.vector_load_idx %arg11[%broadcast_in_dim3A_3099, %add3A_3105, %broadcast_in_dim3A_3102] : memref<6x32x128xf32, #tpu.memory_space<vmem>>[vector<16xi32>, vector<16xi32>, vector<16xi32>], vector<16xf32>,
      %swap3A_3107 = arith.constant 15 : i32
      %swap3A_3108 = arith.index_cast %swap3A_3107 : i32 to index
      %swap3A_3109 = arith.constant 0 : index
      %swap3A_3110 = tpu.vector_load %arg15[%swap3A_3108, %swap3A_3109] {strides = array<i32>} : memref<16x128xf32, #tpu.memory_space<vmem>>, vector<16xf32>,
      tpu.vector_store %arg15[%swap3A_3108, %swap3A_3109], %gather3A_3106 {strides = array<i32>} : memref<16x128xf32, #tpu.memory_space<vmem>>, vector<16xf32>,
      %add3A_3111 = arith.constant 16 : i32
      %add3A_3112 = vector.broadcast %add3A_3111 : i32 to vector<16xi32>
      %add3A_3113 = arith.addi %add3A_3112, %iota3A : vector<16xi32>
      %gather3A_3114 = tpu.vector_load_idx %arg11[%broadcast_in_dim3A_3099, %add3A_3113, %broadcast_in_dim3A_3102] : memref<6x32x128xf32, #tpu.memory_space<vmem>>[vector<16xi32>, vector<16xi32>, vector<16xi32>], vector<16xf32>,
      %swap3A_3115 = arith.constant 15 : i32
      %swap3A_3116 = arith.index_cast %swap3A_3115 : i32 to index
      %swap3A_3117 = arith.constant 16 : index
      %swap3A_3118 = tpu.vector_load %arg15[%swap3A_3116, %swap3A_3117] {strides = array<i32>} : memref<16x128xf32, #tpu.memory_space<vmem>>, vector<16xf32>,
      tpu.vector_store %arg15[%swap3A_3116, %swap3A_3117], %gather3A_3114 {strides = array<i32>} : memref<16x128xf32, #tpu.memory_space<vmem>>, vector<16xf32>,
      %slice3A_3119 = vector.extract_strided_slice %sub3A_79 {offsets = [15], sizes = [1], strides = [1]} : vector<16xi32> to vector<1xi32>
      %squeeze3A_3120 = vector.extract %slice3A_3119[0] : i32 from vector<1xi32>
      %broadcast_in_dim3A_3121 = vector.broadcast %squeeze3A_3120 : i32 to vector<16xi32>
      %add3A_3122 = arith.constant 0 : i32
      %add3A_3123 = vector.broadcast %add3A_3122 : i32 to vector<16xi32>
      %add3A_3124 = arith.addi %add3A_3123, %iota3A : vector<16xi32>
      %gather3A_3125 = tpu.vector_load_idx %arg12[%broadcast_in_dim3A_3099, %add3A_3124, %broadcast_in_dim3A_3121] : memref<6x32x128xf32, #tpu.memory_space<vmem>>[vector<16xi32>, vector<16xi32>, vector<16xi32>], vector<16xf32>,
      %swap3A_3126 = arith.constant 15 : i32
      %swap3A_3127 = arith.index_cast %swap3A_3126 : i32 to index
      %swap3A_3128 = arith.constant 32 : index
      %swap3A_3129 = tpu.vector_load %arg15[%swap3A_3127, %swap3A_3128] {strides = array<i32>} : memref<16x128xf32, #tpu.memory_space<vmem>>, vector<16xf32>,
      tpu.vector_store %arg15[%swap3A_3127, %swap3A_3128], %gather3A_3125 {strides = array<i32>} : memref<16x128xf32, #tpu.memory_space<vmem>>, vector<16xf32>,
      %add3A_3130 = arith.constant 16 : i32
      %add3A_3131 = vector.broadcast %add3A_3130 : i32 to vector<16xi32>
      %add3A_3132 = arith.addi %add3A_3131, %iota3A : vector<16xi32>
      %gather3A_3133 = tpu.vector_load_idx %arg12[%broadcast_in_dim3A_3099, %add3A_3132, %broadcast_in_dim3A_3121] : memref<6x32x128xf32, #tpu.memory_space<vmem>>[vector<16xi32>, vector<16xi32>, vector<16xi32>], vector<16xf32>,
      %swap3A_3134 = arith.constant 15 : i32
      %swap3A_3135 = arith.index_cast %swap3A_3134 : i32 to index
      %swap3A_3136 = arith.constant 48 : index
      %swap3A_3137 = tpu.vector_load %arg15[%swap3A_3135, %swap3A_3136] {strides = array<i32>} : memref<16x128xf32, #tpu.memory_space<vmem>>, vector<16xf32>,
      tpu.vector_store %arg15[%swap3A_3135, %swap3A_3136], %gather3A_3133 {strides = array<i32>} : memref<16x128xf32, #tpu.memory_space<vmem>>, vector<16xf32>,
      %slice3A_3138 = vector.extract_strided_slice %sub3A_78 {offsets = [15], sizes = [1], strides = [1]} : vector<16xi32> to vector<1xi32>
      %squeeze3A_3139 = vector.extract %slice3A_3138[0] : i32 from vector<1xi32>
      %broadcast_in_dim3A_3140 = vector.broadcast %squeeze3A_3139 : i32 to vector<16xi32>
      %add3A_3141 = arith.constant 0 : i32
      %add3A_3142 = vector.broadcast %add3A_3141 : i32 to vector<16xi32>
      %add3A_3143 = arith.addi %add3A_3142, %iota3A : vector<16xi32>
      %gather3A_3144 = tpu.vector_load_idx %arg13[%broadcast_in_dim3A_3099, %add3A_3143, %broadcast_in_dim3A_3140] : memref<6x32x128xf32, #tpu.memory_space<vmem>>[vector<16xi32>, vector<16xi32>, vector<16xi32>], vector<16xf32>,
      %swap3A_3145 = arith.constant 15 : i32
      %swap3A_3146 = arith.index_cast %swap3A_3145 : i32 to index
      %swap3A_3147 = arith.constant 64 : index
      %swap3A_3148 = tpu.vector_load %arg15[%swap3A_3146, %swap3A_3147] {strides = array<i32>} : memref<16x128xf32, #tpu.memory_space<vmem>>, vector<16xf32>,
      tpu.vector_store %arg15[%swap3A_3146, %swap3A_3147], %gather3A_3144 {strides = array<i32>} : memref<16x128xf32, #tpu.memory_space<vmem>>, vector<16xf32>,
      %add3A_3149 = arith.constant 16 : i32
      %add3A_3150 = vector.broadcast %add3A_3149 : i32 to vector<16xi32>
      %add3A_3151 = arith.addi %add3A_3150, %iota3A : vector<16xi32>
      %gather3A_3152 = tpu.vector_load_idx %arg13[%broadcast_in_dim3A_3099, %add3A_3151, %broadcast_in_dim3A_3140] : memref<6x32x128xf32, #tpu.memory_space<vmem>>[vector<16xi32>, vector<16xi32>, vector<16xi32>], vector<16xf32>,
      %swap3A_3153 = arith.constant 15 : i32
      %swap3A_3154 = arith.index_cast %swap3A_3153 : i32 to index
      %swap3A_3155 = arith.constant 80 : index
      %swap3A_3156 = tpu.vector_load %arg15[%swap3A_3154, %swap3A_3155] {strides = array<i32>} : memref<16x128xf32, #tpu.memory_space<vmem>>, vector<16xf32>,
      tpu.vector_store %arg15[%swap3A_3154, %swap3A_3155], %gather3A_3152 {strides = array<i32>} : memref<16x128xf32, #tpu.memory_space<vmem>>, vector<16xf32>,
      %slice3A_3157 = vector.extract_strided_slice %sub3A_79 {offsets = [15], sizes = [1], strides = [1]} : vector<16xi32> to vector<1xi32>
      %squeeze3A_3158 = vector.extract %slice3A_3157[0] : i32 from vector<1xi32>
      %broadcast_in_dim3A_3159 = vector.broadcast %squeeze3A_3158 : i32 to vector<16xi32>
      %add3A_3160 = arith.constant 0 : i32
      %add3A_3161 = vector.broadcast %add3A_3160 : i32 to vector<16xi32>
      %add3A_3162 = arith.addi %add3A_3161, %iota3A : vector<16xi32>
      %gather3A_3163 = tpu.vector_load_idx %arg14[%broadcast_in_dim3A_3099, %add3A_3162, %broadcast_in_dim3A_3159] : memref<6x32x128xf32, #tpu.memory_space<vmem>>[vector<16xi32>, vector<16xi32>, vector<16xi32>], vector<16xf32>,
      %swap3A_3164 = arith.constant 15 : i32
      %swap3A_3165 = arith.index_cast %swap3A_3164 : i32 to index
      %swap3A_3166 = arith.constant 96 : index
      %swap3A_3167 = tpu.vector_load %arg15[%swap3A_3165, %swap3A_3166] {strides = array<i32>} : memref<16x128xf32, #tpu.memory_space<vmem>>, vector<16xf32>,
      tpu.vector_store %arg15[%swap3A_3165, %swap3A_3166], %gather3A_3163 {strides = array<i32>} : memref<16x128xf32, #tpu.memory_space<vmem>>, vector<16xf32>,
      %add3A_3168 = arith.constant 16 : i32
      %add3A_3169 = vector.broadcast %add3A_3168 : i32 to vector<16xi32>
      %add3A_3170 = arith.addi %add3A_3169, %iota3A : vector<16xi32>
      %gather3A_3171 = tpu.vector_load_idx %arg14[%broadcast_in_dim3A_3099, %add3A_3170, %broadcast_in_dim3A_3159] : memref<6x32x128xf32, #tpu.memory_space<vmem>>[vector<16xi32>, vector<16xi32>, vector<16xi32>], vector<16xf32>,
      %swap3A_3172 = arith.constant 15 : i32
      %swap3A_3173 = arith.index_cast %swap3A_3172 : i32 to index
      %swap3A_3174 = arith.constant 112 : index
      %swap3A_3175 = tpu.vector_load %arg15[%swap3A_3173, %swap3A_3174] {strides = array<i32>} : memref<16x128xf32, #tpu.memory_space<vmem>>, vector<16xf32>,
      tpu.vector_store %arg15[%swap3A_3173, %swap3A_3174], %gather3A_3171 {strides = array<i32>} : memref<16x128xf32, #tpu.memory_space<vmem>>, vector<16xf32>,
      %mul3A_3176 = arith.constant 16 : i32
      %mul3A_3177 = arith.muli %scan3A_9, %mul3A_3176 : i32
      %add3A_3178 = arith.addi %mul3A_2, %mul3A_3177 : i32
      "tpu.region"() ({
        %run_scoped3A = tpu.sem_alloc : memref<!tpu.dma_semaphore, #tpu.memory_space<semaphore_mem>>
        %dma_start3A_3180 = arith.constant 0 : i32
        %dma_start3A_3181 = tpu.memref_slice %arg8[%add3A_3178, %dma_start3A_3180] : memref<16384x128xf32, #tpu.memory_space<hbm>> -> memref<16x128xf32, #tpu.memory_space<hbm>>
        %dma_start3A_3182 = arith.constant 0 : i32
        %dma_start3A_3183 = tpu.memref_slice %arg8[%add3A_3178, %dma_start3A_3182] : memref<16384x128xf32, #tpu.memory_space<hbm>> -> memref<16x128xf32, #tpu.memory_space<hbm>>
        tpu.enqueue_dma source(%arg15 : memref<16x128xf32, #tpu.memory_space<vmem>>) target(%dma_start3A_3183 : memref<16x128xf32, #tpu.memory_space<hbm>>) target_semaphore(%run_scoped3A : memref<!tpu.dma_semaphore, #tpu.memory_space<semaphore_mem>>)
        %dma_wait3A_3184 = arith.constant 0 : i32
        %dma_wait3A_3185 = tpu.memref_slice %arg8[%add3A_3178, %dma_wait3A_3184] : memref<16384x128xf32, #tpu.memory_space<hbm>> -> memref<16x128xf32, #tpu.memory_space<hbm>>
        %dma_wait3A_3186 = arith.constant 0 : i32
        %dma_wait3A_3187 = tpu.memref_slice %arg8[%add3A_3178, %dma_wait3A_3186] : memref<16384x128xf32, #tpu.memory_space<hbm>> -> memref<16x128xf32, #tpu.memory_space<hbm>>
        tpu.wait_dma2 semaphore(%run_scoped3A : memref<!tpu.dma_semaphore, #tpu.memory_space<semaphore_mem>>) src(%arg15 : memref<16x128xf32, #tpu.memory_space<vmem>>) dst(%dma_wait3A_3187 : memref<16x128xf32, #tpu.memory_space<hbm>>)
        tpu.yield
      }) : () -> ()
      %scan3A_3179 = arith.constant 0 : i32
      scf.yield %scan3A_3179 : i32
    }
    %scan3A_8 = arith.constant 32 : i32
    return
  }
}

module attributes {stable_mosaic.version = 14 : i64} {
  func.func @_tc_body(%arg0: i32, %arg1: memref<2048x128xf32, #tpu.memory_space<vmem>>, %arg2: memref<32x32xf32, #tpu.memory_space<vmem>>, %arg3: memref<32x32xf32, #tpu.memory_space<vmem>>, %arg4: memref<1x32xf32, #tpu.memory_space<vmem>>, %arg5: memref<32x16xf32, #tpu.memory_space<vmem>>, %arg6: memref<1x16xf32, #tpu.memory_space<vmem>>, %arg7: memref<16x8xf32, #tpu.memory_space<vmem>>, %arg8: memref<1x8xf32, #tpu.memory_space<vmem>>, %arg9: memref<32x1xf32, #tpu.memory_space<vmem>>, %arg10: memref<8x1xf32, #tpu.memory_space<vmem>>, %arg11: memref<1x1xf32, #tpu.memory_space<vmem>>, %arg12: memref<2048x1xf32, #tpu.memory_space<vmem>>) attributes {dimension_semantics = [#tpu.dimension_semantics<arbitrary>], iteration_bounds = array<i64: 8>, scalar_prefetch = 0 : i64, scratch_operands = 0 : i64, tpu.core_type = #tpu.core_type<tc>, window_params = [{transform_indices = @transform_0, window_bounds = array<i64: 2048, 128>}, {pipeline_mode = #tpu.pipeline_mode<synchronous>, transform_indices = @transform_1, window_bounds = array<i64: 32, 32>}, {pipeline_mode = #tpu.pipeline_mode<synchronous>, transform_indices = @transform_2, window_bounds = array<i64: 32, 32>}, {pipeline_mode = #tpu.pipeline_mode<synchronous>, transform_indices = @transform_3, window_bounds = array<i64: 1, 32>}, {pipeline_mode = #tpu.pipeline_mode<synchronous>, transform_indices = @transform_4, window_bounds = array<i64: 32, 16>}, {pipeline_mode = #tpu.pipeline_mode<synchronous>, transform_indices = @transform_5, window_bounds = array<i64: 1, 16>}, {pipeline_mode = #tpu.pipeline_mode<synchronous>, transform_indices = @transform_6, window_bounds = array<i64: 16, 8>}, {pipeline_mode = #tpu.pipeline_mode<synchronous>, transform_indices = @transform_7, window_bounds = array<i64: 1, 8>}, {pipeline_mode = #tpu.pipeline_mode<synchronous>, transform_indices = @transform_8, window_bounds = array<i64: 32, 1>}, {pipeline_mode = #tpu.pipeline_mode<synchronous>, transform_indices = @transform_9, window_bounds = array<i64: 8, 1>}, {pipeline_mode = #tpu.pipeline_mode<synchronous>, transform_indices = @transform_10, window_bounds = array<i64: 1, 1>}, {transform_indices = @transform_11, window_bounds = array<i64: 2048, 1>}]} {
    %get3A = arith.constant 0 : index
    %get3A_0 = arith.constant 0 : index
    %get3A_1 = vector.load %arg1[%get3A, %get3A_0] : memref<2048x128xf32, #tpu.memory_space<vmem>>, vector<2048x128xf32>
    %slice3A = vector.extract_strided_slice %get3A_1 {offsets = [0, 0], sizes = [2048, 32], strides = [1, 1]} : vector<2048x128xf32> to vector<2048x32xf32>
    %slice3A_2 = vector.extract_strided_slice %get3A_1 {offsets = [0, 32], sizes = [2048, 32], strides = [1, 1]} : vector<2048x128xf32> to vector<2048x32xf32>
    %mul3A = arith.mulf %slice3A, %slice3A_2 : vector<2048x32xf32>
    %slice3A_3 = vector.extract_strided_slice %get3A_1 {offsets = [0, 64], sizes = [2048, 32], strides = [1, 1]} : vector<2048x128xf32> to vector<2048x32xf32>
    %get3A_4 = arith.constant 0 : index
    %get3A_5 = arith.constant 0 : index
    %get3A_6 = vector.load %arg2[%get3A_4, %get3A_5] : memref<32x32xf32, #tpu.memory_space<vmem>>, vector<32x32xf32>
    %dot_general3A = arith.constant dense<0.000000e+00> : vector<2048x32xf32>
    %dot_general3A_7 = tpu.matmul %slice3A_3, %get3A_6, %dot_general3A {dimension_numbers = #tpu.dot_dimension_numbers<[1], [0], [0], [1], [0, 0, 1, 1], [], []>, transpose_lhs_hint = false} : vector<2048x32xf32>, vector<32x32xf32>, vector<2048x32xf32> -> vector<2048x32xf32>
    %slice3A_8 = vector.extract_strided_slice %get3A_1 {offsets = [0, 96], sizes = [2048, 32], strides = [1, 1]} : vector<2048x128xf32> to vector<2048x32xf32>
    %get3A_9 = arith.constant 0 : index
    %get3A_10 = arith.constant 0 : index
    %get3A_11 = vector.load %arg3[%get3A_9, %get3A_10] : memref<32x32xf32, #tpu.memory_space<vmem>>, vector<32x32xf32>
    %dot_general3A_12 = arith.constant dense<0.000000e+00> : vector<2048x32xf32>
    %dot_general3A_13 = tpu.matmul %slice3A_8, %get3A_11, %dot_general3A_12 {dimension_numbers = #tpu.dot_dimension_numbers<[1], [0], [0], [1], [0, 0, 1, 1], [], []>, transpose_lhs_hint = false} : vector<2048x32xf32>, vector<32x32xf32>, vector<2048x32xf32> -> vector<2048x32xf32>
    %add3A = arith.addf %dot_general3A_7, %dot_general3A_13 : vector<2048x32xf32>
    %get3A_14 = arith.constant 0 : index
    %get3A_15 = arith.constant 0 : index
    %get3A_16 = vector.load %arg4[%get3A_14, %get3A_15] : memref<1x32xf32, #tpu.memory_space<vmem>>, vector<1x32xf32>
    %add3A_17 = vector.broadcast %get3A_16 : vector<1x32xf32> to vector<2048x32xf32>
    %add3A_18 = arith.addf %add3A, %add3A_17 : vector<2048x32xf32>
    %max3A = arith.constant 0.000000e+00 : f32
    %max3A_19 = vector.broadcast %max3A : f32 to vector<2048x32xf32>
    %max3A_20 = arith.maximumf %add3A_18, %max3A_19 : vector<2048x32xf32>
    %get3A_21 = arith.constant 0 : index
    %get3A_22 = arith.constant 0 : index
    %get3A_23 = vector.load %arg5[%get3A_21, %get3A_22] : memref<32x16xf32, #tpu.memory_space<vmem>>, vector<32x16xf32>
    %dot_general3A_24 = arith.constant dense<0.000000e+00> : vector<2048x16xf32>
    %dot_general3A_25 = tpu.matmul %max3A_20, %get3A_23, %dot_general3A_24 {dimension_numbers = #tpu.dot_dimension_numbers<[1], [0], [0], [1], [0, 0, 1, 1], [], []>, transpose_lhs_hint = false} : vector<2048x32xf32>, vector<32x16xf32>, vector<2048x16xf32> -> vector<2048x16xf32>
    %get3A_26 = arith.constant 0 : index
    %get3A_27 = arith.constant 0 : index
    %get3A_28 = vector.load %arg6[%get3A_26, %get3A_27] : memref<1x16xf32, #tpu.memory_space<vmem>>, vector<1x16xf32>
    %add3A_29 = vector.broadcast %get3A_28 : vector<1x16xf32> to vector<2048x16xf32>
    %add3A_30 = arith.addf %dot_general3A_25, %add3A_29 : vector<2048x16xf32>
    %max3A_31 = arith.constant 0.000000e+00 : f32
    %max3A_32 = vector.broadcast %max3A_31 : f32 to vector<2048x16xf32>
    %max3A_33 = arith.maximumf %add3A_30, %max3A_32 : vector<2048x16xf32>
    %get3A_34 = arith.constant 0 : index
    %get3A_35 = arith.constant 0 : index
    %get3A_36 = vector.load %arg7[%get3A_34, %get3A_35] : memref<16x8xf32, #tpu.memory_space<vmem>>, vector<16x8xf32>
    %dot_general3A_37 = arith.constant dense<0.000000e+00> : vector<2048x8xf32>
    %dot_general3A_38 = tpu.matmul %max3A_33, %get3A_36, %dot_general3A_37 {dimension_numbers = #tpu.dot_dimension_numbers<[1], [0], [0], [1], [0, 0, 1, 1], [], []>, transpose_lhs_hint = false} : vector<2048x16xf32>, vector<16x8xf32>, vector<2048x8xf32> -> vector<2048x8xf32>
    %get3A_39 = arith.constant 0 : index
    %get3A_40 = arith.constant 0 : index
    %get3A_41 = vector.load %arg8[%get3A_39, %get3A_40] : memref<1x8xf32, #tpu.memory_space<vmem>>, vector<1x8xf32>
    %add3A_42 = vector.broadcast %get3A_41 : vector<1x8xf32> to vector<2048x8xf32>
    %add3A_43 = arith.addf %dot_general3A_38, %add3A_42 : vector<2048x8xf32>
    %max3A_44 = arith.constant 0.000000e+00 : f32
    %max3A_45 = vector.broadcast %max3A_44 : f32 to vector<2048x8xf32>
    %max3A_46 = arith.maximumf %add3A_43, %max3A_45 : vector<2048x8xf32>
    %get3A_47 = arith.constant 0 : index
    %get3A_48 = arith.constant 0 : index
    %get3A_49 = vector.load %arg9[%get3A_47, %get3A_48] : memref<32x1xf32, #tpu.memory_space<vmem>>, vector<32x1xf32>
    %dot_general3A_50 = arith.constant dense<0.000000e+00> : vector<2048x1xf32>
    %dot_general3A_51 = tpu.matmul %mul3A, %get3A_49, %dot_general3A_50 {dimension_numbers = #tpu.dot_dimension_numbers<[1], [0], [0], [1], [0, 0, 1, 1], [], []>, transpose_lhs_hint = false} : vector<2048x32xf32>, vector<32x1xf32>, vector<2048x1xf32> -> vector<2048x1xf32>
    %get3A_52 = arith.constant 0 : index
    %get3A_53 = arith.constant 0 : index
    %get3A_54 = vector.load %arg10[%get3A_52, %get3A_53] : memref<8x1xf32, #tpu.memory_space<vmem>>, vector<8x1xf32>
    %dot_general3A_55 = arith.constant dense<0.000000e+00> : vector<2048x1xf32>
    %dot_general3A_56 = tpu.matmul %max3A_46, %get3A_54, %dot_general3A_55 {dimension_numbers = #tpu.dot_dimension_numbers<[1], [0], [0], [1], [0, 0, 1, 1], [], []>, transpose_lhs_hint = false} : vector<2048x8xf32>, vector<8x1xf32>, vector<2048x1xf32> -> vector<2048x1xf32>
    %add3A_57 = arith.addf %dot_general3A_51, %dot_general3A_56 : vector<2048x1xf32>
    %get3A_58 = arith.constant 0 : index
    %get3A_59 = arith.constant 0 : index
    %get3A_60 = vector.load %arg11[%get3A_58, %get3A_59] : memref<1x1xf32, #tpu.memory_space<vmem>>, vector<1x1xf32>
    %add3A_61 = vector.broadcast %get3A_60 : vector<1x1xf32> to vector<2048x1xf32>
    %add3A_62 = arith.addf %add3A_57, %add3A_61 : vector<2048x1xf32>
    %logistic3A = arith.negf %add3A_62 : vector<2048x1xf32>
    %logistic3A_63 = math.exp %logistic3A : vector<2048x1xf32>
    %logistic3A_64 = arith.constant 1.000000e+00 : f32
    %logistic3A_65 = vector.broadcast %logistic3A_64 : f32 to vector<2048x1xf32>
    %logistic3A_66 = arith.addf %logistic3A_65, %logistic3A_63 : vector<2048x1xf32>
    %logistic3A_67 = arith.divf %logistic3A_65, %logistic3A_66 : vector<2048x1xf32>
    %swap3A = arith.constant 0 : index
    %swap3A_68 = arith.constant 0 : index
    %swap3A_69 = vector.load %arg12[%swap3A, %swap3A_68] : memref<2048x1xf32, #tpu.memory_space<vmem>>, vector<2048x1xf32>
    tpu.vector_store %arg12[%swap3A, %swap3A_68], %logistic3A_67 {strides = array<i32>} : memref<2048x1xf32, #tpu.memory_space<vmem>>, vector<2048x1xf32>,
    return
  }
  func.func @transform_0(%arg0: i32) -> (i32, i32) {
    %c0_i32 = arith.constant 0 : i32
    %c0_i32_0 = arith.constant 0 : i32
    return %arg0, %c0_i32 : i32, i32
  }
  func.func @transform_1(%arg0: i32) -> (i32, i32) {
    %c0_i32 = arith.constant 0 : i32
    %c0_i32_0 = arith.constant 0 : i32
    %c0_i32_1 = arith.constant 0 : i32
    return %c0_i32, %c0_i32_0 : i32, i32
  }
  func.func @transform_2(%arg0: i32) -> (i32, i32) {
    %c0_i32 = arith.constant 0 : i32
    %c0_i32_0 = arith.constant 0 : i32
    %c0_i32_1 = arith.constant 0 : i32
    return %c0_i32, %c0_i32_0 : i32, i32
  }
  func.func @transform_3(%arg0: i32) -> (i32, i32) {
    %c0_i32 = arith.constant 0 : i32
    %c0_i32_0 = arith.constant 0 : i32
    %c0_i32_1 = arith.constant 0 : i32
    return %c0_i32, %c0_i32_0 : i32, i32
  }
  func.func @transform_4(%arg0: i32) -> (i32, i32) {
    %c0_i32 = arith.constant 0 : i32
    %c0_i32_0 = arith.constant 0 : i32
    %c0_i32_1 = arith.constant 0 : i32
    return %c0_i32, %c0_i32_0 : i32, i32
  }
  func.func @transform_5(%arg0: i32) -> (i32, i32) {
    %c0_i32 = arith.constant 0 : i32
    %c0_i32_0 = arith.constant 0 : i32
    %c0_i32_1 = arith.constant 0 : i32
    return %c0_i32, %c0_i32_0 : i32, i32
  }
  func.func @transform_6(%arg0: i32) -> (i32, i32) {
    %c0_i32 = arith.constant 0 : i32
    %c0_i32_0 = arith.constant 0 : i32
    %c0_i32_1 = arith.constant 0 : i32
    return %c0_i32, %c0_i32_0 : i32, i32
  }
  func.func @transform_7(%arg0: i32) -> (i32, i32) {
    %c0_i32 = arith.constant 0 : i32
    %c0_i32_0 = arith.constant 0 : i32
    %c0_i32_1 = arith.constant 0 : i32
    return %c0_i32, %c0_i32_0 : i32, i32
  }
  func.func @transform_8(%arg0: i32) -> (i32, i32) {
    %c0_i32 = arith.constant 0 : i32
    %c0_i32_0 = arith.constant 0 : i32
    %c0_i32_1 = arith.constant 0 : i32
    return %c0_i32, %c0_i32_0 : i32, i32
  }
  func.func @transform_9(%arg0: i32) -> (i32, i32) {
    %c0_i32 = arith.constant 0 : i32
    %c0_i32_0 = arith.constant 0 : i32
    %c0_i32_1 = arith.constant 0 : i32
    return %c0_i32, %c0_i32_0 : i32, i32
  }
  func.func @transform_10(%arg0: i32) -> (i32, i32) {
    %c0_i32 = arith.constant 0 : i32
    %c0_i32_0 = arith.constant 0 : i32
    %c0_i32_1 = arith.constant 0 : i32
    return %c0_i32, %c0_i32_0 : i32, i32
  }
  func.func @transform_11(%arg0: i32) -> (i32, i32) {
    %c0_i32 = arith.constant 0 : i32
    %c0_i32_0 = arith.constant 0 : i32
    return %arg0, %c0_i32 : i32, i32
  }
}

</mosaic_0001>

<sc_bundles>
// kernel: kernel.4.cloned.1.call-start
scs
__scs_entry_jumppad:
0x0: {  	(pc) =	sbr.rel $0x88, $3  }
0x1: {  	(tag) =	ssettag $0x0;
	lr =	simm.s32 $0x1  }
0x2: {  	[smem:$0x3F93] =	sst lr;
	_ =	strace $0xD0000000  }
0x3: {  	_ = 	snop  }
0x4: {  	_ = 	snop  }
0x5: {  	_ = 	snop  }
0x6: {  	_ = 	snop  }
0x7: {  	_ = 	snop  }
__scs_overlays_trampoline_lowered:
0x8: {  	[smem:$0x3FA2] =	sst s0  }
0x9: {  	[smem:$0x3FA3] =	sst s1  }
0xa: {  	[smem:$0x3FA4] =	sst s2  }
0xb: {  	[smem:$0x3FA5] =	sst s3  }
0xc: {  	[smem:$0x3FA6] =	sst s4  }
0xd: {  	[smem:$0x3FA7] =	sst s5  }
0xe: {  	[smem:$0x3FA8] =	sst s6  }
0xf: {  	[smem:$0x3FA9] =	sst s7  }
0x10: {  	[smem:$0x3FAA] =	sst s8  }
0x11: {  	[smem:$0x3FAB] =	sst s9;
	s0 =	simm.s32 @!p0 $0x0  }
0x12: {  	s1 =	sld [smem:$0x3F91];
	s0 =	simm.s32 @p0 $0x1  }
0x13: {  	[smem:$0x3FAC] =	sst s0;
	s0 =	simm.s32 @!p1 $0x0  }
0x14: {  	s2 =	sld [smem:$0x3F90];
	s0 =	simm.s32 @p1 $0x1  }
0x15: {  	[smem:$0x3FAD] =	sst s0;
	s0 =	simm.s32 @!p2 $0x0  }
0x16: {  	s3 =	sld [smem:$0x3FDB];
	s0 =	simm.s32 @p2 $0x1  }
0x17: {  	s4 =	simm.s32 $0x1BF5;
	[smem:$0x3FAF] =	sst s0  }
0x18: {  	s0 =	sld [smem:$0x3F92];
	_ =	swait.ge [sflag:s4], $0x0  }
0x19: {  	s7 =	sld [smem:$0x3F93]  }
0x1a: {  	s8 =	sadd.s32 $0xFFFFE003, lr  }
0x1b: {  	s9 =	sadd.s32 $0xFFFFFEF7, lr;
	s5 =	simm.s32 $0xFFFFFFFF;
	p2 =	slt.u32 s8, $0xFFFFF086  }
0x1c: {  	p1 =	slt.u32 s9, $0xF7A;
	s5 =	simm.s32 @!p2 $0x0  }
0x1d: {  	s5 =	simm.s32 @p1 $0x1;
	p0 =	seq.s32 s7, s2  }
0x1e: {  	s7 =	smul.u32 @!p0 $0xF7A, s2;
	p2 =	seq.s32 @!p0 s5, $0x0  }
0x1f: {  	s9 =	smul.u32 $0xF7A, s1;
	s8 =	simm.s32 @!p0 $0x1BF5;
	p2 =	por !p2, p0  }
0x20: {  	[sflag:s8] =	ssyncset.s32 @!p0 $0xFFFFF086;
	s6 =	sadd.s32 @!p0 s3, s7;
	s7 =	simm.s32 @!p0 $0x108  }
0x21: {  	s3 =	sadd.s32 s3, s9;
	s6 =	sadd.s32 @!p0 $0x88, s6;
	s7 =	simm.s32 @p2 $0x1082  }
0x22: {  	[simem:s7], [sflag:s8] =	dma.local @!p0 [hbm:s6], $0xF7A  }
0x23: {  	s9 =	sor.u32 $0xD0000000, s2;
	s6 =	simm.s32 $0x108;
	_ =	swait.ge @!p0 [sflag:s8], $0x0  }
0x24: {  	s3 =	sadd.s32 $0x88, s3;
	s6 =	simm.s32 @!p1 $0x1082;
	[sflag:s4] =	ssyncset.s32 $0xFFFFF086  }
0x25: {  	[simem:s6], [sflag:s4] =	dma.local [hbm:s3], $0xF7A  }
0x26: {  	[smem:$0x3F93] =	sst s1;
	(tag) =	ssettag s2;
	_ =	strace s9  }
0x27: {  	s1 =	sld [smem:$0x3FA3]  }
0x28: {  	s2 =	sld [smem:$0x3FA4]  }
0x29: {  	s4 =	sld [smem:$0x3FA6]  }
0x2a: {  	p0 =	seq.s32 s5, $0x0;
	s5 =	sld [smem:$0x3FA7]  }
0x2b: {  	s6 =	sld [smem:$0x3FA8]  }
0x2c: {  	s7 =	sld [smem:$0x3FA9]  }
0x2d: {  	s3 =	simm.s32 $0x108;
	s8 =	sld [smem:$0x3FAA]  }
0x2e: {  	s3 =	simm.s32 @!p0 $0x1082;
	s9 =	sld [smem:$0x3FAB]  }
0x2f: {  	lr =	sadd.s32 s0, s3;
	s0 =	sld [smem:$0x3FA2]  }
0x30: {  	s3 =	sld [smem:$0x3FA5]  }
0x31: {  	[smem:$0x3FAE] =	sst s10  }
0x32: {  	s10 =	sld [smem:$0x3FAC];
	_ =	sdelay $0x3  }
0x33: {  	p0 =	seq.s32 s10, $0x1;
	s10 =	sld [smem:$0x3FAE];
	_ =	sdelay $0x3  }
0x34: {  	[smem:$0x3FAE] =	sst s10  }
0x35: {  	s10 =	sld [smem:$0x3FAD];
	_ =	sdelay $0x3  }
0x36: {  	p1 =	seq.s32 s10, $0x1;
	s10 =	sld [smem:$0x3FAE];
	_ =	sdelay $0x3  }
0x37: {  	[smem:$0x3FAE] =	sst s10  }
0x38: {  	s10 =	sld [smem:$0x3FAF]  }
0x39: {  	_ = 	snop;
	(pc) =	sbr.ind lr, $3  }
0x3a: {  	_ = 	snop  }
0x3b: {  	_ = 	snop  }
0x3c: {  	p2 =	seq.s32 s10, $0x1;
	s10 =	sld [smem:$0x3FAE]  }
0x3d: {  	_ =	shalt  }
0x3e: {  	_ =	shalt  }
0x3f: {  	_ =	shalt  }
0x40: {  	_ =	shalt  }
0x41: {  	_ =	shalt  }
0x42: {  	_ =	shalt  }
0x43: {  	_ =	shalt  }
0x44: {  	_ =	shalt  }
0x45: {  	_ =	shalt  }
0x46: {  	_ =	shalt  }
0x47: {  	_ =	shalt  }
0x48: {  	_ =	shalt  }
0x49: {  	_ =	shalt  }
0x4a: {  	_ =	shalt  }
0x4b: {  	_ =	shalt  }
0x4c: {  	_ =	shalt  }
0x4d: {  	_ =	shalt  }
0x4e: {  	_ =	shalt  }
0x4f: {  	_ =	shalt  }
0x50: {  	_ =	shalt  }
0x51: {  	_ =	shalt  }
0x52: {  	_ =	shalt  }
0x53: {  	_ =	shalt  }
0x54: {  	_ =	shalt  }
0x55: {  	_ =	shalt  }
0x56: {  	_ =	shalt  }
0x57: {  	_ =	shalt  }
0x58: {  	_ =	shalt  }
0x59: {  	_ =	shalt  }
0x5a: {  	_ =	shalt  }
0x5b: {  	_ =	shalt  }
0x5c: {  	_ =	shalt  }
0x5d: {  	_ =	shalt  }
0x5e: {  	_ =	shalt  }
0x5f: {  	_ =	shalt  }
0x60: {  	_ =	shalt  }
0x61: {  	_ =	shalt  }
0x62: {  	_ =	shalt  }
0x63: {  	_ =	shalt  }
0x64: {  	_ =	shalt  }
0x65: {  	_ =	shalt  }
0x66: {  	_ =	shalt  }
0x67: {  	_ =	shalt  }
0x68: {  	_ =	shalt  }
0x69: {  	_ =	shalt  }
0x6a: {  	_ =	shalt  }
0x6b: {  	_ =	shalt  }
0x6c: {  	_ =	shalt  }
0x6d: {  	_ =	shalt  }
0x6e: {  	_ =	shalt  }
0x6f: {  	_ =	shalt  }
0x70: {  	_ =	shalt  }
0x71: {  	_ =	shalt  }
0x72: {  	_ =	shalt  }
0x73: {  	_ =	shalt  }
0x74: {  	_ =	shalt  }
0x75: {  	_ =	shalt  }
0x76: {  	_ =	shalt  }
0x77: {  	_ =	shalt  }
0x78: {  	_ =	shalt  }
0x79: {  	_ =	shalt  }
0x7a: {  	_ =	shalt  }
0x7b: {  	_ =	shalt  }
0x7c: {  	_ =	shalt  }
0x7d: {  	_ =	shalt  }
0x7e: {  	_ =	shalt  }
0x7f: {  	_ =	shalt  }
0x80: {  	_ =	shalt  }
0x81: {  	_ =	shalt  }
0x82: {  	_ =	shalt  }
0x83: {  	_ =	shalt  }
0x84: {  	_ =	shalt  }
0x85: {  	_ =	shalt  }
0x86: {  	_ =	shalt  }
0x87: {  	_ =	shalt  }
.Lfunc_end0:
.L_simem_size_0:
called_computation_lowered:
.L_overlay_start_0:
0x88: {  	s2 =	sld [smem:$0x3FD9]  }
0x89: {  	s3 =	sld [smem:$0x3FFE];
	_ =	sdelay $0x1  }
0x8a: {  	s1 =	srdreg.scid  }
0x8b: {  	s0 =	sand.u32 $0x1, s1  }
0x8c: {  	s17 =	sshll.u32 s0, $0xA;
	s2 =	sadd.s32 s3, s2  }
0x8d: {  	s2 =	sadd.s32 s2, s17  }
0x8e: {  	[smem:$0x3FBA] =	sst s2  }
0x8f: {  	_ = 	snop  }
0x90: {  	s2 =	sld [smem:$0x3FC9]  }
0x91: {  	s18 =	sld [smem:$0x3FC8]  }
0x92: {  	s4 =	sld [smem:$0x3FC7]  }
0x93: {  	s5 =	sld [smem:$0x3FC6]  }
0x94: {  	s6 =	sld [smem:$0x3FC5]  }
0x95: {  	s7 =	sld [smem:$0x3FC4];
	(tm) =	ssettm $0x1  }
0x96: {  	s8 =	sld [smem:$0x3FFB];
	_ =	sdelay $0x3  }
0x97: {  	_ =	strace s8  }
0x98: {  	s8 =	sld [smem:$0x3FFC];
	_ =	sdelay $0x3  }
0x99: {  	_ =	strace s8  }
0x9a: {  	s8 =	sld [smem:$0x3FFD];
	_ =	sdelay $0x3  }
0x9b: {  	_ =	strace s8  }
0x9c: {  	_ =	strace $0x8FFFFFFF  }
0x9d: {  	s19 =	sld [smem:$0x3FDB];
	_ =	sdelay $0x1  }
0x9e: {  	s9 =	simm.s32 $_scs_section_size  }
0x9f: {  	s10 =	simm.s32 $_size__tile_overlayer_lowered;
	s11 =	simm.s32 $_tile_overlayer_lowered  }
0xa0: {  	s22 =	simm.s32 $0x1BFF;
	s21 =	sshll.u32 s11, $0x1;
	s8 =	sadd.s32 s9, s19  }
0xa1: {  	s12 =	simm.s32 $0x0;
	s20 =	sshll.u32 s10, $0x1;
	s10 =	sadd.s32 s21, s8  }
0xa2: {  	[timem:s12], [sflag:s22] =	dma.local [hbm:s10], s20  }
0xa3: {  	_ =	swait.ge [sflag:s22], s20  }
0xa4: {  	s9 =	ssub.s32 $0x0, s20;
	[sflag:s22] =	ssyncset.done $0x0  }
0xa5: {  	[sflag:s22] =	ssyncadd.s32 s9;
	_ =	sdelay $0x1  }
0xa6: {  	s23 =	simm.s32 $0x1B8B  }
0xa7: {  	_ =	swait.ge [sflag:s23], $0x1  }
0xa8: {  	[sflag:s23] =	ssyncset.done $0x0  }
0xa9: {  	s25 =	simm.s32 $0x1B8E;
	s24 =	sld [smem:$0x3FFE];
	[sflag:s23] =	ssyncadd.s32 $0xFFFFFFFF  }
0xaa: {  	s26 =	simm.s32 $execute0_lowered;
	[smem:$0x3FD2] =	sst s25  }
0xab: {  	s10 =	sshll.u32 s26, $0x1;
	_ =	strace $0x80000046;
	[dreg:$0x1] =	wrdreg $0xFFFFFFFF  }
0xac: {  	s28 =	simm.s32 $_size_execute0_lowered;
	s8 =	sadd.s32 s8, s10;
	[dreg:$0x0] =	wrdreg $0x0  }
0xad: {  	s10 =	sshll.u32 s28, $0x1;
	[dreg:$0x2] =	wrdreg s8  }
0xae: {  	[dreg:$0x3] =	wrdreg s10  }
0xaf: {  	[dreg:$0x4] =	wrdreg $0xC0  }
0xb0: {  	_ =	task [dreg:s12], $0x5FFFF  }
0xb1: {  	[dreg:$0x1] =	wrdreg $0xFFFFFFFF  }
0xb2: {  	[dreg:$0x0] =	wrdreg $0x60  }
0xb3: {  	[dreg:$0x2] =	wrdreg s2  }
0xb4: {  	[dreg:$0x3] =	wrdreg s18  }
0xb5: {  	[dreg:$0x4] =	wrdreg s4  }
0xb6: {  	[dreg:$0x5] =	wrdreg s5  }
0xb7: {  	[dreg:$0x6] =	wrdreg s6  }
0xb8: {  	[dreg:$0x7] =	wrdreg s7  }
0xb9: {  	[dreg:$0x8] =	wrdreg s24  }
0xba: {  	[dreg:$0x9] =	wrdreg $0x9  }
0xbb: {  	_ =	task.clear_ibuf [dreg:s12], $0xAFFFF;
	_ =	strace $0x90000046  }
0xbc: {  	s29 =	simm.s32 $0x9;
	_ =	strace $0x80000048  }
0xbd: {  	_ =	swait.ge [sflag:s29], $0x1  }
0xbe: {  	[sflag:s29] =	ssyncadd.s32 $0xFFFFFFFF  }
0xbf: {  	_ =	strace $0x90000048  }
0xc0: {  	_ =	sfence  }
0xc1: {  	s30 =	sld [smem:$0x0];
	_ =	sdelay $0x2  }
0xc2: {  	s31 =	sshll.u32 s1, $0xD;
	s1 =	sshrl.u32 s1, $0x2  }
0xc3: {  	s3 =	sand.u32 $0x4000, s31;
	s1 =	sadd.s32 s1, s30  }
0xc4: {  	s0 =	sor.u32 s3, s0;
	s1 =	sshll.u32 s1, $0x11  }
0xc5: {  	s0 =	sor.u32 s1, s0  }
0xc6: {  	s0 =	sadd.s32 $0x8F2B, s0  }
0xc7: {  	[sflag:s0] =	ssyncadd.remote.s32 $0x1  }
0xc8: {  	_ =	sfence.sel $0xFFFF  }
0xc9: {  	[dreg:$0x0] =	wrdreg $0xFFFFFFFF;
	(pc) =	sbr.abs _section_cstart, $3  }
0xca: {  	[dreg:$0x1] =	wrdreg $0xFFFFFFFF  }
0xcb: {  	_ =	task.clear_ibuf [dreg:s12], $0x2FFFF;
	_ =	strace $0x9FFFFFFF  }
0xcc: {  	(tm) =	ssettm $0x7FFFFFFF  }
0xcd: {  	_ =	shalt  }
tec
execute0_lowered:
.L_overlay_start_1:
0x0: {  	(tag) =	ssettag $0x1  }
0x1: {  	s0 =	rddreg [dreg:$0x0]  }
0x2: {  	s5 =	rddreg [dreg:$0x1]  }
0x3: {  	s1 =	rddreg [dreg:$0x2]  }
0x4: {  	s2 =	rddreg [dreg:$0x3]  }
0x5: {  	s3 =	rddreg [dreg:$0x4]  }
0x6: {  	s4 =	rddreg [dreg:$0x5]  }
0x7: {  	s6 =	rddreg [dreg:$0x6];
	s7 =	simm.s32 $0x0  }
0x8: {  	s21 =	srdreg.scid;
	s9 =	stileid.u32;
	s13 =	simm.s32 $0x7A1400  }
0x9: {  	s14 =	simm.s32 $0x400;
	s15 =	simm.s32 $0x6400;
	s16 =	simm.s32 $0xC400  }
0xa: {  	s17 =	simm.s32 $0x12400;
	s18 =	simm.s32 $0x7400;
	s19 =	simm.s32 $0xD400  }
0xb: {  	s20 =	simm.s32 $0x13400;
	s26 =	simm.s32 $0x18400;
	s28 =	simm.s32 $0xF400  }
0xc: {  	s29 =	simm.s32 $0x15400;
	s31 =	simm.s32 $0x2;
	s30 =	simm.s32 $0x11400  }
0xd: {  	s11 =	simm.s32 $0x17400;
	[smem:$0x7FF] =	sst s7;
	s7 =	sand.u32 $0x1, s21  }
0xe: {  	s8 =	sshll.u32 s9, $0xE;
	s9 =	sshll.u32 s9, $0xA;
	s21 =	simm.s32 $0x2400  }
0xf: {  	_ =	strace $0x80000047;
	s10 =	sshll.u32 s7, $0x9;
	s6 =	sadd.s32 s8, s6  }
0x10: {  	s22 =	ssub.s32 $0x2, s7;
	s7 =	sshll.u32 s7, $0xD;
	[dreg:$0x8] =	wrdreg s26  }
0x11: {  	s26 =	simm.s32 $0x9400;
	s9 =	sor.u32 s10, s9;
	s23 =	sshrl.u32 s22, $0x1  }
0x12: {  	v0 =	vlaneseq.u32;
	s24 =	sadd.s32 s7, s6;
	s7 =	simm.s32 $0x0;
	s10 =	simm.s32 $0x1400  }
0x13: {  	v0 =	vmul.u32 $0x80, v0;
	s6 =	simm.s32 $0x1;
	s9 =	sshrl.u32 s9, $0x3;
	s8 =	ssub.s32 s22, s23  }
0x14: {  	s22 =	simm.s32 $0x8400;
	s23 =	simm.s32 $0xE400;
	s0 =	sadd.s32 s0, s9  }
0x15: {  	v1 =	vimm.s32 $0x0;
	v2 =	vor.u32 $0x800, v0;
	v3 =	vor.u32 $0x1000, v0;
	s5 =	sadd.s32 s5, s9;
	s25 =	smax.u32 s8, $0x1;
	[dreg:$0x9] =	wrdreg s0  }
0x16: {  	v4 =	vor.u32 $0x1800, v0;
	v5 =	vor.u32 $0x2000, v0;
	v6 =	vor.u32 $0x2800, v0;
	s9 =	simm.s32 $0x4;
	s8 =	simm.s32 $0x0;
	[dreg:$0xa] =	wrdreg s5  }
0x17: {  	v7 =	vor.u32 $0x3000, v0;
	v8 =	vor.u32 $0x3800, v0;
	v9 =	vor.u32 $0x4000, v0;
	[dreg:$0xb] =	wrdreg s25;
	s0 =	sadd.s32 $0x1600, s24;
	s24 =	simm.s32 $0x14400  }
0x18: {  	v10 =	vor.u32 $0x4800, v0;
	v11 =	vor.u32 $0x5000, v0;
	v12 =	vor.u32 $0x5800, v0;
	s25 =	simm.s32 $0x3400;
	[dreg:$0xc] =	wrdreg s0;
	s0 =	simm.s32 $0x3  }
.LBB2_1:
0x19: {  	[dreg:$0xd] =	wrdreg s8  }
0x1a: {  	s5 =	rddreg [dreg:$0x9]  }
0x1b: {  	[tilespmem:s7], [sflag:$0x4] =	stream.linear.gather [hbm4b:s5+s7], $0x200, $0x38;
	[tilespmem:$0x18C00] =	vst v63  }
0x1c: {  	_ =	swait.ge [sflag:s9], $0x200  }
0x1d: {  	[sflag:s9] =	ssyncset.done $0x0  }
0x1e: {  	s12 =	simm.s32 $0x200;
	s8 =	rddreg [dreg:$0xa];
	[sflag:s9] =	ssyncadd.s32 $0xFFFFFE00  }
0x1f: {  	[tilespmem:s12], [sflag:$0x4] =	stream.linear.gather [hbm4b:s8+s7], $0x200, $0x38;
	[tilespmem:$0x18C00] =	vst v63  }
0x20: {  	_ =	swait.ge [sflag:s9], $0x200  }
0x21: {  	[sflag:s9] =	ssyncset.done $0x0  }
0x22: {  	s12 =	simm.s32 $0x0;
	s5 =	rddreg [dreg:$0xc];
	[sflag:s9] =	ssyncadd.s32 $0xFFFFFE00  }
.LBB2_2:
0x23: {  	s7 =	sshra.s32 s12, $0x2  }
0x24: {  	v13 =	vld [tilespmem:s7+$0x0]  }
0x25: {  	v14 =	vld [tilespmem:s7+$0x200];
	_ =	sdelay $0x3  }
0x26: {  	v15 =	vshra.s32 v13, $0x1F;
	v16 =	vand.u32 $0x7F, v13;
	vm0 =	vlt.s32 v13, $0x1  }
0x27: {  	v34 =	vshra.s32 v14, $0x1F;
	v15 =	vshrl.u32 v15, $0x19;
	vm1 =	vne.s32 v16, $0x0  }
0x28: {  	v17 =	vand.u32 $0x7F, v14;
	v15 =	vadd.s32 v15, v13;
	vm0 =	vmand vm0, vm1  }
0x29: {  	vm14 =	vlt.s32 v14, $0x1;
	v15 =	vshrl.u32 v15, $0x7;
	v33 =	vsel vm0, $0xFFFFFFFF, v1  }
0x2a: {  	v16 =	vshrl.u32 v34, $0x19;
	vm15 =	vne.s32 v17, $0x0;
	v15 =	vadd.s32 v33, v15  }
0x2b: {  	v16 =	vadd.s32 v16, v14;
	vm0 =	vmand vm14, vm15;
	v15 =	vshll.u32 v15, $0x7  }
0x2c: {  	v16 =	vshrl.u32 v16, $0x7;
	v35 =	vsel vm0, $0xFFFFFFFF, v1;
	(v2sf) =	vpush v15, $0x0  }
0x2d: {  	v16 =	vadd.s32 v35, v16  }
0x2e: {  	v16 =	vshll.u32 v16, $0x7  }
0x2f: {  	(v2sf) =	vpush v16, $0x0;
	_ =	sdelay $0x4  }
0x30: {  	(v2sf) =	vpush v15, $0x1;
	_ =	sdelay $0x1  }
0x31: {  	(v2sf) =	vpush v16, $0x1;
	_ =	sdelay $0x4  }
0x32: {  	s7 =	spop (v2sf)  }
0x33: {  	s8 =	sadd.s32 s1, s7  }
0x34: {  	[tilespmem:s14], [sflag:$0x1] =	stream.strided.gather [hbm4b:s8+s14], $0x1000, s13, s14, $0x38;
	[tilespmem:$0x18C00] =	vst v63  }
0x35: {  	s8 =	spop (v2sf)  }
0x36: {  	s9 =	sadd.s32 s2, s8  }
0x37: {  	[tilespmem:s15], [sflag:$0x1] =	stream.strided.gather [hbm4b:s9+s14], $0x1000, s13, s14, $0x38;
	[tilespmem:$0x18C00] =	vst v63  }
0x38: {  	s7 =	sadd.s32 s3, s7  }
0x39: {  	[tilespmem:s16], [sflag:$0x1] =	stream.strided.gather [hbm4b:s7+s14], $0x1000, s13, s14, $0x38;
	[tilespmem:$0x18C00] =	vst v63  }
0x3a: {  	s8 =	sadd.s32 s4, s8;
	s7 =	spop (v2sf)  }
0x3b: {  	[tilespmem:s17], [sflag:$0x1] =	stream.strided.gather [hbm4b:s8+s14], $0x1000, s13, s14, $0x38;
	[tilespmem:$0x18C00] =	vst v63  }
0x3c: {  	s9 =	sadd.s32 s1, s7;
	s8 =	spop (v2sf)  }
0x3d: {  	[tilespmem:s10], [sflag:$0x1] =	stream.strided.gather [hbm4b:s9+s14], $0x1000, s13, s14, $0x38;
	[tilespmem:$0x18C00] =	vst v63  }
0x3e: {  	s10 =	sadd.s32 s2, s8  }
0x3f: {  	[tilespmem:s18], [sflag:$0x1] =	stream.strided.gather [hbm4b:s10+s14], $0x1000, s13, s14, $0x38;
	[tilespmem:$0x18C00] =	vst v63  }
0x40: {  	s7 =	sadd.s32 s3, s7  }
0x41: {  	[tilespmem:s19], [sflag:$0x1] =	stream.strided.gather [hbm4b:s7+s14], $0x1000, s13, s14, $0x38;
	[tilespmem:$0x18C00] =	vst v63  }
0x42: {  	s19 =	sadd.s32 s4, s8  }
0x43: {  	[tilespmem:s20], [sflag:$0x1] =	stream.strided.gather [hbm4b:s19+s14], $0x1000, s13, s14, $0x38;
	[tilespmem:$0x18C00] =	vst v63  }
0x44: {  	(v2sf) =	vpush v15, $0x2  }
0x45: {  	(v2sf) =	vpush v16, $0x2;
	_ =	sdelay $0x5  }
0x46: {  	(v2sf) =	vpush v15, $0x3;
	_ =	sdelay $0x1  }
0x47: {  	(v2sf) =	vpush v16, $0x3;
	_ =	sdelay $0x5  }
0x48: {  	s20 =	spop (v2sf);
	(v2sf) =	vpush v15, $0x4  }
0x49: {  	s10 =	sadd.s32 s1, s20;
	s18 =	spop (v2sf)  }
0x4a: {  	(v2sf) =	vpush v16, $0x4;
	[tilespmem:s21], [sflag:$0x2] =	stream.strided.gather [hbm4b:s10+s14], $0x1000, s13, s14, $0x38;
	[tilespmem:$0x18C00] =	vst v63  }
0x4b: {  	s19 =	sadd.s32 s2, s18  }
0x4c: {  	[tilespmem:s22], [sflag:$0x2] =	stream.strided.gather [hbm4b:s19+s14], $0x1000, s13, s14, $0x38;
	[tilespmem:$0x18C00] =	vst v63  }
0x4d: {  	s7 =	sadd.s32 s3, s20  }
0x4e: {  	[tilespmem:s23], [sflag:$0x2] =	stream.strided.gather [hbm4b:s7+s14], $0x1000, s13, s14, $0x38;
	[tilespmem:$0x18C00] =	vst v63  }
0x4f: {  	s20 =	sadd.s32 s4, s18;
	s21 =	spop (v2sf)  }
0x50: {  	(v2sf) =	vpush v15, $0x5;
	[tilespmem:s24], [sflag:$0x2] =	stream.strided.gather [hbm4b:s20+s14], $0x1000, s13, s14, $0x38;
	[tilespmem:$0x18C00] =	vst v63  }
0x51: {  	s22 =	sadd.s32 s1, s21;
	s23 =	spop (v2sf)  }
0x52: {  	(v2sf) =	vpush v16, $0x5;
	[tilespmem:s25], [sflag:$0x2] =	stream.strided.gather [hbm4b:s22+s14], $0x1000, s13, s14, $0x38;
	[tilespmem:$0x18C00] =	vst v63  }
0x53: {  	s24 =	sadd.s32 s2, s23  }
0x54: {  	[tilespmem:s26], [sflag:$0x2] =	stream.strided.gather [hbm4b:s24+s14], $0x1000, s13, s14, $0x38;
	[tilespmem:$0x18C00] =	vst v63  }
0x55: {  	s7 =	sadd.s32 s3, s21  }
0x56: {  	[tilespmem:s28], [sflag:$0x2] =	stream.strided.gather [hbm4b:s7+s14], $0x1000, s13, s14, $0x38;
	[tilespmem:$0x18C00] =	vst v63  }
0x57: {  	s25 =	sadd.s32 s4, s23;
	s26 =	spop (v2sf)  }
0x58: {  	[tilespmem:s29], [sflag:$0x2] =	stream.strided.gather [hbm4b:s25+s14], $0x1000, s13, s14, $0x38;
	[tilespmem:$0x18C00] =	vst v63  }
0x59: {  	s10 =	simm.s32 $0x4400;
	s21 =	sadd.s32 s1, s26;
	s22 =	spop (v2sf)  }
0x5a: {  	[tilespmem:s10], [sflag:$0x3] =	stream.strided.gather [hbm4b:s21+s14], $0x1000, s13, s14, $0x38;
	[tilespmem:$0x18C00] =	vst v63  }
0x5b: {  	s18 =	simm.s32 $0xA400;
	s24 =	sadd.s32 s2, s22  }
0x5c: {  	[tilespmem:s18], [sflag:$0x3] =	stream.strided.gather [hbm4b:s24+s14], $0x1000, s13, s14, $0x38;
	[tilespmem:$0x18C00] =	vst v63  }
0x5d: {  	s7 =	sadd.s32 s3, s26;
	s21 =	simm.s32 $0x10400  }
0x5e: {  	[tilespmem:s21], [sflag:$0x3] =	stream.strided.gather [hbm4b:s7+s14], $0x1000, s13, s14, $0x38;
	[tilespmem:$0x18C00] =	vst v63  }
0x5f: {  	s25 =	sadd.s32 s4, s22;
	s22 =	simm.s32 $0x16400;
	s7 =	spop (v2sf)  }
0x60: {  	[tilespmem:s22], [sflag:$0x3] =	stream.strided.gather [hbm4b:s25+s14], $0x1000, s13, s14, $0x38;
	[tilespmem:$0x18C00] =	vst v63  }
0x61: {  	s26 =	sadd.s32 s1, s7;
	s8 =	spop (v2sf);
	s25 =	simm.s32 $0x5400  }
0x62: {  	[tilespmem:s25], [sflag:$0x3] =	stream.strided.gather [hbm4b:s26+s14], $0x1000, s13, s14, $0x38;
	[tilespmem:$0x18C00] =	vst v63  }
0x63: {  	s9 =	sadd.s32 s2, s8;
	s26 =	simm.s32 $0xB400  }
0x64: {  	[tilespmem:s26], [sflag:$0x3] =	stream.strided.gather [hbm4b:s9+s14], $0x1000, s13, s14, $0x38;
	[tilespmem:$0x18C00] =	vst v63  }
0x65: {  	s7 =	sadd.s32 s3, s7  }
0x66: {  	[tilespmem:s30], [sflag:$0x3] =	stream.strided.gather [hbm4b:s7+s14], $0x1000, s13, s14, $0x38;
	[tilespmem:$0x18C00] =	vst v63  }
0x67: {  	s8 =	sadd.s32 s4, s8  }
0x68: {  	[tilespmem:s11], [sflag:$0x3] =	stream.strided.gather [hbm4b:s8+s14], $0x1000, s13, s14, $0x38;
	[tilespmem:$0x18C00] =	vst v63  }
0x69: {  	_ =	swait.ge [sflag:s6], $0x1000  }
0x6a: {  	[sflag:s6] =	ssyncset.done $0x0  }
0x6b: {  	[sflag:s6] =	ssyncadd.s32 $0xFFFFF000  }
0x6c: {  	_ =	swait.ge [sflag:s6], $0x1000  }
0x6d: {  	[sflag:s6] =	ssyncset.done $0x0  }
0x6e: {  	[sflag:s6] =	ssyncadd.s32 $0xFFFFF000  }
0x6f: {  	_ =	swait.ge [sflag:s6], $0x1000  }
0x70: {  	[sflag:s6] =	ssyncset.done $0x0  }
0x71: {  	[sflag:s6] =	ssyncadd.s32 $0xFFFFF000  }
0x72: {  	_ =	swait.ge [sflag:s6], $0x1000  }
0x73: {  	[sflag:s6] =	ssyncset.done $0x0  }
0x74: {  	[sflag:s6] =	ssyncadd.s32 $0xFFFFF000  }
0x75: {  	_ =	swait.ge [sflag:s6], $0x1000  }
0x76: {  	[sflag:s6] =	ssyncset.done $0x0  }
0x77: {  	[sflag:s6] =	ssyncadd.s32 $0xFFFFF000  }
0x78: {  	_ =	swait.ge [sflag:s6], $0x1000  }
0x79: {  	v13 =	vsub.s32 v13, v15;
	[sflag:s6] =	ssyncset.done $0x0  }
0x7a: {  	v36 =	vbroadcast v13, $0x0;
	[sflag:s6] =	ssyncadd.s32 $0xFFFFF000  }
0x7b: {  	_ =	swait.ge [sflag:s6], $0x1000  }
0x7c: {  	v18 =	vadd.s32 v0, v36;
	[sflag:s6] =	ssyncset.done $0x0  }
0x7d: {  	[sflag:s6] =	ssyncadd.s32 $0xFFFFF000  }
0x7e: {  	_ =	swait.ge [sflag:s6], $0x1000  }
0x7f: {  	[sflag:s6] =	ssyncset.done $0x0  }
0x80: {  	[sflag:s6] =	ssyncadd.s32 $0xFFFFF000  }
0x81: {  	v19 =	vld.idx.msk [tilespmem:v18+s14+$0x0], $0xffff  }
0x82: {  	v17 =	vadd.s32 v2, v36;
	_ =	sdelay $0x2  }
0x83: {  	v14 =	vsub.s32 v14, v16  }
0x84: {  	v37 =	vbroadcast v14, $0x0;
	[tilespmem:$0x18400] =	vst v19  }
0x85: {  	v20 =	vld.idx.msk [tilespmem:v17+s14+$0x0], $0xffff  }
0x86: {  	v21 =	vadd.s32 v0, v37;
	_ =	sdelay $0x3  }
0x87: {  	[tilespmem:$0x18410] =	vst v20  }
0x88: {  	v20 =	vld.idx.msk [tilespmem:v21+s15+$0x0], $0xffff  }
0x89: {  	v19 =	vadd.s32 v2, v37;
	_ =	sdelay $0x3  }
0x8a: {  	[tilespmem:$0x18420] =	vst v20  }
0x8b: {  	v20 =	vld.idx.msk [tilespmem:v19+s15+$0x0], $0xffff;
	_ =	sdelay $0x4  }
0x8c: {  	[tilespmem:$0x18430] =	vst v20  }
0x8d: {  	v18 =	vld.idx.msk [tilespmem:v18+s16+$0x0], $0xffff;
	_ =	sdelay $0x4  }
0x8e: {  	[tilespmem:$0x18440] =	vst v18  }
0x8f: {  	v17 =	vld.idx.msk [tilespmem:v17+s16+$0x0], $0xffff;
	_ =	sdelay $0x4  }
0x90: {  	[tilespmem:$0x18450] =	vst v17  }
0x91: {  	v17 =	vld.idx.msk [tilespmem:v21+s17+$0x0], $0xffff;
	_ =	sdelay $0x4  }
0x92: {  	v38 =	vbroadcast v13, $0x1;
	[tilespmem:$0x18460] =	vst v17  }
0x93: {  	v18 =	vld.idx.msk [tilespmem:v19+s17+$0x0], $0xffff  }
0x94: {  	v39 =	vadd.s32 v3, v38;
	_ =	sdelay $0x3  }
0x95: {  	[tilespmem:$0x18470] =	vst v18  }
0x96: {  	v18 =	vld.idx.msk [tilespmem:v39+s14+$0x0], $0xffff  }
0x97: {  	v17 =	vadd.s32 v4, v38;
	_ =	sdelay $0x3  }
0x98: {  	v40 =	vbroadcast v14, $0x1;
	[tilespmem:$0x18480] =	vst v18  }
0x99: {  	v20 =	vld.idx.msk [tilespmem:v17+s14+$0x0], $0xffff  }
0x9a: {  	v41 =	vadd.s32 v3, v40;
	_ =	sdelay $0x3  }
0x9b: {  	[tilespmem:$0x18490] =	vst v20  }
0x9c: {  	v20 =	vld.idx.msk [tilespmem:v41+s15+$0x0], $0xffff  }
0x9d: {  	v18 =	vadd.s32 v4, v40;
	_ =	sdelay $0x3  }
0x9e: {  	[tilespmem:$0x184A0] =	vst v20  }
0x9f: {  	v20 =	vld.idx.msk [tilespmem:v18+s15+$0x0], $0xffff;
	_ =	sdelay $0x4  }
0xa0: {  	[tilespmem:$0x184B0] =	vst v20  }
0xa1: {  	v19 =	vld.idx.msk [tilespmem:v39+s16+$0x0], $0xffff;
	_ =	sdelay $0x4  }
0xa2: {  	[tilespmem:$0x184C0] =	vst v19  }
0xa3: {  	v17 =	vld.idx.msk [tilespmem:v17+s16+$0x0], $0xffff  }
0xa4: {  	(v2sf) =	vpush v15, $0x6  }
0xa5: {  	(v2sf) =	vpush v16, $0x6;
	_ =	sdelay $0x2  }
0xa6: {  	[tilespmem:$0x184D0] =	vst v17  }
0xa7: {  	v17 =	vld.idx.msk [tilespmem:v41+s17+$0x0], $0xffff;
	_ =	sdelay $0x1  }
0xa8: {  	(v2sf) =	vpush v15, $0x7;
	_ =	sdelay $0x1  }
0xa9: {  	(v2sf) =	vpush v16, $0x7  }
0xaa: {  	[tilespmem:$0x184E0] =	vst v17  }
0xab: {  	v17 =	vld.idx.msk [tilespmem:v18+s17+$0x0], $0xffff;
	_ =	sdelay $0x3  }
0xac: {  	s7 =	spop (v2sf)  }
0xad: {  	s9 =	sadd.s32 s1, s7;
	s8 =	spop (v2sf);
	[tilespmem:$0x184F0] =	vst v17  }
0xae: {  	[tilespmem:s14], [sflag:$0x1] =	stream.strided.gather [hbm4b:s9+s14], $0x1000, s13, s14, $0x38;
	[tilespmem:$0x18C00] =	vst v63  }
0xaf: {  	s9 =	sadd.s32 s2, s8  }
0xb0: {  	[tilespmem:s15], [sflag:$0x1] =	stream.strided.gather [hbm4b:s9+s14], $0x1000, s13, s14, $0x38;
	[tilespmem:$0x18C00] =	vst v63  }
0xb1: {  	s7 =	sadd.s32 s3, s7  }
0xb2: {  	[tilespmem:s16], [sflag:$0x1] =	stream.strided.gather [hbm4b:s7+s14], $0x1000, s13, s14, $0x38;
	[tilespmem:$0x18C00] =	vst v63  }
0xb3: {  	s8 =	sadd.s32 s4, s8;
	s7 =	spop (v2sf)  }
0xb4: {  	[tilespmem:s17], [sflag:$0x1] =	stream.strided.gather [hbm4b:s8+s14], $0x1000, s13, s14, $0x38;
	[tilespmem:$0x18C00] =	vst v63  }
0xb5: {  	s19 =	simm.s32 $0x1400;
	s9 =	sadd.s32 s1, s7;
	s8 =	spop (v2sf)  }
0xb6: {  	[tilespmem:s19], [sflag:$0x1] =	stream.strided.gather [hbm4b:s9+s14], $0x1000, s13, s14, $0x38;
	[tilespmem:$0x18C00] =	vst v63  }
0xb7: {  	s20 =	simm.s32 $0x7400;
	s9 =	sadd.s32 s2, s8  }
0xb8: {  	[tilespmem:s20], [sflag:$0x1] =	stream.strided.gather [hbm4b:s9+s14], $0x1000, s13, s14, $0x38;
	[tilespmem:$0x18C00] =	vst v63  }
0xb9: {  	s7 =	sadd.s32 s3, s7;
	s19 =	simm.s32 $0xD400  }
0xba: {  	[tilespmem:s19], [sflag:$0x1] =	stream.strided.gather [hbm4b:s7+s14], $0x1000, s13, s14, $0x38;
	[tilespmem:$0x18C00] =	vst v63  }
0xbb: {  	s8 =	sadd.s32 s4, s8;
	s20 =	simm.s32 $0x13400  }
0xbc: {  	[tilespmem:s20], [sflag:$0x1] =	stream.strided.gather [hbm4b:s8+s14], $0x1000, s13, s14, $0x38;
	[tilespmem:$0x18C00] =	vst v63  }
0xbd: {  	_ =	swait.ge [sflag:s31], $0x1000  }
0xbe: {  	[sflag:s31] =	ssyncset.done $0x0  }
0xbf: {  	[sflag:s31] =	ssyncadd.s32 $0xFFFFF000  }
0xc0: {  	_ =	swait.ge [sflag:s31], $0x1000  }
0xc1: {  	[sflag:s31] =	ssyncset.done $0x0  }
0xc2: {  	[sflag:s31] =	ssyncadd.s32 $0xFFFFF000  }
0xc3: {  	_ =	swait.ge [sflag:s31], $0x1000  }
0xc4: {  	[sflag:s31] =	ssyncset.done $0x0  }
0xc5: {  	[sflag:s31] =	ssyncadd.s32 $0xFFFFF000  }
0xc6: {  	_ =	swait.ge [sflag:s31], $0x1000  }
0xc7: {  	[sflag:s31] =	ssyncset.done $0x0  }
0xc8: {  	[sflag:s31] =	ssyncadd.s32 $0xFFFFF000  }
0xc9: {  	_ =	swait.ge [sflag:s31], $0x1000  }
0xca: {  	[sflag:s31] =	ssyncset.done $0x0  }
0xcb: {  	[sflag:s31] =	ssyncadd.s32 $0xFFFFF000  }
0xcc: {  	_ =	swait.ge [sflag:s31], $0x1000  }
0xcd: {  	[sflag:s31] =	ssyncset.done $0x0  }
0xce: {  	v42 =	vbroadcast v13, $0x2;
	[sflag:s31] =	ssyncadd.s32 $0xFFFFF000  }
0xcf: {  	_ =	swait.ge [sflag:s31], $0x1000  }
0xd0: {  	v43 =	vadd.s32 v5, v42;
	[sflag:s31] =	ssyncset.done $0x0  }
0xd1: {  	[sflag:s31] =	ssyncadd.s32 $0xFFFFF000  }
0xd2: {  	_ =	swait.ge [sflag:s31], $0x1000  }
0xd3: {  	[sflag:s31] =	ssyncset.done $0x0  }
0xd4: {  	[sflag:s31] =	ssyncadd.s32 $0xFFFFF000  }
0xd5: {  	v44 =	vld.idx.msk [tilespmem:v43+s14+$0x0], $0xffff  }
0xd6: {  	v17 =	vadd.s32 v6, v42;
	_ =	sdelay $0x3  }
0xd7: {  	v45 =	vbroadcast v14, $0x2;
	[tilespmem:$0x18500] =	vst v44  }
0xd8: {  	v46 =	vld.idx.msk [tilespmem:v17+s14+$0x0], $0xffff  }
0xd9: {  	v47 =	vadd.s32 v5, v45;
	_ =	sdelay $0x3  }
0xda: {  	[tilespmem:$0x18510] =	vst v46  }
0xdb: {  	v20 =	vld.idx.msk [tilespmem:v47+s15+$0x0], $0xffff  }
0xdc: {  	v19 =	vadd.s32 v6, v45;
	_ =	sdelay $0x3  }
0xdd: {  	[tilespmem:$0x18520] =	vst v20  }
0xde: {  	v20 =	vld.idx.msk [tilespmem:v19+s15+$0x0], $0xffff;
	_ =	sdelay $0x4  }
0xdf: {  	[tilespmem:$0x18530] =	vst v20  }
0xe0: {  	v18 =	vld.idx.msk [tilespmem:v43+s16+$0x0], $0xffff;
	_ =	sdelay $0x4  }
0xe1: {  	[tilespmem:$0x18540] =	vst v18  }
0xe2: {  	v17 =	vld.idx.msk [tilespmem:v17+s16+$0x0], $0xffff;
	_ =	sdelay $0x4  }
0xe3: {  	[tilespmem:$0x18550] =	vst v17  }
0xe4: {  	v17 =	vld.idx.msk [tilespmem:v47+s17+$0x0], $0xffff;
	_ =	sdelay $0x4  }
0xe5: {  	v48 =	vbroadcast v13, $0x3;
	[tilespmem:$0x18560] =	vst v17  }
0xe6: {  	v18 =	vld.idx.msk [tilespmem:v19+s17+$0x0], $0xffff  }
0xe7: {  	v49 =	vadd.s32 v7, v48;
	_ =	sdelay $0x3  }
0xe8: {  	[tilespmem:$0x18570] =	vst v18  }
0xe9: {  	v18 =	vld.idx.msk [tilespmem:v49+s14+$0x0], $0xffff  }
0xea: {  	v17 =	vadd.s32 v8, v48;
	_ =	sdelay $0x3  }
0xeb: {  	v50 =	vbroadcast v14, $0x3;
	[tilespmem:$0x18580] =	vst v18  }
0xec: {  	v20 =	vld.idx.msk [tilespmem:v17+s14+$0x0], $0xffff  }
0xed: {  	v51 =	vadd.s32 v7, v50;
	_ =	sdelay $0x3  }
0xee: {  	[tilespmem:$0x18590] =	vst v20  }
0xef: {  	v20 =	vld.idx.msk [tilespmem:v51+s15+$0x0], $0xffff  }
0xf0: {  	v18 =	vadd.s32 v8, v50;
	_ =	sdelay $0x3  }
0xf1: {  	[tilespmem:$0x185A0] =	vst v20  }
0xf2: {  	v20 =	vld.idx.msk [tilespmem:v18+s15+$0x0], $0xffff;
	_ =	sdelay $0x4  }
0xf3: {  	[tilespmem:$0x185B0] =	vst v20  }
0xf4: {  	v19 =	vld.idx.msk [tilespmem:v49+s16+$0x0], $0xffff;
	_ =	sdelay $0x4  }
0xf5: {  	[tilespmem:$0x185C0] =	vst v19  }
0xf6: {  	v17 =	vld.idx.msk [tilespmem:v17+s16+$0x0], $0xffff  }
0xf7: {  	(v2sf) =	vpush v15, $0x8  }
0xf8: {  	(v2sf) =	vpush v16, $0x8;
	_ =	sdelay $0x2  }
0xf9: {  	[tilespmem:$0x185D0] =	vst v17  }
0xfa: {  	v17 =	vld.idx.msk [tilespmem:v51+s17+$0x0], $0xffff;
	_ =	sdelay $0x1  }
0xfb: {  	(v2sf) =	vpush v15, $0x9;
	_ =	sdelay $0x1  }
0xfc: {  	(v2sf) =	vpush v16, $0x9  }
0xfd: {  	[tilespmem:$0x185E0] =	vst v17  }
0xfe: {  	v17 =	vld.idx.msk [tilespmem:v18+s17+$0x0], $0xffff;
	_ =	sdelay $0x3  }
0xff: {  	s7 =	spop (v2sf)  }
0x100: {  	s23 =	simm.s32 $0x2400;
	s9 =	sadd.s32 s1, s7;
	s8 =	spop (v2sf);
	[tilespmem:$0x185F0] =	vst v17  }
0x101: {  	[tilespmem:s23], [sflag:$0x2] =	stream.strided.gather [hbm4b:s9+s14], $0x1000, s13, s14, $0x38;
	[tilespmem:$0x18C00] =	vst v63  }
0x102: {  	s24 =	simm.s32 $0x8400;
	s9 =	sadd.s32 s2, s8  }
0x103: {  	[tilespmem:s24], [sflag:$0x2] =	stream.strided.gather [hbm4b:s9+s14], $0x1000, s13, s14, $0x38;
	[tilespmem:$0x18C00] =	vst v63  }
0x104: {  	s7 =	sadd.s32 s3, s7;
	s23 =	simm.s32 $0xE400  }
0x105: {  	[tilespmem:s23], [sflag:$0x2] =	stream.strided.gather [hbm4b:s7+s14], $0x1000, s13, s14, $0x38;
	[tilespmem:$0x18C00] =	vst v63  }
0x106: {  	s8 =	sadd.s32 s4, s8;
	s24 =	simm.s32 $0x14400;
	s7 =	spop (v2sf)  }
0x107: {  	[tilespmem:s24], [sflag:$0x2] =	stream.strided.gather [hbm4b:s8+s14], $0x1000, s13, s14, $0x38;
	[tilespmem:$0x18C00] =	vst v63  }
0x108: {  	s28 =	simm.s32 $0x3400;
	s9 =	sadd.s32 s1, s7;
	s8 =	spop (v2sf)  }
0x109: {  	[tilespmem:s28], [sflag:$0x2] =	stream.strided.gather [hbm4b:s9+s14], $0x1000, s13, s14, $0x38;
	[tilespmem:$0x18C00] =	vst v63  }
0x10a: {  	s29 =	simm.s32 $0x9400;
	s9 =	sadd.s32 s2, s8  }
0x10b: {  	[tilespmem:s29], [sflag:$0x2] =	stream.strided.gather [hbm4b:s9+s14], $0x1000, s13, s14, $0x38;
	[tilespmem:$0x18C00] =	vst v63  }
0x10c: {  	s7 =	sadd.s32 s3, s7;
	s28 =	simm.s32 $0xF400  }
0x10d: {  	[tilespmem:s28], [sflag:$0x2] =	stream.strided.gather [hbm4b:s7+s14], $0x1000, s13, s14, $0x38;
	[tilespmem:$0x18C00] =	vst v63  }
0x10e: {  	s8 =	sadd.s32 s4, s8;
	s29 =	simm.s32 $0x15400  }
0x10f: {  	[tilespmem:s29], [sflag:$0x2] =	stream.strided.gather [hbm4b:s8+s14], $0x1000, s13, s14, $0x38;
	[tilespmem:$0x18C00] =	vst v63  }
0x110: {  	_ =	swait.ge [sflag:s0], $0x1000  }
0x111: {  	[sflag:s0] =	ssyncset.done $0x0  }
0x112: {  	[sflag:s0] =	ssyncadd.s32 $0xFFFFF000  }
0x113: {  	_ =	swait.ge [sflag:s0], $0x1000  }
0x114: {  	[sflag:s0] =	ssyncset.done $0x0  }
0x115: {  	[sflag:s0] =	ssyncadd.s32 $0xFFFFF000  }
0x116: {  	_ =	swait.ge [sflag:s0], $0x1000  }
0x117: {  	[sflag:s0] =	ssyncset.done $0x0  }
0x118: {  	[sflag:s0] =	ssyncadd.s32 $0xFFFFF000  }
0x119: {  	_ =	swait.ge [sflag:s0], $0x1000  }
0x11a: {  	[sflag:s0] =	ssyncset.done $0x0  }
0x11b: {  	[sflag:s0] =	ssyncadd.s32 $0xFFFFF000  }
0x11c: {  	_ =	swait.ge [sflag:s0], $0x1000  }
0x11d: {  	[sflag:s0] =	ssyncset.done $0x0  }
0x11e: {  	[sflag:s0] =	ssyncadd.s32 $0xFFFFF000  }
0x11f: {  	_ =	swait.ge [sflag:s0], $0x1000  }
0x120: {  	[sflag:s0] =	ssyncset.done $0x0  }
0x121: {  	v52 =	vbroadcast v13, $0x4;
	[sflag:s0] =	ssyncadd.s32 $0xFFFFF000  }
0x122: {  	_ =	swait.ge [sflag:s0], $0x1000  }
0x123: {  	v53 =	vadd.s32 v9, v52;
	[sflag:s0] =	ssyncset.done $0x0  }
0x124: {  	[sflag:s0] =	ssyncadd.s32 $0xFFFFF000  }
0x125: {  	_ =	swait.ge [sflag:s0], $0x1000  }
0x126: {  	[sflag:s0] =	ssyncset.done $0x0  }
0x127: {  	[sflag:s0] =	ssyncadd.s32 $0xFFFFF000  }
0x128: {  	v54 =	vld.idx.msk [tilespmem:v53+s14+$0x0], $0xffff  }
0x129: {  	v17 =	vadd.s32 v10, v52;
	_ =	sdelay $0x3  }
0x12a: {  	v55 =	vbroadcast v14, $0x4;
	[tilespmem:$0x18600] =	vst v54  }
0x12b: {  	v56 =	vld.idx.msk [tilespmem:v17+s14+$0x0], $0xffff  }
0x12c: {  	v57 =	vadd.s32 v9, v55;
	_ =	sdelay $0x3  }
0x12d: {  	[tilespmem:$0x18610] =	vst v56  }
0x12e: {  	v20 =	vld.idx.msk [tilespmem:v57+s15+$0x0], $0xffff  }
0x12f: {  	v19 =	vadd.s32 v10, v55;
	_ =	sdelay $0x3  }
0x130: {  	[tilespmem:$0x18620] =	vst v20  }
0x131: {  	v20 =	vld.idx.msk [tilespmem:v19+s15+$0x0], $0xffff;
	_ =	sdelay $0x4  }
0x132: {  	[tilespmem:$0x18630] =	vst v20  }
0x133: {  	v18 =	vld.idx.msk [tilespmem:v53+s16+$0x0], $0xffff;
	_ =	sdelay $0x4  }
0x134: {  	[tilespmem:$0x18640] =	vst v18  }
0x135: {  	v17 =	vld.idx.msk [tilespmem:v17+s16+$0x0], $0xffff;
	_ =	sdelay $0x4  }
0x136: {  	[tilespmem:$0x18650] =	vst v17  }
0x137: {  	v17 =	vld.idx.msk [tilespmem:v57+s17+$0x0], $0xffff;
	_ =	sdelay $0x4  }
0x138: {  	v58 =	vbroadcast v13, $0x5;
	[tilespmem:$0x18660] =	vst v17  }
0x139: {  	v18 =	vld.idx.msk [tilespmem:v19+s17+$0x0], $0xffff  }
0x13a: {  	v59 =	vadd.s32 v11, v58;
	_ =	sdelay $0x3  }
0x13b: {  	[tilespmem:$0x18670] =	vst v18  }
0x13c: {  	v18 =	vld.idx.msk [tilespmem:v59+s14+$0x0], $0xffff  }
0x13d: {  	v17 =	vadd.s32 v12, v58;
	_ =	sdelay $0x3  }
0x13e: {  	v60 =	vbroadcast v14, $0x5;
	[tilespmem:$0x18680] =	vst v18  }
0x13f: {  	v20 =	vld.idx.msk [tilespmem:v17+s14+$0x0], $0xffff  }
0x140: {  	v61 =	vadd.s32 v11, v60;
	_ =	sdelay $0x3  }
0x141: {  	[tilespmem:$0x18690] =	vst v20  }
0x142: {  	v20 =	vld.idx.msk [tilespmem:v61+s15+$0x0], $0xffff  }
0x143: {  	v18 =	vadd.s32 v12, v60;
	_ =	sdelay $0x3  }
0x144: {  	[tilespmem:$0x186A0] =	vst v20  }
0x145: {  	v20 =	vld.idx.msk [tilespmem:v18+s15+$0x0], $0xffff;
	_ =	sdelay $0x4  }
0x146: {  	[tilespmem:$0x186B0] =	vst v20  }
0x147: {  	v19 =	vld.idx.msk [tilespmem:v59+s16+$0x0], $0xffff;
	_ =	sdelay $0x4  }
0x148: {  	[tilespmem:$0x186C0] =	vst v19  }
0x149: {  	v17 =	vld.idx.msk [tilespmem:v17+s16+$0x0], $0xffff  }
0x14a: {  	(v2sf) =	vpush v15, $0xA  }
0x14b: {  	(v2sf) =	vpush v16, $0xA;
	_ =	sdelay $0x2  }
0x14c: {  	[tilespmem:$0x186D0] =	vst v17  }
0x14d: {  	v17 =	vld.idx.msk [tilespmem:v61+s17+$0x0], $0xffff;
	_ =	sdelay $0x1  }
0x14e: {  	(v2sf) =	vpush v15, $0xB;
	_ =	sdelay $0x1  }
0x14f: {  	(v2sf) =	vpush v16, $0xB  }
0x150: {  	[tilespmem:$0x186E0] =	vst v17  }
0x151: {  	v17 =	vld.idx.msk [tilespmem:v18+s17+$0x0], $0xffff;
	_ =	sdelay $0x3  }
0x152: {  	s7 =	spop (v2sf)  }
0x153: {  	s9 =	sadd.s32 s1, s7;
	s8 =	spop (v2sf);
	[tilespmem:$0x186F0] =	vst v17  }
0x154: {  	[tilespmem:s10], [sflag:$0x3] =	stream.strided.gather [hbm4b:s9+s14], $0x1000, s13, s14, $0x38;
	[tilespmem:$0x18C00] =	vst v63  }
0x155: {  	s9 =	sadd.s32 s2, s8  }
0x156: {  	[tilespmem:s18], [sflag:$0x3] =	stream.strided.gather [hbm4b:s9+s14], $0x1000, s13, s14, $0x38;
	[tilespmem:$0x18C00] =	vst v63  }
0x157: {  	s7 =	sadd.s32 s3, s7  }
0x158: {  	[tilespmem:s21], [sflag:$0x3] =	stream.strided.gather [hbm4b:s7+s14], $0x1000, s13, s14, $0x38;
	[tilespmem:$0x18C00] =	vst v63  }
0x159: {  	s8 =	sadd.s32 s4, s8;
	s7 =	spop (v2sf)  }
0x15a: {  	[tilespmem:s22], [sflag:$0x3] =	stream.strided.gather [hbm4b:s8+s14], $0x1000, s13, s14, $0x38;
	[tilespmem:$0x18C00] =	vst v63  }
0x15b: {  	s9 =	sadd.s32 s1, s7;
	s8 =	spop (v2sf)  }
0x15c: {  	[tilespmem:s25], [sflag:$0x3] =	stream.strided.gather [hbm4b:s9+s14], $0x1000, s13, s14, $0x38;
	[tilespmem:$0x18C00] =	vst v63  }
0x15d: {  	s9 =	sadd.s32 s2, s8  }
0x15e: {  	[tilespmem:s26], [sflag:$0x3] =	stream.strided.gather [hbm4b:s9+s14], $0x1000, s13, s14, $0x38;
	[tilespmem:$0x18C00] =	vst v63  }
0x15f: {  	s7 =	sadd.s32 s3, s7  }
0x160: {  	[tilespmem:s30], [sflag:$0x3] =	stream.strided.gather [hbm4b:s7+s14], $0x1000, s13, s14, $0x38;
	[tilespmem:$0x18C00] =	vst v63  }
0x161: {  	s8 =	sadd.s32 s4, s8  }
0x162: {  	[tilespmem:s11], [sflag:$0x3] =	stream.strided.gather [hbm4b:s8+s14], $0x1000, s13, s14, $0x38;
	[tilespmem:$0x18C00] =	vst v63  }
0x163: {  	_ =	swait.ge [sflag:s6], $0x1000  }
0x164: {  	[sflag:s6] =	ssyncset.done $0x0  }
0x165: {  	[sflag:s6] =	ssyncadd.s32 $0xFFFFF000  }
0x166: {  	_ =	swait.ge [sflag:s6], $0x1000  }
0x167: {  	[sflag:s6] =	ssyncset.done $0x0  }
0x168: {  	[sflag:s6] =	ssyncadd.s32 $0xFFFFF000  }
0x169: {  	_ =	swait.ge [sflag:s6], $0x1000  }
0x16a: {  	[sflag:s6] =	ssyncset.done $0x0  }
0x16b: {  	[sflag:s6] =	ssyncadd.s32 $0xFFFFF000  }
0x16c: {  	_ =	swait.ge [sflag:s6], $0x1000  }
0x16d: {  	[sflag:s6] =	ssyncset.done $0x0  }
0x16e: {  	[sflag:s6] =	ssyncadd.s32 $0xFFFFF000  }
0x16f: {  	_ =	swait.ge [sflag:s6], $0x1000  }
0x170: {  	[sflag:s6] =	ssyncset.done $0x0  }
0x171: {  	[sflag:s6] =	ssyncadd.s32 $0xFFFFF000  }
0x172: {  	_ =	swait.ge [sflag:s6], $0x1000  }
0x173: {  	[sflag:s6] =	ssyncset.done $0x0  }
0x174: {  	v62 =	vbroadcast v13, $0x6;
	[sflag:s6] =	ssyncadd.s32 $0xFFFFF000  }
0x175: {  	_ =	swait.ge [sflag:s6], $0x1000  }
0x176: {  	v63 =	vadd.s32 v0, v62;
	[sflag:s6] =	ssyncset.done $0x0  }
0x177: {  	[sflag:s6] =	ssyncadd.s32 $0xFFFFF000  }
0x178: {  	_ =	swait.ge [sflag:s6], $0x1000  }
0x179: {  	[sflag:s6] =	ssyncset.done $0x0  }
0x17a: {  	[sflag:s6] =	ssyncadd.s32 $0xFFFFF000  }
0x17b: {  	v23 =	vld.idx.msk [tilespmem:v63+s14+$0x0], $0xffff  }
0x17c: {  	v17 =	vadd.s32 v2, v62;
	_ =	sdelay $0x3  }
0x17d: {  	v24 =	vbroadcast v14, $0x6;
	[tilespmem:$0x18700] =	vst v23  }
0x17e: {  	v25 =	vld.idx.msk [tilespmem:v17+s14+$0x0], $0xffff  }
0x17f: {  	v26 =	vadd.s32 v0, v24;
	_ =	sdelay $0x3  }
0x180: {  	[tilespmem:$0x18710] =	vst v25  }
0x181: {  	v20 =	vld.idx.msk [tilespmem:v26+s15+$0x0], $0xffff  }
0x182: {  	v19 =	vadd.s32 v2, v24;
	_ =	sdelay $0x3  }
0x183: {  	[tilespmem:$0x18720] =	vst v20  }
0x184: {  	v20 =	vld.idx.msk [tilespmem:v19+s15+$0x0], $0xffff;
	_ =	sdelay $0x4  }
0x185: {  	[tilespmem:$0x18730] =	vst v20  }
0x186: {  	v18 =	vld.idx.msk [tilespmem:v63+s16+$0x0], $0xffff;
	_ =	sdelay $0x4  }
0x187: {  	[tilespmem:$0x18740] =	vst v18  }
0x188: {  	v17 =	vld.idx.msk [tilespmem:v17+s16+$0x0], $0xffff;
	_ =	sdelay $0x4  }
0x189: {  	[tilespmem:$0x18750] =	vst v17  }
0x18a: {  	v17 =	vld.idx.msk [tilespmem:v26+s17+$0x0], $0xffff;
	_ =	sdelay $0x4  }
0x18b: {  	v27 =	vbroadcast v13, $0x7;
	[tilespmem:$0x18760] =	vst v17  }
0x18c: {  	v18 =	vld.idx.msk [tilespmem:v19+s17+$0x0], $0xffff  }
0x18d: {  	v28 =	vadd.s32 v3, v27;
	_ =	sdelay $0x3  }
0x18e: {  	[tilespmem:$0x18770] =	vst v18  }
0x18f: {  	v18 =	vld.idx.msk [tilespmem:v28+s14+$0x0], $0xffff  }
0x190: {  	v17 =	vadd.s32 v4, v27;
	_ =	sdelay $0x3  }
0x191: {  	v29 =	vbroadcast v14, $0x7;
	[tilespmem:$0x18780] =	vst v18  }
0x192: {  	v20 =	vld.idx.msk [tilespmem:v17+s14+$0x0], $0xffff  }
0x193: {  	v30 =	vadd.s32 v3, v29;
	_ =	sdelay $0x3  }
0x194: {  	[tilespmem:$0x18790] =	vst v20  }
0x195: {  	v20 =	vld.idx.msk [tilespmem:v30+s15+$0x0], $0xffff  }
0x196: {  	v18 =	vadd.s32 v4, v29;
	_ =	sdelay $0x3  }
0x197: {  	[tilespmem:$0x187A0] =	vst v20  }
0x198: {  	v20 =	vld.idx.msk [tilespmem:v18+s15+$0x0], $0xffff;
	_ =	sdelay $0x4  }
0x199: {  	[tilespmem:$0x187B0] =	vst v20  }
0x19a: {  	v19 =	vld.idx.msk [tilespmem:v28+s16+$0x0], $0xffff;
	_ =	sdelay $0x4  }
0x19b: {  	[tilespmem:$0x187C0] =	vst v19  }
0x19c: {  	v17 =	vld.idx.msk [tilespmem:v17+s16+$0x0], $0xffff  }
0x19d: {  	(v2sf) =	vpush v15, $0xC  }
0x19e: {  	(v2sf) =	vpush v16, $0xC;
	_ =	sdelay $0x2  }
0x19f: {  	[tilespmem:$0x187D0] =	vst v17  }
0x1a0: {  	v17 =	vld.idx.msk [tilespmem:v30+s17+$0x0], $0xffff;
	_ =	sdelay $0x1  }
0x1a1: {  	(v2sf) =	vpush v15, $0xD;
	_ =	sdelay $0x1  }
0x1a2: {  	(v2sf) =	vpush v16, $0xD  }
0x1a3: {  	[tilespmem:$0x187E0] =	vst v17  }
0x1a4: {  	v17 =	vld.idx.msk [tilespmem:v18+s17+$0x0], $0xffff;
	_ =	sdelay $0x3  }
0x1a5: {  	s7 =	spop (v2sf)  }
0x1a6: {  	s9 =	sadd.s32 s1, s7;
	s8 =	spop (v2sf);
	[tilespmem:$0x187F0] =	vst v17  }
0x1a7: {  	[tilespmem:s14], [sflag:$0x1] =	stream.strided.gather [hbm4b:s9+s14], $0x1000, s13, s14, $0x38;
	[tilespmem:$0x18C00] =	vst v63  }
0x1a8: {  	s9 =	sadd.s32 s2, s8  }
0x1a9: {  	[tilespmem:s15], [sflag:$0x1] =	stream.strided.gather [hbm4b:s9+s14], $0x1000, s13, s14, $0x38;
	[tilespmem:$0x18C00] =	vst v63  }
0x1aa: {  	s7 =	sadd.s32 s3, s7  }
0x1ab: {  	[tilespmem:s16], [sflag:$0x1] =	stream.strided.gather [hbm4b:s7+s14], $0x1000, s13, s14, $0x38;
	[tilespmem:$0x18C00] =	vst v63  }
0x1ac: {  	s8 =	sadd.s32 s4, s8;
	s7 =	spop (v2sf)  }
0x1ad: {  	[tilespmem:s17], [sflag:$0x1] =	stream.strided.gather [hbm4b:s8+s14], $0x1000, s13, s14, $0x38;
	[tilespmem:$0x18C00] =	vst v63  }
0x1ae: {  	s10 =	simm.s32 $0x1400;
	s9 =	sadd.s32 s1, s7;
	s8 =	spop (v2sf)  }
0x1af: {  	[tilespmem:s10], [sflag:$0x1] =	stream.strided.gather [hbm4b:s9+s14], $0x1000, s13, s14, $0x38;
	[tilespmem:$0x18C00] =	vst v63  }
0x1b0: {  	s18 =	simm.s32 $0x7400;
	s9 =	sadd.s32 s2, s8  }
0x1b1: {  	[tilespmem:s18], [sflag:$0x1] =	stream.strided.gather [hbm4b:s9+s14], $0x1000, s13, s14, $0x38;
	[tilespmem:$0x18C00] =	vst v63  }
0x1b2: {  	s7 =	sadd.s32 s3, s7  }
0x1b3: {  	[tilespmem:s19], [sflag:$0x1] =	stream.strided.gather [hbm4b:s7+s14], $0x1000, s13, s14, $0x38;
	[tilespmem:$0x18C00] =	vst v63  }
0x1b4: {  	s8 =	sadd.s32 s4, s8  }
0x1b5: {  	[tilespmem:s20], [sflag:$0x1] =	stream.strided.gather [hbm4b:s8+s14], $0x1000, s13, s14, $0x38;
	[tilespmem:$0x18C00] =	vst v63  }
0x1b6: {  	_ =	swait.ge [sflag:s31], $0x1000  }
0x1b7: {  	[sflag:s31] =	ssyncset.done $0x0  }
0x1b8: {  	[sflag:s31] =	ssyncadd.s32 $0xFFFFF000  }
0x1b9: {  	_ =	swait.ge [sflag:s31], $0x1000  }
0x1ba: {  	[sflag:s31] =	ssyncset.done $0x0  }
0x1bb: {  	[sflag:s31] =	ssyncadd.s32 $0xFFFFF000  }
0x1bc: {  	_ =	swait.ge [sflag:s31], $0x1000  }
0x1bd: {  	[sflag:s31] =	ssyncset.done $0x0  }
0x1be: {  	[sflag:s31] =	ssyncadd.s32 $0xFFFFF000  }
0x1bf: {  	_ =	swait.ge [sflag:s31], $0x1000  }
0x1c0: {  	[sflag:s31] =	ssyncset.done $0x0  }
0x1c1: {  	[sflag:s31] =	ssyncadd.s32 $0xFFFFF000  }
0x1c2: {  	_ =	swait.ge [sflag:s31], $0x1000  }
0x1c3: {  	[sflag:s31] =	ssyncset.done $0x0  }
0x1c4: {  	[sflag:s31] =	ssyncadd.s32 $0xFFFFF000  }
0x1c5: {  	_ =	swait.ge [sflag:s31], $0x1000  }
0x1c6: {  	[sflag:s31] =	ssyncset.done $0x0  }
0x1c7: {  	v31 =	vbroadcast v13, $0x8;
	[sflag:s31] =	ssyncadd.s32 $0xFFFFF000  }
0x1c8: {  	_ =	swait.ge [sflag:s31], $0x1000  }
0x1c9: {  	v32 =	vadd.s32 v5, v31;
	[sflag:s31] =	ssyncset.done $0x0  }
0x1ca: {  	[sflag:s31] =	ssyncadd.s32 $0xFFFFF000  }
0x1cb: {  	_ =	swait.ge [sflag:s31], $0x1000  }
0x1cc: {  	[sflag:s31] =	ssyncset.done $0x0  }
0x1cd: {  	[sflag:s31] =	ssyncadd.s32 $0xFFFFF000  }
0x1ce: {  	v33 =	vld.idx.msk [tilespmem:v32+s14+$0x0], $0xffff  }
0x1cf: {  	v17 =	vadd.s32 v6, v31;
	_ =	sdelay $0x3  }
0x1d0: {  	v34 =	vbroadcast v14, $0x8;
	[tilespmem:$0x18800] =	vst v33  }
0x1d1: {  	v35 =	vld.idx.msk [tilespmem:v17+s14+$0x0], $0xffff  }
0x1d2: {  	v36 =	vadd.s32 v5, v34;
	_ =	sdelay $0x3  }
0x1d3: {  	[tilespmem:$0x18810] =	vst v35  }
0x1d4: {  	v20 =	vld.idx.msk [tilespmem:v36+s15+$0x0], $0xffff  }
0x1d5: {  	v19 =	vadd.s32 v6, v34;
	_ =	sdelay $0x3  }
0x1d6: {  	[tilespmem:$0x18820] =	vst v20  }
0x1d7: {  	v20 =	vld.idx.msk [tilespmem:v19+s15+$0x0], $0xffff;
	_ =	sdelay $0x4  }
0x1d8: {  	[tilespmem:$0x18830] =	vst v20  }
0x1d9: {  	v18 =	vld.idx.msk [tilespmem:v32+s16+$0x0], $0xffff;
	_ =	sdelay $0x4  }
0x1da: {  	[tilespmem:$0x18840] =	vst v18  }
0x1db: {  	v17 =	vld.idx.msk [tilespmem:v17+s16+$0x0], $0xffff;
	_ =	sdelay $0x4  }
0x1dc: {  	[tilespmem:$0x18850] =	vst v17  }
0x1dd: {  	v17 =	vld.idx.msk [tilespmem:v36+s17+$0x0], $0xffff;
	_ =	sdelay $0x4  }
0x1de: {  	v37 =	vbroadcast v13, $0x9;
	[tilespmem:$0x18860] =	vst v17  }
0x1df: {  	v18 =	vld.idx.msk [tilespmem:v19+s17+$0x0], $0xffff  }
0x1e0: {  	v38 =	vadd.s32 v7, v37;
	_ =	sdelay $0x3  }
0x1e1: {  	[tilespmem:$0x18870] =	vst v18  }
0x1e2: {  	v18 =	vld.idx.msk [tilespmem:v38+s14+$0x0], $0xffff  }
0x1e3: {  	v17 =	vadd.s32 v8, v37;
	_ =	sdelay $0x3  }
0x1e4: {  	v39 =	vbroadcast v14, $0x9;
	[tilespmem:$0x18880] =	vst v18  }
0x1e5: {  	v20 =	vld.idx.msk [tilespmem:v17+s14+$0x0], $0xffff  }
0x1e6: {  	v40 =	vadd.s32 v7, v39;
	_ =	sdelay $0x3  }
0x1e7: {  	[tilespmem:$0x18890] =	vst v20  }
0x1e8: {  	v20 =	vld.idx.msk [tilespmem:v40+s15+$0x0], $0xffff  }
0x1e9: {  	v18 =	vadd.s32 v8, v39;
	_ =	sdelay $0x3  }
0x1ea: {  	[tilespmem:$0x188A0] =	vst v20  }
0x1eb: {  	v20 =	vld.idx.msk [tilespmem:v18+s15+$0x0], $0xffff;
	_ =	sdelay $0x4  }
0x1ec: {  	[tilespmem:$0x188B0] =	vst v20  }
0x1ed: {  	v19 =	vld.idx.msk [tilespmem:v38+s16+$0x0], $0xffff;
	_ =	sdelay $0x4  }
0x1ee: {  	[tilespmem:$0x188C0] =	vst v19  }
0x1ef: {  	v17 =	vld.idx.msk [tilespmem:v17+s16+$0x0], $0xffff  }
0x1f0: {  	(v2sf) =	vpush v15, $0xE  }
0x1f1: {  	(v2sf) =	vpush v16, $0xE;
	_ =	sdelay $0x2  }
0x1f2: {  	[tilespmem:$0x188D0] =	vst v17  }
0x1f3: {  	v17 =	vld.idx.msk [tilespmem:v40+s17+$0x0], $0xffff;
	_ =	sdelay $0x1  }
0x1f4: {  	(v2sf) =	vpush v15, $0xF;
	_ =	sdelay $0x1  }
0x1f5: {  	(v2sf) =	vpush v16, $0xF  }
0x1f6: {  	[tilespmem:$0x188E0] =	vst v17  }
0x1f7: {  	v15 =	vld.idx.msk [tilespmem:v18+s17+$0x0], $0xffff;
	_ =	sdelay $0x3  }
0x1f8: {  	s7 =	spop (v2sf)  }
0x1f9: {  	s21 =	simm.s32 $0x2400;
	s8 =	spop (v2sf);
	s9 =	sadd.s32 s1, s7;
	[tilespmem:$0x188F0] =	vst v15  }
0x1fa: {  	[tilespmem:s21], [sflag:$0x2] =	stream.strided.gather [hbm4b:s9+s14], $0x1000, s13, s14, $0x38;
	[tilespmem:$0x18C00] =	vst v63  }
0x1fb: {  	s22 =	simm.s32 $0x8400;
	s9 =	sadd.s32 s2, s8  }
0x1fc: {  	[tilespmem:s22], [sflag:$0x2] =	stream.strided.gather [hbm4b:s9+s14], $0x1000, s13, s14, $0x38;
	[tilespmem:$0x18C00] =	vst v63  }
0x1fd: {  	s7 =	sadd.s32 s3, s7  }
0x1fe: {  	[tilespmem:s23], [sflag:$0x2] =	stream.strided.gather [hbm4b:s7+s14], $0x1000, s13, s14, $0x38;
	[tilespmem:$0x18C00] =	vst v63  }
0x1ff: {  	s8 =	sadd.s32 s4, s8;
	s7 =	spop (v2sf)  }
0x200: {  	[tilespmem:s24], [sflag:$0x2] =	stream.strided.gather [hbm4b:s8+s14], $0x1000, s13, s14, $0x38;
	[tilespmem:$0x18C00] =	vst v63  }
0x201: {  	s25 =	simm.s32 $0x3400;
	s9 =	sadd.s32 s1, s7;
	s8 =	spop (v2sf)  }
0x202: {  	[tilespmem:s25], [sflag:$0x2] =	stream.strided.gather [hbm4b:s9+s14], $0x1000, s13, s14, $0x38;
	[tilespmem:$0x18C00] =	vst v63  }
0x203: {  	s26 =	simm.s32 $0x9400;
	s9 =	sadd.s32 s2, s8  }
0x204: {  	[tilespmem:s26], [sflag:$0x2] =	stream.strided.gather [hbm4b:s9+s14], $0x1000, s13, s14, $0x38;
	[tilespmem:$0x18C00] =	vst v63  }
0x205: {  	s7 =	sadd.s32 s3, s7  }
0x206: {  	[tilespmem:s28], [sflag:$0x2] =	stream.strided.gather [hbm4b:s7+s14], $0x1000, s13, s14, $0x38;
	[tilespmem:$0x18C00] =	vst v63  }
0x207: {  	s8 =	sadd.s32 s4, s8  }
0x208: {  	[tilespmem:s29], [sflag:$0x2] =	stream.strided.gather [hbm4b:s8+s14], $0x1000, s13, s14, $0x38;
	[tilespmem:$0x18C00] =	vst v63  }
0x209: {  	_ =	swait.ge [sflag:s0], $0x1000  }
0x20a: {  	[sflag:s0] =	ssyncset.done $0x0  }
0x20b: {  	[sflag:s0] =	ssyncadd.s32 $0xFFFFF000  }
0x20c: {  	_ =	swait.ge [sflag:s0], $0x1000  }
0x20d: {  	[sflag:s0] =	ssyncset.done $0x0  }
0x20e: {  	[sflag:s0] =	ssyncadd.s32 $0xFFFFF000  }
0x20f: {  	_ =	swait.ge [sflag:s0], $0x1000  }
0x210: {  	[sflag:s0] =	ssyncset.done $0x0  }
0x211: {  	[sflag:s0] =	ssyncadd.s32 $0xFFFFF000  }
0x212: {  	_ =	swait.ge [sflag:s0], $0x1000  }
0x213: {  	[sflag:s0] =	ssyncset.done $0x0  }
0x214: {  	[sflag:s0] =	ssyncadd.s32 $0xFFFFF000  }
0x215: {  	_ =	swait.ge [sflag:s0], $0x1000  }
0x216: {  	[sflag:s0] =	ssyncset.done $0x0  }
0x217: {  	[sflag:s0] =	ssyncadd.s32 $0xFFFFF000  }
0x218: {  	_ =	swait.ge [sflag:s0], $0x1000  }
0x219: {  	[sflag:s0] =	ssyncset.done $0x0  }
0x21a: {  	v15 =	vbroadcast v13, $0xA;
	[sflag:s0] =	ssyncadd.s32 $0xFFFFF000  }
0x21b: {  	_ =	swait.ge [sflag:s0], $0x1000  }
0x21c: {  	v41 =	vadd.s32 v9, v15;
	[sflag:s0] =	ssyncset.done $0x0  }
0x21d: {  	[sflag:s0] =	ssyncadd.s32 $0xFFFFF000  }
0x21e: {  	_ =	swait.ge [sflag:s0], $0x1000  }
0x21f: {  	[sflag:s0] =	ssyncset.done $0x0  }
0x220: {  	[sflag:s0] =	ssyncadd.s32 $0xFFFFF000  }
0x221: {  	v42 =	vld.idx.msk [tilespmem:v41+s14+$0x0], $0xffff  }
0x222: {  	v15 =	vadd.s32 v10, v15;
	_ =	sdelay $0x3  }
0x223: {  	v43 =	vbroadcast v14, $0xA;
	[tilespmem:$0x18900] =	vst v42  }
0x224: {  	v44 =	vld.idx.msk [tilespmem:v15+s14+$0x0], $0xffff  }
0x225: {  	v45 =	vadd.s32 v9, v43;
	_ =	sdelay $0x3  }
0x226: {  	[tilespmem:$0x18910] =	vst v44  }
0x227: {  	v18 =	vld.idx.msk [tilespmem:v45+s15+$0x0], $0xffff  }
0x228: {  	v17 =	vadd.s32 v10, v43;
	_ =	sdelay $0x3  }
0x229: {  	[tilespmem:$0x18920] =	vst v18  }
0x22a: {  	v18 =	vld.idx.msk [tilespmem:v17+s15+$0x0], $0xffff;
	_ =	sdelay $0x4  }
0x22b: {  	[tilespmem:$0x18930] =	vst v18  }
0x22c: {  	v16 =	vld.idx.msk [tilespmem:v41+s16+$0x0], $0xffff;
	_ =	sdelay $0x4  }
0x22d: {  	[tilespmem:$0x18940] =	vst v16  }
0x22e: {  	v15 =	vld.idx.msk [tilespmem:v15+s16+$0x0], $0xffff;
	_ =	sdelay $0x4  }
0x22f: {  	[tilespmem:$0x18950] =	vst v15  }
0x230: {  	v15 =	vld.idx.msk [tilespmem:v45+s17+$0x0], $0xffff;
	_ =	sdelay $0x4  }
0x231: {  	[tilespmem:$0x18960] =	vst v15;
	v15 =	vbroadcast v13, $0xB  }
0x232: {  	v16 =	vld.idx.msk [tilespmem:v17+s17+$0x0], $0xffff  }
0x233: {  	v46 =	vadd.s32 v11, v15;
	_ =	sdelay $0x3  }
0x234: {  	[tilespmem:$0x18970] =	vst v16  }
0x235: {  	v16 =	vld.idx.msk [tilespmem:v46+s14+$0x0], $0xffff  }
0x236: {  	v15 =	vadd.s32 v12, v15;
	_ =	sdelay $0x3  }
0x237: {  	v47 =	vbroadcast v14, $0xB;
	[tilespmem:$0x18980] =	vst v16  }
0x238: {  	v18 =	vld.idx.msk [tilespmem:v15+s14+$0x0], $0xffff  }
0x239: {  	v48 =	vadd.s32 v11, v47;
	_ =	sdelay $0x3  }
0x23a: {  	[tilespmem:$0x18990] =	vst v18  }
0x23b: {  	v18 =	vld.idx.msk [tilespmem:v48+s15+$0x0], $0xffff  }
0x23c: {  	v16 =	vadd.s32 v12, v47;
	_ =	sdelay $0x3  }
0x23d: {  	[tilespmem:$0x189A0] =	vst v18  }
0x23e: {  	v18 =	vld.idx.msk [tilespmem:v16+s15+$0x0], $0xffff;
	_ =	sdelay $0x4  }
0x23f: {  	[tilespmem:$0x189B0] =	vst v18  }
0x240: {  	v17 =	vld.idx.msk [tilespmem:v46+s16+$0x0], $0xffff;
	_ =	sdelay $0x4  }
0x241: {  	[tilespmem:$0x189C0] =	vst v17  }
0x242: {  	v15 =	vld.idx.msk [tilespmem:v15+s16+$0x0], $0xffff;
	_ =	sdelay $0x4  }
0x243: {  	[tilespmem:$0x189D0] =	vst v15  }
0x244: {  	v15 =	vld.idx.msk [tilespmem:v48+s17+$0x0], $0xffff;
	_ =	sdelay $0x4  }
0x245: {  	[tilespmem:$0x189E0] =	vst v15  }
0x246: {  	v15 =	vld.idx.msk [tilespmem:v16+s17+$0x0], $0xffff;
	_ =	sdelay $0x4  }
0x247: {  	[tilespmem:$0x189F0] =	vst v15  }
0x248: {  	_ =	swait.ge [sflag:s6], $0x1000  }
0x249: {  	[sflag:s6] =	ssyncset.done $0x0  }
0x24a: {  	[sflag:s6] =	ssyncadd.s32 $0xFFFFF000  }
0x24b: {  	_ =	swait.ge [sflag:s6], $0x1000  }
0x24c: {  	[sflag:s6] =	ssyncset.done $0x0  }
0x24d: {  	[sflag:s6] =	ssyncadd.s32 $0xFFFFF000  }
0x24e: {  	_ =	swait.ge [sflag:s6], $0x1000  }
0x24f: {  	[sflag:s6] =	ssyncset.done $0x0  }
0x250: {  	[sflag:s6] =	ssyncadd.s32 $0xFFFFF000  }
0x251: {  	_ =	swait.ge [sflag:s6], $0x1000  }
0x252: {  	[sflag:s6] =	ssyncset.done $0x0  }
0x253: {  	[sflag:s6] =	ssyncadd.s32 $0xFFFFF000  }
0x254: {  	_ =	swait.ge [sflag:s6], $0x1000  }
0x255: {  	[sflag:s6] =	ssyncset.done $0x0  }
0x256: {  	[sflag:s6] =	ssyncadd.s32 $0xFFFFF000  }
0x257: {  	_ =	swait.ge [sflag:s6], $0x1000  }
0x258: {  	[sflag:s6] =	ssyncset.done $0x0  }
0x259: {  	v15 =	vbroadcast v13, $0xC;
	[sflag:s6] =	ssyncadd.s32 $0xFFFFF000  }
0x25a: {  	_ =	swait.ge [sflag:s6], $0x1000  }
0x25b: {  	v49 =	vadd.s32 v0, v15;
	[sflag:s6] =	ssyncset.done $0x0  }
0x25c: {  	[sflag:s6] =	ssyncadd.s32 $0xFFFFF000  }
0x25d: {  	_ =	swait.ge [sflag:s6], $0x1000  }
0x25e: {  	[sflag:s6] =	ssyncset.done $0x0  }
0x25f: {  	[sflag:s6] =	ssyncadd.s32 $0xFFFFF000  }
0x260: {  	v50 =	vld.idx.msk [tilespmem:v49+s14+$0x0], $0xffff  }
0x261: {  	v15 =	vadd.s32 v2, v15;
	_ =	sdelay $0x3  }
0x262: {  	v51 =	vbroadcast v14, $0xC;
	[tilespmem:$0x18A00] =	vst v50  }
0x263: {  	v52 =	vld.idx.msk [tilespmem:v15+s14+$0x0], $0xffff  }
0x264: {  	v53 =	vadd.s32 v0, v51;
	_ =	sdelay $0x3  }
0x265: {  	[tilespmem:$0x18A10] =	vst v52  }
0x266: {  	v18 =	vld.idx.msk [tilespmem:v53+s15+$0x0], $0xffff  }
0x267: {  	v17 =	vadd.s32 v2, v51;
	_ =	sdelay $0x3  }
0x268: {  	[tilespmem:$0x18A20] =	vst v18  }
0x269: {  	v18 =	vld.idx.msk [tilespmem:v17+s15+$0x0], $0xffff;
	_ =	sdelay $0x4  }
0x26a: {  	[tilespmem:$0x18A30] =	vst v18  }
0x26b: {  	v16 =	vld.idx.msk [tilespmem:v49+s16+$0x0], $0xffff;
	_ =	sdelay $0x4  }
0x26c: {  	[tilespmem:$0x18A40] =	vst v16  }
0x26d: {  	v15 =	vld.idx.msk [tilespmem:v15+s16+$0x0], $0xffff;
	_ =	sdelay $0x4  }
0x26e: {  	[tilespmem:$0x18A50] =	vst v15  }
0x26f: {  	v15 =	vld.idx.msk [tilespmem:v53+s17+$0x0], $0xffff;
	_ =	sdelay $0x4  }
0x270: {  	[tilespmem:$0x18A60] =	vst v15;
	v15 =	vbroadcast v13, $0xD  }
0x271: {  	v16 =	vld.idx.msk [tilespmem:v17+s17+$0x0], $0xffff  }
0x272: {  	v54 =	vadd.s32 v3, v15;
	_ =	sdelay $0x3  }
0x273: {  	[tilespmem:$0x18A70] =	vst v16  }
0x274: {  	v16 =	vld.idx.msk [tilespmem:v54+s14+$0x0], $0xffff  }
0x275: {  	v15 =	vadd.s32 v4, v15;
	_ =	sdelay $0x3  }
0x276: {  	v55 =	vbroadcast v14, $0xD;
	[tilespmem:$0x18A80] =	vst v16  }
0x277: {  	v18 =	vld.idx.msk [tilespmem:v15+s14+$0x0], $0xffff  }
0x278: {  	v56 =	vadd.s32 v3, v55;
	_ =	sdelay $0x3  }
0x279: {  	[tilespmem:$0x18A90] =	vst v18  }
0x27a: {  	v18 =	vld.idx.msk [tilespmem:v56+s15+$0x0], $0xffff  }
0x27b: {  	v16 =	vadd.s32 v4, v55;
	_ =	sdelay $0x3  }
0x27c: {  	[tilespmem:$0x18AA0] =	vst v18  }
0x27d: {  	v18 =	vld.idx.msk [tilespmem:v16+s15+$0x0], $0xffff;
	_ =	sdelay $0x4  }
0x27e: {  	[tilespmem:$0x18AB0] =	vst v18  }
0x27f: {  	v17 =	vld.idx.msk [tilespmem:v54+s16+$0x0], $0xffff;
	_ =	sdelay $0x4  }
0x280: {  	[tilespmem:$0x18AC0] =	vst v17  }
0x281: {  	v15 =	vld.idx.msk [tilespmem:v15+s16+$0x0], $0xffff;
	_ =	sdelay $0x4  }
0x282: {  	[tilespmem:$0x18AD0] =	vst v15  }
0x283: {  	v15 =	vld.idx.msk [tilespmem:v56+s17+$0x0], $0xffff;
	_ =	sdelay $0x4  }
0x284: {  	[tilespmem:$0x18AE0] =	vst v15  }
0x285: {  	v15 =	vld.idx.msk [tilespmem:v16+s17+$0x0], $0xffff;
	_ =	sdelay $0x4  }
0x286: {  	[tilespmem:$0x18AF0] =	vst v15  }
0x287: {  	_ =	swait.ge [sflag:s31], $0x1000  }
0x288: {  	[sflag:s31] =	ssyncset.done $0x0  }
0x289: {  	[sflag:s31] =	ssyncadd.s32 $0xFFFFF000  }
0x28a: {  	_ =	swait.ge [sflag:s31], $0x1000  }
0x28b: {  	[sflag:s31] =	ssyncset.done $0x0  }
0x28c: {  	[sflag:s31] =	ssyncadd.s32 $0xFFFFF000  }
0x28d: {  	_ =	swait.ge [sflag:s31], $0x1000  }
0x28e: {  	[sflag:s31] =	ssyncset.done $0x0  }
0x28f: {  	[sflag:s31] =	ssyncadd.s32 $0xFFFFF000  }
0x290: {  	_ =	swait.ge [sflag:s31], $0x1000  }
0x291: {  	[sflag:s31] =	ssyncset.done $0x0  }
0x292: {  	[sflag:s31] =	ssyncadd.s32 $0xFFFFF000  }
0x293: {  	_ =	swait.ge [sflag:s31], $0x1000  }
0x294: {  	[sflag:s31] =	ssyncset.done $0x0  }
0x295: {  	[sflag:s31] =	ssyncadd.s32 $0xFFFFF000  }
0x296: {  	_ =	swait.ge [sflag:s31], $0x1000  }
0x297: {  	[sflag:s31] =	ssyncset.done $0x0  }
0x298: {  	v15 =	vbroadcast v13, $0xE;
	[sflag:s31] =	ssyncadd.s32 $0xFFFFF000  }
0x299: {  	_ =	swait.ge [sflag:s31], $0x1000  }
0x29a: {  	v57 =	vadd.s32 v5, v15;
	[sflag:s31] =	ssyncset.done $0x0  }
0x29b: {  	[sflag:s31] =	ssyncadd.s32 $0xFFFFF000  }
0x29c: {  	_ =	swait.ge [sflag:s31], $0x1000  }
0x29d: {  	[sflag:s31] =	ssyncset.done $0x0  }
0x29e: {  	[sflag:s31] =	ssyncadd.s32 $0xFFFFF000  }
0x29f: {  	v58 =	vld.idx.msk [tilespmem:v57+s14+$0x0], $0xffff  }
0x2a0: {  	v15 =	vadd.s32 v6, v15;
	_ =	sdelay $0x3  }
0x2a1: {  	v59 =	vbroadcast v14, $0xE;
	[tilespmem:$0x18B00] =	vst v58  }
0x2a2: {  	v60 =	vld.idx.msk [tilespmem:v15+s14+$0x0], $0xffff  }
0x2a3: {  	v61 =	vadd.s32 v5, v59;
	_ =	sdelay $0x3  }
0x2a4: {  	[tilespmem:$0x18B10] =	vst v60  }
0x2a5: {  	v18 =	vld.idx.msk [tilespmem:v61+s15+$0x0], $0xffff  }
0x2a6: {  	v17 =	vadd.s32 v6, v59;
	_ =	sdelay $0x3  }
0x2a7: {  	[tilespmem:$0x18B20] =	vst v18  }
0x2a8: {  	v18 =	vld.idx.msk [tilespmem:v17+s15+$0x0], $0xffff;
	_ =	sdelay $0x4  }
0x2a9: {  	[tilespmem:$0x18B30] =	vst v18  }
0x2aa: {  	v16 =	vld.idx.msk [tilespmem:v57+s16+$0x0], $0xffff;
	_ =	sdelay $0x4  }
0x2ab: {  	[tilespmem:$0x18B40] =	vst v16  }
0x2ac: {  	v15 =	vld.idx.msk [tilespmem:v15+s16+$0x0], $0xffff;
	_ =	sdelay $0x4  }
0x2ad: {  	[tilespmem:$0x18B50] =	vst v15  }
0x2ae: {  	v15 =	vld.idx.msk [tilespmem:v61+s17+$0x0], $0xffff;
	_ =	sdelay $0x4  }
0x2af: {  	v13 =	vbroadcast v13, $0xF;
	[tilespmem:$0x18B60] =	vst v15  }
0x2b0: {  	v15 =	vld.idx.msk [tilespmem:v17+s17+$0x0], $0xffff  }
0x2b1: {  	v62 =	vadd.s32 v7, v13;
	_ =	sdelay $0x3  }
0x2b2: {  	[tilespmem:$0x18B70] =	vst v15  }
0x2b3: {  	v15 =	vld.idx.msk [tilespmem:v62+s14+$0x0], $0xffff  }
0x2b4: {  	v13 =	vadd.s32 v8, v13;
	_ =	sdelay $0x3  }
0x2b5: {  	v14 =	vbroadcast v14, $0xF;
	[tilespmem:$0x18B80] =	vst v15  }
0x2b6: {  	v15 =	vld.idx.msk [tilespmem:v13+s14+$0x0], $0xffff  }
0x2b7: {  	v63 =	vadd.s32 v7, v14;
	_ =	sdelay $0x3  }
0x2b8: {  	[tilespmem:$0x18B90] =	vst v15  }
0x2b9: {  	v15 =	vld.idx.msk [tilespmem:v63+s15+$0x0], $0xffff  }
0x2ba: {  	v14 =	vadd.s32 v8, v14;
	_ =	sdelay $0x3  }
0x2bb: {  	[tilespmem:$0x18BA0] =	vst v15  }
0x2bc: {  	v15 =	vld.idx.msk [tilespmem:v14+s15+$0x0], $0xffff;
	_ =	sdelay $0x4  }
0x2bd: {  	[tilespmem:$0x18BB0] =	vst v15  }
0x2be: {  	v15 =	vld.idx.msk [tilespmem:v62+s16+$0x0], $0xffff;
	_ =	sdelay $0x4  }
0x2bf: {  	[tilespmem:$0x18BC0] =	vst v15  }
0x2c0: {  	v13 =	vld.idx.msk [tilespmem:v13+s16+$0x0], $0xffff;
	_ =	sdelay $0x4  }
0x2c1: {  	[tilespmem:$0x18BD0] =	vst v13  }
0x2c2: {  	v13 =	vld.idx.msk [tilespmem:v63+s17+$0x0], $0xffff;
	_ =	sdelay $0x4  }
0x2c3: {  	[tilespmem:$0x18BE0] =	vst v13  }
0x2c4: {  	v13 =	vld.idx.msk [tilespmem:v14+s17+$0x0], $0xffff;
	_ =	sdelay $0x3  }
0x2c5: {  	p0 =	sne.s32 s12, $0x7C0;
	s9 =	simm.s32 $0x4  }
.Ltmp0:
0x2c6: {  	s8 =	simm.s32 $0x0;
	s7 =	rddreg [dreg:$0x8];
	[tilespmem:$0x18BF0] =	vst v13;
	(pc) =	sbr.rel @p0 .LBB2_2-.Ltmp0, $4  }
0x2c7: {  	[hbm4b:s5+s8] =	stream.linear.scatter [tilespmem:s7], [sflag:$0x4], $0x800, $0x38;
	[tilespmem:$0x18C00] =	vst v63  }
0x2c8: {  	_ =	swait.ge [sflag:s9], $0x800  }
0x2c9: {  	s12 =	sadd.s32 $0x40, s12;
	[sflag:s9] =	ssyncset.done $0x0  }
0x2ca: {  	s7 =	simm.s32 $0x0;
	s5 =	sadd.s32 $0x100, s5;
	[sflag:s9] =	ssyncadd.s32 $0xFFFFF800  }
0x2cb: {  	s8 =	rddreg [dreg:$0xd]  }
0x2cc: {  	s5 =	rddreg [dreg:$0xb];
	s8 =	sadd.s32 $0x1, s8  }
0x2cd: {  	p0 =	sne.s32 s8, s5  }
.Ltmp1:
0x2ce: {  	_ = 	snop;
	(pc) =	sbr.rel @p0 .LBB2_1-.Ltmp1, $1  }
0x2cf: {  	_ =	sdelay $0x3  }
0x2d0: {  	_ =	sfence.sel $0x180000  }
0x2d1: {  	[bflag:$0x0] =	sbarrier.arrive $0xFFFF  }
0x2d2: {  	_ =	strace $0x90000047  }
0x2d3: {  	s0 =	stileid.u32;
	[bflag:$0x2] =	sbarrier.arrive $0xFFFF  }
0x2d4: {  	p0 =	sne.s32 s0, $0x0;
	s0 =	rddreg [dreg:$0x7]  }
0x2d5: {  	s0 =	sadd.s32 @!p0 $0x100000, s0  }
0x2d6: {  	[sflag:s0] =	ssyncadd.tile.s32 @!p0 $0x1;
	_ =	shalt  }
.Lfunc_end2:
_tile_overlayer_lowered:
.L_overlay_start_2:
0x2d7: {  	(tag) =	ssettag $0x2  }
0x2d8: {  	s0 =	rddreg [dreg:$0x0];
	s2 =	stileid.u32  }
0x2d9: {  	s1 =	rddreg [dreg:$0x1];
	p0 =	sne.s32 s2, $0x0  }
0x2da: {  	s3 =	rddreg [dreg:$0x2];
	[bflag:$0x3] =	sbarrier.arrive $0xFFFF;
	s2 =	simm.s32 @!p0 $0x1C04  }
0x2db: {  	[timem:s3], [sflag:s2] =	dma.local @!p0 [hbm:s0], s1  }
0x2dc: {  	s0 =	simm.s32 @!p0 $0x4  }
0x2dd: {  	_ =	swait.ge @!p0 [sflag:s0], s1  }
0x2de: {  	s1 =	ssub.s32 @!p0 $0x0, s1;
	[sflag:s0] =	ssyncset.done @!p0 $0x0  }
0x2df: {  	[sflag:s0] =	ssyncadd.s32 @!p0 s1  }
0x2e0: {  	[bflag:$0x3] =	sbarrier.arrive $0xFFFF  }
0x2e1: {  	_ =	shalt  }

</sc_bundles>
